<compile_context>
chip_gen: v7x
topology: tpu7x:2x2x1
jax: 0.10.2.dev20260603
libtpu: 0.0.44.dev20260713+nightly
codegen_flags: <defaults>
</compile_context>

<pallas_src>
import jax
import jax.numpy as jnp
from jax import lax
from jax.experimental import pallas as pl
from jax.experimental.pallas import tpu as pltpu
from jax.experimental.pallas import tpu_sc as plsc

N = 10000
D = 128
E = 320000
LANES = 16
NC = 2
NS = 16
NT = NC * NS
CHUNK = 112
EPT = E // NT
NBUF = 3
IBUF = 6
KCH = 90
EPT_PAD = KCH * CHUNK
NPAD = 10112
ZR = NPAD // NS

_MESH = dict(core_axis_name="c", subcore_axis_name="s", num_cores=NC, num_subcores=NS)


def _sc_agg(table, eidx, zrow):
    def body(table, eidx, zrow, agg_out, *rest):
        ibufs = rest[:IBUF]
        bufs = rest[IBUF:IBUF + NBUF]
        isems = rest[IBUF + NBUF:2 * IBUF + NBUF]
        rsems = rest[2 * IBUF + NBUF:2 * IBUF + 2 * NBUF]
        ssems = rest[2 * IBUF + 2 * NBUF:2 * IBUF + 3 * NBUF]
        agg_sh = rest[2 * IBUF + 3 * NBUF]
        c = lax.axis_index("c")
        s = lax.axis_index("s")
        wid = c * NS + s
        pltpu.sync_copy(zrow.at[pl.ds(s * ZR, ZR)], agg_sh.at[pl.ds(s * ZR, ZR)])
        plsc.subcore_barrier()

        def idx_cp(j, q):
            return pltpu.make_async_copy(eidx.at[wid, j], ibufs[q], isems[q])

        def gather_cp(q, r):
            return pltpu.make_async_copy(table.at[ibufs[q].at[0]], bufs[r], rsems[r])

        def scat_start(q, r):
            pltpu.async_copy(bufs[r], agg_sh.at[ibufs[q].at[1]], ssems[r], add=True)

        def scat_wait(q, r):
            pltpu.make_async_copy(bufs[r], agg_sh.at[ibufs[q].at[1]], ssems[r]).wait()

        def step(j, u, sswait, fetch, head):
            r, q = u % NBUF, u % IBUF
            rg, q2 = (u + NBUF - 1) % NBUF, (u + NBUF - 1) % IBUF
            if head:
                idx_cp(j + NBUF - 1, q2).wait()
            if sswait:
                scat_wait(q, rg)
            if head:
                gather_cp(q2, rg).start()
            if fetch:
                idx_cp(j + IBUF - 1, (u + IBUF - 1) % IBUF).start()
            gather_cp(q, r).wait()
            scat_start(q, r)

        for q in range(IBUF):
            idx_cp(q, q).start()
        for r in range(NBUF - 1):
            idx_cp(r, r).wait()
            gather_cp(r, r).start()
        step(0, 0, sswait=False, fetch=False, head=True)
        for u in range(1, IBUF):
            step(u, u, sswait=True, fetch=True, head=True)

        def macro(jj, carry):
            j0 = jj * IBUF
            for u in range(IBUF):
                step(j0 + u, u, sswait=True, fetch=True, head=True)
            return carry

        lax.fori_loop(1, KCH // IBUF - 1, macro, 0)
        j0 = KCH - IBUF
        for u in range(IBUF):
            j = j0 + u
            step(j, u, sswait=True, fetch=(j + IBUF - 1 < KCH), head=(j + NBUF - 1 < KCH))
        scat_wait((KCH - 1) % IBUF, (KCH - 1) % NBUF)
        plsc.subcore_barrier()
        pltpu.sync_copy(agg_sh.at[pl.ds(s * ZR, ZR)], agg_out.at[c, pl.ds(s * ZR, ZR)])

    return pl.kernel(
        body,
        out_type=jax.ShapeDtypeStruct((NC, NPAD, D), jnp.float32),
        mesh=plsc.VectorSubcoreMesh(**_MESH),
        scratch_types=[
            *[pltpu.VMEM((2, CHUNK), jnp.int32) for _ in range(IBUF)],
            *[pltpu.VMEM((CHUNK, D), jnp.float32) for _ in range(NBUF)],
            *[pltpu.SemaphoreType.DMA for _ in range(2 * IBUF)],
            pltpu.VMEM_SHARED((NPAD, D), jnp.float32),
        ],
    )(table, eidx, zrow)


def _sc_cnt(dstp, zcnt, ones):
    def body(dstp, zcnt, ones, cnt_out, dst_v, ones_v, cnt_sh):
        c = lax.axis_index("c")
        s = lax.axis_index("s")
        wid = c * NS + s
        pltpu.sync_copy(zcnt.at[pl.ds(s * ZR, ZR)], cnt_sh.at[pl.ds(s * ZR, ZR)])
        pltpu.sync_copy(ones, ones_v)
        pltpu.sync_copy(dstp.at[wid], dst_v)
        plsc.subcore_barrier()

        def step(j, carry):
            pltpu.sync_copy(ones_v, cnt_sh.at[dst_v.at[j]], add=True)
            return carry

        lax.fori_loop(0, KCH, step, 0)
        plsc.subcore_barrier()
        pltpu.sync_copy(cnt_sh.at[pl.ds(s * ZR, ZR)], cnt_out.at[c, pl.ds(s * ZR, ZR)])

    return pl.kernel(
        body,
        out_type=jax.ShapeDtypeStruct((NC, NPAD, D), jnp.float32),
        mesh=plsc.VectorSubcoreMesh(**_MESH),
        scratch_types=[
            pltpu.VMEM((KCH, CHUNK), jnp.int32),
            pltpu.VMEM((CHUNK, D), jnp.float32),
            pltpu.VMEM_SHARED((NPAD, D), jnp.float32),
        ],
    )(dstp, zcnt, ones)


def _tc_layer(x, aggp, cntp, W_l, W_r, b, apply_elu):
    R = 1000

    def body(x_ref, a_ref, c_ref, wl_ref, wr_ref, b_ref, o_ref):
        cnt = c_ref[0, :, 0:1] + c_ref[1, :, 0:1]
        mean = (a_ref[0] + a_ref[1]) / jnp.maximum(cnt, 1.0)
        acc = jnp.dot(x_ref[...], wl_ref[...], preferred_element_type=jnp.float32)
        acc = acc + jnp.dot(mean, wr_ref[...], preferred_element_type=jnp.float32)
        acc = acc + b_ref[...]
        if apply_elu:
            acc = jnp.where(acc > 0.0, acc, jnp.exp(acc) - 1.0)
        o_ref[...] = acc

    return pl.pallas_call(
        body,
        grid=(N // R,),
        in_specs=[
            pl.BlockSpec((R, D), lambda i: (i, 0)),
            pl.BlockSpec((NC, R, D), lambda i: (0, i, 0)),
            pl.BlockSpec((NC, R, D), lambda i: (0, i, 0)),
            pl.BlockSpec((D, D), lambda i: (0, 0)),
            pl.BlockSpec((D, D), lambda i: (0, 0)),
            pl.BlockSpec((1, D), lambda i: (0, 0)),
        ],
        out_specs=pl.BlockSpec((R, D), lambda i: (i, 0)),
        out_shape=jax.ShapeDtypeStruct((N, D), jnp.float32),
    )(x, aggp, cntp, W_l, W_r, b.reshape(1, D))


def kernel(x, edge_index, W1_l, W1_r, b1, W2_l, W2_r, b2):
    src = edge_index[0].reshape(NT, EPT)
    dst = edge_index[1].reshape(NT, EPT)
    pad = EPT_PAD - EPT
    if pad:
        src = jnp.concatenate([src, jnp.zeros((NT, pad), jnp.int32)], axis=1)
        dst = jnp.concatenate([dst, jnp.full((NT, pad), N, jnp.int32)], axis=1)
    srcp = src.reshape(NT, KCH, CHUNK)
    dstp = dst.reshape(NT, KCH, CHUNK)
    eidx = jnp.stack([srcp, dstp], axis=2)

    zrow = jnp.zeros((NPAD, D), jnp.float32)
    zcnt = jnp.zeros((NPAD, D), jnp.float32)
    ones = jnp.ones((CHUNK, D), jnp.float32)

    cntp = _sc_cnt(dstp, zcnt, ones)
    agg1p = _sc_agg(x, eidx, zrow)
    h = _tc_layer(x, agg1p, cntp, W1_l, W1_r, b1, True)
    agg2p = _sc_agg(h, eidx, zrow)
    out = _tc_layer(h, agg2p, cntp, W2_l, W2_r, b2, False)
    return out

# --- scband reference (transcript-rebuilt; emitter-appended) ---
"""Pipeline reference for scband-graph-sage-60902636257634 (READ-ONLY COPY).

The authoritative reference and input builder live on the scoring server;
editing this copy changes nothing except your own understanding.
"""

import jax, jax.numpy as jnp
import numpy as np

N = 10000
E = 320000
D_IN = 128
D_H = 128
D_OUT = 128


def _sage_conv(x, edge_index, W_l, W_r, b):
    # PyG-style SAGEConv with mean aggregation:
    # out_i = x_i @ W_l + mean_{j in N(i)} x_j @ W_r + b
    src = edge_index[0]
    dst = edge_index[1]
    msg = jnp.take(x, src, axis=0)
    agg = jax.ops.segment_sum(msg, dst, num_segments=x.shape[0])
    cnt = jax.ops.segment_sum(jnp.ones((edge_index.shape[1],), x.dtype), dst, num_segments=x.shape[0])
    mean = agg / jnp.maximum(cnt, 1.0)[:, None]
    return x @ W_l + mean @ W_r + b


def setup_inputs(seed: int = 0) -> dict:
    key = jax.random.key(seed)
    ks = jax.random.split(key, 9)
    x = jax.random.normal(ks[0], (N, D_IN), dtype=jnp.float32)
    edge_index = jax.random.randint(ks[1], (2, E), 0, N, dtype=jnp.int32)
    s1 = 1.0 / np.sqrt(D_IN)
    s2 = 1.0 / np.sqrt(D_H)
    W1_l = jax.random.normal(ks[2], (D_IN, D_H), dtype=jnp.float32) * s1
    W1_r = jax.random.normal(ks[3], (D_IN, D_H), dtype=jnp.float32) * s1
    b1 = jax.random.normal(ks[4], (D_H,), dtype=jnp.float32) * 0.01
    W2_l = jax.random.normal(ks[5], (D_H, D_OUT), dtype=jnp.float32) * s2
    W2_r = jax.random.normal(ks[6], (D_H, D_OUT), dtype=jnp.float32) * s2
    b2 = jax.random.normal(ks[7], (D_OUT,), dtype=jnp.float32) * 0.01
    return {
        "x": x,
        "edge_index": edge_index,
        "W1_l": W1_l,
        "W1_r": W1_r,
        "b1": b1,
        "W2_l": W2_l,
        "W2_r": W2_r,
        "b2": b2,
    }


def reference(x, edge_index, W1_l, W1_r, b1, W2_l, W2_r, b2):
    h = _sage_conv(x, edge_index, W1_l, W1_r, b1)
    h = jax.nn.elu(h)
    out = _sage_conv(h, edge_index, W2_l, W2_r, b2)
    return out

if __name__ == "__main__":
    import jax
    _d = setup_inputs()
    print(jax.jit(kernel)(*tuple(_d.values())))

</pallas_src>

<mosaic_0001>
#map = affine_map<(d0, d1) -> (0, 0)>
#map1 = affine_map<(d0, d1) -> (0, 0, 0, 0)>
#map2 = affine_map<(d0, d1) -> (0, 0, 0)>
module attributes {stable_mosaic.version = 14 : i64} {
  func.func @body(%arg0: i32, %arg1: i32, %arg2: memref<10000x128xf32, #tpu.memory_space<hbm>>, %arg3: memref<32x90x2x112xi32, #tpu.memory_space<hbm>>, %arg4: memref<10112x128xf32, #tpu.memory_space<hbm>>, %arg5: memref<2x10112x128xf32, #tpu.memory_space<hbm>>, %arg6: memref<2x112xi32, #tpu.memory_space<vmem>>, %arg7: memref<2x112xi32, #tpu.memory_space<vmem>>, %arg8: memref<2x112xi32, #tpu.memory_space<vmem>>, %arg9: memref<2x112xi32, #tpu.memory_space<vmem>>, %arg10: memref<2x112xi32, #tpu.memory_space<vmem>>, %arg11: memref<2x112xi32, #tpu.memory_space<vmem>>, %arg12: memref<112x128xf32, #tpu.memory_space<vmem>>, %arg13: memref<112x128xf32, #tpu.memory_space<vmem>>, %arg14: memref<112x128xf32, #tpu.memory_space<vmem>>, %arg15: memref<!tpu.dma_semaphore, #tpu.memory_space<semaphore_mem>>, %arg16: memref<!tpu.dma_semaphore, #tpu.memory_space<semaphore_mem>>, %arg17: memref<!tpu.dma_semaphore, #tpu.memory_space<semaphore_mem>>, %arg18: memref<!tpu.dma_semaphore, #tpu.memory_space<semaphore_mem>>, %arg19: memref<!tpu.dma_semaphore, #tpu.memory_space<semaphore_mem>>, %arg20: memref<!tpu.dma_semaphore, #tpu.memory_space<semaphore_mem>>, %arg21: memref<!tpu.dma_semaphore, #tpu.memory_space<semaphore_mem>>, %arg22: memref<!tpu.dma_semaphore, #tpu.memory_space<semaphore_mem>>, %arg23: memref<!tpu.dma_semaphore, #tpu.memory_space<semaphore_mem>>, %arg24: memref<!tpu.dma_semaphore, #tpu.memory_space<semaphore_mem>>, %arg25: memref<!tpu.dma_semaphore, #tpu.memory_space<semaphore_mem>>, %arg26: memref<!tpu.dma_semaphore, #tpu.memory_space<semaphore_mem>>, %arg27: memref<10112x128xf32, #tpu.memory_space<vmem_shared>>) attributes {dimension_semantics = [#tpu.dimension_semantics<core_parallel>, #tpu.dimension_semantics<subcore_parallel>], iteration_bounds = array<i64: 2, 16>, scalar_prefetch = 0 : i64, scratch_operands = 22 : i64, tpu.core_type = #tpu.core_type<sc_vector_subcore>, window_params = [{transform_indices = #map}, {transform_indices = #map1}, {transform_indices = #map}, {transform_indices = #map2}]} {
    %mul3A = arith.constant 16 : i32
    %mul3A_0 = arith.muli %arg0, %mul3A : i32
    %add3A = arith.addi %mul3A_0, %arg1 : i32
    %mul3A_1 = arith.constant 632 : i32
    %mul3A_2 = arith.muli %arg1, %mul3A_1 : i32
    %mul3A_3 = arith.constant 632 : i32
    %mul3A_4 = arith.muli %arg1, %mul3A_3 : i32
    "tpu.region"() ({
      %run_scoped3A = tpu.sem_alloc : memref<!tpu.dma_semaphore, #tpu.memory_space<semaphore_mem>>
      %dma_start3A_565 = arith.constant 0 : i32
      %dma_start3A_566 = tpu.memref_slice %arg27[%mul3A_4, %dma_start3A_565] : memref<10112x128xf32, #tpu.memory_space<vmem_shared>> -> memref<632x128xf32, #tpu.memory_space<vmem_shared>>
      %dma_start3A_567 = arith.constant 0 : i32
      %dma_start3A_568 = tpu.memref_slice %arg4[%mul3A_2, %dma_start3A_567] : memref<10112x128xf32, #tpu.memory_space<hbm>> -> memref<632x128xf32, #tpu.memory_space<hbm>>
      tpu.enqueue_dma source(%dma_start3A_568 : memref<632x128xf32, #tpu.memory_space<hbm>>) target(%dma_start3A_566 : memref<632x128xf32, #tpu.memory_space<vmem_shared>>) target_semaphore(%run_scoped3A : memref<!tpu.dma_semaphore, #tpu.memory_space<semaphore_mem>>)
      %dma_wait3A_569 = arith.constant 0 : i32
      %dma_wait3A_570 = tpu.memref_slice %arg27[%mul3A_4, %dma_wait3A_569] : memref<10112x128xf32, #tpu.memory_space<vmem_shared>> -> memref<632x128xf32, #tpu.memory_space<vmem_shared>>
      %dma_wait3A_571 = arith.constant 0 : i32
      %dma_wait3A_572 = tpu.memref_slice %arg4[%mul3A_2, %dma_wait3A_571] : memref<10112x128xf32, #tpu.memory_space<hbm>> -> memref<632x128xf32, #tpu.memory_space<hbm>>
      tpu.wait_dma2 semaphore(%run_scoped3A : memref<!tpu.dma_semaphore, #tpu.memory_space<semaphore_mem>>) src(%dma_wait3A_572 : memref<632x128xf32, #tpu.memory_space<hbm>>) dst(%dma_wait3A_570 : memref<632x128xf32, #tpu.memory_space<vmem_shared>>)
      tpu.yield
    }) : () -> ()
    %barrier3A = arith.constant 0 : index
    tpu.barrier barrier_id(%barrier3A)
    %dma_start3A = arith.constant 0 : i32
    %dma_start3A_5 = arith.constant 0 : i32
    %dma_start3A_6 = arith.constant 0 : i32
    %dma_start3A_7 = tpu.memref_slice %arg3[%add3A, %dma_start3A, %dma_start3A_5, %dma_start3A_6] : memref<32x90x2x112xi32, #tpu.memory_space<hbm>> -> memref<1x1x2x112xi32, #tpu.memory_space<hbm>>
    %dma_start3A_8 = tpu.memref_squeeze %dma_start3A_7 : memref<1x1x2x112xi32, #tpu.memory_space<hbm>> -> memref<2x112xi32, #tpu.memory_space<hbm>>
    %dma_start3A_9 = arith.constant 0 : i32
    %dma_start3A_10 = arith.constant 0 : i32
    %dma_start3A_11 = tpu.memref_slice %arg3[%add3A, %dma_start3A, %dma_start3A_9, %dma_start3A_10] : memref<32x90x2x112xi32, #tpu.memory_space<hbm>> -> memref<1x1x2x112xi32, #tpu.memory_space<hbm>>
    %dma_start3A_12 = tpu.memref_squeeze %dma_start3A_11 : memref<1x1x2x112xi32, #tpu.memory_space<hbm>> -> memref<2x112xi32, #tpu.memory_space<hbm>>
    tpu.enqueue_dma source(%dma_start3A_12 : memref<2x112xi32, #tpu.memory_space<hbm>>) target(%arg6 : memref<2x112xi32, #tpu.memory_space<vmem>>) target_semaphore(%arg15 : memref<!tpu.dma_semaphore, #tpu.memory_space<semaphore_mem>>)
    %dma_start3A_13 = arith.constant 1 : i32
    %dma_start3A_14 = arith.constant 0 : i32
    %dma_start3A_15 = arith.constant 0 : i32
    %dma_start3A_16 = tpu.memref_slice %arg3[%add3A, %dma_start3A_13, %dma_start3A_14, %dma_start3A_15] : memref<32x90x2x112xi32, #tpu.memory_space<hbm>> -> memref<1x1x2x112xi32, #tpu.memory_space<hbm>>
    %dma_start3A_17 = tpu.memref_squeeze %dma_start3A_16 : memref<1x1x2x112xi32, #tpu.memory_space<hbm>> -> memref<2x112xi32, #tpu.memory_space<hbm>>
    %dma_start3A_18 = arith.constant 0 : i32
    %dma_start3A_19 = arith.constant 0 : i32
    %dma_start3A_20 = tpu.memref_slice %arg3[%add3A, %dma_start3A_13, %dma_start3A_18, %dma_start3A_19] : memref<32x90x2x112xi32, #tpu.memory_space<hbm>> -> memref<1x1x2x112xi32, #tpu.memory_space<hbm>>
    %dma_start3A_21 = tpu.memref_squeeze %dma_start3A_20 : memref<1x1x2x112xi32, #tpu.memory_space<hbm>> -> memref<2x112xi32, #tpu.memory_space<hbm>>
    tpu.enqueue_dma source(%dma_start3A_21 : memref<2x112xi32, #tpu.memory_space<hbm>>) target(%arg7 : memref<2x112xi32, #tpu.memory_space<vmem>>) target_semaphore(%arg16 : memref<!tpu.dma_semaphore, #tpu.memory_space<semaphore_mem>>)
    %dma_start3A_22 = arith.constant 2 : i32
    %dma_start3A_23 = arith.constant 0 : i32
    %dma_start3A_24 = arith.constant 0 : i32
    %dma_start3A_25 = tpu.memref_slice %arg3[%add3A, %dma_start3A_22, %dma_start3A_23, %dma_start3A_24] : memref<32x90x2x112xi32, #tpu.memory_space<hbm>> -> memref<1x1x2x112xi32, #tpu.memory_space<hbm>>
    %dma_start3A_26 = tpu.memref_squeeze %dma_start3A_25 : memref<1x1x2x112xi32, #tpu.memory_space<hbm>> -> memref<2x112xi32, #tpu.memory_space<hbm>>
    %dma_start3A_27 = arith.constant 0 : i32
    %dma_start3A_28 = arith.constant 0 : i32
    %dma_start3A_29 = tpu.memref_slice %arg3[%add3A, %dma_start3A_22, %dma_start3A_27, %dma_start3A_28] : memref<32x90x2x112xi32, #tpu.memory_space<hbm>> -> memref<1x1x2x112xi32, #tpu.memory_space<hbm>>
    %dma_start3A_30 = tpu.memref_squeeze %dma_start3A_29 : memref<1x1x2x112xi32, #tpu.memory_space<hbm>> -> memref<2x112xi32, #tpu.memory_space<hbm>>
    tpu.enqueue_dma source(%dma_start3A_30 : memref<2x112xi32, #tpu.memory_space<hbm>>) target(%arg8 : memref<2x112xi32, #tpu.memory_space<vmem>>) target_semaphore(%arg17 : memref<!tpu.dma_semaphore, #tpu.memory_space<semaphore_mem>>)
    %dma_start3A_31 = arith.constant 3 : i32
    %dma_start3A_32 = arith.constant 0 : i32
    %dma_start3A_33 = arith.constant 0 : i32
    %dma_start3A_34 = tpu.memref_slice %arg3[%add3A, %dma_start3A_31, %dma_start3A_32, %dma_start3A_33] : memref<32x90x2x112xi32, #tpu.memory_space<hbm>> -> memref<1x1x2x112xi32, #tpu.memory_space<hbm>>
    %dma_start3A_35 = tpu.memref_squeeze %dma_start3A_34 : memref<1x1x2x112xi32, #tpu.memory_space<hbm>> -> memref<2x112xi32, #tpu.memory_space<hbm>>
    %dma_start3A_36 = arith.constant 0 : i32
    %dma_start3A_37 = arith.constant 0 : i32
    %dma_start3A_38 = tpu.memref_slice %arg3[%add3A, %dma_start3A_31, %dma_start3A_36, %dma_start3A_37] : memref<32x90x2x112xi32, #tpu.memory_space<hbm>> -> memref<1x1x2x112xi32, #tpu.memory_space<hbm>>
    %dma_start3A_39 = tpu.memref_squeeze %dma_start3A_38 : memref<1x1x2x112xi32, #tpu.memory_space<hbm>> -> memref<2x112xi32, #tpu.memory_space<hbm>>
    tpu.enqueue_dma source(%dma_start3A_39 : memref<2x112xi32, #tpu.memory_space<hbm>>) target(%arg9 : memref<2x112xi32, #tpu.memory_space<vmem>>) target_semaphore(%arg18 : memref<!tpu.dma_semaphore, #tpu.memory_space<semaphore_mem>>)
    %dma_start3A_40 = arith.constant 4 : i32
    %dma_start3A_41 = arith.constant 0 : i32
    %dma_start3A_42 = arith.constant 0 : i32
    %dma_start3A_43 = tpu.memref_slice %arg3[%add3A, %dma_start3A_40, %dma_start3A_41, %dma_start3A_42] : memref<32x90x2x112xi32, #tpu.memory_space<hbm>> -> memref<1x1x2x112xi32, #tpu.memory_space<hbm>>
    %dma_start3A_44 = tpu.memref_squeeze %dma_start3A_43 : memref<1x1x2x112xi32, #tpu.memory_space<hbm>> -> memref<2x112xi32, #tpu.memory_space<hbm>>
    %dma_start3A_45 = arith.constant 0 : i32
    %dma_start3A_46 = arith.constant 0 : i32
    %dma_start3A_47 = tpu.memref_slice %arg3[%add3A, %dma_start3A_40, %dma_start3A_45, %dma_start3A_46] : memref<32x90x2x112xi32, #tpu.memory_space<hbm>> -> memref<1x1x2x112xi32, #tpu.memory_space<hbm>>
    %dma_start3A_48 = tpu.memref_squeeze %dma_start3A_47 : memref<1x1x2x112xi32, #tpu.memory_space<hbm>> -> memref<2x112xi32, #tpu.memory_space<hbm>>
    tpu.enqueue_dma source(%dma_start3A_48 : memref<2x112xi32, #tpu.memory_space<hbm>>) target(%arg10 : memref<2x112xi32, #tpu.memory_space<vmem>>) target_semaphore(%arg19 : memref<!tpu.dma_semaphore, #tpu.memory_space<semaphore_mem>>)
    %dma_start3A_49 = arith.constant 5 : i32
    %dma_start3A_50 = arith.constant 0 : i32
    %dma_start3A_51 = arith.constant 0 : i32
    %dma_start3A_52 = tpu.memref_slice %arg3[%add3A, %dma_start3A_49, %dma_start3A_50, %dma_start3A_51] : memref<32x90x2x112xi32, #tpu.memory_space<hbm>> -> memref<1x1x2x112xi32, #tpu.memory_space<hbm>>
    %dma_start3A_53 = tpu.memref_squeeze %dma_start3A_52 : memref<1x1x2x112xi32, #tpu.memory_space<hbm>> -> memref<2x112xi32, #tpu.memory_space<hbm>>
    %dma_start3A_54 = arith.constant 0 : i32
    %dma_start3A_55 = arith.constant 0 : i32
    %dma_start3A_56 = tpu.memref_slice %arg3[%add3A, %dma_start3A_49, %dma_start3A_54, %dma_start3A_55] : memref<32x90x2x112xi32, #tpu.memory_space<hbm>> -> memref<1x1x2x112xi32, #tpu.memory_space<hbm>>
    %dma_start3A_57 = tpu.memref_squeeze %dma_start3A_56 : memref<1x1x2x112xi32, #tpu.memory_space<hbm>> -> memref<2x112xi32, #tpu.memory_space<hbm>>
    tpu.enqueue_dma source(%dma_start3A_57 : memref<2x112xi32, #tpu.memory_space<hbm>>) target(%arg11 : memref<2x112xi32, #tpu.memory_space<vmem>>) target_semaphore(%arg20 : memref<!tpu.dma_semaphore, #tpu.memory_space<semaphore_mem>>)
    %dma_wait3A = arith.constant 0 : i32
    %dma_wait3A_58 = arith.constant 0 : i32
    %dma_wait3A_59 = arith.constant 0 : i32
    %dma_wait3A_60 = tpu.memref_slice %arg3[%add3A, %dma_wait3A, %dma_wait3A_58, %dma_wait3A_59] : memref<32x90x2x112xi32, #tpu.memory_space<hbm>> -> memref<1x1x2x112xi32, #tpu.memory_space<hbm>>
    %dma_wait3A_61 = tpu.memref_squeeze %dma_wait3A_60 : memref<1x1x2x112xi32, #tpu.memory_space<hbm>> -> memref<2x112xi32, #tpu.memory_space<hbm>>
    %dma_wait3A_62 = arith.constant 0 : i32
    %dma_wait3A_63 = arith.constant 0 : i32
    %dma_wait3A_64 = tpu.memref_slice %arg3[%add3A, %dma_wait3A, %dma_wait3A_62, %dma_wait3A_63] : memref<32x90x2x112xi32, #tpu.memory_space<hbm>> -> memref<1x1x2x112xi32, #tpu.memory_space<hbm>>
    %dma_wait3A_65 = tpu.memref_squeeze %dma_wait3A_64 : memref<1x1x2x112xi32, #tpu.memory_space<hbm>> -> memref<2x112xi32, #tpu.memory_space<hbm>>
    tpu.wait_dma2 semaphore(%arg15 : memref<!tpu.dma_semaphore, #tpu.memory_space<semaphore_mem>>) src(%dma_wait3A_65 : memref<2x112xi32, #tpu.memory_space<hbm>>) dst(%arg6 : memref<2x112xi32, #tpu.memory_space<vmem>>)
    %dma_start3A_66 = arith.constant 0 : i32
    %dma_start3A_67 = arith.constant 0 : i32
    %dma_start3A_68 = tpu.memref_slice %arg6[%dma_start3A_66, %dma_start3A_67] : memref<2x112xi32, #tpu.memory_space<vmem>> -> memref<1x112xi32, #tpu.memory_space<vmem>>
    %dma_start3A_69 = tpu.memref_squeeze %dma_start3A_68 : memref<1x112xi32, #tpu.memory_space<vmem>> -> memref<112xi32, #tpu.memory_space<vmem>>
    %dma_start3A_70 = arith.constant 0 : i32
    %dma_start3A_71 = arith.constant 0 : i32
    %dma_start3A_72 = tpu.memref_slice %arg2[%dma_start3A_70, %dma_start3A_71] : memref<10000x128xf32, #tpu.memory_space<hbm>> -> memref<10000x128xf32, #tpu.memory_space<hbm>>
    tpu.enqueue_indirect_dma source(%dma_start3A_72 : memref<10000x128xf32, #tpu.memory_space<hbm>>) target(%arg12 : memref<112x128xf32, #tpu.memory_space<vmem>>) offsets(%dma_start3A_69 : memref<112xi32, #tpu.memory_space<vmem>>) semaphore(%arg21 : memref<!tpu.dma_semaphore, #tpu.memory_space<semaphore_mem>>)
    %dma_wait3A_73 = arith.constant 1 : i32
    %dma_wait3A_74 = arith.constant 0 : i32
    %dma_wait3A_75 = arith.constant 0 : i32
    %dma_wait3A_76 = tpu.memref_slice %arg3[%add3A, %dma_wait3A_73, %dma_wait3A_74, %dma_wait3A_75] : memref<32x90x2x112xi32, #tpu.memory_space<hbm>> -> memref<1x1x2x112xi32, #tpu.memory_space<hbm>>
    %dma_wait3A_77 = tpu.memref_squeeze %dma_wait3A_76 : memref<1x1x2x112xi32, #tpu.memory_space<hbm>> -> memref<2x112xi32, #tpu.memory_space<hbm>>
    %dma_wait3A_78 = arith.constant 0 : i32
    %dma_wait3A_79 = arith.constant 0 : i32
    %dma_wait3A_80 = tpu.memref_slice %arg3[%add3A, %dma_wait3A_73, %dma_wait3A_78, %dma_wait3A_79] : memref<32x90x2x112xi32, #tpu.memory_space<hbm>> -> memref<1x1x2x112xi32, #tpu.memory_space<hbm>>
    %dma_wait3A_81 = tpu.memref_squeeze %dma_wait3A_80 : memref<1x1x2x112xi32, #tpu.memory_space<hbm>> -> memref<2x112xi32, #tpu.memory_space<hbm>>
    tpu.wait_dma2 semaphore(%arg16 : memref<!tpu.dma_semaphore, #tpu.memory_space<semaphore_mem>>) src(%dma_wait3A_81 : memref<2x112xi32, #tpu.memory_space<hbm>>) dst(%arg7 : memref<2x112xi32, #tpu.memory_space<vmem>>)
    %dma_start3A_82 = arith.constant 0 : i32
    %dma_start3A_83 = arith.constant 0 : i32
    %dma_start3A_84 = tpu.memref_slice %arg7[%dma_start3A_82, %dma_start3A_83] : memref<2x112xi32, #tpu.memory_space<vmem>> -> memref<1x112xi32, #tpu.memory_space<vmem>>
    %dma_start3A_85 = tpu.memref_squeeze %dma_start3A_84 : memref<1x112xi32, #tpu.memory_space<vmem>> -> memref<112xi32, #tpu.memory_space<vmem>>
    %dma_start3A_86 = arith.constant 0 : i32
    %dma_start3A_87 = arith.constant 0 : i32
    %dma_start3A_88 = tpu.memref_slice %arg2[%dma_start3A_86, %dma_start3A_87] : memref<10000x128xf32, #tpu.memory_space<hbm>> -> memref<10000x128xf32, #tpu.memory_space<hbm>>
    tpu.enqueue_indirect_dma source(%dma_start3A_88 : memref<10000x128xf32, #tpu.memory_space<hbm>>) target(%arg13 : memref<112x128xf32, #tpu.memory_space<vmem>>) offsets(%dma_start3A_85 : memref<112xi32, #tpu.memory_space<vmem>>) semaphore(%arg22 : memref<!tpu.dma_semaphore, #tpu.memory_space<semaphore_mem>>)
    %dma_wait3A_89 = arith.constant 2 : i32
    %dma_wait3A_90 = arith.constant 0 : i32
    %dma_wait3A_91 = arith.constant 0 : i32
    %dma_wait3A_92 = tpu.memref_slice %arg3[%add3A, %dma_wait3A_89, %dma_wait3A_90, %dma_wait3A_91] : memref<32x90x2x112xi32, #tpu.memory_space<hbm>> -> memref<1x1x2x112xi32, #tpu.memory_space<hbm>>
    %dma_wait3A_93 = tpu.memref_squeeze %dma_wait3A_92 : memref<1x1x2x112xi32, #tpu.memory_space<hbm>> -> memref<2x112xi32, #tpu.memory_space<hbm>>
    %dma_wait3A_94 = arith.constant 0 : i32
    %dma_wait3A_95 = arith.constant 0 : i32
    %dma_wait3A_96 = tpu.memref_slice %arg3[%add3A, %dma_wait3A_89, %dma_wait3A_94, %dma_wait3A_95] : memref<32x90x2x112xi32, #tpu.memory_space<hbm>> -> memref<1x1x2x112xi32, #tpu.memory_space<hbm>>
    %dma_wait3A_97 = tpu.memref_squeeze %dma_wait3A_96 : memref<1x1x2x112xi32, #tpu.memory_space<hbm>> -> memref<2x112xi32, #tpu.memory_space<hbm>>
    tpu.wait_dma2 semaphore(%arg17 : memref<!tpu.dma_semaphore, #tpu.memory_space<semaphore_mem>>) src(%dma_wait3A_97 : memref<2x112xi32, #tpu.memory_space<hbm>>) dst(%arg8 : memref<2x112xi32, #tpu.memory_space<vmem>>)
    %dma_start3A_98 = arith.constant 0 : i32
    %dma_start3A_99 = arith.constant 0 : i32
    %dma_start3A_100 = tpu.memref_slice %arg8[%dma_start3A_98, %dma_start3A_99] : memref<2x112xi32, #tpu.memory_space<vmem>> -> memref<1x112xi32, #tpu.memory_space<vmem>>
    %dma_start3A_101 = tpu.memref_squeeze %dma_start3A_100 : memref<1x112xi32, #tpu.memory_space<vmem>> -> memref<112xi32, #tpu.memory_space<vmem>>
    %dma_start3A_102 = arith.constant 0 : i32
    %dma_start3A_103 = arith.constant 0 : i32
    %dma_start3A_104 = tpu.memref_slice %arg2[%dma_start3A_102, %dma_start3A_103] : memref<10000x128xf32, #tpu.memory_space<hbm>> -> memref<10000x128xf32, #tpu.memory_space<hbm>>
    tpu.enqueue_indirect_dma source(%dma_start3A_104 : memref<10000x128xf32, #tpu.memory_space<hbm>>) target(%arg14 : memref<112x128xf32, #tpu.memory_space<vmem>>) offsets(%dma_start3A_101 : memref<112xi32, #tpu.memory_space<vmem>>) semaphore(%arg23 : memref<!tpu.dma_semaphore, #tpu.memory_space<semaphore_mem>>)
    %dma_wait3A_105 = arith.constant 0 : i32
    %dma_wait3A_106 = arith.constant 0 : i32
    %dma_wait3A_107 = tpu.memref_slice %arg6[%dma_wait3A_105, %dma_wait3A_106] : memref<2x112xi32, #tpu.memory_space<vmem>> -> memref<1x112xi32, #tpu.memory_space<vmem>>
    %dma_wait3A_108 = tpu.memref_squeeze %dma_wait3A_107 : memref<1x112xi32, #tpu.memory_space<vmem>> -> memref<112xi32, #tpu.memory_space<vmem>>
    %dma_wait3A_109 = arith.constant 0 : i32
    %dma_wait3A_110 = arith.constant 0 : i32
    %dma_wait3A_111 = tpu.memref_slice %arg2[%dma_wait3A_109, %dma_wait3A_110] : memref<10000x128xf32, #tpu.memory_space<hbm>> -> memref<10000x128xf32, #tpu.memory_space<hbm>>
    tpu.wait_indirect_dma semaphore(%arg21 : memref<!tpu.dma_semaphore, #tpu.memory_space<semaphore_mem>>) src(%dma_wait3A_111 : memref<10000x128xf32, #tpu.memory_space<hbm>>) dst(%arg12 : memref<112x128xf32, #tpu.memory_space<vmem>>)
    %dma_start3A_112 = arith.constant 1 : i32
    %dma_start3A_113 = arith.constant 0 : i32
    %dma_start3A_114 = tpu.memref_slice %arg6[%dma_start3A_112, %dma_start3A_113] : memref<2x112xi32, #tpu.memory_space<vmem>> -> memref<1x112xi32, #tpu.memory_space<vmem>>
    %dma_start3A_115 = tpu.memref_squeeze %dma_start3A_114 : memref<1x112xi32, #tpu.memory_space<vmem>> -> memref<112xi32, #tpu.memory_space<vmem>>
    %dma_start3A_116 = arith.constant 0 : i32
    %dma_start3A_117 = arith.constant 0 : i32
    %dma_start3A_118 = tpu.memref_slice %arg27[%dma_start3A_116, %dma_start3A_117] : memref<10112x128xf32, #tpu.memory_space<vmem_shared>> -> memref<10112x128xf32, #tpu.memory_space<vmem_shared>>
    tpu.enqueue_indirect_dma source(%arg12 : memref<112x128xf32, #tpu.memory_space<vmem>>) target(%dma_start3A_118 : memref<10112x128xf32, #tpu.memory_space<vmem_shared>>) offsets(%dma_start3A_115 : memref<112xi32, #tpu.memory_space<vmem>>) semaphore(%arg24 : memref<!tpu.dma_semaphore, #tpu.memory_space<semaphore_mem>>) {add = true}
    %dma_wait3A_119 = arith.constant 3 : i32
    %dma_wait3A_120 = arith.constant 0 : i32
    %dma_wait3A_121 = arith.constant 0 : i32
    %dma_wait3A_122 = tpu.memref_slice %arg3[%add3A, %dma_wait3A_119, %dma_wait3A_120, %dma_wait3A_121] : memref<32x90x2x112xi32, #tpu.memory_space<hbm>> -> memref<1x1x2x112xi32, #tpu.memory_space<hbm>>
    %dma_wait3A_123 = tpu.memref_squeeze %dma_wait3A_122 : memref<1x1x2x112xi32, #tpu.memory_space<hbm>> -> memref<2x112xi32, #tpu.memory_space<hbm>>
    %dma_wait3A_124 = arith.constant 0 : i32
    %dma_wait3A_125 = arith.constant 0 : i32
    %dma_wait3A_126 = tpu.memref_slice %arg3[%add3A, %dma_wait3A_119, %dma_wait3A_124, %dma_wait3A_125] : memref<32x90x2x112xi32, #tpu.memory_space<hbm>> -> memref<1x1x2x112xi32, #tpu.memory_space<hbm>>
    %dma_wait3A_127 = tpu.memref_squeeze %dma_wait3A_126 : memref<1x1x2x112xi32, #tpu.memory_space<hbm>> -> memref<2x112xi32, #tpu.memory_space<hbm>>
    tpu.wait_dma2 semaphore(%arg18 : memref<!tpu.dma_semaphore, #tpu.memory_space<semaphore_mem>>) src(%dma_wait3A_127 : memref<2x112xi32, #tpu.memory_space<hbm>>) dst(%arg9 : memref<2x112xi32, #tpu.memory_space<vmem>>)
    %dma_wait3A_128 = arith.constant 1 : i32
    %dma_wait3A_129 = arith.constant 0 : i32
    %dma_wait3A_130 = tpu.memref_slice %arg7[%dma_wait3A_128, %dma_wait3A_129] : memref<2x112xi32, #tpu.memory_space<vmem>> -> memref<1x112xi32, #tpu.memory_space<vmem>>
    %dma_wait3A_131 = tpu.memref_squeeze %dma_wait3A_130 : memref<1x112xi32, #tpu.memory_space<vmem>> -> memref<112xi32, #tpu.memory_space<vmem>>
    %dma_wait3A_132 = arith.constant 0 : i32
    %dma_wait3A_133 = arith.constant 0 : i32
    %dma_wait3A_134 = tpu.memref_slice %arg27[%dma_wait3A_132, %dma_wait3A_133] : memref<10112x128xf32, #tpu.memory_space<vmem_shared>> -> memref<10112x128xf32, #tpu.memory_space<vmem_shared>>
    tpu.wait_indirect_dma semaphore(%arg24 : memref<!tpu.dma_semaphore, #tpu.memory_space<semaphore_mem>>) src(%arg12 : memref<112x128xf32, #tpu.memory_space<vmem>>) dst(%dma_wait3A_134 : memref<10112x128xf32, #tpu.memory_space<vmem_shared>>)
    %dma_start3A_135 = arith.constant 0 : i32
    %dma_start3A_136 = arith.constant 0 : i32
    %dma_start3A_137 = tpu.memref_slice %arg9[%dma_start3A_135, %dma_start3A_136] : memref<2x112xi32, #tpu.memory_space<vmem>> -> memref<1x112xi32, #tpu.memory_space<vmem>>
    %dma_start3A_138 = tpu.memref_squeeze %dma_start3A_137 : memref<1x112xi32, #tpu.memory_space<vmem>> -> memref<112xi32, #tpu.memory_space<vmem>>
    %dma_start3A_139 = arith.constant 0 : i32
    %dma_start3A_140 = arith.constant 0 : i32
    %dma_start3A_141 = tpu.memref_slice %arg2[%dma_start3A_139, %dma_start3A_140] : memref<10000x128xf32, #tpu.memory_space<hbm>> -> memref<10000x128xf32, #tpu.memory_space<hbm>>
    tpu.enqueue_indirect_dma source(%dma_start3A_141 : memref<10000x128xf32, #tpu.memory_space<hbm>>) target(%arg12 : memref<112x128xf32, #tpu.memory_space<vmem>>) offsets(%dma_start3A_138 : memref<112xi32, #tpu.memory_space<vmem>>) semaphore(%arg21 : memref<!tpu.dma_semaphore, #tpu.memory_space<semaphore_mem>>)
    %dma_start3A_142 = arith.constant 6 : i32
    %dma_start3A_143 = arith.constant 0 : i32
    %dma_start3A_144 = arith.constant 0 : i32
    %dma_start3A_145 = tpu.memref_slice %arg3[%add3A, %dma_start3A_142, %dma_start3A_143, %dma_start3A_144] : memref<32x90x2x112xi32, #tpu.memory_space<hbm>> -> memref<1x1x2x112xi32, #tpu.memory_space<hbm>>
    %dma_start3A_146 = tpu.memref_squeeze %dma_start3A_145 : memref<1x1x2x112xi32, #tpu.memory_space<hbm>> -> memref<2x112xi32, #tpu.memory_space<hbm>>
    %dma_start3A_147 = arith.constant 0 : i32
    %dma_start3A_148 = arith.constant 0 : i32
    %dma_start3A_149 = tpu.memref_slice %arg3[%add3A, %dma_start3A_142, %dma_start3A_147, %dma_start3A_148] : memref<32x90x2x112xi32, #tpu.memory_space<hbm>> -> memref<1x1x2x112xi32, #tpu.memory_space<hbm>>
    %dma_start3A_150 = tpu.memref_squeeze %dma_start3A_149 : memref<1x1x2x112xi32, #tpu.memory_space<hbm>> -> memref<2x112xi32, #tpu.memory_space<hbm>>
    tpu.enqueue_dma source(%dma_start3A_150 : memref<2x112xi32, #tpu.memory_space<hbm>>) target(%arg6 : memref<2x112xi32, #tpu.memory_space<vmem>>) target_semaphore(%arg15 : memref<!tpu.dma_semaphore, #tpu.memory_space<semaphore_mem>>)
    %dma_wait3A_151 = arith.constant 0 : i32
    %dma_wait3A_152 = arith.constant 0 : i32
    %dma_wait3A_153 = tpu.memref_slice %arg7[%dma_wait3A_151, %dma_wait3A_152] : memref<2x112xi32, #tpu.memory_space<vmem>> -> memref<1x112xi32, #tpu.memory_space<vmem>>
    %dma_wait3A_154 = tpu.memref_squeeze %dma_wait3A_153 : memref<1x112xi32, #tpu.memory_space<vmem>> -> memref<112xi32, #tpu.memory_space<vmem>>
    %dma_wait3A_155 = arith.constant 0 : i32
    %dma_wait3A_156 = arith.constant 0 : i32
    %dma_wait3A_157 = tpu.memref_slice %arg2[%dma_wait3A_155, %dma_wait3A_156] : memref<10000x128xf32, #tpu.memory_space<hbm>> -> memref<10000x128xf32, #tpu.memory_space<hbm>>
    tpu.wait_indirect_dma semaphore(%arg22 : memref<!tpu.dma_semaphore, #tpu.memory_space<semaphore_mem>>) src(%dma_wait3A_157 : memref<10000x128xf32, #tpu.memory_space<hbm>>) dst(%arg13 : memref<112x128xf32, #tpu.memory_space<vmem>>)
    %dma_start3A_158 = arith.constant 1 : i32
    %dma_start3A_159 = arith.constant 0 : i32
    %dma_start3A_160 = tpu.memref_slice %arg7[%dma_start3A_158, %dma_start3A_159] : memref<2x112xi32, #tpu.memory_space<vmem>> -> memref<1x112xi32, #tpu.memory_space<vmem>>
    %dma_start3A_161 = tpu.memref_squeeze %dma_start3A_160 : memref<1x112xi32, #tpu.memory_space<vmem>> -> memref<112xi32, #tpu.memory_space<vmem>>
    %dma_start3A_162 = arith.constant 0 : i32
    %dma_start3A_163 = arith.constant 0 : i32
    %dma_start3A_164 = tpu.memref_slice %arg27[%dma_start3A_162, %dma_start3A_163] : memref<10112x128xf32, #tpu.memory_space<vmem_shared>> -> memref<10112x128xf32, #tpu.memory_space<vmem_shared>>
    tpu.enqueue_indirect_dma source(%arg13 : memref<112x128xf32, #tpu.memory_space<vmem>>) target(%dma_start3A_164 : memref<10112x128xf32, #tpu.memory_space<vmem_shared>>) offsets(%dma_start3A_161 : memref<112xi32, #tpu.memory_space<vmem>>) semaphore(%arg25 : memref<!tpu.dma_semaphore, #tpu.memory_space<semaphore_mem>>) {add = true}
    %dma_wait3A_165 = arith.constant 4 : i32
    %dma_wait3A_166 = arith.constant 0 : i32
    %dma_wait3A_167 = arith.constant 0 : i32
    %dma_wait3A_168 = tpu.memref_slice %arg3[%add3A, %dma_wait3A_165, %dma_wait3A_166, %dma_wait3A_167] : memref<32x90x2x112xi32, #tpu.memory_space<hbm>> -> memref<1x1x2x112xi32, #tpu.memory_space<hbm>>
    %dma_wait3A_169 = tpu.memref_squeeze %dma_wait3A_168 : memref<1x1x2x112xi32, #tpu.memory_space<hbm>> -> memref<2x112xi32, #tpu.memory_space<hbm>>
    %dma_wait3A_170 = arith.constant 0 : i32
    %dma_wait3A_171 = arith.constant 0 : i32
    %dma_wait3A_172 = tpu.memref_slice %arg3[%add3A, %dma_wait3A_165, %dma_wait3A_170, %dma_wait3A_171] : memref<32x90x2x112xi32, #tpu.memory_space<hbm>> -> memref<1x1x2x112xi32, #tpu.memory_space<hbm>>
    %dma_wait3A_173 = tpu.memref_squeeze %dma_wait3A_172 : memref<1x1x2x112xi32, #tpu.memory_space<hbm>> -> memref<2x112xi32, #tpu.memory_space<hbm>>
    tpu.wait_dma2 semaphore(%arg19 : memref<!tpu.dma_semaphore, #tpu.memory_space<semaphore_mem>>) src(%dma_wait3A_173 : memref<2x112xi32, #tpu.memory_space<hbm>>) dst(%arg10 : memref<2x112xi32, #tpu.memory_space<vmem>>)
    %dma_wait3A_174 = arith.constant 1 : i32
    %dma_wait3A_175 = arith.constant 0 : i32
    %dma_wait3A_176 = tpu.memref_slice %arg8[%dma_wait3A_174, %dma_wait3A_175] : memref<2x112xi32, #tpu.memory_space<vmem>> -> memref<1x112xi32, #tpu.memory_space<vmem>>
    %dma_wait3A_177 = tpu.memref_squeeze %dma_wait3A_176 : memref<1x112xi32, #tpu.memory_space<vmem>> -> memref<112xi32, #tpu.memory_space<vmem>>
    %dma_wait3A_178 = arith.constant 0 : i32
    %dma_wait3A_179 = arith.constant 0 : i32
    %dma_wait3A_180 = tpu.memref_slice %arg27[%dma_wait3A_178, %dma_wait3A_179] : memref<10112x128xf32, #tpu.memory_space<vmem_shared>> -> memref<10112x128xf32, #tpu.memory_space<vmem_shared>>
    tpu.wait_indirect_dma semaphore(%arg25 : memref<!tpu.dma_semaphore, #tpu.memory_space<semaphore_mem>>) src(%arg13 : memref<112x128xf32, #tpu.memory_space<vmem>>) dst(%dma_wait3A_180 : memref<10112x128xf32, #tpu.memory_space<vmem_shared>>)
    %dma_start3A_181 = arith.constant 0 : i32
    %dma_start3A_182 = arith.constant 0 : i32
    %dma_start3A_183 = tpu.memref_slice %arg10[%dma_start3A_181, %dma_start3A_182] : memref<2x112xi32, #tpu.memory_space<vmem>> -> memref<1x112xi32, #tpu.memory_space<vmem>>
    %dma_start3A_184 = tpu.memref_squeeze %dma_start3A_183 : memref<1x112xi32, #tpu.memory_space<vmem>> -> memref<112xi32, #tpu.memory_space<vmem>>
    %dma_start3A_185 = arith.constant 0 : i32
    %dma_start3A_186 = arith.constant 0 : i32
    %dma_start3A_187 = tpu.memref_slice %arg2[%dma_start3A_185, %dma_start3A_186] : memref<10000x128xf32, #tpu.memory_space<hbm>> -> memref<10000x128xf32, #tpu.memory_space<hbm>>
    tpu.enqueue_indirect_dma source(%dma_start3A_187 : memref<10000x128xf32, #tpu.memory_space<hbm>>) target(%arg13 : memref<112x128xf32, #tpu.memory_space<vmem>>) offsets(%dma_start3A_184 : memref<112xi32, #tpu.memory_space<vmem>>) semaphore(%arg22 : memref<!tpu.dma_semaphore, #tpu.memory_space<semaphore_mem>>)
    %dma_start3A_188 = arith.constant 7 : i32
    %dma_start3A_189 = arith.constant 0 : i32
    %dma_start3A_190 = arith.constant 0 : i32
    %dma_start3A_191 = tpu.memref_slice %arg3[%add3A, %dma_start3A_188, %dma_start3A_189, %dma_start3A_190] : memref<32x90x2x112xi32, #tpu.memory_space<hbm>> -> memref<1x1x2x112xi32, #tpu.memory_space<hbm>>
    %dma_start3A_192 = tpu.memref_squeeze %dma_start3A_191 : memref<1x1x2x112xi32, #tpu.memory_space<hbm>> -> memref<2x112xi32, #tpu.memory_space<hbm>>
    %dma_start3A_193 = arith.constant 0 : i32
    %dma_start3A_194 = arith.constant 0 : i32
    %dma_start3A_195 = tpu.memref_slice %arg3[%add3A, %dma_start3A_188, %dma_start3A_193, %dma_start3A_194] : memref<32x90x2x112xi32, #tpu.memory_space<hbm>> -> memref<1x1x2x112xi32, #tpu.memory_space<hbm>>
    %dma_start3A_196 = tpu.memref_squeeze %dma_start3A_195 : memref<1x1x2x112xi32, #tpu.memory_space<hbm>> -> memref<2x112xi32, #tpu.memory_space<hbm>>
    tpu.enqueue_dma source(%dma_start3A_196 : memref<2x112xi32, #tpu.memory_space<hbm>>) target(%arg7 : memref<2x112xi32, #tpu.memory_space<vmem>>) target_semaphore(%arg16 : memref<!tpu.dma_semaphore, #tpu.memory_space<semaphore_mem>>)
    %dma_wait3A_197 = arith.constant 0 : i32
    %dma_wait3A_198 = arith.constant 0 : i32
    %dma_wait3A_199 = tpu.memref_slice %arg8[%dma_wait3A_197, %dma_wait3A_198] : memref<2x112xi32, #tpu.memory_space<vmem>> -> memref<1x112xi32, #tpu.memory_space<vmem>>
    %dma_wait3A_200 = tpu.memref_squeeze %dma_wait3A_199 : memref<1x112xi32, #tpu.memory_space<vmem>> -> memref<112xi32, #tpu.memory_space<vmem>>
    %dma_wait3A_201 = arith.constant 0 : i32
    %dma_wait3A_202 = arith.constant 0 : i32
    %dma_wait3A_203 = tpu.memref_slice %arg2[%dma_wait3A_201, %dma_wait3A_202] : memref<10000x128xf32, #tpu.memory_space<hbm>> -> memref<10000x128xf32, #tpu.memory_space<hbm>>
    tpu.wait_indirect_dma semaphore(%arg23 : memref<!tpu.dma_semaphore, #tpu.memory_space<semaphore_mem>>) src(%dma_wait3A_203 : memref<10000x128xf32, #tpu.memory_space<hbm>>) dst(%arg14 : memref<112x128xf32, #tpu.memory_space<vmem>>)
    %dma_start3A_204 = arith.constant 1 : i32
    %dma_start3A_205 = arith.constant 0 : i32
    %dma_start3A_206 = tpu.memref_slice %arg8[%dma_start3A_204, %dma_start3A_205] : memref<2x112xi32, #tpu.memory_space<vmem>> -> memref<1x112xi32, #tpu.memory_space<vmem>>
    %dma_start3A_207 = tpu.memref_squeeze %dma_start3A_206 : memref<1x112xi32, #tpu.memory_space<vmem>> -> memref<112xi32, #tpu.memory_space<vmem>>
    %dma_start3A_208 = arith.constant 0 : i32
    %dma_start3A_209 = arith.constant 0 : i32
    %dma_start3A_210 = tpu.memref_slice %arg27[%dma_start3A_208, %dma_start3A_209] : memref<10112x128xf32, #tpu.memory_space<vmem_shared>> -> memref<10112x128xf32, #tpu.memory_space<vmem_shared>>
    tpu.enqueue_indirect_dma source(%arg14 : memref<112x128xf32, #tpu.memory_space<vmem>>) target(%dma_start3A_210 : memref<10112x128xf32, #tpu.memory_space<vmem_shared>>) offsets(%dma_start3A_207 : memref<112xi32, #tpu.memory_space<vmem>>) semaphore(%arg26 : memref<!tpu.dma_semaphore, #tpu.memory_space<semaphore_mem>>) {add = true}
    %dma_wait3A_211 = arith.constant 5 : i32
    %dma_wait3A_212 = arith.constant 0 : i32
    %dma_wait3A_213 = arith.constant 0 : i32
    %dma_wait3A_214 = tpu.memref_slice %arg3[%add3A, %dma_wait3A_211, %dma_wait3A_212, %dma_wait3A_213] : memref<32x90x2x112xi32, #tpu.memory_space<hbm>> -> memref<1x1x2x112xi32, #tpu.memory_space<hbm>>
    %dma_wait3A_215 = tpu.memref_squeeze %dma_wait3A_214 : memref<1x1x2x112xi32, #tpu.memory_space<hbm>> -> memref<2x112xi32, #tpu.memory_space<hbm>>
    %dma_wait3A_216 = arith.constant 0 : i32
    %dma_wait3A_217 = arith.constant 0 : i32
    %dma_wait3A_218 = tpu.memref_slice %arg3[%add3A, %dma_wait3A_211, %dma_wait3A_216, %dma_wait3A_217] : memref<32x90x2x112xi32, #tpu.memory_space<hbm>> -> memref<1x1x2x112xi32, #tpu.memory_space<hbm>>
    %dma_wait3A_219 = tpu.memref_squeeze %dma_wait3A_218 : memref<1x1x2x112xi32, #tpu.memory_space<hbm>> -> memref<2x112xi32, #tpu.memory_space<hbm>>
    tpu.wait_dma2 semaphore(%arg20 : memref<!tpu.dma_semaphore, #tpu.memory_space<semaphore_mem>>) src(%dma_wait3A_219 : memref<2x112xi32, #tpu.memory_space<hbm>>) dst(%arg11 : memref<2x112xi32, #tpu.memory_space<vmem>>)
    %dma_wait3A_220 = arith.constant 1 : i32
    %dma_wait3A_221 = arith.constant 0 : i32
    %dma_wait3A_222 = tpu.memref_slice %arg9[%dma_wait3A_220, %dma_wait3A_221] : memref<2x112xi32, #tpu.memory_space<vmem>> -> memref<1x112xi32, #tpu.memory_space<vmem>>
    %dma_wait3A_223 = tpu.memref_squeeze %dma_wait3A_222 : memref<1x112xi32, #tpu.memory_space<vmem>> -> memref<112xi32, #tpu.memory_space<vmem>>
    %dma_wait3A_224 = arith.constant 0 : i32
    %dma_wait3A_225 = arith.constant 0 : i32
    %dma_wait3A_226 = tpu.memref_slice %arg27[%dma_wait3A_224, %dma_wait3A_225] : memref<10112x128xf32, #tpu.memory_space<vmem_shared>> -> memref<10112x128xf32, #tpu.memory_space<vmem_shared>>
    tpu.wait_indirect_dma semaphore(%arg26 : memref<!tpu.dma_semaphore, #tpu.memory_space<semaphore_mem>>) src(%arg14 : memref<112x128xf32, #tpu.memory_space<vmem>>) dst(%dma_wait3A_226 : memref<10112x128xf32, #tpu.memory_space<vmem_shared>>)
    %dma_start3A_227 = arith.constant 0 : i32
    %dma_start3A_228 = arith.constant 0 : i32
    %dma_start3A_229 = tpu.memref_slice %arg11[%dma_start3A_227, %dma_start3A_228] : memref<2x112xi32, #tpu.memory_space<vmem>> -> memref<1x112xi32, #tpu.memory_space<vmem>>
    %dma_start3A_230 = tpu.memref_squeeze %dma_start3A_229 : memref<1x112xi32, #tpu.memory_space<vmem>> -> memref<112xi32, #tpu.memory_space<vmem>>
    %dma_start3A_231 = arith.constant 0 : i32
    %dma_start3A_232 = arith.constant 0 : i32
    %dma_start3A_233 = tpu.memref_slice %arg2[%dma_start3A_231, %dma_start3A_232] : memref<10000x128xf32, #tpu.memory_space<hbm>> -> memref<10000x128xf32, #tpu.memory_space<hbm>>
    tpu.enqueue_indirect_dma source(%dma_start3A_233 : memref<10000x128xf32, #tpu.memory_space<hbm>>) target(%arg14 : memref<112x128xf32, #tpu.memory_space<vmem>>) offsets(%dma_start3A_230 : memref<112xi32, #tpu.memory_space<vmem>>) semaphore(%arg23 : memref<!tpu.dma_semaphore, #tpu.memory_space<semaphore_mem>>)
    %dma_start3A_234 = arith.constant 8 : i32
    %dma_start3A_235 = arith.constant 0 : i32
    %dma_start3A_236 = arith.constant 0 : i32
    %dma_start3A_237 = tpu.memref_slice %arg3[%add3A, %dma_start3A_234, %dma_start3A_235, %dma_start3A_236] : memref<32x90x2x112xi32, #tpu.memory_space<hbm>> -> memref<1x1x2x112xi32, #tpu.memory_space<hbm>>
    %dma_start3A_238 = tpu.memref_squeeze %dma_start3A_237 : memref<1x1x2x112xi32, #tpu.memory_space<hbm>> -> memref<2x112xi32, #tpu.memory_space<hbm>>
    %dma_start3A_239 = arith.constant 0 : i32
    %dma_start3A_240 = arith.constant 0 : i32
    %dma_start3A_241 = tpu.memref_slice %arg3[%add3A, %dma_start3A_234, %dma_start3A_239, %dma_start3A_240] : memref<32x90x2x112xi32, #tpu.memory_space<hbm>> -> memref<1x1x2x112xi32, #tpu.memory_space<hbm>>
    %dma_start3A_242 = tpu.memref_squeeze %dma_start3A_241 : memref<1x1x2x112xi32, #tpu.memory_space<hbm>> -> memref<2x112xi32, #tpu.memory_space<hbm>>
    tpu.enqueue_dma source(%dma_start3A_242 : memref<2x112xi32, #tpu.memory_space<hbm>>) target(%arg8 : memref<2x112xi32, #tpu.memory_space<vmem>>) target_semaphore(%arg17 : memref<!tpu.dma_semaphore, #tpu.memory_space<semaphore_mem>>)
    %dma_wait3A_243 = arith.constant 0 : i32
    %dma_wait3A_244 = arith.constant 0 : i32
    %dma_wait3A_245 = tpu.memref_slice %arg9[%dma_wait3A_243, %dma_wait3A_244] : memref<2x112xi32, #tpu.memory_space<vmem>> -> memref<1x112xi32, #tpu.memory_space<vmem>>
    %dma_wait3A_246 = tpu.memref_squeeze %dma_wait3A_245 : memref<1x112xi32, #tpu.memory_space<vmem>> -> memref<112xi32, #tpu.memory_space<vmem>>
    %dma_wait3A_247 = arith.constant 0 : i32
    %dma_wait3A_248 = arith.constant 0 : i32
    %dma_wait3A_249 = tpu.memref_slice %arg2[%dma_wait3A_247, %dma_wait3A_248] : memref<10000x128xf32, #tpu.memory_space<hbm>> -> memref<10000x128xf32, #tpu.memory_space<hbm>>
    tpu.wait_indirect_dma semaphore(%arg21 : memref<!tpu.dma_semaphore, #tpu.memory_space<semaphore_mem>>) src(%dma_wait3A_249 : memref<10000x128xf32, #tpu.memory_space<hbm>>) dst(%arg12 : memref<112x128xf32, #tpu.memory_space<vmem>>)
    %dma_start3A_250 = arith.constant 1 : i32
    %dma_start3A_251 = arith.constant 0 : i32
    %dma_start3A_252 = tpu.memref_slice %arg9[%dma_start3A_250, %dma_start3A_251] : memref<2x112xi32, #tpu.memory_space<vmem>> -> memref<1x112xi32, #tpu.memory_space<vmem>>
    %dma_start3A_253 = tpu.memref_squeeze %dma_start3A_252 : memref<1x112xi32, #tpu.memory_space<vmem>> -> memref<112xi32, #tpu.memory_space<vmem>>
    %dma_start3A_254 = arith.constant 0 : i32
    %dma_start3A_255 = arith.constant 0 : i32
    %dma_start3A_256 = tpu.memref_slice %arg27[%dma_start3A_254, %dma_start3A_255] : memref<10112x128xf32, #tpu.memory_space<vmem_shared>> -> memref<10112x128xf32, #tpu.memory_space<vmem_shared>>
    tpu.enqueue_indirect_dma source(%arg12 : memref<112x128xf32, #tpu.memory_space<vmem>>) target(%dma_start3A_256 : memref<10112x128xf32, #tpu.memory_space<vmem_shared>>) offsets(%dma_start3A_253 : memref<112xi32, #tpu.memory_space<vmem>>) semaphore(%arg24 : memref<!tpu.dma_semaphore, #tpu.memory_space<semaphore_mem>>) {add = true}
    %dma_wait3A_257 = arith.constant 6 : i32
    %dma_wait3A_258 = arith.constant 0 : i32
    %dma_wait3A_259 = arith.constant 0 : i32
    %dma_wait3A_260 = tpu.memref_slice %arg3[%add3A, %dma_wait3A_257, %dma_wait3A_258, %dma_wait3A_259] : memref<32x90x2x112xi32, #tpu.memory_space<hbm>> -> memref<1x1x2x112xi32, #tpu.memory_space<hbm>>
    %dma_wait3A_261 = tpu.memref_squeeze %dma_wait3A_260 : memref<1x1x2x112xi32, #tpu.memory_space<hbm>> -> memref<2x112xi32, #tpu.memory_space<hbm>>
    %dma_wait3A_262 = arith.constant 0 : i32
    %dma_wait3A_263 = arith.constant 0 : i32
    %dma_wait3A_264 = tpu.memref_slice %arg3[%add3A, %dma_wait3A_257, %dma_wait3A_262, %dma_wait3A_263] : memref<32x90x2x112xi32, #tpu.memory_space<hbm>> -> memref<1x1x2x112xi32, #tpu.memory_space<hbm>>
    %dma_wait3A_265 = tpu.memref_squeeze %dma_wait3A_264 : memref<1x1x2x112xi32, #tpu.memory_space<hbm>> -> memref<2x112xi32, #tpu.memory_space<hbm>>
    tpu.wait_dma2 semaphore(%arg15 : memref<!tpu.dma_semaphore, #tpu.memory_space<semaphore_mem>>) src(%dma_wait3A_265 : memref<2x112xi32, #tpu.memory_space<hbm>>) dst(%arg6 : memref<2x112xi32, #tpu.memory_space<vmem>>)
    %dma_wait3A_266 = arith.constant 1 : i32
    %dma_wait3A_267 = arith.constant 0 : i32
    %dma_wait3A_268 = tpu.memref_slice %arg10[%dma_wait3A_266, %dma_wait3A_267] : memref<2x112xi32, #tpu.memory_space<vmem>> -> memref<1x112xi32, #tpu.memory_space<vmem>>
    %dma_wait3A_269 = tpu.memref_squeeze %dma_wait3A_268 : memref<1x112xi32, #tpu.memory_space<vmem>> -> memref<112xi32, #tpu.memory_space<vmem>>
    %dma_wait3A_270 = arith.constant 0 : i32
    %dma_wait3A_271 = arith.constant 0 : i32
    %dma_wait3A_272 = tpu.memref_slice %arg27[%dma_wait3A_270, %dma_wait3A_271] : memref<10112x128xf32, #tpu.memory_space<vmem_shared>> -> memref<10112x128xf32, #tpu.memory_space<vmem_shared>>
    tpu.wait_indirect_dma semaphore(%arg24 : memref<!tpu.dma_semaphore, #tpu.memory_space<semaphore_mem>>) src(%arg12 : memref<112x128xf32, #tpu.memory_space<vmem>>) dst(%dma_wait3A_272 : memref<10112x128xf32, #tpu.memory_space<vmem_shared>>)
    %dma_start3A_273 = arith.constant 0 : i32
    %dma_start3A_274 = arith.constant 0 : i32
    %dma_start3A_275 = tpu.memref_slice %arg6[%dma_start3A_273, %dma_start3A_274] : memref<2x112xi32, #tpu.memory_space<vmem>> -> memref<1x112xi32, #tpu.memory_space<vmem>>
    %dma_start3A_276 = tpu.memref_squeeze %dma_start3A_275 : memref<1x112xi32, #tpu.memory_space<vmem>> -> memref<112xi32, #tpu.memory_space<vmem>>
    %dma_start3A_277 = arith.constant 0 : i32
    %dma_start3A_278 = arith.constant 0 : i32
    %dma_start3A_279 = tpu.memref_slice %arg2[%dma_start3A_277, %dma_start3A_278] : memref<10000x128xf32, #tpu.memory_space<hbm>> -> memref<10000x128xf32, #tpu.memory_space<hbm>>
    tpu.enqueue_indirect_dma source(%dma_start3A_279 : memref<10000x128xf32, #tpu.memory_space<hbm>>) target(%arg12 : memref<112x128xf32, #tpu.memory_space<vmem>>) offsets(%dma_start3A_276 : memref<112xi32, #tpu.memory_space<vmem>>) semaphore(%arg21 : memref<!tpu.dma_semaphore, #tpu.memory_space<semaphore_mem>>)
    %dma_start3A_280 = arith.constant 9 : i32
    %dma_start3A_281 = arith.constant 0 : i32
    %dma_start3A_282 = arith.constant 0 : i32
    %dma_start3A_283 = tpu.memref_slice %arg3[%add3A, %dma_start3A_280, %dma_start3A_281, %dma_start3A_282] : memref<32x90x2x112xi32, #tpu.memory_space<hbm>> -> memref<1x1x2x112xi32, #tpu.memory_space<hbm>>
    %dma_start3A_284 = tpu.memref_squeeze %dma_start3A_283 : memref<1x1x2x112xi32, #tpu.memory_space<hbm>> -> memref<2x112xi32, #tpu.memory_space<hbm>>
    %dma_start3A_285 = arith.constant 0 : i32
    %dma_start3A_286 = arith.constant 0 : i32
    %dma_start3A_287 = tpu.memref_slice %arg3[%add3A, %dma_start3A_280, %dma_start3A_285, %dma_start3A_286] : memref<32x90x2x112xi32, #tpu.memory_space<hbm>> -> memref<1x1x2x112xi32, #tpu.memory_space<hbm>>
    %dma_start3A_288 = tpu.memref_squeeze %dma_start3A_287 : memref<1x1x2x112xi32, #tpu.memory_space<hbm>> -> memref<2x112xi32, #tpu.memory_space<hbm>>
    tpu.enqueue_dma source(%dma_start3A_288 : memref<2x112xi32, #tpu.memory_space<hbm>>) target(%arg9 : memref<2x112xi32, #tpu.memory_space<vmem>>) target_semaphore(%arg18 : memref<!tpu.dma_semaphore, #tpu.memory_space<semaphore_mem>>)
    %dma_wait3A_289 = arith.constant 0 : i32
    %dma_wait3A_290 = arith.constant 0 : i32
    %dma_wait3A_291 = tpu.memref_slice %arg10[%dma_wait3A_289, %dma_wait3A_290] : memref<2x112xi32, #tpu.memory_space<vmem>> -> memref<1x112xi32, #tpu.memory_space<vmem>>
    %dma_wait3A_292 = tpu.memref_squeeze %dma_wait3A_291 : memref<1x112xi32, #tpu.memory_space<vmem>> -> memref<112xi32, #tpu.memory_space<vmem>>
    %dma_wait3A_293 = arith.constant 0 : i32
    %dma_wait3A_294 = arith.constant 0 : i32
    %dma_wait3A_295 = tpu.memref_slice %arg2[%dma_wait3A_293, %dma_wait3A_294] : memref<10000x128xf32, #tpu.memory_space<hbm>> -> memref<10000x128xf32, #tpu.memory_space<hbm>>
    tpu.wait_indirect_dma semaphore(%arg22 : memref<!tpu.dma_semaphore, #tpu.memory_space<semaphore_mem>>) src(%dma_wait3A_295 : memref<10000x128xf32, #tpu.memory_space<hbm>>) dst(%arg13 : memref<112x128xf32, #tpu.memory_space<vmem>>)
    %dma_start3A_296 = arith.constant 1 : i32
    %dma_start3A_297 = arith.constant 0 : i32
    %dma_start3A_298 = tpu.memref_slice %arg10[%dma_start3A_296, %dma_start3A_297] : memref<2x112xi32, #tpu.memory_space<vmem>> -> memref<1x112xi32, #tpu.memory_space<vmem>>
    %dma_start3A_299 = tpu.memref_squeeze %dma_start3A_298 : memref<1x112xi32, #tpu.memory_space<vmem>> -> memref<112xi32, #tpu.memory_space<vmem>>
    %dma_start3A_300 = arith.constant 0 : i32
    %dma_start3A_301 = arith.constant 0 : i32
    %dma_start3A_302 = tpu.memref_slice %arg27[%dma_start3A_300, %dma_start3A_301] : memref<10112x128xf32, #tpu.memory_space<vmem_shared>> -> memref<10112x128xf32, #tpu.memory_space<vmem_shared>>
    tpu.enqueue_indirect_dma source(%arg13 : memref<112x128xf32, #tpu.memory_space<vmem>>) target(%dma_start3A_302 : memref<10112x128xf32, #tpu.memory_space<vmem_shared>>) offsets(%dma_start3A_299 : memref<112xi32, #tpu.memory_space<vmem>>) semaphore(%arg25 : memref<!tpu.dma_semaphore, #tpu.memory_space<semaphore_mem>>) {add = true}
    %dma_wait3A_303 = arith.constant 7 : i32
    %dma_wait3A_304 = arith.constant 0 : i32
    %dma_wait3A_305 = arith.constant 0 : i32
    %dma_wait3A_306 = tpu.memref_slice %arg3[%add3A, %dma_wait3A_303, %dma_wait3A_304, %dma_wait3A_305] : memref<32x90x2x112xi32, #tpu.memory_space<hbm>> -> memref<1x1x2x112xi32, #tpu.memory_space<hbm>>
    %dma_wait3A_307 = tpu.memref_squeeze %dma_wait3A_306 : memref<1x1x2x112xi32, #tpu.memory_space<hbm>> -> memref<2x112xi32, #tpu.memory_space<hbm>>
    %dma_wait3A_308 = arith.constant 0 : i32
    %dma_wait3A_309 = arith.constant 0 : i32
    %dma_wait3A_310 = tpu.memref_slice %arg3[%add3A, %dma_wait3A_303, %dma_wait3A_308, %dma_wait3A_309] : memref<32x90x2x112xi32, #tpu.memory_space<hbm>> -> memref<1x1x2x112xi32, #tpu.memory_space<hbm>>
    %dma_wait3A_311 = tpu.memref_squeeze %dma_wait3A_310 : memref<1x1x2x112xi32, #tpu.memory_space<hbm>> -> memref<2x112xi32, #tpu.memory_space<hbm>>
    tpu.wait_dma2 semaphore(%arg16 : memref<!tpu.dma_semaphore, #tpu.memory_space<semaphore_mem>>) src(%dma_wait3A_311 : memref<2x112xi32, #tpu.memory_space<hbm>>) dst(%arg7 : memref<2x112xi32, #tpu.memory_space<vmem>>)
    %dma_wait3A_312 = arith.constant 1 : i32
    %dma_wait3A_313 = arith.constant 0 : i32
    %dma_wait3A_314 = tpu.memref_slice %arg11[%dma_wait3A_312, %dma_wait3A_313] : memref<2x112xi32, #tpu.memory_space<vmem>> -> memref<1x112xi32, #tpu.memory_space<vmem>>
    %dma_wait3A_315 = tpu.memref_squeeze %dma_wait3A_314 : memref<1x112xi32, #tpu.memory_space<vmem>> -> memref<112xi32, #tpu.memory_space<vmem>>
    %dma_wait3A_316 = arith.constant 0 : i32
    %dma_wait3A_317 = arith.constant 0 : i32
    %dma_wait3A_318 = tpu.memref_slice %arg27[%dma_wait3A_316, %dma_wait3A_317] : memref<10112x128xf32, #tpu.memory_space<vmem_shared>> -> memref<10112x128xf32, #tpu.memory_space<vmem_shared>>
    tpu.wait_indirect_dma semaphore(%arg25 : memref<!tpu.dma_semaphore, #tpu.memory_space<semaphore_mem>>) src(%arg13 : memref<112x128xf32, #tpu.memory_space<vmem>>) dst(%dma_wait3A_318 : memref<10112x128xf32, #tpu.memory_space<vmem_shared>>)
    %dma_start3A_319 = arith.constant 0 : i32
    %dma_start3A_320 = arith.constant 0 : i32
    %dma_start3A_321 = tpu.memref_slice %arg7[%dma_start3A_319, %dma_start3A_320] : memref<2x112xi32, #tpu.memory_space<vmem>> -> memref<1x112xi32, #tpu.memory_space<vmem>>
    %dma_start3A_322 = tpu.memref_squeeze %dma_start3A_321 : memref<1x112xi32, #tpu.memory_space<vmem>> -> memref<112xi32, #tpu.memory_space<vmem>>
    %dma_start3A_323 = arith.constant 0 : i32
    %dma_start3A_324 = arith.constant 0 : i32
    %dma_start3A_325 = tpu.memref_slice %arg2[%dma_start3A_323, %dma_start3A_324] : memref<10000x128xf32, #tpu.memory_space<hbm>> -> memref<10000x128xf32, #tpu.memory_space<hbm>>
    tpu.enqueue_indirect_dma source(%dma_start3A_325 : memref<10000x128xf32, #tpu.memory_space<hbm>>) target(%arg13 : memref<112x128xf32, #tpu.memory_space<vmem>>) offsets(%dma_start3A_322 : memref<112xi32, #tpu.memory_space<vmem>>) semaphore(%arg22 : memref<!tpu.dma_semaphore, #tpu.memory_space<semaphore_mem>>)
    %dma_start3A_326 = arith.constant 10 : i32
    %dma_start3A_327 = arith.constant 0 : i32
    %dma_start3A_328 = arith.constant 0 : i32
    %dma_start3A_329 = tpu.memref_slice %arg3[%add3A, %dma_start3A_326, %dma_start3A_327, %dma_start3A_328] : memref<32x90x2x112xi32, #tpu.memory_space<hbm>> -> memref<1x1x2x112xi32, #tpu.memory_space<hbm>>
    %dma_start3A_330 = tpu.memref_squeeze %dma_start3A_329 : memref<1x1x2x112xi32, #tpu.memory_space<hbm>> -> memref<2x112xi32, #tpu.memory_space<hbm>>
    %dma_start3A_331 = arith.constant 0 : i32
    %dma_start3A_332 = arith.constant 0 : i32
    %dma_start3A_333 = tpu.memref_slice %arg3[%add3A, %dma_start3A_326, %dma_start3A_331, %dma_start3A_332] : memref<32x90x2x112xi32, #tpu.memory_space<hbm>> -> memref<1x1x2x112xi32, #tpu.memory_space<hbm>>
    %dma_start3A_334 = tpu.memref_squeeze %dma_start3A_333 : memref<1x1x2x112xi32, #tpu.memory_space<hbm>> -> memref<2x112xi32, #tpu.memory_space<hbm>>
    tpu.enqueue_dma source(%dma_start3A_334 : memref<2x112xi32, #tpu.memory_space<hbm>>) target(%arg10 : memref<2x112xi32, #tpu.memory_space<vmem>>) target_semaphore(%arg19 : memref<!tpu.dma_semaphore, #tpu.memory_space<semaphore_mem>>)
    %dma_wait3A_335 = arith.constant 0 : i32
    %dma_wait3A_336 = arith.constant 0 : i32
    %dma_wait3A_337 = tpu.memref_slice %arg11[%dma_wait3A_335, %dma_wait3A_336] : memref<2x112xi32, #tpu.memory_space<vmem>> -> memref<1x112xi32, #tpu.memory_space<vmem>>
    %dma_wait3A_338 = tpu.memref_squeeze %dma_wait3A_337 : memref<1x112xi32, #tpu.memory_space<vmem>> -> memref<112xi32, #tpu.memory_space<vmem>>
    %dma_wait3A_339 = arith.constant 0 : i32
    %dma_wait3A_340 = arith.constant 0 : i32
    %dma_wait3A_341 = tpu.memref_slice %arg2[%dma_wait3A_339, %dma_wait3A_340] : memref<10000x128xf32, #tpu.memory_space<hbm>> -> memref<10000x128xf32, #tpu.memory_space<hbm>>
    tpu.wait_indirect_dma semaphore(%arg23 : memref<!tpu.dma_semaphore, #tpu.memory_space<semaphore_mem>>) src(%dma_wait3A_341 : memref<10000x128xf32, #tpu.memory_space<hbm>>) dst(%arg14 : memref<112x128xf32, #tpu.memory_space<vmem>>)
    %dma_start3A_342 = arith.constant 1 : i32
    %dma_start3A_343 = arith.constant 0 : i32
    %dma_start3A_344 = tpu.memref_slice %arg11[%dma_start3A_342, %dma_start3A_343] : memref<2x112xi32, #tpu.memory_space<vmem>> -> memref<1x112xi32, #tpu.memory_space<vmem>>
    %dma_start3A_345 = tpu.memref_squeeze %dma_start3A_344 : memref<1x112xi32, #tpu.memory_space<vmem>> -> memref<112xi32, #tpu.memory_space<vmem>>
    %dma_start3A_346 = arith.constant 0 : i32
    %dma_start3A_347 = arith.constant 0 : i32
    %dma_start3A_348 = tpu.memref_slice %arg27[%dma_start3A_346, %dma_start3A_347] : memref<10112x128xf32, #tpu.memory_space<vmem_shared>> -> memref<10112x128xf32, #tpu.memory_space<vmem_shared>>
    tpu.enqueue_indirect_dma source(%arg14 : memref<112x128xf32, #tpu.memory_space<vmem>>) target(%dma_start3A_348 : memref<10112x128xf32, #tpu.memory_space<vmem_shared>>) offsets(%dma_start3A_345 : memref<112xi32, #tpu.memory_space<vmem>>) semaphore(%arg26 : memref<!tpu.dma_semaphore, #tpu.memory_space<semaphore_mem>>) {add = true}
    %scan3A = arith.constant 0 : i32
    %scan3A_349 = arith.constant 1 : i32
    %scan3A_350 = arith.constant 13 : i32
    %scan3A_351 = arith.addi %scan3A_349, %scan3A_350 : i32
    %scan3A_352 = arith.constant 1 : i32
    scf.for %scan3A_565 = %scan3A_349 to %scan3A_351 step %scan3A_352  : i32 {
      %mul3A_566 = arith.constant 6 : i32
      %mul3A_567 = arith.muli %scan3A_565, %mul3A_566 : i32
      %add3A_568 = arith.constant 0 : i32
      %add3A_569 = arith.addi %mul3A_567, %add3A_568 : i32
      %add3A_570 = arith.constant 3 : i32
      %add3A_571 = arith.addi %add3A_569, %add3A_570 : i32
      %sub3A = arith.constant 1 : i32
      %sub3A_572 = arith.subi %add3A_571, %sub3A : i32
      %dma_wait3A_573 = arith.constant 0 : i32
      %dma_wait3A_574 = arith.constant 0 : i32
      %dma_wait3A_575 = tpu.memref_slice %arg3[%add3A, %sub3A_572, %dma_wait3A_573, %dma_wait3A_574] : memref<32x90x2x112xi32, #tpu.memory_space<hbm>> -> memref<1x1x2x112xi32, #tpu.memory_space<hbm>>
      %dma_wait3A_576 = tpu.memref_squeeze %dma_wait3A_575 : memref<1x1x2x112xi32, #tpu.memory_space<hbm>> -> memref<2x112xi32, #tpu.memory_space<hbm>>
      %dma_wait3A_577 = arith.constant 0 : i32
      %dma_wait3A_578 = arith.constant 0 : i32
      %dma_wait3A_579 = tpu.memref_slice %arg3[%add3A, %sub3A_572, %dma_wait3A_577, %dma_wait3A_578] : memref<32x90x2x112xi32, #tpu.memory_space<hbm>> -> memref<1x1x2x112xi32, #tpu.memory_space<hbm>>
      %dma_wait3A_580 = tpu.memref_squeeze %dma_wait3A_579 : memref<1x1x2x112xi32, #tpu.memory_space<hbm>> -> memref<2x112xi32, #tpu.memory_space<hbm>>
      tpu.wait_dma2 semaphore(%arg17 : memref<!tpu.dma_semaphore, #tpu.memory_space<semaphore_mem>>) src(%dma_wait3A_580 : memref<2x112xi32, #tpu.memory_space<hbm>>) dst(%arg8 : memref<2x112xi32, #tpu.memory_space<vmem>>)
      %dma_wait3A_581 = arith.constant 1 : i32
      %dma_wait3A_582 = arith.constant 0 : i32
      %dma_wait3A_583 = tpu.memref_slice %arg6[%dma_wait3A_581, %dma_wait3A_582] : memref<2x112xi32, #tpu.memory_space<vmem>> -> memref<1x112xi32, #tpu.memory_space<vmem>>
      %dma_wait3A_584 = tpu.memref_squeeze %dma_wait3A_583 : memref<1x112xi32, #tpu.memory_space<vmem>> -> memref<112xi32, #tpu.memory_space<vmem>>
      %dma_wait3A_585 = arith.constant 0 : i32
      %dma_wait3A_586 = arith.constant 0 : i32
      %dma_wait3A_587 = tpu.memref_slice %arg27[%dma_wait3A_585, %dma_wait3A_586] : memref<10112x128xf32, #tpu.memory_space<vmem_shared>> -> memref<10112x128xf32, #tpu.memory_space<vmem_shared>>
      tpu.wait_indirect_dma semaphore(%arg26 : memref<!tpu.dma_semaphore, #tpu.memory_space<semaphore_mem>>) src(%arg14 : memref<112x128xf32, #tpu.memory_space<vmem>>) dst(%dma_wait3A_587 : memref<10112x128xf32, #tpu.memory_space<vmem_shared>>)
      %dma_start3A_588 = arith.constant 0 : i32
      %dma_start3A_589 = arith.constant 0 : i32
      %dma_start3A_590 = tpu.memref_slice %arg8[%dma_start3A_588, %dma_start3A_589] : memref<2x112xi32, #tpu.memory_space<vmem>> -> memref<1x112xi32, #tpu.memory_space<vmem>>
      %dma_start3A_591 = tpu.memref_squeeze %dma_start3A_590 : memref<1x112xi32, #tpu.memory_space<vmem>> -> memref<112xi32, #tpu.memory_space<vmem>>
      %dma_start3A_592 = arith.constant 0 : i32
      %dma_start3A_593 = arith.constant 0 : i32
      %dma_start3A_594 = tpu.memref_slice %arg2[%dma_start3A_592, %dma_start3A_593] : memref<10000x128xf32, #tpu.memory_space<hbm>> -> memref<10000x128xf32, #tpu.memory_space<hbm>>
      tpu.enqueue_indirect_dma source(%dma_start3A_594 : memref<10000x128xf32, #tpu.memory_space<hbm>>) target(%arg14 : memref<112x128xf32, #tpu.memory_space<vmem>>) offsets(%dma_start3A_591 : memref<112xi32, #tpu.memory_space<vmem>>) semaphore(%arg23 : memref<!tpu.dma_semaphore, #tpu.memory_space<semaphore_mem>>)
      %add3A_595 = arith.constant 6 : i32
      %add3A_596 = arith.addi %add3A_569, %add3A_595 : i32
      %sub3A_597 = arith.constant 1 : i32
      %sub3A_598 = arith.subi %add3A_596, %sub3A_597 : i32
      %dma_start3A_599 = arith.constant 0 : i32
      %dma_start3A_600 = arith.constant 0 : i32
      %dma_start3A_601 = tpu.memref_slice %arg3[%add3A, %sub3A_598, %dma_start3A_599, %dma_start3A_600] : memref<32x90x2x112xi32, #tpu.memory_space<hbm>> -> memref<1x1x2x112xi32, #tpu.memory_space<hbm>>
      %dma_start3A_602 = tpu.memref_squeeze %dma_start3A_601 : memref<1x1x2x112xi32, #tpu.memory_space<hbm>> -> memref<2x112xi32, #tpu.memory_space<hbm>>
      %dma_start3A_603 = arith.constant 0 : i32
      %dma_start3A_604 = arith.constant 0 : i32
      %dma_start3A_605 = tpu.memref_slice %arg3[%add3A, %sub3A_598, %dma_start3A_603, %dma_start3A_604] : memref<32x90x2x112xi32, #tpu.memory_space<hbm>> -> memref<1x1x2x112xi32, #tpu.memory_space<hbm>>
      %dma_start3A_606 = tpu.memref_squeeze %dma_start3A_605 : memref<1x1x2x112xi32, #tpu.memory_space<hbm>> -> memref<2x112xi32, #tpu.memory_space<hbm>>
      tpu.enqueue_dma source(%dma_start3A_606 : memref<2x112xi32, #tpu.memory_space<hbm>>) target(%arg11 : memref<2x112xi32, #tpu.memory_space<vmem>>) target_semaphore(%arg20 : memref<!tpu.dma_semaphore, #tpu.memory_space<semaphore_mem>>)
      %dma_wait3A_607 = arith.constant 0 : i32
      %dma_wait3A_608 = arith.constant 0 : i32
      %dma_wait3A_609 = tpu.memref_slice %arg6[%dma_wait3A_607, %dma_wait3A_608] : memref<2x112xi32, #tpu.memory_space<vmem>> -> memref<1x112xi32, #tpu.memory_space<vmem>>
      %dma_wait3A_610 = tpu.memref_squeeze %dma_wait3A_609 : memref<1x112xi32, #tpu.memory_space<vmem>> -> memref<112xi32, #tpu.memory_space<vmem>>
      %dma_wait3A_611 = arith.constant 0 : i32
      %dma_wait3A_612 = arith.constant 0 : i32
      %dma_wait3A_613 = tpu.memref_slice %arg2[%dma_wait3A_611, %dma_wait3A_612] : memref<10000x128xf32, #tpu.memory_space<hbm>> -> memref<10000x128xf32, #tpu.memory_space<hbm>>
      tpu.wait_indirect_dma semaphore(%arg21 : memref<!tpu.dma_semaphore, #tpu.memory_space<semaphore_mem>>) src(%dma_wait3A_613 : memref<10000x128xf32, #tpu.memory_space<hbm>>) dst(%arg12 : memref<112x128xf32, #tpu.memory_space<vmem>>)
      %dma_start3A_614 = arith.constant 1 : i32
      %dma_start3A_615 = arith.constant 0 : i32
      %dma_start3A_616 = tpu.memref_slice %arg6[%dma_start3A_614, %dma_start3A_615] : memref<2x112xi32, #tpu.memory_space<vmem>> -> memref<1x112xi32, #tpu.memory_space<vmem>>
      %dma_start3A_617 = tpu.memref_squeeze %dma_start3A_616 : memref<1x112xi32, #tpu.memory_space<vmem>> -> memref<112xi32, #tpu.memory_space<vmem>>
      %dma_start3A_618 = arith.constant 0 : i32
      %dma_start3A_619 = arith.constant 0 : i32
      %dma_start3A_620 = tpu.memref_slice %arg27[%dma_start3A_618, %dma_start3A_619] : memref<10112x128xf32, #tpu.memory_space<vmem_shared>> -> memref<10112x128xf32, #tpu.memory_space<vmem_shared>>
      tpu.enqueue_indirect_dma source(%arg12 : memref<112x128xf32, #tpu.memory_space<vmem>>) target(%dma_start3A_620 : memref<10112x128xf32, #tpu.memory_space<vmem_shared>>) offsets(%dma_start3A_617 : memref<112xi32, #tpu.memory_space<vmem>>) semaphore(%arg24 : memref<!tpu.dma_semaphore, #tpu.memory_space<semaphore_mem>>) {add = true}
      %add3A_621 = arith.constant 1 : i32
      %add3A_622 = arith.addi %mul3A_567, %add3A_621 : i32
      %add3A_623 = arith.constant 3 : i32
      %add3A_624 = arith.addi %add3A_622, %add3A_623 : i32
      %sub3A_625 = arith.constant 1 : i32
      %sub3A_626 = arith.subi %add3A_624, %sub3A_625 : i32
      %dma_wait3A_627 = arith.constant 0 : i32
      %dma_wait3A_628 = arith.constant 0 : i32
      %dma_wait3A_629 = tpu.memref_slice %arg3[%add3A, %sub3A_626, %dma_wait3A_627, %dma_wait3A_628] : memref<32x90x2x112xi32, #tpu.memory_space<hbm>> -> memref<1x1x2x112xi32, #tpu.memory_space<hbm>>
      %dma_wait3A_630 = tpu.memref_squeeze %dma_wait3A_629 : memref<1x1x2x112xi32, #tpu.memory_space<hbm>> -> memref<2x112xi32, #tpu.memory_space<hbm>>
      %dma_wait3A_631 = arith.constant 0 : i32
      %dma_wait3A_632 = arith.constant 0 : i32
      %dma_wait3A_633 = tpu.memref_slice %arg3[%add3A, %sub3A_626, %dma_wait3A_631, %dma_wait3A_632] : memref<32x90x2x112xi32, #tpu.memory_space<hbm>> -> memref<1x1x2x112xi32, #tpu.memory_space<hbm>>
      %dma_wait3A_634 = tpu.memref_squeeze %dma_wait3A_633 : memref<1x1x2x112xi32, #tpu.memory_space<hbm>> -> memref<2x112xi32, #tpu.memory_space<hbm>>
      tpu.wait_dma2 semaphore(%arg18 : memref<!tpu.dma_semaphore, #tpu.memory_space<semaphore_mem>>) src(%dma_wait3A_634 : memref<2x112xi32, #tpu.memory_space<hbm>>) dst(%arg9 : memref<2x112xi32, #tpu.memory_space<vmem>>)
      %dma_wait3A_635 = arith.constant 1 : i32
      %dma_wait3A_636 = arith.constant 0 : i32
      %dma_wait3A_637 = tpu.memref_slice %arg7[%dma_wait3A_635, %dma_wait3A_636] : memref<2x112xi32, #tpu.memory_space<vmem>> -> memref<1x112xi32, #tpu.memory_space<vmem>>
      %dma_wait3A_638 = tpu.memref_squeeze %dma_wait3A_637 : memref<1x112xi32, #tpu.memory_space<vmem>> -> memref<112xi32, #tpu.memory_space<vmem>>
      %dma_wait3A_639 = arith.constant 0 : i32
      %dma_wait3A_640 = arith.constant 0 : i32
      %dma_wait3A_641 = tpu.memref_slice %arg27[%dma_wait3A_639, %dma_wait3A_640] : memref<10112x128xf32, #tpu.memory_space<vmem_shared>> -> memref<10112x128xf32, #tpu.memory_space<vmem_shared>>
      tpu.wait_indirect_dma semaphore(%arg24 : memref<!tpu.dma_semaphore, #tpu.memory_space<semaphore_mem>>) src(%arg12 : memref<112x128xf32, #tpu.memory_space<vmem>>) dst(%dma_wait3A_641 : memref<10112x128xf32, #tpu.memory_space<vmem_shared>>)
      %dma_start3A_642 = arith.constant 0 : i32
      %dma_start3A_643 = arith.constant 0 : i32
      %dma_start3A_644 = tpu.memref_slice %arg9[%dma_start3A_642, %dma_start3A_643] : memref<2x112xi32, #tpu.memory_space<vmem>> -> memref<1x112xi32, #tpu.memory_space<vmem>>
      %dma_start3A_645 = tpu.memref_squeeze %dma_start3A_644 : memref<1x112xi32, #tpu.memory_space<vmem>> -> memref<112xi32, #tpu.memory_space<vmem>>
      %dma_start3A_646 = arith.constant 0 : i32
      %dma_start3A_647 = arith.constant 0 : i32
      %dma_start3A_648 = tpu.memref_slice %arg2[%dma_start3A_646, %dma_start3A_647] : memref<10000x128xf32, #tpu.memory_space<hbm>> -> memref<10000x128xf32, #tpu.memory_space<hbm>>
      tpu.enqueue_indirect_dma source(%dma_start3A_648 : memref<10000x128xf32, #tpu.memory_space<hbm>>) target(%arg12 : memref<112x128xf32, #tpu.memory_space<vmem>>) offsets(%dma_start3A_645 : memref<112xi32, #tpu.memory_space<vmem>>) semaphore(%arg21 : memref<!tpu.dma_semaphore, #tpu.memory_space<semaphore_mem>>)
      %add3A_649 = arith.constant 6 : i32
      %add3A_650 = arith.addi %add3A_622, %add3A_649 : i32
      %sub3A_651 = arith.constant 1 : i32
      %sub3A_652 = arith.subi %add3A_650, %sub3A_651 : i32
      %dma_start3A_653 = arith.constant 0 : i32
      %dma_start3A_654 = arith.constant 0 : i32
      %dma_start3A_655 = tpu.memref_slice %arg3[%add3A, %sub3A_652, %dma_start3A_653, %dma_start3A_654] : memref<32x90x2x112xi32, #tpu.memory_space<hbm>> -> memref<1x1x2x112xi32, #tpu.memory_space<hbm>>
      %dma_start3A_656 = tpu.memref_squeeze %dma_start3A_655 : memref<1x1x2x112xi32, #tpu.memory_space<hbm>> -> memref<2x112xi32, #tpu.memory_space<hbm>>
      %dma_start3A_657 = arith.constant 0 : i32
      %dma_start3A_658 = arith.constant 0 : i32
      %dma_start3A_659 = tpu.memref_slice %arg3[%add3A, %sub3A_652, %dma_start3A_657, %dma_start3A_658] : memref<32x90x2x112xi32, #tpu.memory_space<hbm>> -> memref<1x1x2x112xi32, #tpu.memory_space<hbm>>
      %dma_start3A_660 = tpu.memref_squeeze %dma_start3A_659 : memref<1x1x2x112xi32, #tpu.memory_space<hbm>> -> memref<2x112xi32, #tpu.memory_space<hbm>>
      tpu.enqueue_dma source(%dma_start3A_660 : memref<2x112xi32, #tpu.memory_space<hbm>>) target(%arg6 : memref<2x112xi32, #tpu.memory_space<vmem>>) target_semaphore(%arg15 : memref<!tpu.dma_semaphore, #tpu.memory_space<semaphore_mem>>)
      %dma_wait3A_661 = arith.constant 0 : i32
      %dma_wait3A_662 = arith.constant 0 : i32
      %dma_wait3A_663 = tpu.memref_slice %arg7[%dma_wait3A_661, %dma_wait3A_662] : memref<2x112xi32, #tpu.memory_space<vmem>> -> memref<1x112xi32, #tpu.memory_space<vmem>>
      %dma_wait3A_664 = tpu.memref_squeeze %dma_wait3A_663 : memref<1x112xi32, #tpu.memory_space<vmem>> -> memref<112xi32, #tpu.memory_space<vmem>>
      %dma_wait3A_665 = arith.constant 0 : i32
      %dma_wait3A_666 = arith.constant 0 : i32
      %dma_wait3A_667 = tpu.memref_slice %arg2[%dma_wait3A_665, %dma_wait3A_666] : memref<10000x128xf32, #tpu.memory_space<hbm>> -> memref<10000x128xf32, #tpu.memory_space<hbm>>
      tpu.wait_indirect_dma semaphore(%arg22 : memref<!tpu.dma_semaphore, #tpu.memory_space<semaphore_mem>>) src(%dma_wait3A_667 : memref<10000x128xf32, #tpu.memory_space<hbm>>) dst(%arg13 : memref<112x128xf32, #tpu.memory_space<vmem>>)
      %dma_start3A_668 = arith.constant 1 : i32
      %dma_start3A_669 = arith.constant 0 : i32
      %dma_start3A_670 = tpu.memref_slice %arg7[%dma_start3A_668, %dma_start3A_669] : memref<2x112xi32, #tpu.memory_space<vmem>> -> memref<1x112xi32, #tpu.memory_space<vmem>>
      %dma_start3A_671 = tpu.memref_squeeze %dma_start3A_670 : memref<1x112xi32, #tpu.memory_space<vmem>> -> memref<112xi32, #tpu.memory_space<vmem>>
      %dma_start3A_672 = arith.constant 0 : i32
      %dma_start3A_673 = arith.constant 0 : i32
      %dma_start3A_674 = tpu.memref_slice %arg27[%dma_start3A_672, %dma_start3A_673] : memref<10112x128xf32, #tpu.memory_space<vmem_shared>> -> memref<10112x128xf32, #tpu.memory_space<vmem_shared>>
      tpu.enqueue_indirect_dma source(%arg13 : memref<112x128xf32, #tpu.memory_space<vmem>>) target(%dma_start3A_674 : memref<10112x128xf32, #tpu.memory_space<vmem_shared>>) offsets(%dma_start3A_671 : memref<112xi32, #tpu.memory_space<vmem>>) semaphore(%arg25 : memref<!tpu.dma_semaphore, #tpu.memory_space<semaphore_mem>>) {add = true}
      %add3A_675 = arith.constant 2 : i32
      %add3A_676 = arith.addi %mul3A_567, %add3A_675 : i32
      %add3A_677 = arith.constant 3 : i32
      %add3A_678 = arith.addi %add3A_676, %add3A_677 : i32
      %sub3A_679 = arith.constant 1 : i32
      %sub3A_680 = arith.subi %add3A_678, %sub3A_679 : i32
      %dma_wait3A_681 = arith.constant 0 : i32
      %dma_wait3A_682 = arith.constant 0 : i32
      %dma_wait3A_683 = tpu.memref_slice %arg3[%add3A, %sub3A_680, %dma_wait3A_681, %dma_wait3A_682] : memref<32x90x2x112xi32, #tpu.memory_space<hbm>> -> memref<1x1x2x112xi32, #tpu.memory_space<hbm>>
      %dma_wait3A_684 = tpu.memref_squeeze %dma_wait3A_683 : memref<1x1x2x112xi32, #tpu.memory_space<hbm>> -> memref<2x112xi32, #tpu.memory_space<hbm>>
      %dma_wait3A_685 = arith.constant 0 : i32
      %dma_wait3A_686 = arith.constant 0 : i32
      %dma_wait3A_687 = tpu.memref_slice %arg3[%add3A, %sub3A_680, %dma_wait3A_685, %dma_wait3A_686] : memref<32x90x2x112xi32, #tpu.memory_space<hbm>> -> memref<1x1x2x112xi32, #tpu.memory_space<hbm>>
      %dma_wait3A_688 = tpu.memref_squeeze %dma_wait3A_687 : memref<1x1x2x112xi32, #tpu.memory_space<hbm>> -> memref<2x112xi32, #tpu.memory_space<hbm>>
      tpu.wait_dma2 semaphore(%arg19 : memref<!tpu.dma_semaphore, #tpu.memory_space<semaphore_mem>>) src(%dma_wait3A_688 : memref<2x112xi32, #tpu.memory_space<hbm>>) dst(%arg10 : memref<2x112xi32, #tpu.memory_space<vmem>>)
      %dma_wait3A_689 = arith.constant 1 : i32
      %dma_wait3A_690 = arith.constant 0 : i32
      %dma_wait3A_691 = tpu.memref_slice %arg8[%dma_wait3A_689, %dma_wait3A_690] : memref<2x112xi32, #tpu.memory_space<vmem>> -> memref<1x112xi32, #tpu.memory_space<vmem>>
      %dma_wait3A_692 = tpu.memref_squeeze %dma_wait3A_691 : memref<1x112xi32, #tpu.memory_space<vmem>> -> memref<112xi32, #tpu.memory_space<vmem>>
      %dma_wait3A_693 = arith.constant 0 : i32
      %dma_wait3A_694 = arith.constant 0 : i32
      %dma_wait3A_695 = tpu.memref_slice %arg27[%dma_wait3A_693, %dma_wait3A_694] : memref<10112x128xf32, #tpu.memory_space<vmem_shared>> -> memref<10112x128xf32, #tpu.memory_space<vmem_shared>>
      tpu.wait_indirect_dma semaphore(%arg25 : memref<!tpu.dma_semaphore, #tpu.memory_space<semaphore_mem>>) src(%arg13 : memref<112x128xf32, #tpu.memory_space<vmem>>) dst(%dma_wait3A_695 : memref<10112x128xf32, #tpu.memory_space<vmem_shared>>)
      %dma_start3A_696 = arith.constant 0 : i32
      %dma_start3A_697 = arith.constant 0 : i32
      %dma_start3A_698 = tpu.memref_slice %arg10[%dma_start3A_696, %dma_start3A_697] : memref<2x112xi32, #tpu.memory_space<vmem>> -> memref<1x112xi32, #tpu.memory_space<vmem>>
      %dma_start3A_699 = tpu.memref_squeeze %dma_start3A_698 : memref<1x112xi32, #tpu.memory_space<vmem>> -> memref<112xi32, #tpu.memory_space<vmem>>
      %dma_start3A_700 = arith.constant 0 : i32
      %dma_start3A_701 = arith.constant 0 : i32
      %dma_start3A_702 = tpu.memref_slice %arg2[%dma_start3A_700, %dma_start3A_701] : memref<10000x128xf32, #tpu.memory_space<hbm>> -> memref<10000x128xf32, #tpu.memory_space<hbm>>
      tpu.enqueue_indirect_dma source(%dma_start3A_702 : memref<10000x128xf32, #tpu.memory_space<hbm>>) target(%arg13 : memref<112x128xf32, #tpu.memory_space<vmem>>) offsets(%dma_start3A_699 : memref<112xi32, #tpu.memory_space<vmem>>) semaphore(%arg22 : memref<!tpu.dma_semaphore, #tpu.memory_space<semaphore_mem>>)
      %add3A_703 = arith.constant 6 : i32
      %add3A_704 = arith.addi %add3A_676, %add3A_703 : i32
      %sub3A_705 = arith.constant 1 : i32
      %sub3A_706 = arith.subi %add3A_704, %sub3A_705 : i32
      %dma_start3A_707 = arith.constant 0 : i32
      %dma_start3A_708 = arith.constant 0 : i32
      %dma_start3A_709 = tpu.memref_slice %arg3[%add3A, %sub3A_706, %dma_start3A_707, %dma_start3A_708] : memref<32x90x2x112xi32, #tpu.memory_space<hbm>> -> memref<1x1x2x112xi32, #tpu.memory_space<hbm>>
      %dma_start3A_710 = tpu.memref_squeeze %dma_start3A_709 : memref<1x1x2x112xi32, #tpu.memory_space<hbm>> -> memref<2x112xi32, #tpu.memory_space<hbm>>
      %dma_start3A_711 = arith.constant 0 : i32
      %dma_start3A_712 = arith.constant 0 : i32
      %dma_start3A_713 = tpu.memref_slice %arg3[%add3A, %sub3A_706, %dma_start3A_711, %dma_start3A_712] : memref<32x90x2x112xi32, #tpu.memory_space<hbm>> -> memref<1x1x2x112xi32, #tpu.memory_space<hbm>>
      %dma_start3A_714 = tpu.memref_squeeze %dma_start3A_713 : memref<1x1x2x112xi32, #tpu.memory_space<hbm>> -> memref<2x112xi32, #tpu.memory_space<hbm>>
      tpu.enqueue_dma source(%dma_start3A_714 : memref<2x112xi32, #tpu.memory_space<hbm>>) target(%arg7 : memref<2x112xi32, #tpu.memory_space<vmem>>) target_semaphore(%arg16 : memref<!tpu.dma_semaphore, #tpu.memory_space<semaphore_mem>>)
      %dma_wait3A_715 = arith.constant 0 : i32
      %dma_wait3A_716 = arith.constant 0 : i32
      %dma_wait3A_717 = tpu.memref_slice %arg8[%dma_wait3A_715, %dma_wait3A_716] : memref<2x112xi32, #tpu.memory_space<vmem>> -> memref<1x112xi32, #tpu.memory_space<vmem>>
      %dma_wait3A_718 = tpu.memref_squeeze %dma_wait3A_717 : memref<1x112xi32, #tpu.memory_space<vmem>> -> memref<112xi32, #tpu.memory_space<vmem>>
      %dma_wait3A_719 = arith.constant 0 : i32
      %dma_wait3A_720 = arith.constant 0 : i32
      %dma_wait3A_721 = tpu.memref_slice %arg2[%dma_wait3A_719, %dma_wait3A_720] : memref<10000x128xf32, #tpu.memory_space<hbm>> -> memref<10000x128xf32, #tpu.memory_space<hbm>>
      tpu.wait_indirect_dma semaphore(%arg23 : memref<!tpu.dma_semaphore, #tpu.memory_space<semaphore_mem>>) src(%dma_wait3A_721 : memref<10000x128xf32, #tpu.memory_space<hbm>>) dst(%arg14 : memref<112x128xf32, #tpu.memory_space<vmem>>)
      %dma_start3A_722 = arith.constant 1 : i32
      %dma_start3A_723 = arith.constant 0 : i32
      %dma_start3A_724 = tpu.memref_slice %arg8[%dma_start3A_722, %dma_start3A_723] : memref<2x112xi32, #tpu.memory_space<vmem>> -> memref<1x112xi32, #tpu.memory_space<vmem>>
      %dma_start3A_725 = tpu.memref_squeeze %dma_start3A_724 : memref<1x112xi32, #tpu.memory_space<vmem>> -> memref<112xi32, #tpu.memory_space<vmem>>
      %dma_start3A_726 = arith.constant 0 : i32
      %dma_start3A_727 = arith.constant 0 : i32
      %dma_start3A_728 = tpu.memref_slice %arg27[%dma_start3A_726, %dma_start3A_727] : memref<10112x128xf32, #tpu.memory_space<vmem_shared>> -> memref<10112x128xf32, #tpu.memory_space<vmem_shared>>
      tpu.enqueue_indirect_dma source(%arg14 : memref<112x128xf32, #tpu.memory_space<vmem>>) target(%dma_start3A_728 : memref<10112x128xf32, #tpu.memory_space<vmem_shared>>) offsets(%dma_start3A_725 : memref<112xi32, #tpu.memory_space<vmem>>) semaphore(%arg26 : memref<!tpu.dma_semaphore, #tpu.memory_space<semaphore_mem>>) {add = true}
      %add3A_729 = arith.constant 3 : i32
      %add3A_730 = arith.addi %mul3A_567, %add3A_729 : i32
      %add3A_731 = arith.constant 3 : i32
      %add3A_732 = arith.addi %add3A_730, %add3A_731 : i32
      %sub3A_733 = arith.constant 1 : i32
      %sub3A_734 = arith.subi %add3A_732, %sub3A_733 : i32
      %dma_wait3A_735 = arith.constant 0 : i32
      %dma_wait3A_736 = arith.constant 0 : i32
      %dma_wait3A_737 = tpu.memref_slice %arg3[%add3A, %sub3A_734, %dma_wait3A_735, %dma_wait3A_736] : memref<32x90x2x112xi32, #tpu.memory_space<hbm>> -> memref<1x1x2x112xi32, #tpu.memory_space<hbm>>
      %dma_wait3A_738 = tpu.memref_squeeze %dma_wait3A_737 : memref<1x1x2x112xi32, #tpu.memory_space<hbm>> -> memref<2x112xi32, #tpu.memory_space<hbm>>
      %dma_wait3A_739 = arith.constant 0 : i32
      %dma_wait3A_740 = arith.constant 0 : i32
      %dma_wait3A_741 = tpu.memref_slice %arg3[%add3A, %sub3A_734, %dma_wait3A_739, %dma_wait3A_740] : memref<32x90x2x112xi32, #tpu.memory_space<hbm>> -> memref<1x1x2x112xi32, #tpu.memory_space<hbm>>
      %dma_wait3A_742 = tpu.memref_squeeze %dma_wait3A_741 : memref<1x1x2x112xi32, #tpu.memory_space<hbm>> -> memref<2x112xi32, #tpu.memory_space<hbm>>
      tpu.wait_dma2 semaphore(%arg20 : memref<!tpu.dma_semaphore, #tpu.memory_space<semaphore_mem>>) src(%dma_wait3A_742 : memref<2x112xi32, #tpu.memory_space<hbm>>) dst(%arg11 : memref<2x112xi32, #tpu.memory_space<vmem>>)
      %dma_wait3A_743 = arith.constant 1 : i32
      %dma_wait3A_744 = arith.constant 0 : i32
      %dma_wait3A_745 = tpu.memref_slice %arg9[%dma_wait3A_743, %dma_wait3A_744] : memref<2x112xi32, #tpu.memory_space<vmem>> -> memref<1x112xi32, #tpu.memory_space<vmem>>
      %dma_wait3A_746 = tpu.memref_squeeze %dma_wait3A_745 : memref<1x112xi32, #tpu.memory_space<vmem>> -> memref<112xi32, #tpu.memory_space<vmem>>
      %dma_wait3A_747 = arith.constant 0 : i32
      %dma_wait3A_748 = arith.constant 0 : i32
      %dma_wait3A_749 = tpu.memref_slice %arg27[%dma_wait3A_747, %dma_wait3A_748] : memref<10112x128xf32, #tpu.memory_space<vmem_shared>> -> memref<10112x128xf32, #tpu.memory_space<vmem_shared>>
      tpu.wait_indirect_dma semaphore(%arg26 : memref<!tpu.dma_semaphore, #tpu.memory_space<semaphore_mem>>) src(%arg14 : memref<112x128xf32, #tpu.memory_space<vmem>>) dst(%dma_wait3A_749 : memref<10112x128xf32, #tpu.memory_space<vmem_shared>>)
      %dma_start3A_750 = arith.constant 0 : i32
      %dma_start3A_751 = arith.constant 0 : i32
      %dma_start3A_752 = tpu.memref_slice %arg11[%dma_start3A_750, %dma_start3A_751] : memref<2x112xi32, #tpu.memory_space<vmem>> -> memref<1x112xi32, #tpu.memory_space<vmem>>
      %dma_start3A_753 = tpu.memref_squeeze %dma_start3A_752 : memref<1x112xi32, #tpu.memory_space<vmem>> -> memref<112xi32, #tpu.memory_space<vmem>>
      %dma_start3A_754 = arith.constant 0 : i32
      %dma_start3A_755 = arith.constant 0 : i32
      %dma_start3A_756 = tpu.memref_slice %arg2[%dma_start3A_754, %dma_start3A_755] : memref<10000x128xf32, #tpu.memory_space<hbm>> -> memref<10000x128xf32, #tpu.memory_space<hbm>>
      tpu.enqueue_indirect_dma source(%dma_start3A_756 : memref<10000x128xf32, #tpu.memory_space<hbm>>) target(%arg14 : memref<112x128xf32, #tpu.memory_space<vmem>>) offsets(%dma_start3A_753 : memref<112xi32, #tpu.memory_space<vmem>>) semaphore(%arg23 : memref<!tpu.dma_semaphore, #tpu.memory_space<semaphore_mem>>)
      %add3A_757 = arith.constant 6 : i32
      %add3A_758 = arith.addi %add3A_730, %add3A_757 : i32
      %sub3A_759 = arith.constant 1 : i32
      %sub3A_760 = arith.subi %add3A_758, %sub3A_759 : i32
      %dma_start3A_761 = arith.constant 0 : i32
      %dma_start3A_762 = arith.constant 0 : i32
      %dma_start3A_763 = tpu.memref_slice %arg3[%add3A, %sub3A_760, %dma_start3A_761, %dma_start3A_762] : memref<32x90x2x112xi32, #tpu.memory_space<hbm>> -> memref<1x1x2x112xi32, #tpu.memory_space<hbm>>
      %dma_start3A_764 = tpu.memref_squeeze %dma_start3A_763 : memref<1x1x2x112xi32, #tpu.memory_space<hbm>> -> memref<2x112xi32, #tpu.memory_space<hbm>>
      %dma_start3A_765 = arith.constant 0 : i32
      %dma_start3A_766 = arith.constant 0 : i32
      %dma_start3A_767 = tpu.memref_slice %arg3[%add3A, %sub3A_760, %dma_start3A_765, %dma_start3A_766] : memref<32x90x2x112xi32, #tpu.memory_space<hbm>> -> memref<1x1x2x112xi32, #tpu.memory_space<hbm>>
      %dma_start3A_768 = tpu.memref_squeeze %dma_start3A_767 : memref<1x1x2x112xi32, #tpu.memory_space<hbm>> -> memref<2x112xi32, #tpu.memory_space<hbm>>
      tpu.enqueue_dma source(%dma_start3A_768 : memref<2x112xi32, #tpu.memory_space<hbm>>) target(%arg8 : memref<2x112xi32, #tpu.memory_space<vmem>>) target_semaphore(%arg17 : memref<!tpu.dma_semaphore, #tpu.memory_space<semaphore_mem>>)
      %dma_wait3A_769 = arith.constant 0 : i32
      %dma_wait3A_770 = arith.constant 0 : i32
      %dma_wait3A_771 = tpu.memref_slice %arg9[%dma_wait3A_769, %dma_wait3A_770] : memref<2x112xi32, #tpu.memory_space<vmem>> -> memref<1x112xi32, #tpu.memory_space<vmem>>
      %dma_wait3A_772 = tpu.memref_squeeze %dma_wait3A_771 : memref<1x112xi32, #tpu.memory_space<vmem>> -> memref<112xi32, #tpu.memory_space<vmem>>
      %dma_wait3A_773 = arith.constant 0 : i32
      %dma_wait3A_774 = arith.constant 0 : i32
      %dma_wait3A_775 = tpu.memref_slice %arg2[%dma_wait3A_773, %dma_wait3A_774] : memref<10000x128xf32, #tpu.memory_space<hbm>> -> memref<10000x128xf32, #tpu.memory_space<hbm>>
      tpu.wait_indirect_dma semaphore(%arg21 : memref<!tpu.dma_semaphore, #tpu.memory_space<semaphore_mem>>) src(%dma_wait3A_775 : memref<10000x128xf32, #tpu.memory_space<hbm>>) dst(%arg12 : memref<112x128xf32, #tpu.memory_space<vmem>>)
      %dma_start3A_776 = arith.constant 1 : i32
      %dma_start3A_777 = arith.constant 0 : i32
      %dma_start3A_778 = tpu.memref_slice %arg9[%dma_start3A_776, %dma_start3A_777] : memref<2x112xi32, #tpu.memory_space<vmem>> -> memref<1x112xi32, #tpu.memory_space<vmem>>
      %dma_start3A_779 = tpu.memref_squeeze %dma_start3A_778 : memref<1x112xi32, #tpu.memory_space<vmem>> -> memref<112xi32, #tpu.memory_space<vmem>>
      %dma_start3A_780 = arith.constant 0 : i32
      %dma_start3A_781 = arith.constant 0 : i32
      %dma_start3A_782 = tpu.memref_slice %arg27[%dma_start3A_780, %dma_start3A_781] : memref<10112x128xf32, #tpu.memory_space<vmem_shared>> -> memref<10112x128xf32, #tpu.memory_space<vmem_shared>>
      tpu.enqueue_indirect_dma source(%arg12 : memref<112x128xf32, #tpu.memory_space<vmem>>) target(%dma_start3A_782 : memref<10112x128xf32, #tpu.memory_space<vmem_shared>>) offsets(%dma_start3A_779 : memref<112xi32, #tpu.memory_space<vmem>>) semaphore(%arg24 : memref<!tpu.dma_semaphore, #tpu.memory_space<semaphore_mem>>) {add = true}
      %add3A_783 = arith.constant 4 : i32
      %add3A_784 = arith.addi %mul3A_567, %add3A_783 : i32
      %add3A_785 = arith.constant 3 : i32
      %add3A_786 = arith.addi %add3A_784, %add3A_785 : i32
      %sub3A_787 = arith.constant 1 : i32
      %sub3A_788 = arith.subi %add3A_786, %sub3A_787 : i32
      %dma_wait3A_789 = arith.constant 0 : i32
      %dma_wait3A_790 = arith.constant 0 : i32
      %dma_wait3A_791 = tpu.memref_slice %arg3[%add3A, %sub3A_788, %dma_wait3A_789, %dma_wait3A_790] : memref<32x90x2x112xi32, #tpu.memory_space<hbm>> -> memref<1x1x2x112xi32, #tpu.memory_space<hbm>>
      %dma_wait3A_792 = tpu.memref_squeeze %dma_wait3A_791 : memref<1x1x2x112xi32, #tpu.memory_space<hbm>> -> memref<2x112xi32, #tpu.memory_space<hbm>>
      %dma_wait3A_793 = arith.constant 0 : i32
      %dma_wait3A_794 = arith.constant 0 : i32
      %dma_wait3A_795 = tpu.memref_slice %arg3[%add3A, %sub3A_788, %dma_wait3A_793, %dma_wait3A_794] : memref<32x90x2x112xi32, #tpu.memory_space<hbm>> -> memref<1x1x2x112xi32, #tpu.memory_space<hbm>>
      %dma_wait3A_796 = tpu.memref_squeeze %dma_wait3A_795 : memref<1x1x2x112xi32, #tpu.memory_space<hbm>> -> memref<2x112xi32, #tpu.memory_space<hbm>>
      tpu.wait_dma2 semaphore(%arg15 : memref<!tpu.dma_semaphore, #tpu.memory_space<semaphore_mem>>) src(%dma_wait3A_796 : memref<2x112xi32, #tpu.memory_space<hbm>>) dst(%arg6 : memref<2x112xi32, #tpu.memory_space<vmem>>)
      %dma_wait3A_797 = arith.constant 1 : i32
      %dma_wait3A_798 = arith.constant 0 : i32
      %dma_wait3A_799 = tpu.memref_slice %arg10[%dma_wait3A_797, %dma_wait3A_798] : memref<2x112xi32, #tpu.memory_space<vmem>> -> memref<1x112xi32, #tpu.memory_space<vmem>>
      %dma_wait3A_800 = tpu.memref_squeeze %dma_wait3A_799 : memref<1x112xi32, #tpu.memory_space<vmem>> -> memref<112xi32, #tpu.memory_space<vmem>>
      %dma_wait3A_801 = arith.constant 0 : i32
      %dma_wait3A_802 = arith.constant 0 : i32
      %dma_wait3A_803 = tpu.memref_slice %arg27[%dma_wait3A_801, %dma_wait3A_802] : memref<10112x128xf32, #tpu.memory_space<vmem_shared>> -> memref<10112x128xf32, #tpu.memory_space<vmem_shared>>
      tpu.wait_indirect_dma semaphore(%arg24 : memref<!tpu.dma_semaphore, #tpu.memory_space<semaphore_mem>>) src(%arg12 : memref<112x128xf32, #tpu.memory_space<vmem>>) dst(%dma_wait3A_803 : memref<10112x128xf32, #tpu.memory_space<vmem_shared>>)
      %dma_start3A_804 = arith.constant 0 : i32
      %dma_start3A_805 = arith.constant 0 : i32
      %dma_start3A_806 = tpu.memref_slice %arg6[%dma_start3A_804, %dma_start3A_805] : memref<2x112xi32, #tpu.memory_space<vmem>> -> memref<1x112xi32, #tpu.memory_space<vmem>>
      %dma_start3A_807 = tpu.memref_squeeze %dma_start3A_806 : memref<1x112xi32, #tpu.memory_space<vmem>> -> memref<112xi32, #tpu.memory_space<vmem>>
      %dma_start3A_808 = arith.constant 0 : i32
      %dma_start3A_809 = arith.constant 0 : i32
      %dma_start3A_810 = tpu.memref_slice %arg2[%dma_start3A_808, %dma_start3A_809] : memref<10000x128xf32, #tpu.memory_space<hbm>> -> memref<10000x128xf32, #tpu.memory_space<hbm>>
      tpu.enqueue_indirect_dma source(%dma_start3A_810 : memref<10000x128xf32, #tpu.memory_space<hbm>>) target(%arg12 : memref<112x128xf32, #tpu.memory_space<vmem>>) offsets(%dma_start3A_807 : memref<112xi32, #tpu.memory_space<vmem>>) semaphore(%arg21 : memref<!tpu.dma_semaphore, #tpu.memory_space<semaphore_mem>>)
      %add3A_811 = arith.constant 6 : i32
      %add3A_812 = arith.addi %add3A_784, %add3A_811 : i32
      %sub3A_813 = arith.constant 1 : i32
      %sub3A_814 = arith.subi %add3A_812, %sub3A_813 : i32
      %dma_start3A_815 = arith.constant 0 : i32
      %dma_start3A_816 = arith.constant 0 : i32
      %dma_start3A_817 = tpu.memref_slice %arg3[%add3A, %sub3A_814, %dma_start3A_815, %dma_start3A_816] : memref<32x90x2x112xi32, #tpu.memory_space<hbm>> -> memref<1x1x2x112xi32, #tpu.memory_space<hbm>>
      %dma_start3A_818 = tpu.memref_squeeze %dma_start3A_817 : memref<1x1x2x112xi32, #tpu.memory_space<hbm>> -> memref<2x112xi32, #tpu.memory_space<hbm>>
      %dma_start3A_819 = arith.constant 0 : i32
      %dma_start3A_820 = arith.constant 0 : i32
      %dma_start3A_821 = tpu.memref_slice %arg3[%add3A, %sub3A_814, %dma_start3A_819, %dma_start3A_820] : memref<32x90x2x112xi32, #tpu.memory_space<hbm>> -> memref<1x1x2x112xi32, #tpu.memory_space<hbm>>
      %dma_start3A_822 = tpu.memref_squeeze %dma_start3A_821 : memref<1x1x2x112xi32, #tpu.memory_space<hbm>> -> memref<2x112xi32, #tpu.memory_space<hbm>>
      tpu.enqueue_dma source(%dma_start3A_822 : memref<2x112xi32, #tpu.memory_space<hbm>>) target(%arg9 : memref<2x112xi32, #tpu.memory_space<vmem>>) target_semaphore(%arg18 : memref<!tpu.dma_semaphore, #tpu.memory_space<semaphore_mem>>)
      %dma_wait3A_823 = arith.constant 0 : i32
      %dma_wait3A_824 = arith.constant 0 : i32
      %dma_wait3A_825 = tpu.memref_slice %arg10[%dma_wait3A_823, %dma_wait3A_824] : memref<2x112xi32, #tpu.memory_space<vmem>> -> memref<1x112xi32, #tpu.memory_space<vmem>>
      %dma_wait3A_826 = tpu.memref_squeeze %dma_wait3A_825 : memref<1x112xi32, #tpu.memory_space<vmem>> -> memref<112xi32, #tpu.memory_space<vmem>>
      %dma_wait3A_827 = arith.constant 0 : i32
      %dma_wait3A_828 = arith.constant 0 : i32
      %dma_wait3A_829 = tpu.memref_slice %arg2[%dma_wait3A_827, %dma_wait3A_828] : memref<10000x128xf32, #tpu.memory_space<hbm>> -> memref<10000x128xf32, #tpu.memory_space<hbm>>
      tpu.wait_indirect_dma semaphore(%arg22 : memref<!tpu.dma_semaphore, #tpu.memory_space<semaphore_mem>>) src(%dma_wait3A_829 : memref<10000x128xf32, #tpu.memory_space<hbm>>) dst(%arg13 : memref<112x128xf32, #tpu.memory_space<vmem>>)
      %dma_start3A_830 = arith.constant 1 : i32
      %dma_start3A_831 = arith.constant 0 : i32
      %dma_start3A_832 = tpu.memref_slice %arg10[%dma_start3A_830, %dma_start3A_831] : memref<2x112xi32, #tpu.memory_space<vmem>> -> memref<1x112xi32, #tpu.memory_space<vmem>>
      %dma_start3A_833 = tpu.memref_squeeze %dma_start3A_832 : memref<1x112xi32, #tpu.memory_space<vmem>> -> memref<112xi32, #tpu.memory_space<vmem>>
      %dma_start3A_834 = arith.constant 0 : i32
      %dma_start3A_835 = arith.constant 0 : i32
      %dma_start3A_836 = tpu.memref_slice %arg27[%dma_start3A_834, %dma_start3A_835] : memref<10112x128xf32, #tpu.memory_space<vmem_shared>> -> memref<10112x128xf32, #tpu.memory_space<vmem_shared>>
      tpu.enqueue_indirect_dma source(%arg13 : memref<112x128xf32, #tpu.memory_space<vmem>>) target(%dma_start3A_836 : memref<10112x128xf32, #tpu.memory_space<vmem_shared>>) offsets(%dma_start3A_833 : memref<112xi32, #tpu.memory_space<vmem>>) semaphore(%arg25 : memref<!tpu.dma_semaphore, #tpu.memory_space<semaphore_mem>>) {add = true}
      %add3A_837 = arith.constant 5 : i32
      %add3A_838 = arith.addi %mul3A_567, %add3A_837 : i32
      %add3A_839 = arith.constant 3 : i32
      %add3A_840 = arith.addi %add3A_838, %add3A_839 : i32
      %sub3A_841 = arith.constant 1 : i32
      %sub3A_842 = arith.subi %add3A_840, %sub3A_841 : i32
      %dma_wait3A_843 = arith.constant 0 : i32
      %dma_wait3A_844 = arith.constant 0 : i32
      %dma_wait3A_845 = tpu.memref_slice %arg3[%add3A, %sub3A_842, %dma_wait3A_843, %dma_wait3A_844] : memref<32x90x2x112xi32, #tpu.memory_space<hbm>> -> memref<1x1x2x112xi32, #tpu.memory_space<hbm>>
      %dma_wait3A_846 = tpu.memref_squeeze %dma_wait3A_845 : memref<1x1x2x112xi32, #tpu.memory_space<hbm>> -> memref<2x112xi32, #tpu.memory_space<hbm>>
      %dma_wait3A_847 = arith.constant 0 : i32
      %dma_wait3A_848 = arith.constant 0 : i32
      %dma_wait3A_849 = tpu.memref_slice %arg3[%add3A, %sub3A_842, %dma_wait3A_847, %dma_wait3A_848] : memref<32x90x2x112xi32, #tpu.memory_space<hbm>> -> memref<1x1x2x112xi32, #tpu.memory_space<hbm>>
      %dma_wait3A_850 = tpu.memref_squeeze %dma_wait3A_849 : memref<1x1x2x112xi32, #tpu.memory_space<hbm>> -> memref<2x112xi32, #tpu.memory_space<hbm>>
      tpu.wait_dma2 semaphore(%arg16 : memref<!tpu.dma_semaphore, #tpu.memory_space<semaphore_mem>>) src(%dma_wait3A_850 : memref<2x112xi32, #tpu.memory_space<hbm>>) dst(%arg7 : memref<2x112xi32, #tpu.memory_space<vmem>>)
      %dma_wait3A_851 = arith.constant 1 : i32
      %dma_wait3A_852 = arith.constant 0 : i32
      %dma_wait3A_853 = tpu.memref_slice %arg11[%dma_wait3A_851, %dma_wait3A_852] : memref<2x112xi32, #tpu.memory_space<vmem>> -> memref<1x112xi32, #tpu.memory_space<vmem>>
      %dma_wait3A_854 = tpu.memref_squeeze %dma_wait3A_853 : memref<1x112xi32, #tpu.memory_space<vmem>> -> memref<112xi32, #tpu.memory_space<vmem>>
      %dma_wait3A_855 = arith.constant 0 : i32
      %dma_wait3A_856 = arith.constant 0 : i32
      %dma_wait3A_857 = tpu.memref_slice %arg27[%dma_wait3A_855, %dma_wait3A_856] : memref<10112x128xf32, #tpu.memory_space<vmem_shared>> -> memref<10112x128xf32, #tpu.memory_space<vmem_shared>>
      tpu.wait_indirect_dma semaphore(%arg25 : memref<!tpu.dma_semaphore, #tpu.memory_space<semaphore_mem>>) src(%arg13 : memref<112x128xf32, #tpu.memory_space<vmem>>) dst(%dma_wait3A_857 : memref<10112x128xf32, #tpu.memory_space<vmem_shared>>)
      %dma_start3A_858 = arith.constant 0 : i32
      %dma_start3A_859 = arith.constant 0 : i32
      %dma_start3A_860 = tpu.memref_slice %arg7[%dma_start3A_858, %dma_start3A_859] : memref<2x112xi32, #tpu.memory_space<vmem>> -> memref<1x112xi32, #tpu.memory_space<vmem>>
      %dma_start3A_861 = tpu.memref_squeeze %dma_start3A_860 : memref<1x112xi32, #tpu.memory_space<vmem>> -> memref<112xi32, #tpu.memory_space<vmem>>
      %dma_start3A_862 = arith.constant 0 : i32
      %dma_start3A_863 = arith.constant 0 : i32
      %dma_start3A_864 = tpu.memref_slice %arg2[%dma_start3A_862, %dma_start3A_863] : memref<10000x128xf32, #tpu.memory_space<hbm>> -> memref<10000x128xf32, #tpu.memory_space<hbm>>
      tpu.enqueue_indirect_dma source(%dma_start3A_864 : memref<10000x128xf32, #tpu.memory_space<hbm>>) target(%arg13 : memref<112x128xf32, #tpu.memory_space<vmem>>) offsets(%dma_start3A_861 : memref<112xi32, #tpu.memory_space<vmem>>) semaphore(%arg22 : memref<!tpu.dma_semaphore, #tpu.memory_space<semaphore_mem>>)
      %add3A_865 = arith.constant 6 : i32
      %add3A_866 = arith.addi %add3A_838, %add3A_865 : i32
      %sub3A_867 = arith.constant 1 : i32
      %sub3A_868 = arith.subi %add3A_866, %sub3A_867 : i32
      %dma_start3A_869 = arith.constant 0 : i32
      %dma_start3A_870 = arith.constant 0 : i32
      %dma_start3A_871 = tpu.memref_slice %arg3[%add3A, %sub3A_868, %dma_start3A_869, %dma_start3A_870] : memref<32x90x2x112xi32, #tpu.memory_space<hbm>> -> memref<1x1x2x112xi32, #tpu.memory_space<hbm>>
      %dma_start3A_872 = tpu.memref_squeeze %dma_start3A_871 : memref<1x1x2x112xi32, #tpu.memory_space<hbm>> -> memref<2x112xi32, #tpu.memory_space<hbm>>
      %dma_start3A_873 = arith.constant 0 : i32
      %dma_start3A_874 = arith.constant 0 : i32
      %dma_start3A_875 = tpu.memref_slice %arg3[%add3A, %sub3A_868, %dma_start3A_873, %dma_start3A_874] : memref<32x90x2x112xi32, #tpu.memory_space<hbm>> -> memref<1x1x2x112xi32, #tpu.memory_space<hbm>>
      %dma_start3A_876 = tpu.memref_squeeze %dma_start3A_875 : memref<1x1x2x112xi32, #tpu.memory_space<hbm>> -> memref<2x112xi32, #tpu.memory_space<hbm>>
      tpu.enqueue_dma source(%dma_start3A_876 : memref<2x112xi32, #tpu.memory_space<hbm>>) target(%arg10 : memref<2x112xi32, #tpu.memory_space<vmem>>) target_semaphore(%arg19 : memref<!tpu.dma_semaphore, #tpu.memory_space<semaphore_mem>>)
      %dma_wait3A_877 = arith.constant 0 : i32
      %dma_wait3A_878 = arith.constant 0 : i32
      %dma_wait3A_879 = tpu.memref_slice %arg11[%dma_wait3A_877, %dma_wait3A_878] : memref<2x112xi32, #tpu.memory_space<vmem>> -> memref<1x112xi32, #tpu.memory_space<vmem>>
      %dma_wait3A_880 = tpu.memref_squeeze %dma_wait3A_879 : memref<1x112xi32, #tpu.memory_space<vmem>> -> memref<112xi32, #tpu.memory_space<vmem>>
      %dma_wait3A_881 = arith.constant 0 : i32
      %dma_wait3A_882 = arith.constant 0 : i32
      %dma_wait3A_883 = tpu.memref_slice %arg2[%dma_wait3A_881, %dma_wait3A_882] : memref<10000x128xf32, #tpu.memory_space<hbm>> -> memref<10000x128xf32, #tpu.memory_space<hbm>>
      tpu.wait_indirect_dma semaphore(%arg23 : memref<!tpu.dma_semaphore, #tpu.memory_space<semaphore_mem>>) src(%dma_wait3A_883 : memref<10000x128xf32, #tpu.memory_space<hbm>>) dst(%arg14 : memref<112x128xf32, #tpu.memory_space<vmem>>)
      %dma_start3A_884 = arith.constant 1 : i32
      %dma_start3A_885 = arith.constant 0 : i32
      %dma_start3A_886 = tpu.memref_slice %arg11[%dma_start3A_884, %dma_start3A_885] : memref<2x112xi32, #tpu.memory_space<vmem>> -> memref<1x112xi32, #tpu.memory_space<vmem>>
      %dma_start3A_887 = tpu.memref_squeeze %dma_start3A_886 : memref<1x112xi32, #tpu.memory_space<vmem>> -> memref<112xi32, #tpu.memory_space<vmem>>
      %dma_start3A_888 = arith.constant 0 : i32
      %dma_start3A_889 = arith.constant 0 : i32
      %dma_start3A_890 = tpu.memref_slice %arg27[%dma_start3A_888, %dma_start3A_889] : memref<10112x128xf32, #tpu.memory_space<vmem_shared>> -> memref<10112x128xf32, #tpu.memory_space<vmem_shared>>
      tpu.enqueue_indirect_dma source(%arg14 : memref<112x128xf32, #tpu.memory_space<vmem>>) target(%dma_start3A_890 : memref<10112x128xf32, #tpu.memory_space<vmem_shared>>) offsets(%dma_start3A_887 : memref<112xi32, #tpu.memory_space<vmem>>) semaphore(%arg26 : memref<!tpu.dma_semaphore, #tpu.memory_space<semaphore_mem>>) {add = true}
    }
    %scan3A_353 = arith.constant 13 : i32
    %dma_wait3A_354 = arith.constant 86 : i32
    %dma_wait3A_355 = arith.constant 0 : i32
    %dma_wait3A_356 = arith.constant 0 : i32
    %dma_wait3A_357 = tpu.memref_slice %arg3[%add3A, %dma_wait3A_354, %dma_wait3A_355, %dma_wait3A_356] : memref<32x90x2x112xi32, #tpu.memory_space<hbm>> -> memref<1x1x2x112xi32, #tpu.memory_space<hbm>>
    %dma_wait3A_358 = tpu.memref_squeeze %dma_wait3A_357 : memref<1x1x2x112xi32, #tpu.memory_space<hbm>> -> memref<2x112xi32, #tpu.memory_space<hbm>>
    %dma_wait3A_359 = arith.constant 0 : i32
    %dma_wait3A_360 = arith.constant 0 : i32
    %dma_wait3A_361 = tpu.memref_slice %arg3[%add3A, %dma_wait3A_354, %dma_wait3A_359, %dma_wait3A_360] : memref<32x90x2x112xi32, #tpu.memory_space<hbm>> -> memref<1x1x2x112xi32, #tpu.memory_space<hbm>>
    %dma_wait3A_362 = tpu.memref_squeeze %dma_wait3A_361 : memref<1x1x2x112xi32, #tpu.memory_space<hbm>> -> memref<2x112xi32, #tpu.memory_space<hbm>>
    tpu.wait_dma2 semaphore(%arg17 : memref<!tpu.dma_semaphore, #tpu.memory_space<semaphore_mem>>) src(%dma_wait3A_362 : memref<2x112xi32, #tpu.memory_space<hbm>>) dst(%arg8 : memref<2x112xi32, #tpu.memory_space<vmem>>)
    %dma_wait3A_363 = arith.constant 1 : i32
    %dma_wait3A_364 = arith.constant 0 : i32
    %dma_wait3A_365 = tpu.memref_slice %arg6[%dma_wait3A_363, %dma_wait3A_364] : memref<2x112xi32, #tpu.memory_space<vmem>> -> memref<1x112xi32, #tpu.memory_space<vmem>>
    %dma_wait3A_366 = tpu.memref_squeeze %dma_wait3A_365 : memref<1x112xi32, #tpu.memory_space<vmem>> -> memref<112xi32, #tpu.memory_space<vmem>>
    %dma_wait3A_367 = arith.constant 0 : i32
    %dma_wait3A_368 = arith.constant 0 : i32
    %dma_wait3A_369 = tpu.memref_slice %arg27[%dma_wait3A_367, %dma_wait3A_368] : memref<10112x128xf32, #tpu.memory_space<vmem_shared>> -> memref<10112x128xf32, #tpu.memory_space<vmem_shared>>
    tpu.wait_indirect_dma semaphore(%arg26 : memref<!tpu.dma_semaphore, #tpu.memory_space<semaphore_mem>>) src(%arg14 : memref<112x128xf32, #tpu.memory_space<vmem>>) dst(%dma_wait3A_369 : memref<10112x128xf32, #tpu.memory_space<vmem_shared>>)
    %dma_start3A_370 = arith.constant 0 : i32
    %dma_start3A_371 = arith.constant 0 : i32
    %dma_start3A_372 = tpu.memref_slice %arg8[%dma_start3A_370, %dma_start3A_371] : memref<2x112xi32, #tpu.memory_space<vmem>> -> memref<1x112xi32, #tpu.memory_space<vmem>>
    %dma_start3A_373 = tpu.memref_squeeze %dma_start3A_372 : memref<1x112xi32, #tpu.memory_space<vmem>> -> memref<112xi32, #tpu.memory_space<vmem>>
    %dma_start3A_374 = arith.constant 0 : i32
    %dma_start3A_375 = arith.constant 0 : i32
    %dma_start3A_376 = tpu.memref_slice %arg2[%dma_start3A_374, %dma_start3A_375] : memref<10000x128xf32, #tpu.memory_space<hbm>> -> memref<10000x128xf32, #tpu.memory_space<hbm>>
    tpu.enqueue_indirect_dma source(%dma_start3A_376 : memref<10000x128xf32, #tpu.memory_space<hbm>>) target(%arg14 : memref<112x128xf32, #tpu.memory_space<vmem>>) offsets(%dma_start3A_373 : memref<112xi32, #tpu.memory_space<vmem>>) semaphore(%arg23 : memref<!tpu.dma_semaphore, #tpu.memory_space<semaphore_mem>>)
    %dma_start3A_377 = arith.constant 89 : i32
    %dma_start3A_378 = arith.constant 0 : i32
    %dma_start3A_379 = arith.constant 0 : i32
    %dma_start3A_380 = tpu.memref_slice %arg3[%add3A, %dma_start3A_377, %dma_start3A_378, %dma_start3A_379] : memref<32x90x2x112xi32, #tpu.memory_space<hbm>> -> memref<1x1x2x112xi32, #tpu.memory_space<hbm>>
    %dma_start3A_381 = tpu.memref_squeeze %dma_start3A_380 : memref<1x1x2x112xi32, #tpu.memory_space<hbm>> -> memref<2x112xi32, #tpu.memory_space<hbm>>
    %dma_start3A_382 = arith.constant 0 : i32
    %dma_start3A_383 = arith.constant 0 : i32
    %dma_start3A_384 = tpu.memref_slice %arg3[%add3A, %dma_start3A_377, %dma_start3A_382, %dma_start3A_383] : memref<32x90x2x112xi32, #tpu.memory_space<hbm>> -> memref<1x1x2x112xi32, #tpu.memory_space<hbm>>
    %dma_start3A_385 = tpu.memref_squeeze %dma_start3A_384 : memref<1x1x2x112xi32, #tpu.memory_space<hbm>> -> memref<2x112xi32, #tpu.memory_space<hbm>>
    tpu.enqueue_dma source(%dma_start3A_385 : memref<2x112xi32, #tpu.memory_space<hbm>>) target(%arg11 : memref<2x112xi32, #tpu.memory_space<vmem>>) target_semaphore(%arg20 : memref<!tpu.dma_semaphore, #tpu.memory_space<semaphore_mem>>)
    %dma_wait3A_386 = arith.constant 0 : i32
    %dma_wait3A_387 = arith.constant 0 : i32
    %dma_wait3A_388 = tpu.memref_slice %arg6[%dma_wait3A_386, %dma_wait3A_387] : memref<2x112xi32, #tpu.memory_space<vmem>> -> memref<1x112xi32, #tpu.memory_space<vmem>>
    %dma_wait3A_389 = tpu.memref_squeeze %dma_wait3A_388 : memref<1x112xi32, #tpu.memory_space<vmem>> -> memref<112xi32, #tpu.memory_space<vmem>>
    %dma_wait3A_390 = arith.constant 0 : i32
    %dma_wait3A_391 = arith.constant 0 : i32
    %dma_wait3A_392 = tpu.memref_slice %arg2[%dma_wait3A_390, %dma_wait3A_391] : memref<10000x128xf32, #tpu.memory_space<hbm>> -> memref<10000x128xf32, #tpu.memory_space<hbm>>
    tpu.wait_indirect_dma semaphore(%arg21 : memref<!tpu.dma_semaphore, #tpu.memory_space<semaphore_mem>>) src(%dma_wait3A_392 : memref<10000x128xf32, #tpu.memory_space<hbm>>) dst(%arg12 : memref<112x128xf32, #tpu.memory_space<vmem>>)
    %dma_start3A_393 = arith.constant 1 : i32
    %dma_start3A_394 = arith.constant 0 : i32
    %dma_start3A_395 = tpu.memref_slice %arg6[%dma_start3A_393, %dma_start3A_394] : memref<2x112xi32, #tpu.memory_space<vmem>> -> memref<1x112xi32, #tpu.memory_space<vmem>>
    %dma_start3A_396 = tpu.memref_squeeze %dma_start3A_395 : memref<1x112xi32, #tpu.memory_space<vmem>> -> memref<112xi32, #tpu.memory_space<vmem>>
    %dma_start3A_397 = arith.constant 0 : i32
    %dma_start3A_398 = arith.constant 0 : i32
    %dma_start3A_399 = tpu.memref_slice %arg27[%dma_start3A_397, %dma_start3A_398] : memref<10112x128xf32, #tpu.memory_space<vmem_shared>> -> memref<10112x128xf32, #tpu.memory_space<vmem_shared>>
    tpu.enqueue_indirect_dma source(%arg12 : memref<112x128xf32, #tpu.memory_space<vmem>>) target(%dma_start3A_399 : memref<10112x128xf32, #tpu.memory_space<vmem_shared>>) offsets(%dma_start3A_396 : memref<112xi32, #tpu.memory_space<vmem>>) semaphore(%arg24 : memref<!tpu.dma_semaphore, #tpu.memory_space<semaphore_mem>>) {add = true}
    %dma_wait3A_400 = arith.constant 87 : i32
    %dma_wait3A_401 = arith.constant 0 : i32
    %dma_wait3A_402 = arith.constant 0 : i32
    %dma_wait3A_403 = tpu.memref_slice %arg3[%add3A, %dma_wait3A_400, %dma_wait3A_401, %dma_wait3A_402] : memref<32x90x2x112xi32, #tpu.memory_space<hbm>> -> memref<1x1x2x112xi32, #tpu.memory_space<hbm>>
    %dma_wait3A_404 = tpu.memref_squeeze %dma_wait3A_403 : memref<1x1x2x112xi32, #tpu.memory_space<hbm>> -> memref<2x112xi32, #tpu.memory_space<hbm>>
    %dma_wait3A_405 = arith.constant 0 : i32
    %dma_wait3A_406 = arith.constant 0 : i32
    %dma_wait3A_407 = tpu.memref_slice %arg3[%add3A, %dma_wait3A_400, %dma_wait3A_405, %dma_wait3A_406] : memref<32x90x2x112xi32, #tpu.memory_space<hbm>> -> memref<1x1x2x112xi32, #tpu.memory_space<hbm>>
    %dma_wait3A_408 = tpu.memref_squeeze %dma_wait3A_407 : memref<1x1x2x112xi32, #tpu.memory_space<hbm>> -> memref<2x112xi32, #tpu.memory_space<hbm>>
    tpu.wait_dma2 semaphore(%arg18 : memref<!tpu.dma_semaphore, #tpu.memory_space<semaphore_mem>>) src(%dma_wait3A_408 : memref<2x112xi32, #tpu.memory_space<hbm>>) dst(%arg9 : memref<2x112xi32, #tpu.memory_space<vmem>>)
    %dma_wait3A_409 = arith.constant 1 : i32
    %dma_wait3A_410 = arith.constant 0 : i32
    %dma_wait3A_411 = tpu.memref_slice %arg7[%dma_wait3A_409, %dma_wait3A_410] : memref<2x112xi32, #tpu.memory_space<vmem>> -> memref<1x112xi32, #tpu.memory_space<vmem>>
    %dma_wait3A_412 = tpu.memref_squeeze %dma_wait3A_411 : memref<1x112xi32, #tpu.memory_space<vmem>> -> memref<112xi32, #tpu.memory_space<vmem>>
    %dma_wait3A_413 = arith.constant 0 : i32
    %dma_wait3A_414 = arith.constant 0 : i32
    %dma_wait3A_415 = tpu.memref_slice %arg27[%dma_wait3A_413, %dma_wait3A_414] : memref<10112x128xf32, #tpu.memory_space<vmem_shared>> -> memref<10112x128xf32, #tpu.memory_space<vmem_shared>>
    tpu.wait_indirect_dma semaphore(%arg24 : memref<!tpu.dma_semaphore, #tpu.memory_space<semaphore_mem>>) src(%arg12 : memref<112x128xf32, #tpu.memory_space<vmem>>) dst(%dma_wait3A_415 : memref<10112x128xf32, #tpu.memory_space<vmem_shared>>)
    %dma_start3A_416 = arith.constant 0 : i32
    %dma_start3A_417 = arith.constant 0 : i32
    %dma_start3A_418 = tpu.memref_slice %arg9[%dma_start3A_416, %dma_start3A_417] : memref<2x112xi32, #tpu.memory_space<vmem>> -> memref<1x112xi32, #tpu.memory_space<vmem>>
    %dma_start3A_419 = tpu.memref_squeeze %dma_start3A_418 : memref<1x112xi32, #tpu.memory_space<vmem>> -> memref<112xi32, #tpu.memory_space<vmem>>
    %dma_start3A_420 = arith.constant 0 : i32
    %dma_start3A_421 = arith.constant 0 : i32
    %dma_start3A_422 = tpu.memref_slice %arg2[%dma_start3A_420, %dma_start3A_421] : memref<10000x128xf32, #tpu.memory_space<hbm>> -> memref<10000x128xf32, #tpu.memory_space<hbm>>
    tpu.enqueue_indirect_dma source(%dma_start3A_422 : memref<10000x128xf32, #tpu.memory_space<hbm>>) target(%arg12 : memref<112x128xf32, #tpu.memory_space<vmem>>) offsets(%dma_start3A_419 : memref<112xi32, #tpu.memory_space<vmem>>) semaphore(%arg21 : memref<!tpu.dma_semaphore, #tpu.memory_space<semaphore_mem>>)
    %dma_wait3A_423 = arith.constant 0 : i32
    %dma_wait3A_424 = arith.constant 0 : i32
    %dma_wait3A_425 = tpu.memref_slice %arg7[%dma_wait3A_423, %dma_wait3A_424] : memref<2x112xi32, #tpu.memory_space<vmem>> -> memref<1x112xi32, #tpu.memory_space<vmem>>
    %dma_wait3A_426 = tpu.memref_squeeze %dma_wait3A_425 : memref<1x112xi32, #tpu.memory_space<vmem>> -> memref<112xi32, #tpu.memory_space<vmem>>
    %dma_wait3A_427 = arith.constant 0 : i32
    %dma_wait3A_428 = arith.constant 0 : i32
    %dma_wait3A_429 = tpu.memref_slice %arg2[%dma_wait3A_427, %dma_wait3A_428] : memref<10000x128xf32, #tpu.memory_space<hbm>> -> memref<10000x128xf32, #tpu.memory_space<hbm>>
    tpu.wait_indirect_dma semaphore(%arg22 : memref<!tpu.dma_semaphore, #tpu.memory_space<semaphore_mem>>) src(%dma_wait3A_429 : memref<10000x128xf32, #tpu.memory_space<hbm>>) dst(%arg13 : memref<112x128xf32, #tpu.memory_space<vmem>>)
    %dma_start3A_430 = arith.constant 1 : i32
    %dma_start3A_431 = arith.constant 0 : i32
    %dma_start3A_432 = tpu.memref_slice %arg7[%dma_start3A_430, %dma_start3A_431] : memref<2x112xi32, #tpu.memory_space<vmem>> -> memref<1x112xi32, #tpu.memory_space<vmem>>
    %dma_start3A_433 = tpu.memref_squeeze %dma_start3A_432 : memref<1x112xi32, #tpu.memory_space<vmem>> -> memref<112xi32, #tpu.memory_space<vmem>>
    %dma_start3A_434 = arith.constant 0 : i32
    %dma_start3A_435 = arith.constant 0 : i32
    %dma_start3A_436 = tpu.memref_slice %arg27[%dma_start3A_434, %dma_start3A_435] : memref<10112x128xf32, #tpu.memory_space<vmem_shared>> -> memref<10112x128xf32, #tpu.memory_space<vmem_shared>>
    tpu.enqueue_indirect_dma source(%arg13 : memref<112x128xf32, #tpu.memory_space<vmem>>) target(%dma_start3A_436 : memref<10112x128xf32, #tpu.memory_space<vmem_shared>>) offsets(%dma_start3A_433 : memref<112xi32, #tpu.memory_space<vmem>>) semaphore(%arg25 : memref<!tpu.dma_semaphore, #tpu.memory_space<semaphore_mem>>) {add = true}
    %dma_wait3A_437 = arith.constant 88 : i32
    %dma_wait3A_438 = arith.constant 0 : i32
    %dma_wait3A_439 = arith.constant 0 : i32
    %dma_wait3A_440 = tpu.memref_slice %arg3[%add3A, %dma_wait3A_437, %dma_wait3A_438, %dma_wait3A_439] : memref<32x90x2x112xi32, #tpu.memory_space<hbm>> -> memref<1x1x2x112xi32, #tpu.memory_space<hbm>>
    %dma_wait3A_441 = tpu.memref_squeeze %dma_wait3A_440 : memref<1x1x2x112xi32, #tpu.memory_space<hbm>> -> memref<2x112xi32, #tpu.memory_space<hbm>>
    %dma_wait3A_442 = arith.constant 0 : i32
    %dma_wait3A_443 = arith.constant 0 : i32
    %dma_wait3A_444 = tpu.memref_slice %arg3[%add3A, %dma_wait3A_437, %dma_wait3A_442, %dma_wait3A_443] : memref<32x90x2x112xi32, #tpu.memory_space<hbm>> -> memref<1x1x2x112xi32, #tpu.memory_space<hbm>>
    %dma_wait3A_445 = tpu.memref_squeeze %dma_wait3A_444 : memref<1x1x2x112xi32, #tpu.memory_space<hbm>> -> memref<2x112xi32, #tpu.memory_space<hbm>>
    tpu.wait_dma2 semaphore(%arg19 : memref<!tpu.dma_semaphore, #tpu.memory_space<semaphore_mem>>) src(%dma_wait3A_445 : memref<2x112xi32, #tpu.memory_space<hbm>>) dst(%arg10 : memref<2x112xi32, #tpu.memory_space<vmem>>)
    %dma_wait3A_446 = arith.constant 1 : i32
    %dma_wait3A_447 = arith.constant 0 : i32
    %dma_wait3A_448 = tpu.memref_slice %arg8[%dma_wait3A_446, %dma_wait3A_447] : memref<2x112xi32, #tpu.memory_space<vmem>> -> memref<1x112xi32, #tpu.memory_space<vmem>>
    %dma_wait3A_449 = tpu.memref_squeeze %dma_wait3A_448 : memref<1x112xi32, #tpu.memory_space<vmem>> -> memref<112xi32, #tpu.memory_space<vmem>>
    %dma_wait3A_450 = arith.constant 0 : i32
    %dma_wait3A_451 = arith.constant 0 : i32
    %dma_wait3A_452 = tpu.memref_slice %arg27[%dma_wait3A_450, %dma_wait3A_451] : memref<10112x128xf32, #tpu.memory_space<vmem_shared>> -> memref<10112x128xf32, #tpu.memory_space<vmem_shared>>
    tpu.wait_indirect_dma semaphore(%arg25 : memref<!tpu.dma_semaphore, #tpu.memory_space<semaphore_mem>>) src(%arg13 : memref<112x128xf32, #tpu.memory_space<vmem>>) dst(%dma_wait3A_452 : memref<10112x128xf32, #tpu.memory_space<vmem_shared>>)
    %dma_start3A_453 = arith.constant 0 : i32
    %dma_start3A_454 = arith.constant 0 : i32
    %dma_start3A_455 = tpu.memref_slice %arg10[%dma_start3A_453, %dma_start3A_454] : memref<2x112xi32, #tpu.memory_space<vmem>> -> memref<1x112xi32, #tpu.memory_space<vmem>>
    %dma_start3A_456 = tpu.memref_squeeze %dma_start3A_455 : memref<1x112xi32, #tpu.memory_space<vmem>> -> memref<112xi32, #tpu.memory_space<vmem>>
    %dma_start3A_457 = arith.constant 0 : i32
    %dma_start3A_458 = arith.constant 0 : i32
    %dma_start3A_459 = tpu.memref_slice %arg2[%dma_start3A_457, %dma_start3A_458] : memref<10000x128xf32, #tpu.memory_space<hbm>> -> memref<10000x128xf32, #tpu.memory_space<hbm>>
    tpu.enqueue_indirect_dma source(%dma_start3A_459 : memref<10000x128xf32, #tpu.memory_space<hbm>>) target(%arg13 : memref<112x128xf32, #tpu.memory_space<vmem>>) offsets(%dma_start3A_456 : memref<112xi32, #tpu.memory_space<vmem>>) semaphore(%arg22 : memref<!tpu.dma_semaphore, #tpu.memory_space<semaphore_mem>>)
    %dma_wait3A_460 = arith.constant 0 : i32
    %dma_wait3A_461 = arith.constant 0 : i32
    %dma_wait3A_462 = tpu.memref_slice %arg8[%dma_wait3A_460, %dma_wait3A_461] : memref<2x112xi32, #tpu.memory_space<vmem>> -> memref<1x112xi32, #tpu.memory_space<vmem>>
    %dma_wait3A_463 = tpu.memref_squeeze %dma_wait3A_462 : memref<1x112xi32, #tpu.memory_space<vmem>> -> memref<112xi32, #tpu.memory_space<vmem>>
    %dma_wait3A_464 = arith.constant 0 : i32
    %dma_wait3A_465 = arith.constant 0 : i32
    %dma_wait3A_466 = tpu.memref_slice %arg2[%dma_wait3A_464, %dma_wait3A_465] : memref<10000x128xf32, #tpu.memory_space<hbm>> -> memref<10000x128xf32, #tpu.memory_space<hbm>>
    tpu.wait_indirect_dma semaphore(%arg23 : memref<!tpu.dma_semaphore, #tpu.memory_space<semaphore_mem>>) src(%dma_wait3A_466 : memref<10000x128xf32, #tpu.memory_space<hbm>>) dst(%arg14 : memref<112x128xf32, #tpu.memory_space<vmem>>)
    %dma_start3A_467 = arith.constant 1 : i32
    %dma_start3A_468 = arith.constant 0 : i32
    %dma_start3A_469 = tpu.memref_slice %arg8[%dma_start3A_467, %dma_start3A_468] : memref<2x112xi32, #tpu.memory_space<vmem>> -> memref<1x112xi32, #tpu.memory_space<vmem>>
    %dma_start3A_470 = tpu.memref_squeeze %dma_start3A_469 : memref<1x112xi32, #tpu.memory_space<vmem>> -> memref<112xi32, #tpu.memory_space<vmem>>
    %dma_start3A_471 = arith.constant 0 : i32
    %dma_start3A_472 = arith.constant 0 : i32
    %dma_start3A_473 = tpu.memref_slice %arg27[%dma_start3A_471, %dma_start3A_472] : memref<10112x128xf32, #tpu.memory_space<vmem_shared>> -> memref<10112x128xf32, #tpu.memory_space<vmem_shared>>
    tpu.enqueue_indirect_dma source(%arg14 : memref<112x128xf32, #tpu.memory_space<vmem>>) target(%dma_start3A_473 : memref<10112x128xf32, #tpu.memory_space<vmem_shared>>) offsets(%dma_start3A_470 : memref<112xi32, #tpu.memory_space<vmem>>) semaphore(%arg26 : memref<!tpu.dma_semaphore, #tpu.memory_space<semaphore_mem>>) {add = true}
    %dma_wait3A_474 = arith.constant 89 : i32
    %dma_wait3A_475 = arith.constant 0 : i32
    %dma_wait3A_476 = arith.constant 0 : i32
    %dma_wait3A_477 = tpu.memref_slice %arg3[%add3A, %dma_wait3A_474, %dma_wait3A_475, %dma_wait3A_476] : memref<32x90x2x112xi32, #tpu.memory_space<hbm>> -> memref<1x1x2x112xi32, #tpu.memory_space<hbm>>
    %dma_wait3A_478 = tpu.memref_squeeze %dma_wait3A_477 : memref<1x1x2x112xi32, #tpu.memory_space<hbm>> -> memref<2x112xi32, #tpu.memory_space<hbm>>
    %dma_wait3A_479 = arith.constant 0 : i32
    %dma_wait3A_480 = arith.constant 0 : i32
    %dma_wait3A_481 = tpu.memref_slice %arg3[%add3A, %dma_wait3A_474, %dma_wait3A_479, %dma_wait3A_480] : memref<32x90x2x112xi32, #tpu.memory_space<hbm>> -> memref<1x1x2x112xi32, #tpu.memory_space<hbm>>
    %dma_wait3A_482 = tpu.memref_squeeze %dma_wait3A_481 : memref<1x1x2x112xi32, #tpu.memory_space<hbm>> -> memref<2x112xi32, #tpu.memory_space<hbm>>
    tpu.wait_dma2 semaphore(%arg20 : memref<!tpu.dma_semaphore, #tpu.memory_space<semaphore_mem>>) src(%dma_wait3A_482 : memref<2x112xi32, #tpu.memory_space<hbm>>) dst(%arg11 : memref<2x112xi32, #tpu.memory_space<vmem>>)
    %dma_wait3A_483 = arith.constant 1 : i32
    %dma_wait3A_484 = arith.constant 0 : i32
    %dma_wait3A_485 = tpu.memref_slice %arg9[%dma_wait3A_483, %dma_wait3A_484] : memref<2x112xi32, #tpu.memory_space<vmem>> -> memref<1x112xi32, #tpu.memory_space<vmem>>
    %dma_wait3A_486 = tpu.memref_squeeze %dma_wait3A_485 : memref<1x112xi32, #tpu.memory_space<vmem>> -> memref<112xi32, #tpu.memory_space<vmem>>
    %dma_wait3A_487 = arith.constant 0 : i32
    %dma_wait3A_488 = arith.constant 0 : i32
    %dma_wait3A_489 = tpu.memref_slice %arg27[%dma_wait3A_487, %dma_wait3A_488] : memref<10112x128xf32, #tpu.memory_space<vmem_shared>> -> memref<10112x128xf32, #tpu.memory_space<vmem_shared>>
    tpu.wait_indirect_dma semaphore(%arg26 : memref<!tpu.dma_semaphore, #tpu.memory_space<semaphore_mem>>) src(%arg14 : memref<112x128xf32, #tpu.memory_space<vmem>>) dst(%dma_wait3A_489 : memref<10112x128xf32, #tpu.memory_space<vmem_shared>>)
    %dma_start3A_490 = arith.constant 0 : i32
    %dma_start3A_491 = arith.constant 0 : i32
    %dma_start3A_492 = tpu.memref_slice %arg11[%dma_start3A_490, %dma_start3A_491] : memref<2x112xi32, #tpu.memory_space<vmem>> -> memref<1x112xi32, #tpu.memory_space<vmem>>
    %dma_start3A_493 = tpu.memref_squeeze %dma_start3A_492 : memref<1x112xi32, #tpu.memory_space<vmem>> -> memref<112xi32, #tpu.memory_space<vmem>>
    %dma_start3A_494 = arith.constant 0 : i32
    %dma_start3A_495 = arith.constant 0 : i32
    %dma_start3A_496 = tpu.memref_slice %arg2[%dma_start3A_494, %dma_start3A_495] : memref<10000x128xf32, #tpu.memory_space<hbm>> -> memref<10000x128xf32, #tpu.memory_space<hbm>>
    tpu.enqueue_indirect_dma source(%dma_start3A_496 : memref<10000x128xf32, #tpu.memory_space<hbm>>) target(%arg14 : memref<112x128xf32, #tpu.memory_space<vmem>>) offsets(%dma_start3A_493 : memref<112xi32, #tpu.memory_space<vmem>>) semaphore(%arg23 : memref<!tpu.dma_semaphore, #tpu.memory_space<semaphore_mem>>)
    %dma_wait3A_497 = arith.constant 0 : i32
    %dma_wait3A_498 = arith.constant 0 : i32
    %dma_wait3A_499 = tpu.memref_slice %arg9[%dma_wait3A_497, %dma_wait3A_498] : memref<2x112xi32, #tpu.memory_space<vmem>> -> memref<1x112xi32, #tpu.memory_space<vmem>>
    %dma_wait3A_500 = tpu.memref_squeeze %dma_wait3A_499 : memref<1x112xi32, #tpu.memory_space<vmem>> -> memref<112xi32, #tpu.memory_space<vmem>>
    %dma_wait3A_501 = arith.constant 0 : i32
    %dma_wait3A_502 = arith.constant 0 : i32
    %dma_wait3A_503 = tpu.memref_slice %arg2[%dma_wait3A_501, %dma_wait3A_502] : memref<10000x128xf32, #tpu.memory_space<hbm>> -> memref<10000x128xf32, #tpu.memory_space<hbm>>
    tpu.wait_indirect_dma semaphore(%arg21 : memref<!tpu.dma_semaphore, #tpu.memory_space<semaphore_mem>>) src(%dma_wait3A_503 : memref<10000x128xf32, #tpu.memory_space<hbm>>) dst(%arg12 : memref<112x128xf32, #tpu.memory_space<vmem>>)
    %dma_start3A_504 = arith.constant 1 : i32
    %dma_start3A_505 = arith.constant 0 : i32
    %dma_start3A_506 = tpu.memref_slice %arg9[%dma_start3A_504, %dma_start3A_505] : memref<2x112xi32, #tpu.memory_space<vmem>> -> memref<1x112xi32, #tpu.memory_space<vmem>>
    %dma_start3A_507 = tpu.memref_squeeze %dma_start3A_506 : memref<1x112xi32, #tpu.memory_space<vmem>> -> memref<112xi32, #tpu.memory_space<vmem>>
    %dma_start3A_508 = arith.constant 0 : i32
    %dma_start3A_509 = arith.constant 0 : i32
    %dma_start3A_510 = tpu.memref_slice %arg27[%dma_start3A_508, %dma_start3A_509] : memref<10112x128xf32, #tpu.memory_space<vmem_shared>> -> memref<10112x128xf32, #tpu.memory_space<vmem_shared>>
    tpu.enqueue_indirect_dma source(%arg12 : memref<112x128xf32, #tpu.memory_space<vmem>>) target(%dma_start3A_510 : memref<10112x128xf32, #tpu.memory_space<vmem_shared>>) offsets(%dma_start3A_507 : memref<112xi32, #tpu.memory_space<vmem>>) semaphore(%arg24 : memref<!tpu.dma_semaphore, #tpu.memory_space<semaphore_mem>>) {add = true}
    %dma_wait3A_511 = arith.constant 1 : i32
    %dma_wait3A_512 = arith.constant 0 : i32
    %dma_wait3A_513 = tpu.memref_slice %arg10[%dma_wait3A_511, %dma_wait3A_512] : memref<2x112xi32, #tpu.memory_space<vmem>> -> memref<1x112xi32, #tpu.memory_space<vmem>>
    %dma_wait3A_514 = tpu.memref_squeeze %dma_wait3A_513 : memref<1x112xi32, #tpu.memory_space<vmem>> -> memref<112xi32, #tpu.memory_space<vmem>>
    %dma_wait3A_515 = arith.constant 0 : i32
    %dma_wait3A_516 = arith.constant 0 : i32
    %dma_wait3A_517 = tpu.memref_slice %arg27[%dma_wait3A_515, %dma_wait3A_516] : memref<10112x128xf32, #tpu.memory_space<vmem_shared>> -> memref<10112x128xf32, #tpu.memory_space<vmem_shared>>
    tpu.wait_indirect_dma semaphore(%arg24 : memref<!tpu.dma_semaphore, #tpu.memory_space<semaphore_mem>>) src(%arg12 : memref<112x128xf32, #tpu.memory_space<vmem>>) dst(%dma_wait3A_517 : memref<10112x128xf32, #tpu.memory_space<vmem_shared>>)
    %dma_wait3A_518 = arith.constant 0 : i32
    %dma_wait3A_519 = arith.constant 0 : i32
    %dma_wait3A_520 = tpu.memref_slice %arg10[%dma_wait3A_518, %dma_wait3A_519] : memref<2x112xi32, #tpu.memory_space<vmem>> -> memref<1x112xi32, #tpu.memory_space<vmem>>
    %dma_wait3A_521 = tpu.memref_squeeze %dma_wait3A_520 : memref<1x112xi32, #tpu.memory_space<vmem>> -> memref<112xi32, #tpu.memory_space<vmem>>
    %dma_wait3A_522 = arith.constant 0 : i32
    %dma_wait3A_523 = arith.constant 0 : i32
    %dma_wait3A_524 = tpu.memref_slice %arg2[%dma_wait3A_522, %dma_wait3A_523] : memref<10000x128xf32, #tpu.memory_space<hbm>> -> memref<10000x128xf32, #tpu.memory_space<hbm>>
    tpu.wait_indirect_dma semaphore(%arg22 : memref<!tpu.dma_semaphore, #tpu.memory_space<semaphore_mem>>) src(%dma_wait3A_524 : memref<10000x128xf32, #tpu.memory_space<hbm>>) dst(%arg13 : memref<112x128xf32, #tpu.memory_space<vmem>>)
    %dma_start3A_525 = arith.constant 1 : i32
    %dma_start3A_526 = arith.constant 0 : i32
    %dma_start3A_527 = tpu.memref_slice %arg10[%dma_start3A_525, %dma_start3A_526] : memref<2x112xi32, #tpu.memory_space<vmem>> -> memref<1x112xi32, #tpu.memory_space<vmem>>
    %dma_start3A_528 = tpu.memref_squeeze %dma_start3A_527 : memref<1x112xi32, #tpu.memory_space<vmem>> -> memref<112xi32, #tpu.memory_space<vmem>>
    %dma_start3A_529 = arith.constant 0 : i32
    %dma_start3A_530 = arith.constant 0 : i32
    %dma_start3A_531 = tpu.memref_slice %arg27[%dma_start3A_529, %dma_start3A_530] : memref<10112x128xf32, #tpu.memory_space<vmem_shared>> -> memref<10112x128xf32, #tpu.memory_space<vmem_shared>>
    tpu.enqueue_indirect_dma source(%arg13 : memref<112x128xf32, #tpu.memory_space<vmem>>) target(%dma_start3A_531 : memref<10112x128xf32, #tpu.memory_space<vmem_shared>>) offsets(%dma_start3A_528 : memref<112xi32, #tpu.memory_space<vmem>>) semaphore(%arg25 : memref<!tpu.dma_semaphore, #tpu.memory_space<semaphore_mem>>) {add = true}
    %dma_wait3A_532 = arith.constant 1 : i32
    %dma_wait3A_533 = arith.constant 0 : i32
    %dma_wait3A_534 = tpu.memref_slice %arg11[%dma_wait3A_532, %dma_wait3A_533] : memref<2x112xi32, #tpu.memory_space<vmem>> -> memref<1x112xi32, #tpu.memory_space<vmem>>
    %dma_wait3A_535 = tpu.memref_squeeze %dma_wait3A_534 : memref<1x112xi32, #tpu.memory_space<vmem>> -> memref<112xi32, #tpu.memory_space<vmem>>
    %dma_wait3A_536 = arith.constant 0 : i32
    %dma_wait3A_537 = arith.constant 0 : i32
    %dma_wait3A_538 = tpu.memref_slice %arg27[%dma_wait3A_536, %dma_wait3A_537] : memref<10112x128xf32, #tpu.memory_space<vmem_shared>> -> memref<10112x128xf32, #tpu.memory_space<vmem_shared>>
    tpu.wait_indirect_dma semaphore(%arg25 : memref<!tpu.dma_semaphore, #tpu.memory_space<semaphore_mem>>) src(%arg13 : memref<112x128xf32, #tpu.memory_space<vmem>>) dst(%dma_wait3A_538 : memref<10112x128xf32, #tpu.memory_space<vmem_shared>>)
    %dma_wait3A_539 = arith.constant 0 : i32
    %dma_wait3A_540 = arith.constant 0 : i32
    %dma_wait3A_541 = tpu.memref_slice %arg11[%dma_wait3A_539, %dma_wait3A_540] : memref<2x112xi32, #tpu.memory_space<vmem>> -> memref<1x112xi32, #tpu.memory_space<vmem>>
    %dma_wait3A_542 = tpu.memref_squeeze %dma_wait3A_541 : memref<1x112xi32, #tpu.memory_space<vmem>> -> memref<112xi32, #tpu.memory_space<vmem>>
    %dma_wait3A_543 = arith.constant 0 : i32
    %dma_wait3A_544 = arith.constant 0 : i32
    %dma_wait3A_545 = tpu.memref_slice %arg2[%dma_wait3A_543, %dma_wait3A_544] : memref<10000x128xf32, #tpu.memory_space<hbm>> -> memref<10000x128xf32, #tpu.memory_space<hbm>>
    tpu.wait_indirect_dma semaphore(%arg23 : memref<!tpu.dma_semaphore, #tpu.memory_space<semaphore_mem>>) src(%dma_wait3A_545 : memref<10000x128xf32, #tpu.memory_space<hbm>>) dst(%arg14 : memref<112x128xf32, #tpu.memory_space<vmem>>)
    %dma_start3A_546 = arith.constant 1 : i32
    %dma_start3A_547 = arith.constant 0 : i32
    %dma_start3A_548 = tpu.memref_slice %arg11[%dma_start3A_546, %dma_start3A_547] : memref<2x112xi32, #tpu.memory_space<vmem>> -> memref<1x112xi32, #tpu.memory_space<vmem>>
    %dma_start3A_549 = tpu.memref_squeeze %dma_start3A_548 : memref<1x112xi32, #tpu.memory_space<vmem>> -> memref<112xi32, #tpu.memory_space<vmem>>
    %dma_start3A_550 = arith.constant 0 : i32
    %dma_start3A_551 = arith.constant 0 : i32
    %dma_start3A_552 = tpu.memref_slice %arg27[%dma_start3A_550, %dma_start3A_551] : memref<10112x128xf32, #tpu.memory_space<vmem_shared>> -> memref<10112x128xf32, #tpu.memory_space<vmem_shared>>
    tpu.enqueue_indirect_dma source(%arg14 : memref<112x128xf32, #tpu.memory_space<vmem>>) target(%dma_start3A_552 : memref<10112x128xf32, #tpu.memory_space<vmem_shared>>) offsets(%dma_start3A_549 : memref<112xi32, #tpu.memory_space<vmem>>) semaphore(%arg26 : memref<!tpu.dma_semaphore, #tpu.memory_space<semaphore_mem>>) {add = true}
    %dma_wait3A_553 = arith.constant 1 : i32
    %dma_wait3A_554 = arith.constant 0 : i32
    %dma_wait3A_555 = tpu.memref_slice %arg11[%dma_wait3A_553, %dma_wait3A_554] : memref<2x112xi32, #tpu.memory_space<vmem>> -> memref<1x112xi32, #tpu.memory_space<vmem>>
    %dma_wait3A_556 = tpu.memref_squeeze %dma_wait3A_555 : memref<1x112xi32, #tpu.memory_space<vmem>> -> memref<112xi32, #tpu.memory_space<vmem>>
    %dma_wait3A_557 = arith.constant 0 : i32
    %dma_wait3A_558 = arith.constant 0 : i32
    %dma_wait3A_559 = tpu.memref_slice %arg27[%dma_wait3A_557, %dma_wait3A_558] : memref<10112x128xf32, #tpu.memory_space<vmem_shared>> -> memref<10112x128xf32, #tpu.memory_space<vmem_shared>>
    tpu.wait_indirect_dma semaphore(%arg26 : memref<!tpu.dma_semaphore, #tpu.memory_space<semaphore_mem>>) src(%arg14 : memref<112x128xf32, #tpu.memory_space<vmem>>) dst(%dma_wait3A_559 : memref<10112x128xf32, #tpu.memory_space<vmem_shared>>)
    %barrier3A_560 = arith.constant 0 : index
    tpu.barrier barrier_id(%barrier3A_560)
    %mul3A_561 = arith.constant 632 : i32
    %mul3A_562 = arith.muli %arg1, %mul3A_561 : i32
    %mul3A_563 = arith.constant 632 : i32
    %mul3A_564 = arith.muli %arg1, %mul3A_563 : i32
    "tpu.region"() ({
      %run_scoped3A = tpu.sem_alloc : memref<!tpu.dma_semaphore, #tpu.memory_space<semaphore_mem>>
      %dma_start3A_565 = arith.constant 0 : i32
      %dma_start3A_566 = tpu.memref_slice %arg5[%arg0, %mul3A_564, %dma_start3A_565] : memref<2x10112x128xf32, #tpu.memory_space<hbm>> -> memref<1x632x128xf32, #tpu.memory_space<hbm>>
      %dma_start3A_567 = tpu.memref_squeeze %dma_start3A_566 : memref<1x632x128xf32, #tpu.memory_space<hbm>> -> memref<632x128xf32, #tpu.memory_space<hbm>>
      %dma_start3A_568 = arith.constant 0 : i32
      %dma_start3A_569 = tpu.memref_slice %arg27[%mul3A_562, %dma_start3A_568] : memref<10112x128xf32, #tpu.memory_space<vmem_shared>> -> memref<632x128xf32, #tpu.memory_space<vmem_shared>>
      tpu.enqueue_dma source(%dma_start3A_569 : memref<632x128xf32, #tpu.memory_space<vmem_shared>>) target(%dma_start3A_567 : memref<632x128xf32, #tpu.memory_space<hbm>>) target_semaphore(%run_scoped3A : memref<!tpu.dma_semaphore, #tpu.memory_space<semaphore_mem>>)
      %dma_wait3A_570 = arith.constant 0 : i32
      %dma_wait3A_571 = tpu.memref_slice %arg5[%arg0, %mul3A_564, %dma_wait3A_570] : memref<2x10112x128xf32, #tpu.memory_space<hbm>> -> memref<1x632x128xf32, #tpu.memory_space<hbm>>
      %dma_wait3A_572 = tpu.memref_squeeze %dma_wait3A_571 : memref<1x632x128xf32, #tpu.memory_space<hbm>> -> memref<632x128xf32, #tpu.memory_space<hbm>>
      %dma_wait3A_573 = arith.constant 0 : i32
      %dma_wait3A_574 = tpu.memref_slice %arg27[%mul3A_562, %dma_wait3A_573] : memref<10112x128xf32, #tpu.memory_space<vmem_shared>> -> memref<632x128xf32, #tpu.memory_space<vmem_shared>>
      tpu.wait_dma2 semaphore(%run_scoped3A : memref<!tpu.dma_semaphore, #tpu.memory_space<semaphore_mem>>) src(%dma_wait3A_574 : memref<632x128xf32, #tpu.memory_space<vmem_shared>>) dst(%dma_wait3A_572 : memref<632x128xf32, #tpu.memory_space<hbm>>)
      tpu.yield
    }) : () -> ()
    return
  }
}

#map = affine_map<(d0, d1) -> (0, 0)>
#map1 = affine_map<(d0, d1) -> (0, 0, 0, 0)>
#map2 = affine_map<(d0, d1) -> (0, 0, 0)>
module attributes {stable_mosaic.version = 14 : i64} {
  func.func @body(%arg0: i32, %arg1: i32, %arg2: memref<10000x128xf32, #tpu.memory_space<hbm>>, %arg3: memref<32x90x2x112xi32, #tpu.memory_space<hbm>>, %arg4: memref<10112x128xf32, #tpu.memory_space<hbm>>, %arg5: memref<2x10112x128xf32, #tpu.memory_space<hbm>>, %arg6: memref<2x112xi32, #tpu.memory_space<vmem>>, %arg7: memref<2x112xi32, #tpu.memory_space<vmem>>, %arg8: memref<2x112xi32, #tpu.memory_space<vmem>>, %arg9: memref<2x112xi32, #tpu.memory_space<vmem>>, %arg10: memref<2x112xi32, #tpu.memory_space<vmem>>, %arg11: memref<2x112xi32, #tpu.memory_space<vmem>>, %arg12: memref<112x128xf32, #tpu.memory_space<vmem>>, %arg13: memref<112x128xf32, #tpu.memory_space<vmem>>, %arg14: memref<112x128xf32, #tpu.memory_space<vmem>>, %arg15: memref<!tpu.dma_semaphore, #tpu.memory_space<semaphore_mem>>, %arg16: memref<!tpu.dma_semaphore, #tpu.memory_space<semaphore_mem>>, %arg17: memref<!tpu.dma_semaphore, #tpu.memory_space<semaphore_mem>>, %arg18: memref<!tpu.dma_semaphore, #tpu.memory_space<semaphore_mem>>, %arg19: memref<!tpu.dma_semaphore, #tpu.memory_space<semaphore_mem>>, %arg20: memref<!tpu.dma_semaphore, #tpu.memory_space<semaphore_mem>>, %arg21: memref<!tpu.dma_semaphore, #tpu.memory_space<semaphore_mem>>, %arg22: memref<!tpu.dma_semaphore, #tpu.memory_space<semaphore_mem>>, %arg23: memref<!tpu.dma_semaphore, #tpu.memory_space<semaphore_mem>>, %arg24: memref<!tpu.dma_semaphore, #tpu.memory_space<semaphore_mem>>, %arg25: memref<!tpu.dma_semaphore, #tpu.memory_space<semaphore_mem>>, %arg26: memref<!tpu.dma_semaphore, #tpu.memory_space<semaphore_mem>>, %arg27: memref<10112x128xf32, #tpu.memory_space<vmem_shared>>) attributes {dimension_semantics = [#tpu.dimension_semantics<core_parallel>, #tpu.dimension_semantics<subcore_parallel>], iteration_bounds = array<i64: 2, 16>, scalar_prefetch = 0 : i64, scratch_operands = 22 : i64, tpu.core_type = #tpu.core_type<sc_vector_subcore>, window_params = [{transform_indices = #map}, {transform_indices = #map1}, {transform_indices = #map}, {transform_indices = #map2}]} {
    %mul3A = arith.constant 16 : i32
    %mul3A_0 = arith.muli %arg0, %mul3A : i32
    %add3A = arith.addi %mul3A_0, %arg1 : i32
    %mul3A_1 = arith.constant 632 : i32
    %mul3A_2 = arith.muli %arg1, %mul3A_1 : i32
    %mul3A_3 = arith.constant 632 : i32
    %mul3A_4 = arith.muli %arg1, %mul3A_3 : i32
    "tpu.region"() ({
      %run_scoped3A = tpu.sem_alloc : memref<!tpu.dma_semaphore, #tpu.memory_space<semaphore_mem>>
      %dma_start3A_565 = arith.constant 0 : i32
      %dma_start3A_566 = tpu.memref_slice %arg27[%mul3A_4, %dma_start3A_565] : memref<10112x128xf32, #tpu.memory_space<vmem_shared>> -> memref<632x128xf32, #tpu.memory_space<vmem_shared>>
      %dma_start3A_567 = arith.constant 0 : i32
      %dma_start3A_568 = tpu.memref_slice %arg4[%mul3A_2, %dma_start3A_567] : memref<10112x128xf32, #tpu.memory_space<hbm>> -> memref<632x128xf32, #tpu.memory_space<hbm>>
      tpu.enqueue_dma source(%dma_start3A_568 : memref<632x128xf32, #tpu.memory_space<hbm>>) target(%dma_start3A_566 : memref<632x128xf32, #tpu.memory_space<vmem_shared>>) target_semaphore(%run_scoped3A : memref<!tpu.dma_semaphore, #tpu.memory_space<semaphore_mem>>)
      %dma_wait3A_569 = arith.constant 0 : i32
      %dma_wait3A_570 = tpu.memref_slice %arg27[%mul3A_4, %dma_wait3A_569] : memref<10112x128xf32, #tpu.memory_space<vmem_shared>> -> memref<632x128xf32, #tpu.memory_space<vmem_shared>>
      %dma_wait3A_571 = arith.constant 0 : i32
      %dma_wait3A_572 = tpu.memref_slice %arg4[%mul3A_2, %dma_wait3A_571] : memref<10112x128xf32, #tpu.memory_space<hbm>> -> memref<632x128xf32, #tpu.memory_space<hbm>>
      tpu.wait_dma2 semaphore(%run_scoped3A : memref<!tpu.dma_semaphore, #tpu.memory_space<semaphore_mem>>) src(%dma_wait3A_572 : memref<632x128xf32, #tpu.memory_space<hbm>>) dst(%dma_wait3A_570 : memref<632x128xf32, #tpu.memory_space<vmem_shared>>)
      tpu.yield
    }) : () -> ()
    %barrier3A = arith.constant 0 : index
    tpu.barrier barrier_id(%barrier3A)
    %dma_start3A = arith.constant 0 : i32
    %dma_start3A_5 = arith.constant 0 : i32
    %dma_start3A_6 = arith.constant 0 : i32
    %dma_start3A_7 = tpu.memref_slice %arg3[%add3A, %dma_start3A, %dma_start3A_5, %dma_start3A_6] : memref<32x90x2x112xi32, #tpu.memory_space<hbm>> -> memref<1x1x2x112xi32, #tpu.memory_space<hbm>>
    %dma_start3A_8 = tpu.memref_squeeze %dma_start3A_7 : memref<1x1x2x112xi32, #tpu.memory_space<hbm>> -> memref<2x112xi32, #tpu.memory_space<hbm>>
    %dma_start3A_9 = arith.constant 0 : i32
    %dma_start3A_10 = arith.constant 0 : i32
    %dma_start3A_11 = tpu.memref_slice %arg3[%add3A, %dma_start3A, %dma_start3A_9, %dma_start3A_10] : memref<32x90x2x112xi32, #tpu.memory_space<hbm>> -> memref<1x1x2x112xi32, #tpu.memory_space<hbm>>
    %dma_start3A_12 = tpu.memref_squeeze %dma_start3A_11 : memref<1x1x2x112xi32, #tpu.memory_space<hbm>> -> memref<2x112xi32, #tpu.memory_space<hbm>>
    tpu.enqueue_dma source(%dma_start3A_12 : memref<2x112xi32, #tpu.memory_space<hbm>>) target(%arg6 : memref<2x112xi32, #tpu.memory_space<vmem>>) target_semaphore(%arg15 : memref<!tpu.dma_semaphore, #tpu.memory_space<semaphore_mem>>)
    %dma_start3A_13 = arith.constant 1 : i32
    %dma_start3A_14 = arith.constant 0 : i32
    %dma_start3A_15 = arith.constant 0 : i32
    %dma_start3A_16 = tpu.memref_slice %arg3[%add3A, %dma_start3A_13, %dma_start3A_14, %dma_start3A_15] : memref<32x90x2x112xi32, #tpu.memory_space<hbm>> -> memref<1x1x2x112xi32, #tpu.memory_space<hbm>>
    %dma_start3A_17 = tpu.memref_squeeze %dma_start3A_16 : memref<1x1x2x112xi32, #tpu.memory_space<hbm>> -> memref<2x112xi32, #tpu.memory_space<hbm>>
    %dma_start3A_18 = arith.constant 0 : i32
    %dma_start3A_19 = arith.constant 0 : i32
    %dma_start3A_20 = tpu.memref_slice %arg3[%add3A, %dma_start3A_13, %dma_start3A_18, %dma_start3A_19] : memref<32x90x2x112xi32, #tpu.memory_space<hbm>> -> memref<1x1x2x112xi32, #tpu.memory_space<hbm>>
    %dma_start3A_21 = tpu.memref_squeeze %dma_start3A_20 : memref<1x1x2x112xi32, #tpu.memory_space<hbm>> -> memref<2x112xi32, #tpu.memory_space<hbm>>
    tpu.enqueue_dma source(%dma_start3A_21 : memref<2x112xi32, #tpu.memory_space<hbm>>) target(%arg7 : memref<2x112xi32, #tpu.memory_space<vmem>>) target_semaphore(%arg16 : memref<!tpu.dma_semaphore, #tpu.memory_space<semaphore_mem>>)
    %dma_start3A_22 = arith.constant 2 : i32
    %dma_start3A_23 = arith.constant 0 : i32
    %dma_start3A_24 = arith.constant 0 : i32
    %dma_start3A_25 = tpu.memref_slice %arg3[%add3A, %dma_start3A_22, %dma_start3A_23, %dma_start3A_24] : memref<32x90x2x112xi32, #tpu.memory_space<hbm>> -> memref<1x1x2x112xi32, #tpu.memory_space<hbm>>
    %dma_start3A_26 = tpu.memref_squeeze %dma_start3A_25 : memref<1x1x2x112xi32, #tpu.memory_space<hbm>> -> memref<2x112xi32, #tpu.memory_space<hbm>>
    %dma_start3A_27 = arith.constant 0 : i32
    %dma_start3A_28 = arith.constant 0 : i32
    %dma_start3A_29 = tpu.memref_slice %arg3[%add3A, %dma_start3A_22, %dma_start3A_27, %dma_start3A_28] : memref<32x90x2x112xi32, #tpu.memory_space<hbm>> -> memref<1x1x2x112xi32, #tpu.memory_space<hbm>>
    %dma_start3A_30 = tpu.memref_squeeze %dma_start3A_29 : memref<1x1x2x112xi32, #tpu.memory_space<hbm>> -> memref<2x112xi32, #tpu.memory_space<hbm>>
    tpu.enqueue_dma source(%dma_start3A_30 : memref<2x112xi32, #tpu.memory_space<hbm>>) target(%arg8 : memref<2x112xi32, #tpu.memory_space<vmem>>) target_semaphore(%arg17 : memref<!tpu.dma_semaphore, #tpu.memory_space<semaphore_mem>>)
    %dma_start3A_31 = arith.constant 3 : i32
    %dma_start3A_32 = arith.constant 0 : i32
    %dma_start3A_33 = arith.constant 0 : i32
    %dma_start3A_34 = tpu.memref_slice %arg3[%add3A, %dma_start3A_31, %dma_start3A_32, %dma_start3A_33] : memref<32x90x2x112xi32, #tpu.memory_space<hbm>> -> memref<1x1x2x112xi32, #tpu.memory_space<hbm>>
    %dma_start3A_35 = tpu.memref_squeeze %dma_start3A_34 : memref<1x1x2x112xi32, #tpu.memory_space<hbm>> -> memref<2x112xi32, #tpu.memory_space<hbm>>
    %dma_start3A_36 = arith.constant 0 : i32
    %dma_start3A_37 = arith.constant 0 : i32
    %dma_start3A_38 = tpu.memref_slice %arg3[%add3A, %dma_start3A_31, %dma_start3A_36, %dma_start3A_37] : memref<32x90x2x112xi32, #tpu.memory_space<hbm>> -> memref<1x1x2x112xi32, #tpu.memory_space<hbm>>
    %dma_start3A_39 = tpu.memref_squeeze %dma_start3A_38 : memref<1x1x2x112xi32, #tpu.memory_space<hbm>> -> memref<2x112xi32, #tpu.memory_space<hbm>>
    tpu.enqueue_dma source(%dma_start3A_39 : memref<2x112xi32, #tpu.memory_space<hbm>>) target(%arg9 : memref<2x112xi32, #tpu.memory_space<vmem>>) target_semaphore(%arg18 : memref<!tpu.dma_semaphore, #tpu.memory_space<semaphore_mem>>)
    %dma_start3A_40 = arith.constant 4 : i32
    %dma_start3A_41 = arith.constant 0 : i32
    %dma_start3A_42 = arith.constant 0 : i32
    %dma_start3A_43 = tpu.memref_slice %arg3[%add3A, %dma_start3A_40, %dma_start3A_41, %dma_start3A_42] : memref<32x90x2x112xi32, #tpu.memory_space<hbm>> -> memref<1x1x2x112xi32, #tpu.memory_space<hbm>>
    %dma_start3A_44 = tpu.memref_squeeze %dma_start3A_43 : memref<1x1x2x112xi32, #tpu.memory_space<hbm>> -> memref<2x112xi32, #tpu.memory_space<hbm>>
    %dma_start3A_45 = arith.constant 0 : i32
    %dma_start3A_46 = arith.constant 0 : i32
    %dma_start3A_47 = tpu.memref_slice %arg3[%add3A, %dma_start3A_40, %dma_start3A_45, %dma_start3A_46] : memref<32x90x2x112xi32, #tpu.memory_space<hbm>> -> memref<1x1x2x112xi32, #tpu.memory_space<hbm>>
    %dma_start3A_48 = tpu.memref_squeeze %dma_start3A_47 : memref<1x1x2x112xi32, #tpu.memory_space<hbm>> -> memref<2x112xi32, #tpu.memory_space<hbm>>
    tpu.enqueue_dma source(%dma_start3A_48 : memref<2x112xi32, #tpu.memory_space<hbm>>) target(%arg10 : memref<2x112xi32, #tpu.memory_space<vmem>>) target_semaphore(%arg19 : memref<!tpu.dma_semaphore, #tpu.memory_space<semaphore_mem>>)
    %dma_start3A_49 = arith.constant 5 : i32
    %dma_start3A_50 = arith.constant 0 : i32
    %dma_start3A_51 = arith.constant 0 : i32
    %dma_start3A_52 = tpu.memref_slice %arg3[%add3A, %dma_start3A_49, %dma_start3A_50, %dma_start3A_51] : memref<32x90x2x112xi32, #tpu.memory_space<hbm>> -> memref<1x1x2x112xi32, #tpu.memory_space<hbm>>
    %dma_start3A_53 = tpu.memref_squeeze %dma_start3A_52 : memref<1x1x2x112xi32, #tpu.memory_space<hbm>> -> memref<2x112xi32, #tpu.memory_space<hbm>>
    %dma_start3A_54 = arith.constant 0 : i32
    %dma_start3A_55 = arith.constant 0 : i32
    %dma_start3A_56 = tpu.memref_slice %arg3[%add3A, %dma_start3A_49, %dma_start3A_54, %dma_start3A_55] : memref<32x90x2x112xi32, #tpu.memory_space<hbm>> -> memref<1x1x2x112xi32, #tpu.memory_space<hbm>>
    %dma_start3A_57 = tpu.memref_squeeze %dma_start3A_56 : memref<1x1x2x112xi32, #tpu.memory_space<hbm>> -> memref<2x112xi32, #tpu.memory_space<hbm>>
    tpu.enqueue_dma source(%dma_start3A_57 : memref<2x112xi32, #tpu.memory_space<hbm>>) target(%arg11 : memref<2x112xi32, #tpu.memory_space<vmem>>) target_semaphore(%arg20 : memref<!tpu.dma_semaphore, #tpu.memory_space<semaphore_mem>>)
    %dma_wait3A = arith.constant 0 : i32
    %dma_wait3A_58 = arith.constant 0 : i32
    %dma_wait3A_59 = arith.constant 0 : i32
    %dma_wait3A_60 = tpu.memref_slice %arg3[%add3A, %dma_wait3A, %dma_wait3A_58, %dma_wait3A_59] : memref<32x90x2x112xi32, #tpu.memory_space<hbm>> -> memref<1x1x2x112xi32, #tpu.memory_space<hbm>>
    %dma_wait3A_61 = tpu.memref_squeeze %dma_wait3A_60 : memref<1x1x2x112xi32, #tpu.memory_space<hbm>> -> memref<2x112xi32, #tpu.memory_space<hbm>>
    %dma_wait3A_62 = arith.constant 0 : i32
    %dma_wait3A_63 = arith.constant 0 : i32
    %dma_wait3A_64 = tpu.memref_slice %arg3[%add3A, %dma_wait3A, %dma_wait3A_62, %dma_wait3A_63] : memref<32x90x2x112xi32, #tpu.memory_space<hbm>> -> memref<1x1x2x112xi32, #tpu.memory_space<hbm>>
    %dma_wait3A_65 = tpu.memref_squeeze %dma_wait3A_64 : memref<1x1x2x112xi32, #tpu.memory_space<hbm>> -> memref<2x112xi32, #tpu.memory_space<hbm>>
    tpu.wait_dma2 semaphore(%arg15 : memref<!tpu.dma_semaphore, #tpu.memory_space<semaphore_mem>>) src(%dma_wait3A_65 : memref<2x112xi32, #tpu.memory_space<hbm>>) dst(%arg6 : memref<2x112xi32, #tpu.memory_space<vmem>>)
    %dma_start3A_66 = arith.constant 0 : i32
    %dma_start3A_67 = arith.constant 0 : i32
    %dma_start3A_68 = tpu.memref_slice %arg6[%dma_start3A_66, %dma_start3A_67] : memref<2x112xi32, #tpu.memory_space<vmem>> -> memref<1x112xi32, #tpu.memory_space<vmem>>
    %dma_start3A_69 = tpu.memref_squeeze %dma_start3A_68 : memref<1x112xi32, #tpu.memory_space<vmem>> -> memref<112xi32, #tpu.memory_space<vmem>>
    %dma_start3A_70 = arith.constant 0 : i32
    %dma_start3A_71 = arith.constant 0 : i32
    %dma_start3A_72 = tpu.memref_slice %arg2[%dma_start3A_70, %dma_start3A_71] : memref<10000x128xf32, #tpu.memory_space<hbm>> -> memref<10000x128xf32, #tpu.memory_space<hbm>>
    tpu.enqueue_indirect_dma source(%dma_start3A_72 : memref<10000x128xf32, #tpu.memory_space<hbm>>) target(%arg12 : memref<112x128xf32, #tpu.memory_space<vmem>>) offsets(%dma_start3A_69 : memref<112xi32, #tpu.memory_space<vmem>>) semaphore(%arg21 : memref<!tpu.dma_semaphore, #tpu.memory_space<semaphore_mem>>)
    %dma_wait3A_73 = arith.constant 1 : i32
    %dma_wait3A_74 = arith.constant 0 : i32
    %dma_wait3A_75 = arith.constant 0 : i32
    %dma_wait3A_76 = tpu.memref_slice %arg3[%add3A, %dma_wait3A_73, %dma_wait3A_74, %dma_wait3A_75] : memref<32x90x2x112xi32, #tpu.memory_space<hbm>> -> memref<1x1x2x112xi32, #tpu.memory_space<hbm>>
    %dma_wait3A_77 = tpu.memref_squeeze %dma_wait3A_76 : memref<1x1x2x112xi32, #tpu.memory_space<hbm>> -> memref<2x112xi32, #tpu.memory_space<hbm>>
    %dma_wait3A_78 = arith.constant 0 : i32
    %dma_wait3A_79 = arith.constant 0 : i32
    %dma_wait3A_80 = tpu.memref_slice %arg3[%add3A, %dma_wait3A_73, %dma_wait3A_78, %dma_wait3A_79] : memref<32x90x2x112xi32, #tpu.memory_space<hbm>> -> memref<1x1x2x112xi32, #tpu.memory_space<hbm>>
    %dma_wait3A_81 = tpu.memref_squeeze %dma_wait3A_80 : memref<1x1x2x112xi32, #tpu.memory_space<hbm>> -> memref<2x112xi32, #tpu.memory_space<hbm>>
    tpu.wait_dma2 semaphore(%arg16 : memref<!tpu.dma_semaphore, #tpu.memory_space<semaphore_mem>>) src(%dma_wait3A_81 : memref<2x112xi32, #tpu.memory_space<hbm>>) dst(%arg7 : memref<2x112xi32, #tpu.memory_space<vmem>>)
    %dma_start3A_82 = arith.constant 0 : i32
    %dma_start3A_83 = arith.constant 0 : i32
    %dma_start3A_84 = tpu.memref_slice %arg7[%dma_start3A_82, %dma_start3A_83] : memref<2x112xi32, #tpu.memory_space<vmem>> -> memref<1x112xi32, #tpu.memory_space<vmem>>
    %dma_start3A_85 = tpu.memref_squeeze %dma_start3A_84 : memref<1x112xi32, #tpu.memory_space<vmem>> -> memref<112xi32, #tpu.memory_space<vmem>>
    %dma_start3A_86 = arith.constant 0 : i32
    %dma_start3A_87 = arith.constant 0 : i32
    %dma_start3A_88 = tpu.memref_slice %arg2[%dma_start3A_86, %dma_start3A_87] : memref<10000x128xf32, #tpu.memory_space<hbm>> -> memref<10000x128xf32, #tpu.memory_space<hbm>>
    tpu.enqueue_indirect_dma source(%dma_start3A_88 : memref<10000x128xf32, #tpu.memory_space<hbm>>) target(%arg13 : memref<112x128xf32, #tpu.memory_space<vmem>>) offsets(%dma_start3A_85 : memref<112xi32, #tpu.memory_space<vmem>>) semaphore(%arg22 : memref<!tpu.dma_semaphore, #tpu.memory_space<semaphore_mem>>)
    %dma_wait3A_89 = arith.constant 2 : i32
    %dma_wait3A_90 = arith.constant 0 : i32
    %dma_wait3A_91 = arith.constant 0 : i32
    %dma_wait3A_92 = tpu.memref_slice %arg3[%add3A, %dma_wait3A_89, %dma_wait3A_90, %dma_wait3A_91] : memref<32x90x2x112xi32, #tpu.memory_space<hbm>> -> memref<1x1x2x112xi32, #tpu.memory_space<hbm>>
    %dma_wait3A_93 = tpu.memref_squeeze %dma_wait3A_92 : memref<1x1x2x112xi32, #tpu.memory_space<hbm>> -> memref<2x112xi32, #tpu.memory_space<hbm>>
    %dma_wait3A_94 = arith.constant 0 : i32
    %dma_wait3A_95 = arith.constant 0 : i32
    %dma_wait3A_96 = tpu.memref_slice %arg3[%add3A, %dma_wait3A_89, %dma_wait3A_94, %dma_wait3A_95] : memref<32x90x2x112xi32, #tpu.memory_space<hbm>> -> memref<1x1x2x112xi32, #tpu.memory_space<hbm>>
    %dma_wait3A_97 = tpu.memref_squeeze %dma_wait3A_96 : memref<1x1x2x112xi32, #tpu.memory_space<hbm>> -> memref<2x112xi32, #tpu.memory_space<hbm>>
    tpu.wait_dma2 semaphore(%arg17 : memref<!tpu.dma_semaphore, #tpu.memory_space<semaphore_mem>>) src(%dma_wait3A_97 : memref<2x112xi32, #tpu.memory_space<hbm>>) dst(%arg8 : memref<2x112xi32, #tpu.memory_space<vmem>>)
    %dma_start3A_98 = arith.constant 0 : i32
    %dma_start3A_99 = arith.constant 0 : i32
    %dma_start3A_100 = tpu.memref_slice %arg8[%dma_start3A_98, %dma_start3A_99] : memref<2x112xi32, #tpu.memory_space<vmem>> -> memref<1x112xi32, #tpu.memory_space<vmem>>
    %dma_start3A_101 = tpu.memref_squeeze %dma_start3A_100 : memref<1x112xi32, #tpu.memory_space<vmem>> -> memref<112xi32, #tpu.memory_space<vmem>>
    %dma_start3A_102 = arith.constant 0 : i32
    %dma_start3A_103 = arith.constant 0 : i32
    %dma_start3A_104 = tpu.memref_slice %arg2[%dma_start3A_102, %dma_start3A_103] : memref<10000x128xf32, #tpu.memory_space<hbm>> -> memref<10000x128xf32, #tpu.memory_space<hbm>>
    tpu.enqueue_indirect_dma source(%dma_start3A_104 : memref<10000x128xf32, #tpu.memory_space<hbm>>) target(%arg14 : memref<112x128xf32, #tpu.memory_space<vmem>>) offsets(%dma_start3A_101 : memref<112xi32, #tpu.memory_space<vmem>>) semaphore(%arg23 : memref<!tpu.dma_semaphore, #tpu.memory_space<semaphore_mem>>)
    %dma_wait3A_105 = arith.constant 0 : i32
    %dma_wait3A_106 = arith.constant 0 : i32
    %dma_wait3A_107 = tpu.memref_slice %arg6[%dma_wait3A_105, %dma_wait3A_106] : memref<2x112xi32, #tpu.memory_space<vmem>> -> memref<1x112xi32, #tpu.memory_space<vmem>>
    %dma_wait3A_108 = tpu.memref_squeeze %dma_wait3A_107 : memref<1x112xi32, #tpu.memory_space<vmem>> -> memref<112xi32, #tpu.memory_space<vmem>>
    %dma_wait3A_109 = arith.constant 0 : i32
    %dma_wait3A_110 = arith.constant 0 : i32
    %dma_wait3A_111 = tpu.memref_slice %arg2[%dma_wait3A_109, %dma_wait3A_110] : memref<10000x128xf32, #tpu.memory_space<hbm>> -> memref<10000x128xf32, #tpu.memory_space<hbm>>
    tpu.wait_indirect_dma semaphore(%arg21 : memref<!tpu.dma_semaphore, #tpu.memory_space<semaphore_mem>>) src(%dma_wait3A_111 : memref<10000x128xf32, #tpu.memory_space<hbm>>) dst(%arg12 : memref<112x128xf32, #tpu.memory_space<vmem>>)
    %dma_start3A_112 = arith.constant 1 : i32
    %dma_start3A_113 = arith.constant 0 : i32
    %dma_start3A_114 = tpu.memref_slice %arg6[%dma_start3A_112, %dma_start3A_113] : memref<2x112xi32, #tpu.memory_space<vmem>> -> memref<1x112xi32, #tpu.memory_space<vmem>>
    %dma_start3A_115 = tpu.memref_squeeze %dma_start3A_114 : memref<1x112xi32, #tpu.memory_space<vmem>> -> memref<112xi32, #tpu.memory_space<vmem>>
    %dma_start3A_116 = arith.constant 0 : i32
    %dma_start3A_117 = arith.constant 0 : i32
    %dma_start3A_118 = tpu.memref_slice %arg27[%dma_start3A_116, %dma_start3A_117] : memref<10112x128xf32, #tpu.memory_space<vmem_shared>> -> memref<10112x128xf32, #tpu.memory_space<vmem_shared>>
    tpu.enqueue_indirect_dma source(%arg12 : memref<112x128xf32, #tpu.memory_space<vmem>>) target(%dma_start3A_118 : memref<10112x128xf32, #tpu.memory_space<vmem_shared>>) offsets(%dma_start3A_115 : memref<112xi32, #tpu.memory_space<vmem>>) semaphore(%arg24 : memref<!tpu.dma_semaphore, #tpu.memory_space<semaphore_mem>>) {add = true}
    %dma_wait3A_119 = arith.constant 3 : i32
    %dma_wait3A_120 = arith.constant 0 : i32
    %dma_wait3A_121 = arith.constant 0 : i32
    %dma_wait3A_122 = tpu.memref_slice %arg3[%add3A, %dma_wait3A_119, %dma_wait3A_120, %dma_wait3A_121] : memref<32x90x2x112xi32, #tpu.memory_space<hbm>> -> memref<1x1x2x112xi32, #tpu.memory_space<hbm>>
    %dma_wait3A_123 = tpu.memref_squeeze %dma_wait3A_122 : memref<1x1x2x112xi32, #tpu.memory_space<hbm>> -> memref<2x112xi32, #tpu.memory_space<hbm>>
    %dma_wait3A_124 = arith.constant 0 : i32
    %dma_wait3A_125 = arith.constant 0 : i32
    %dma_wait3A_126 = tpu.memref_slice %arg3[%add3A, %dma_wait3A_119, %dma_wait3A_124, %dma_wait3A_125] : memref<32x90x2x112xi32, #tpu.memory_space<hbm>> -> memref<1x1x2x112xi32, #tpu.memory_space<hbm>>
    %dma_wait3A_127 = tpu.memref_squeeze %dma_wait3A_126 : memref<1x1x2x112xi32, #tpu.memory_space<hbm>> -> memref<2x112xi32, #tpu.memory_space<hbm>>
    tpu.wait_dma2 semaphore(%arg18 : memref<!tpu.dma_semaphore, #tpu.memory_space<semaphore_mem>>) src(%dma_wait3A_127 : memref<2x112xi32, #tpu.memory_space<hbm>>) dst(%arg9 : memref<2x112xi32, #tpu.memory_space<vmem>>)
    %dma_wait3A_128 = arith.constant 1 : i32
    %dma_wait3A_129 = arith.constant 0 : i32
    %dma_wait3A_130 = tpu.memref_slice %arg7[%dma_wait3A_128, %dma_wait3A_129] : memref<2x112xi32, #tpu.memory_space<vmem>> -> memref<1x112xi32, #tpu.memory_space<vmem>>
    %dma_wait3A_131 = tpu.memref_squeeze %dma_wait3A_130 : memref<1x112xi32, #tpu.memory_space<vmem>> -> memref<112xi32, #tpu.memory_space<vmem>>
    %dma_wait3A_132 = arith.constant 0 : i32
    %dma_wait3A_133 = arith.constant 0 : i32
    %dma_wait3A_134 = tpu.memref_slice %arg27[%dma_wait3A_132, %dma_wait3A_133] : memref<10112x128xf32, #tpu.memory_space<vmem_shared>> -> memref<10112x128xf32, #tpu.memory_space<vmem_shared>>
    tpu.wait_indirect_dma semaphore(%arg24 : memref<!tpu.dma_semaphore, #tpu.memory_space<semaphore_mem>>) src(%arg12 : memref<112x128xf32, #tpu.memory_space<vmem>>) dst(%dma_wait3A_134 : memref<10112x128xf32, #tpu.memory_space<vmem_shared>>)
    %dma_start3A_135 = arith.constant 0 : i32
    %dma_start3A_136 = arith.constant 0 : i32
    %dma_start3A_137 = tpu.memref_slice %arg9[%dma_start3A_135, %dma_start3A_136] : memref<2x112xi32, #tpu.memory_space<vmem>> -> memref<1x112xi32, #tpu.memory_space<vmem>>
    %dma_start3A_138 = tpu.memref_squeeze %dma_start3A_137 : memref<1x112xi32, #tpu.memory_space<vmem>> -> memref<112xi32, #tpu.memory_space<vmem>>
    %dma_start3A_139 = arith.constant 0 : i32
    %dma_start3A_140 = arith.constant 0 : i32
    %dma_start3A_141 = tpu.memref_slice %arg2[%dma_start3A_139, %dma_start3A_140] : memref<10000x128xf32, #tpu.memory_space<hbm>> -> memref<10000x128xf32, #tpu.memory_space<hbm>>
    tpu.enqueue_indirect_dma source(%dma_start3A_141 : memref<10000x128xf32, #tpu.memory_space<hbm>>) target(%arg12 : memref<112x128xf32, #tpu.memory_space<vmem>>) offsets(%dma_start3A_138 : memref<112xi32, #tpu.memory_space<vmem>>) semaphore(%arg21 : memref<!tpu.dma_semaphore, #tpu.memory_space<semaphore_mem>>)
    %dma_start3A_142 = arith.constant 6 : i32
    %dma_start3A_143 = arith.constant 0 : i32
    %dma_start3A_144 = arith.constant 0 : i32
    %dma_start3A_145 = tpu.memref_slice %arg3[%add3A, %dma_start3A_142, %dma_start3A_143, %dma_start3A_144] : memref<32x90x2x112xi32, #tpu.memory_space<hbm>> -> memref<1x1x2x112xi32, #tpu.memory_space<hbm>>
    %dma_start3A_146 = tpu.memref_squeeze %dma_start3A_145 : memref<1x1x2x112xi32, #tpu.memory_space<hbm>> -> memref<2x112xi32, #tpu.memory_space<hbm>>
    %dma_start3A_147 = arith.constant 0 : i32
    %dma_start3A_148 = arith.constant 0 : i32
    %dma_start3A_149 = tpu.memref_slice %arg3[%add3A, %dma_start3A_142, %dma_start3A_147, %dma_start3A_148] : memref<32x90x2x112xi32, #tpu.memory_space<hbm>> -> memref<1x1x2x112xi32, #tpu.memory_space<hbm>>
    %dma_start3A_150 = tpu.memref_squeeze %dma_start3A_149 : memref<1x1x2x112xi32, #tpu.memory_space<hbm>> -> memref<2x112xi32, #tpu.memory_space<hbm>>
    tpu.enqueue_dma source(%dma_start3A_150 : memref<2x112xi32, #tpu.memory_space<hbm>>) target(%arg6 : memref<2x112xi32, #tpu.memory_space<vmem>>) target_semaphore(%arg15 : memref<!tpu.dma_semaphore, #tpu.memory_space<semaphore_mem>>)
    %dma_wait3A_151 = arith.constant 0 : i32
    %dma_wait3A_152 = arith.constant 0 : i32
    %dma_wait3A_153 = tpu.memref_slice %arg7[%dma_wait3A_151, %dma_wait3A_152] : memref<2x112xi32, #tpu.memory_space<vmem>> -> memref<1x112xi32, #tpu.memory_space<vmem>>
    %dma_wait3A_154 = tpu.memref_squeeze %dma_wait3A_153 : memref<1x112xi32, #tpu.memory_space<vmem>> -> memref<112xi32, #tpu.memory_space<vmem>>
    %dma_wait3A_155 = arith.constant 0 : i32
    %dma_wait3A_156 = arith.constant 0 : i32
    %dma_wait3A_157 = tpu.memref_slice %arg2[%dma_wait3A_155, %dma_wait3A_156] : memref<10000x128xf32, #tpu.memory_space<hbm>> -> memref<10000x128xf32, #tpu.memory_space<hbm>>
    tpu.wait_indirect_dma semaphore(%arg22 : memref<!tpu.dma_semaphore, #tpu.memory_space<semaphore_mem>>) src(%dma_wait3A_157 : memref<10000x128xf32, #tpu.memory_space<hbm>>) dst(%arg13 : memref<112x128xf32, #tpu.memory_space<vmem>>)
    %dma_start3A_158 = arith.constant 1 : i32
    %dma_start3A_159 = arith.constant 0 : i32
    %dma_start3A_160 = tpu.memref_slice %arg7[%dma_start3A_158, %dma_start3A_159] : memref<2x112xi32, #tpu.memory_space<vmem>> -> memref<1x112xi32, #tpu.memory_space<vmem>>
    %dma_start3A_161 = tpu.memref_squeeze %dma_start3A_160 : memref<1x112xi32, #tpu.memory_space<vmem>> -> memref<112xi32, #tpu.memory_space<vmem>>
    %dma_start3A_162 = arith.constant 0 : i32
    %dma_start3A_163 = arith.constant 0 : i32
    %dma_start3A_164 = tpu.memref_slice %arg27[%dma_start3A_162, %dma_start3A_163] : memref<10112x128xf32, #tpu.memory_space<vmem_shared>> -> memref<10112x128xf32, #tpu.memory_space<vmem_shared>>
    tpu.enqueue_indirect_dma source(%arg13 : memref<112x128xf32, #tpu.memory_space<vmem>>) target(%dma_start3A_164 : memref<10112x128xf32, #tpu.memory_space<vmem_shared>>) offsets(%dma_start3A_161 : memref<112xi32, #tpu.memory_space<vmem>>) semaphore(%arg25 : memref<!tpu.dma_semaphore, #tpu.memory_space<semaphore_mem>>) {add = true}
    %dma_wait3A_165 = arith.constant 4 : i32
    %dma_wait3A_166 = arith.constant 0 : i32
    %dma_wait3A_167 = arith.constant 0 : i32
    %dma_wait3A_168 = tpu.memref_slice %arg3[%add3A, %dma_wait3A_165, %dma_wait3A_166, %dma_wait3A_167] : memref<32x90x2x112xi32, #tpu.memory_space<hbm>> -> memref<1x1x2x112xi32, #tpu.memory_space<hbm>>
    %dma_wait3A_169 = tpu.memref_squeeze %dma_wait3A_168 : memref<1x1x2x112xi32, #tpu.memory_space<hbm>> -> memref<2x112xi32, #tpu.memory_space<hbm>>
    %dma_wait3A_170 = arith.constant 0 : i32
    %dma_wait3A_171 = arith.constant 0 : i32
    %dma_wait3A_172 = tpu.memref_slice %arg3[%add3A, %dma_wait3A_165, %dma_wait3A_170, %dma_wait3A_171] : memref<32x90x2x112xi32, #tpu.memory_space<hbm>> -> memref<1x1x2x112xi32, #tpu.memory_space<hbm>>
    %dma_wait3A_173 = tpu.memref_squeeze %dma_wait3A_172 : memref<1x1x2x112xi32, #tpu.memory_space<hbm>> -> memref<2x112xi32, #tpu.memory_space<hbm>>
    tpu.wait_dma2 semaphore(%arg19 : memref<!tpu.dma_semaphore, #tpu.memory_space<semaphore_mem>>) src(%dma_wait3A_173 : memref<2x112xi32, #tpu.memory_space<hbm>>) dst(%arg10 : memref<2x112xi32, #tpu.memory_space<vmem>>)
    %dma_wait3A_174 = arith.constant 1 : i32
    %dma_wait3A_175 = arith.constant 0 : i32
    %dma_wait3A_176 = tpu.memref_slice %arg8[%dma_wait3A_174, %dma_wait3A_175] : memref<2x112xi32, #tpu.memory_space<vmem>> -> memref<1x112xi32, #tpu.memory_space<vmem>>
    %dma_wait3A_177 = tpu.memref_squeeze %dma_wait3A_176 : memref<1x112xi32, #tpu.memory_space<vmem>> -> memref<112xi32, #tpu.memory_space<vmem>>
    %dma_wait3A_178 = arith.constant 0 : i32
    %dma_wait3A_179 = arith.constant 0 : i32
    %dma_wait3A_180 = tpu.memref_slice %arg27[%dma_wait3A_178, %dma_wait3A_179] : memref<10112x128xf32, #tpu.memory_space<vmem_shared>> -> memref<10112x128xf32, #tpu.memory_space<vmem_shared>>
    tpu.wait_indirect_dma semaphore(%arg25 : memref<!tpu.dma_semaphore, #tpu.memory_space<semaphore_mem>>) src(%arg13 : memref<112x128xf32, #tpu.memory_space<vmem>>) dst(%dma_wait3A_180 : memref<10112x128xf32, #tpu.memory_space<vmem_shared>>)
    %dma_start3A_181 = arith.constant 0 : i32
    %dma_start3A_182 = arith.constant 0 : i32
    %dma_start3A_183 = tpu.memref_slice %arg10[%dma_start3A_181, %dma_start3A_182] : memref<2x112xi32, #tpu.memory_space<vmem>> -> memref<1x112xi32, #tpu.memory_space<vmem>>
    %dma_start3A_184 = tpu.memref_squeeze %dma_start3A_183 : memref<1x112xi32, #tpu.memory_space<vmem>> -> memref<112xi32, #tpu.memory_space<vmem>>
    %dma_start3A_185 = arith.constant 0 : i32
    %dma_start3A_186 = arith.constant 0 : i32
    %dma_start3A_187 = tpu.memref_slice %arg2[%dma_start3A_185, %dma_start3A_186] : memref<10000x128xf32, #tpu.memory_space<hbm>> -> memref<10000x128xf32, #tpu.memory_space<hbm>>
    tpu.enqueue_indirect_dma source(%dma_start3A_187 : memref<10000x128xf32, #tpu.memory_space<hbm>>) target(%arg13 : memref<112x128xf32, #tpu.memory_space<vmem>>) offsets(%dma_start3A_184 : memref<112xi32, #tpu.memory_space<vmem>>) semaphore(%arg22 : memref<!tpu.dma_semaphore, #tpu.memory_space<semaphore_mem>>)
    %dma_start3A_188 = arith.constant 7 : i32
    %dma_start3A_189 = arith.constant 0 : i32
    %dma_start3A_190 = arith.constant 0 : i32
    %dma_start3A_191 = tpu.memref_slice %arg3[%add3A, %dma_start3A_188, %dma_start3A_189, %dma_start3A_190] : memref<32x90x2x112xi32, #tpu.memory_space<hbm>> -> memref<1x1x2x112xi32, #tpu.memory_space<hbm>>
    %dma_start3A_192 = tpu.memref_squeeze %dma_start3A_191 : memref<1x1x2x112xi32, #tpu.memory_space<hbm>> -> memref<2x112xi32, #tpu.memory_space<hbm>>
    %dma_start3A_193 = arith.constant 0 : i32
    %dma_start3A_194 = arith.constant 0 : i32
    %dma_start3A_195 = tpu.memref_slice %arg3[%add3A, %dma_start3A_188, %dma_start3A_193, %dma_start3A_194] : memref<32x90x2x112xi32, #tpu.memory_space<hbm>> -> memref<1x1x2x112xi32, #tpu.memory_space<hbm>>
    %dma_start3A_196 = tpu.memref_squeeze %dma_start3A_195 : memref<1x1x2x112xi32, #tpu.memory_space<hbm>> -> memref<2x112xi32, #tpu.memory_space<hbm>>
    tpu.enqueue_dma source(%dma_start3A_196 : memref<2x112xi32, #tpu.memory_space<hbm>>) target(%arg7 : memref<2x112xi32, #tpu.memory_space<vmem>>) target_semaphore(%arg16 : memref<!tpu.dma_semaphore, #tpu.memory_space<semaphore_mem>>)
    %dma_wait3A_197 = arith.constant 0 : i32
    %dma_wait3A_198 = arith.constant 0 : i32
    %dma_wait3A_199 = tpu.memref_slice %arg8[%dma_wait3A_197, %dma_wait3A_198] : memref<2x112xi32, #tpu.memory_space<vmem>> -> memref<1x112xi32, #tpu.memory_space<vmem>>
    %dma_wait3A_200 = tpu.memref_squeeze %dma_wait3A_199 : memref<1x112xi32, #tpu.memory_space<vmem>> -> memref<112xi32, #tpu.memory_space<vmem>>
    %dma_wait3A_201 = arith.constant 0 : i32
    %dma_wait3A_202 = arith.constant 0 : i32
    %dma_wait3A_203 = tpu.memref_slice %arg2[%dma_wait3A_201, %dma_wait3A_202] : memref<10000x128xf32, #tpu.memory_space<hbm>> -> memref<10000x128xf32, #tpu.memory_space<hbm>>
    tpu.wait_indirect_dma semaphore(%arg23 : memref<!tpu.dma_semaphore, #tpu.memory_space<semaphore_mem>>) src(%dma_wait3A_203 : memref<10000x128xf32, #tpu.memory_space<hbm>>) dst(%arg14 : memref<112x128xf32, #tpu.memory_space<vmem>>)
    %dma_start3A_204 = arith.constant 1 : i32
    %dma_start3A_205 = arith.constant 0 : i32
    %dma_start3A_206 = tpu.memref_slice %arg8[%dma_start3A_204, %dma_start3A_205] : memref<2x112xi32, #tpu.memory_space<vmem>> -> memref<1x112xi32, #tpu.memory_space<vmem>>
    %dma_start3A_207 = tpu.memref_squeeze %dma_start3A_206 : memref<1x112xi32, #tpu.memory_space<vmem>> -> memref<112xi32, #tpu.memory_space<vmem>>
    %dma_start3A_208 = arith.constant 0 : i32
    %dma_start3A_209 = arith.constant 0 : i32
    %dma_start3A_210 = tpu.memref_slice %arg27[%dma_start3A_208, %dma_start3A_209] : memref<10112x128xf32, #tpu.memory_space<vmem_shared>> -> memref<10112x128xf32, #tpu.memory_space<vmem_shared>>
    tpu.enqueue_indirect_dma source(%arg14 : memref<112x128xf32, #tpu.memory_space<vmem>>) target(%dma_start3A_210 : memref<10112x128xf32, #tpu.memory_space<vmem_shared>>) offsets(%dma_start3A_207 : memref<112xi32, #tpu.memory_space<vmem>>) semaphore(%arg26 : memref<!tpu.dma_semaphore, #tpu.memory_space<semaphore_mem>>) {add = true}
    %dma_wait3A_211 = arith.constant 5 : i32
    %dma_wait3A_212 = arith.constant 0 : i32
    %dma_wait3A_213 = arith.constant 0 : i32
    %dma_wait3A_214 = tpu.memref_slice %arg3[%add3A, %dma_wait3A_211, %dma_wait3A_212, %dma_wait3A_213] : memref<32x90x2x112xi32, #tpu.memory_space<hbm>> -> memref<1x1x2x112xi32, #tpu.memory_space<hbm>>
    %dma_wait3A_215 = tpu.memref_squeeze %dma_wait3A_214 : memref<1x1x2x112xi32, #tpu.memory_space<hbm>> -> memref<2x112xi32, #tpu.memory_space<hbm>>
    %dma_wait3A_216 = arith.constant 0 : i32
    %dma_wait3A_217 = arith.constant 0 : i32
    %dma_wait3A_218 = tpu.memref_slice %arg3[%add3A, %dma_wait3A_211, %dma_wait3A_216, %dma_wait3A_217] : memref<32x90x2x112xi32, #tpu.memory_space<hbm>> -> memref<1x1x2x112xi32, #tpu.memory_space<hbm>>
    %dma_wait3A_219 = tpu.memref_squeeze %dma_wait3A_218 : memref<1x1x2x112xi32, #tpu.memory_space<hbm>> -> memref<2x112xi32, #tpu.memory_space<hbm>>
    tpu.wait_dma2 semaphore(%arg20 : memref<!tpu.dma_semaphore, #tpu.memory_space<semaphore_mem>>) src(%dma_wait3A_219 : memref<2x112xi32, #tpu.memory_space<hbm>>) dst(%arg11 : memref<2x112xi32, #tpu.memory_space<vmem>>)
    %dma_wait3A_220 = arith.constant 1 : i32
    %dma_wait3A_221 = arith.constant 0 : i32
    %dma_wait3A_222 = tpu.memref_slice %arg9[%dma_wait3A_220, %dma_wait3A_221] : memref<2x112xi32, #tpu.memory_space<vmem>> -> memref<1x112xi32, #tpu.memory_space<vmem>>
    %dma_wait3A_223 = tpu.memref_squeeze %dma_wait3A_222 : memref<1x112xi32, #tpu.memory_space<vmem>> -> memref<112xi32, #tpu.memory_space<vmem>>
    %dma_wait3A_224 = arith.constant 0 : i32
    %dma_wait3A_225 = arith.constant 0 : i32
    %dma_wait3A_226 = tpu.memref_slice %arg27[%dma_wait3A_224, %dma_wait3A_225] : memref<10112x128xf32, #tpu.memory_space<vmem_shared>> -> memref<10112x128xf32, #tpu.memory_space<vmem_shared>>
    tpu.wait_indirect_dma semaphore(%arg26 : memref<!tpu.dma_semaphore, #tpu.memory_space<semaphore_mem>>) src(%arg14 : memref<112x128xf32, #tpu.memory_space<vmem>>) dst(%dma_wait3A_226 : memref<10112x128xf32, #tpu.memory_space<vmem_shared>>)
    %dma_start3A_227 = arith.constant 0 : i32
    %dma_start3A_228 = arith.constant 0 : i32
    %dma_start3A_229 = tpu.memref_slice %arg11[%dma_start3A_227, %dma_start3A_228] : memref<2x112xi32, #tpu.memory_space<vmem>> -> memref<1x112xi32, #tpu.memory_space<vmem>>
    %dma_start3A_230 = tpu.memref_squeeze %dma_start3A_229 : memref<1x112xi32, #tpu.memory_space<vmem>> -> memref<112xi32, #tpu.memory_space<vmem>>
    %dma_start3A_231 = arith.constant 0 : i32
    %dma_start3A_232 = arith.constant 0 : i32
    %dma_start3A_233 = tpu.memref_slice %arg2[%dma_start3A_231, %dma_start3A_232] : memref<10000x128xf32, #tpu.memory_space<hbm>> -> memref<10000x128xf32, #tpu.memory_space<hbm>>
    tpu.enqueue_indirect_dma source(%dma_start3A_233 : memref<10000x128xf32, #tpu.memory_space<hbm>>) target(%arg14 : memref<112x128xf32, #tpu.memory_space<vmem>>) offsets(%dma_start3A_230 : memref<112xi32, #tpu.memory_space<vmem>>) semaphore(%arg23 : memref<!tpu.dma_semaphore, #tpu.memory_space<semaphore_mem>>)
    %dma_start3A_234 = arith.constant 8 : i32
    %dma_start3A_235 = arith.constant 0 : i32
    %dma_start3A_236 = arith.constant 0 : i32
    %dma_start3A_237 = tpu.memref_slice %arg3[%add3A, %dma_start3A_234, %dma_start3A_235, %dma_start3A_236] : memref<32x90x2x112xi32, #tpu.memory_space<hbm>> -> memref<1x1x2x112xi32, #tpu.memory_space<hbm>>
    %dma_start3A_238 = tpu.memref_squeeze %dma_start3A_237 : memref<1x1x2x112xi32, #tpu.memory_space<hbm>> -> memref<2x112xi32, #tpu.memory_space<hbm>>
    %dma_start3A_239 = arith.constant 0 : i32
    %dma_start3A_240 = arith.constant 0 : i32
    %dma_start3A_241 = tpu.memref_slice %arg3[%add3A, %dma_start3A_234, %dma_start3A_239, %dma_start3A_240] : memref<32x90x2x112xi32, #tpu.memory_space<hbm>> -> memref<1x1x2x112xi32, #tpu.memory_space<hbm>>
    %dma_start3A_242 = tpu.memref_squeeze %dma_start3A_241 : memref<1x1x2x112xi32, #tpu.memory_space<hbm>> -> memref<2x112xi32, #tpu.memory_space<hbm>>
    tpu.enqueue_dma source(%dma_start3A_242 : memref<2x112xi32, #tpu.memory_space<hbm>>) target(%arg8 : memref<2x112xi32, #tpu.memory_space<vmem>>) target_semaphore(%arg17 : memref<!tpu.dma_semaphore, #tpu.memory_space<semaphore_mem>>)
    %dma_wait3A_243 = arith.constant 0 : i32
    %dma_wait3A_244 = arith.constant 0 : i32
    %dma_wait3A_245 = tpu.memref_slice %arg9[%dma_wait3A_243, %dma_wait3A_244] : memref<2x112xi32, #tpu.memory_space<vmem>> -> memref<1x112xi32, #tpu.memory_space<vmem>>
    %dma_wait3A_246 = tpu.memref_squeeze %dma_wait3A_245 : memref<1x112xi32, #tpu.memory_space<vmem>> -> memref<112xi32, #tpu.memory_space<vmem>>
    %dma_wait3A_247 = arith.constant 0 : i32
    %dma_wait3A_248 = arith.constant 0 : i32
    %dma_wait3A_249 = tpu.memref_slice %arg2[%dma_wait3A_247, %dma_wait3A_248] : memref<10000x128xf32, #tpu.memory_space<hbm>> -> memref<10000x128xf32, #tpu.memory_space<hbm>>
    tpu.wait_indirect_dma semaphore(%arg21 : memref<!tpu.dma_semaphore, #tpu.memory_space<semaphore_mem>>) src(%dma_wait3A_249 : memref<10000x128xf32, #tpu.memory_space<hbm>>) dst(%arg12 : memref<112x128xf32, #tpu.memory_space<vmem>>)
    %dma_start3A_250 = arith.constant 1 : i32
    %dma_start3A_251 = arith.constant 0 : i32
    %dma_start3A_252 = tpu.memref_slice %arg9[%dma_start3A_250, %dma_start3A_251] : memref<2x112xi32, #tpu.memory_space<vmem>> -> memref<1x112xi32, #tpu.memory_space<vmem>>
    %dma_start3A_253 = tpu.memref_squeeze %dma_start3A_252 : memref<1x112xi32, #tpu.memory_space<vmem>> -> memref<112xi32, #tpu.memory_space<vmem>>
    %dma_start3A_254 = arith.constant 0 : i32
    %dma_start3A_255 = arith.constant 0 : i32
    %dma_start3A_256 = tpu.memref_slice %arg27[%dma_start3A_254, %dma_start3A_255] : memref<10112x128xf32, #tpu.memory_space<vmem_shared>> -> memref<10112x128xf32, #tpu.memory_space<vmem_shared>>
    tpu.enqueue_indirect_dma source(%arg12 : memref<112x128xf32, #tpu.memory_space<vmem>>) target(%dma_start3A_256 : memref<10112x128xf32, #tpu.memory_space<vmem_shared>>) offsets(%dma_start3A_253 : memref<112xi32, #tpu.memory_space<vmem>>) semaphore(%arg24 : memref<!tpu.dma_semaphore, #tpu.memory_space<semaphore_mem>>) {add = true}
    %dma_wait3A_257 = arith.constant 6 : i32
    %dma_wait3A_258 = arith.constant 0 : i32
    %dma_wait3A_259 = arith.constant 0 : i32
    %dma_wait3A_260 = tpu.memref_slice %arg3[%add3A, %dma_wait3A_257, %dma_wait3A_258, %dma_wait3A_259] : memref<32x90x2x112xi32, #tpu.memory_space<hbm>> -> memref<1x1x2x112xi32, #tpu.memory_space<hbm>>
    %dma_wait3A_261 = tpu.memref_squeeze %dma_wait3A_260 : memref<1x1x2x112xi32, #tpu.memory_space<hbm>> -> memref<2x112xi32, #tpu.memory_space<hbm>>
    %dma_wait3A_262 = arith.constant 0 : i32
    %dma_wait3A_263 = arith.constant 0 : i32
    %dma_wait3A_264 = tpu.memref_slice %arg3[%add3A, %dma_wait3A_257, %dma_wait3A_262, %dma_wait3A_263] : memref<32x90x2x112xi32, #tpu.memory_space<hbm>> -> memref<1x1x2x112xi32, #tpu.memory_space<hbm>>
    %dma_wait3A_265 = tpu.memref_squeeze %dma_wait3A_264 : memref<1x1x2x112xi32, #tpu.memory_space<hbm>> -> memref<2x112xi32, #tpu.memory_space<hbm>>
    tpu.wait_dma2 semaphore(%arg15 : memref<!tpu.dma_semaphore, #tpu.memory_space<semaphore_mem>>) src(%dma_wait3A_265 : memref<2x112xi32, #tpu.memory_space<hbm>>) dst(%arg6 : memref<2x112xi32, #tpu.memory_space<vmem>>)
    %dma_wait3A_266 = arith.constant 1 : i32
    %dma_wait3A_267 = arith.constant 0 : i32
    %dma_wait3A_268 = tpu.memref_slice %arg10[%dma_wait3A_266, %dma_wait3A_267] : memref<2x112xi32, #tpu.memory_space<vmem>> -> memref<1x112xi32, #tpu.memory_space<vmem>>
    %dma_wait3A_269 = tpu.memref_squeeze %dma_wait3A_268 : memref<1x112xi32, #tpu.memory_space<vmem>> -> memref<112xi32, #tpu.memory_space<vmem>>
    %dma_wait3A_270 = arith.constant 0 : i32
    %dma_wait3A_271 = arith.constant 0 : i32
    %dma_wait3A_272 = tpu.memref_slice %arg27[%dma_wait3A_270, %dma_wait3A_271] : memref<10112x128xf32, #tpu.memory_space<vmem_shared>> -> memref<10112x128xf32, #tpu.memory_space<vmem_shared>>
    tpu.wait_indirect_dma semaphore(%arg24 : memref<!tpu.dma_semaphore, #tpu.memory_space<semaphore_mem>>) src(%arg12 : memref<112x128xf32, #tpu.memory_space<vmem>>) dst(%dma_wait3A_272 : memref<10112x128xf32, #tpu.memory_space<vmem_shared>>)
    %dma_start3A_273 = arith.constant 0 : i32
    %dma_start3A_274 = arith.constant 0 : i32
    %dma_start3A_275 = tpu.memref_slice %arg6[%dma_start3A_273, %dma_start3A_274] : memref<2x112xi32, #tpu.memory_space<vmem>> -> memref<1x112xi32, #tpu.memory_space<vmem>>
    %dma_start3A_276 = tpu.memref_squeeze %dma_start3A_275 : memref<1x112xi32, #tpu.memory_space<vmem>> -> memref<112xi32, #tpu.memory_space<vmem>>
    %dma_start3A_277 = arith.constant 0 : i32
    %dma_start3A_278 = arith.constant 0 : i32
    %dma_start3A_279 = tpu.memref_slice %arg2[%dma_start3A_277, %dma_start3A_278] : memref<10000x128xf32, #tpu.memory_space<hbm>> -> memref<10000x128xf32, #tpu.memory_space<hbm>>
    tpu.enqueue_indirect_dma source(%dma_start3A_279 : memref<10000x128xf32, #tpu.memory_space<hbm>>) target(%arg12 : memref<112x128xf32, #tpu.memory_space<vmem>>) offsets(%dma_start3A_276 : memref<112xi32, #tpu.memory_space<vmem>>) semaphore(%arg21 : memref<!tpu.dma_semaphore, #tpu.memory_space<semaphore_mem>>)
    %dma_start3A_280 = arith.constant 9 : i32
    %dma_start3A_281 = arith.constant 0 : i32
    %dma_start3A_282 = arith.constant 0 : i32
    %dma_start3A_283 = tpu.memref_slice %arg3[%add3A, %dma_start3A_280, %dma_start3A_281, %dma_start3A_282] : memref<32x90x2x112xi32, #tpu.memory_space<hbm>> -> memref<1x1x2x112xi32, #tpu.memory_space<hbm>>
    %dma_start3A_284 = tpu.memref_squeeze %dma_start3A_283 : memref<1x1x2x112xi32, #tpu.memory_space<hbm>> -> memref<2x112xi32, #tpu.memory_space<hbm>>
    %dma_start3A_285 = arith.constant 0 : i32
    %dma_start3A_286 = arith.constant 0 : i32
    %dma_start3A_287 = tpu.memref_slice %arg3[%add3A, %dma_start3A_280, %dma_start3A_285, %dma_start3A_286] : memref<32x90x2x112xi32, #tpu.memory_space<hbm>> -> memref<1x1x2x112xi32, #tpu.memory_space<hbm>>
    %dma_start3A_288 = tpu.memref_squeeze %dma_start3A_287 : memref<1x1x2x112xi32, #tpu.memory_space<hbm>> -> memref<2x112xi32, #tpu.memory_space<hbm>>
    tpu.enqueue_dma source(%dma_start3A_288 : memref<2x112xi32, #tpu.memory_space<hbm>>) target(%arg9 : memref<2x112xi32, #tpu.memory_space<vmem>>) target_semaphore(%arg18 : memref<!tpu.dma_semaphore, #tpu.memory_space<semaphore_mem>>)
    %dma_wait3A_289 = arith.constant 0 : i32
    %dma_wait3A_290 = arith.constant 0 : i32
    %dma_wait3A_291 = tpu.memref_slice %arg10[%dma_wait3A_289, %dma_wait3A_290] : memref<2x112xi32, #tpu.memory_space<vmem>> -> memref<1x112xi32, #tpu.memory_space<vmem>>
    %dma_wait3A_292 = tpu.memref_squeeze %dma_wait3A_291 : memref<1x112xi32, #tpu.memory_space<vmem>> -> memref<112xi32, #tpu.memory_space<vmem>>
    %dma_wait3A_293 = arith.constant 0 : i32
    %dma_wait3A_294 = arith.constant 0 : i32
    %dma_wait3A_295 = tpu.memref_slice %arg2[%dma_wait3A_293, %dma_wait3A_294] : memref<10000x128xf32, #tpu.memory_space<hbm>> -> memref<10000x128xf32, #tpu.memory_space<hbm>>
    tpu.wait_indirect_dma semaphore(%arg22 : memref<!tpu.dma_semaphore, #tpu.memory_space<semaphore_mem>>) src(%dma_wait3A_295 : memref<10000x128xf32, #tpu.memory_space<hbm>>) dst(%arg13 : memref<112x128xf32, #tpu.memory_space<vmem>>)
    %dma_start3A_296 = arith.constant 1 : i32
    %dma_start3A_297 = arith.constant 0 : i32
    %dma_start3A_298 = tpu.memref_slice %arg10[%dma_start3A_296, %dma_start3A_297] : memref<2x112xi32, #tpu.memory_space<vmem>> -> memref<1x112xi32, #tpu.memory_space<vmem>>
    %dma_start3A_299 = tpu.memref_squeeze %dma_start3A_298 : memref<1x112xi32, #tpu.memory_space<vmem>> -> memref<112xi32, #tpu.memory_space<vmem>>
    %dma_start3A_300 = arith.constant 0 : i32
    %dma_start3A_301 = arith.constant 0 : i32
    %dma_start3A_302 = tpu.memref_slice %arg27[%dma_start3A_300, %dma_start3A_301] : memref<10112x128xf32, #tpu.memory_space<vmem_shared>> -> memref<10112x128xf32, #tpu.memory_space<vmem_shared>>
    tpu.enqueue_indirect_dma source(%arg13 : memref<112x128xf32, #tpu.memory_space<vmem>>) target(%dma_start3A_302 : memref<10112x128xf32, #tpu.memory_space<vmem_shared>>) offsets(%dma_start3A_299 : memref<112xi32, #tpu.memory_space<vmem>>) semaphore(%arg25 : memref<!tpu.dma_semaphore, #tpu.memory_space<semaphore_mem>>) {add = true}
    %dma_wait3A_303 = arith.constant 7 : i32
    %dma_wait3A_304 = arith.constant 0 : i32
    %dma_wait3A_305 = arith.constant 0 : i32
    %dma_wait3A_306 = tpu.memref_slice %arg3[%add3A, %dma_wait3A_303, %dma_wait3A_304, %dma_wait3A_305] : memref<32x90x2x112xi32, #tpu.memory_space<hbm>> -> memref<1x1x2x112xi32, #tpu.memory_space<hbm>>
    %dma_wait3A_307 = tpu.memref_squeeze %dma_wait3A_306 : memref<1x1x2x112xi32, #tpu.memory_space<hbm>> -> memref<2x112xi32, #tpu.memory_space<hbm>>
    %dma_wait3A_308 = arith.constant 0 : i32
    %dma_wait3A_309 = arith.constant 0 : i32
    %dma_wait3A_310 = tpu.memref_slice %arg3[%add3A, %dma_wait3A_303, %dma_wait3A_308, %dma_wait3A_309] : memref<32x90x2x112xi32, #tpu.memory_space<hbm>> -> memref<1x1x2x112xi32, #tpu.memory_space<hbm>>
    %dma_wait3A_311 = tpu.memref_squeeze %dma_wait3A_310 : memref<1x1x2x112xi32, #tpu.memory_space<hbm>> -> memref<2x112xi32, #tpu.memory_space<hbm>>
    tpu.wait_dma2 semaphore(%arg16 : memref<!tpu.dma_semaphore, #tpu.memory_space<semaphore_mem>>) src(%dma_wait3A_311 : memref<2x112xi32, #tpu.memory_space<hbm>>) dst(%arg7 : memref<2x112xi32, #tpu.memory_space<vmem>>)
    %dma_wait3A_312 = arith.constant 1 : i32
    %dma_wait3A_313 = arith.constant 0 : i32
    %dma_wait3A_314 = tpu.memref_slice %arg11[%dma_wait3A_312, %dma_wait3A_313] : memref<2x112xi32, #tpu.memory_space<vmem>> -> memref<1x112xi32, #tpu.memory_space<vmem>>
    %dma_wait3A_315 = tpu.memref_squeeze %dma_wait3A_314 : memref<1x112xi32, #tpu.memory_space<vmem>> -> memref<112xi32, #tpu.memory_space<vmem>>
    %dma_wait3A_316 = arith.constant 0 : i32
    %dma_wait3A_317 = arith.constant 0 : i32
    %dma_wait3A_318 = tpu.memref_slice %arg27[%dma_wait3A_316, %dma_wait3A_317] : memref<10112x128xf32, #tpu.memory_space<vmem_shared>> -> memref<10112x128xf32, #tpu.memory_space<vmem_shared>>
    tpu.wait_indirect_dma semaphore(%arg25 : memref<!tpu.dma_semaphore, #tpu.memory_space<semaphore_mem>>) src(%arg13 : memref<112x128xf32, #tpu.memory_space<vmem>>) dst(%dma_wait3A_318 : memref<10112x128xf32, #tpu.memory_space<vmem_shared>>)
    %dma_start3A_319 = arith.constant 0 : i32
    %dma_start3A_320 = arith.constant 0 : i32
    %dma_start3A_321 = tpu.memref_slice %arg7[%dma_start3A_319, %dma_start3A_320] : memref<2x112xi32, #tpu.memory_space<vmem>> -> memref<1x112xi32, #tpu.memory_space<vmem>>
    %dma_start3A_322 = tpu.memref_squeeze %dma_start3A_321 : memref<1x112xi32, #tpu.memory_space<vmem>> -> memref<112xi32, #tpu.memory_space<vmem>>
    %dma_start3A_323 = arith.constant 0 : i32
    %dma_start3A_324 = arith.constant 0 : i32
    %dma_start3A_325 = tpu.memref_slice %arg2[%dma_start3A_323, %dma_start3A_324] : memref<10000x128xf32, #tpu.memory_space<hbm>> -> memref<10000x128xf32, #tpu.memory_space<hbm>>
    tpu.enqueue_indirect_dma source(%dma_start3A_325 : memref<10000x128xf32, #tpu.memory_space<hbm>>) target(%arg13 : memref<112x128xf32, #tpu.memory_space<vmem>>) offsets(%dma_start3A_322 : memref<112xi32, #tpu.memory_space<vmem>>) semaphore(%arg22 : memref<!tpu.dma_semaphore, #tpu.memory_space<semaphore_mem>>)
    %dma_start3A_326 = arith.constant 10 : i32
    %dma_start3A_327 = arith.constant 0 : i32
    %dma_start3A_328 = arith.constant 0 : i32
    %dma_start3A_329 = tpu.memref_slice %arg3[%add3A, %dma_start3A_326, %dma_start3A_327, %dma_start3A_328] : memref<32x90x2x112xi32, #tpu.memory_space<hbm>> -> memref<1x1x2x112xi32, #tpu.memory_space<hbm>>
    %dma_start3A_330 = tpu.memref_squeeze %dma_start3A_329 : memref<1x1x2x112xi32, #tpu.memory_space<hbm>> -> memref<2x112xi32, #tpu.memory_space<hbm>>
    %dma_start3A_331 = arith.constant 0 : i32
    %dma_start3A_332 = arith.constant 0 : i32
    %dma_start3A_333 = tpu.memref_slice %arg3[%add3A, %dma_start3A_326, %dma_start3A_331, %dma_start3A_332] : memref<32x90x2x112xi32, #tpu.memory_space<hbm>> -> memref<1x1x2x112xi32, #tpu.memory_space<hbm>>
    %dma_start3A_334 = tpu.memref_squeeze %dma_start3A_333 : memref<1x1x2x112xi32, #tpu.memory_space<hbm>> -> memref<2x112xi32, #tpu.memory_space<hbm>>
    tpu.enqueue_dma source(%dma_start3A_334 : memref<2x112xi32, #tpu.memory_space<hbm>>) target(%arg10 : memref<2x112xi32, #tpu.memory_space<vmem>>) target_semaphore(%arg19 : memref<!tpu.dma_semaphore, #tpu.memory_space<semaphore_mem>>)
    %dma_wait3A_335 = arith.constant 0 : i32
    %dma_wait3A_336 = arith.constant 0 : i32
    %dma_wait3A_337 = tpu.memref_slice %arg11[%dma_wait3A_335, %dma_wait3A_336] : memref<2x112xi32, #tpu.memory_space<vmem>> -> memref<1x112xi32, #tpu.memory_space<vmem>>
    %dma_wait3A_338 = tpu.memref_squeeze %dma_wait3A_337 : memref<1x112xi32, #tpu.memory_space<vmem>> -> memref<112xi32, #tpu.memory_space<vmem>>
    %dma_wait3A_339 = arith.constant 0 : i32
    %dma_wait3A_340 = arith.constant 0 : i32
    %dma_wait3A_341 = tpu.memref_slice %arg2[%dma_wait3A_339, %dma_wait3A_340] : memref<10000x128xf32, #tpu.memory_space<hbm>> -> memref<10000x128xf32, #tpu.memory_space<hbm>>
    tpu.wait_indirect_dma semaphore(%arg23 : memref<!tpu.dma_semaphore, #tpu.memory_space<semaphore_mem>>) src(%dma_wait3A_341 : memref<10000x128xf32, #tpu.memory_space<hbm>>) dst(%arg14 : memref<112x128xf32, #tpu.memory_space<vmem>>)
    %dma_start3A_342 = arith.constant 1 : i32
    %dma_start3A_343 = arith.constant 0 : i32
    %dma_start3A_344 = tpu.memref_slice %arg11[%dma_start3A_342, %dma_start3A_343] : memref<2x112xi32, #tpu.memory_space<vmem>> -> memref<1x112xi32, #tpu.memory_space<vmem>>
    %dma_start3A_345 = tpu.memref_squeeze %dma_start3A_344 : memref<1x112xi32, #tpu.memory_space<vmem>> -> memref<112xi32, #tpu.memory_space<vmem>>
    %dma_start3A_346 = arith.constant 0 : i32
    %dma_start3A_347 = arith.constant 0 : i32
    %dma_start3A_348 = tpu.memref_slice %arg27[%dma_start3A_346, %dma_start3A_347] : memref<10112x128xf32, #tpu.memory_space<vmem_shared>> -> memref<10112x128xf32, #tpu.memory_space<vmem_shared>>
    tpu.enqueue_indirect_dma source(%arg14 : memref<112x128xf32, #tpu.memory_space<vmem>>) target(%dma_start3A_348 : memref<10112x128xf32, #tpu.memory_space<vmem_shared>>) offsets(%dma_start3A_345 : memref<112xi32, #tpu.memory_space<vmem>>) semaphore(%arg26 : memref<!tpu.dma_semaphore, #tpu.memory_space<semaphore_mem>>) {add = true}
    %scan3A = arith.constant 0 : i32
    %scan3A_349 = arith.constant 1 : i32
    %scan3A_350 = arith.constant 13 : i32
    %scan3A_351 = arith.addi %scan3A_349, %scan3A_350 : i32
    %scan3A_352 = arith.constant 1 : i32
    scf.for %scan3A_565 = %scan3A_349 to %scan3A_351 step %scan3A_352  : i32 {
      %mul3A_566 = arith.constant 6 : i32
      %mul3A_567 = arith.muli %scan3A_565, %mul3A_566 : i32
      %add3A_568 = arith.constant 0 : i32
      %add3A_569 = arith.addi %mul3A_567, %add3A_568 : i32
      %add3A_570 = arith.constant 3 : i32
      %add3A_571 = arith.addi %add3A_569, %add3A_570 : i32
      %sub3A = arith.constant 1 : i32
      %sub3A_572 = arith.subi %add3A_571, %sub3A : i32
      %dma_wait3A_573 = arith.constant 0 : i32
      %dma_wait3A_574 = arith.constant 0 : i32
      %dma_wait3A_575 = tpu.memref_slice %arg3[%add3A, %sub3A_572, %dma_wait3A_573, %dma_wait3A_574] : memref<32x90x2x112xi32, #tpu.memory_space<hbm>> -> memref<1x1x2x112xi32, #tpu.memory_space<hbm>>
      %dma_wait3A_576 = tpu.memref_squeeze %dma_wait3A_575 : memref<1x1x2x112xi32, #tpu.memory_space<hbm>> -> memref<2x112xi32, #tpu.memory_space<hbm>>
      %dma_wait3A_577 = arith.constant 0 : i32
      %dma_wait3A_578 = arith.constant 0 : i32
      %dma_wait3A_579 = tpu.memref_slice %arg3[%add3A, %sub3A_572, %dma_wait3A_577, %dma_wait3A_578] : memref<32x90x2x112xi32, #tpu.memory_space<hbm>> -> memref<1x1x2x112xi32, #tpu.memory_space<hbm>>
      %dma_wait3A_580 = tpu.memref_squeeze %dma_wait3A_579 : memref<1x1x2x112xi32, #tpu.memory_space<hbm>> -> memref<2x112xi32, #tpu.memory_space<hbm>>
      tpu.wait_dma2 semaphore(%arg17 : memref<!tpu.dma_semaphore, #tpu.memory_space<semaphore_mem>>) src(%dma_wait3A_580 : memref<2x112xi32, #tpu.memory_space<hbm>>) dst(%arg8 : memref<2x112xi32, #tpu.memory_space<vmem>>)
      %dma_wait3A_581 = arith.constant 1 : i32
      %dma_wait3A_582 = arith.constant 0 : i32
      %dma_wait3A_583 = tpu.memref_slice %arg6[%dma_wait3A_581, %dma_wait3A_582] : memref<2x112xi32, #tpu.memory_space<vmem>> -> memref<1x112xi32, #tpu.memory_space<vmem>>
      %dma_wait3A_584 = tpu.memref_squeeze %dma_wait3A_583 : memref<1x112xi32, #tpu.memory_space<vmem>> -> memref<112xi32, #tpu.memory_space<vmem>>
      %dma_wait3A_585 = arith.constant 0 : i32
      %dma_wait3A_586 = arith.constant 0 : i32
      %dma_wait3A_587 = tpu.memref_slice %arg27[%dma_wait3A_585, %dma_wait3A_586] : memref<10112x128xf32, #tpu.memory_space<vmem_shared>> -> memref<10112x128xf32, #tpu.memory_space<vmem_shared>>
      tpu.wait_indirect_dma semaphore(%arg26 : memref<!tpu.dma_semaphore, #tpu.memory_space<semaphore_mem>>) src(%arg14 : memref<112x128xf32, #tpu.memory_space<vmem>>) dst(%dma_wait3A_587 : memref<10112x128xf32, #tpu.memory_space<vmem_shared>>)
      %dma_start3A_588 = arith.constant 0 : i32
      %dma_start3A_589 = arith.constant 0 : i32
      %dma_start3A_590 = tpu.memref_slice %arg8[%dma_start3A_588, %dma_start3A_589] : memref<2x112xi32, #tpu.memory_space<vmem>> -> memref<1x112xi32, #tpu.memory_space<vmem>>
      %dma_start3A_591 = tpu.memref_squeeze %dma_start3A_590 : memref<1x112xi32, #tpu.memory_space<vmem>> -> memref<112xi32, #tpu.memory_space<vmem>>
      %dma_start3A_592 = arith.constant 0 : i32
      %dma_start3A_593 = arith.constant 0 : i32
      %dma_start3A_594 = tpu.memref_slice %arg2[%dma_start3A_592, %dma_start3A_593] : memref<10000x128xf32, #tpu.memory_space<hbm>> -> memref<10000x128xf32, #tpu.memory_space<hbm>>
      tpu.enqueue_indirect_dma source(%dma_start3A_594 : memref<10000x128xf32, #tpu.memory_space<hbm>>) target(%arg14 : memref<112x128xf32, #tpu.memory_space<vmem>>) offsets(%dma_start3A_591 : memref<112xi32, #tpu.memory_space<vmem>>) semaphore(%arg23 : memref<!tpu.dma_semaphore, #tpu.memory_space<semaphore_mem>>)
      %add3A_595 = arith.constant 6 : i32
      %add3A_596 = arith.addi %add3A_569, %add3A_595 : i32
      %sub3A_597 = arith.constant 1 : i32
      %sub3A_598 = arith.subi %add3A_596, %sub3A_597 : i32
      %dma_start3A_599 = arith.constant 0 : i32
      %dma_start3A_600 = arith.constant 0 : i32
      %dma_start3A_601 = tpu.memref_slice %arg3[%add3A, %sub3A_598, %dma_start3A_599, %dma_start3A_600] : memref<32x90x2x112xi32, #tpu.memory_space<hbm>> -> memref<1x1x2x112xi32, #tpu.memory_space<hbm>>
      %dma_start3A_602 = tpu.memref_squeeze %dma_start3A_601 : memref<1x1x2x112xi32, #tpu.memory_space<hbm>> -> memref<2x112xi32, #tpu.memory_space<hbm>>
      %dma_start3A_603 = arith.constant 0 : i32
      %dma_start3A_604 = arith.constant 0 : i32
      %dma_start3A_605 = tpu.memref_slice %arg3[%add3A, %sub3A_598, %dma_start3A_603, %dma_start3A_604] : memref<32x90x2x112xi32, #tpu.memory_space<hbm>> -> memref<1x1x2x112xi32, #tpu.memory_space<hbm>>
      %dma_start3A_606 = tpu.memref_squeeze %dma_start3A_605 : memref<1x1x2x112xi32, #tpu.memory_space<hbm>> -> memref<2x112xi32, #tpu.memory_space<hbm>>
      tpu.enqueue_dma source(%dma_start3A_606 : memref<2x112xi32, #tpu.memory_space<hbm>>) target(%arg11 : memref<2x112xi32, #tpu.memory_space<vmem>>) target_semaphore(%arg20 : memref<!tpu.dma_semaphore, #tpu.memory_space<semaphore_mem>>)
      %dma_wait3A_607 = arith.constant 0 : i32
      %dma_wait3A_608 = arith.constant 0 : i32
      %dma_wait3A_609 = tpu.memref_slice %arg6[%dma_wait3A_607, %dma_wait3A_608] : memref<2x112xi32, #tpu.memory_space<vmem>> -> memref<1x112xi32, #tpu.memory_space<vmem>>
      %dma_wait3A_610 = tpu.memref_squeeze %dma_wait3A_609 : memref<1x112xi32, #tpu.memory_space<vmem>> -> memref<112xi32, #tpu.memory_space<vmem>>
      %dma_wait3A_611 = arith.constant 0 : i32
      %dma_wait3A_612 = arith.constant 0 : i32
      %dma_wait3A_613 = tpu.memref_slice %arg2[%dma_wait3A_611, %dma_wait3A_612] : memref<10000x128xf32, #tpu.memory_space<hbm>> -> memref<10000x128xf32, #tpu.memory_space<hbm>>
      tpu.wait_indirect_dma semaphore(%arg21 : memref<!tpu.dma_semaphore, #tpu.memory_space<semaphore_mem>>) src(%dma_wait3A_613 : memref<10000x128xf32, #tpu.memory_space<hbm>>) dst(%arg12 : memref<112x128xf32, #tpu.memory_space<vmem>>)
      %dma_start3A_614 = arith.constant 1 : i32
      %dma_start3A_615 = arith.constant 0 : i32
      %dma_start3A_616 = tpu.memref_slice %arg6[%dma_start3A_614, %dma_start3A_615] : memref<2x112xi32, #tpu.memory_space<vmem>> -> memref<1x112xi32, #tpu.memory_space<vmem>>
      %dma_start3A_617 = tpu.memref_squeeze %dma_start3A_616 : memref<1x112xi32, #tpu.memory_space<vmem>> -> memref<112xi32, #tpu.memory_space<vmem>>
      %dma_start3A_618 = arith.constant 0 : i32
      %dma_start3A_619 = arith.constant 0 : i32
      %dma_start3A_620 = tpu.memref_slice %arg27[%dma_start3A_618, %dma_start3A_619] : memref<10112x128xf32, #tpu.memory_space<vmem_shared>> -> memref<10112x128xf32, #tpu.memory_space<vmem_shared>>
      tpu.enqueue_indirect_dma source(%arg12 : memref<112x128xf32, #tpu.memory_space<vmem>>) target(%dma_start3A_620 : memref<10112x128xf32, #tpu.memory_space<vmem_shared>>) offsets(%dma_start3A_617 : memref<112xi32, #tpu.memory_space<vmem>>) semaphore(%arg24 : memref<!tpu.dma_semaphore, #tpu.memory_space<semaphore_mem>>) {add = true}
      %add3A_621 = arith.constant 1 : i32
      %add3A_622 = arith.addi %mul3A_567, %add3A_621 : i32
      %add3A_623 = arith.constant 3 : i32
      %add3A_624 = arith.addi %add3A_622, %add3A_623 : i32
      %sub3A_625 = arith.constant 1 : i32
      %sub3A_626 = arith.subi %add3A_624, %sub3A_625 : i32
      %dma_wait3A_627 = arith.constant 0 : i32
      %dma_wait3A_628 = arith.constant 0 : i32
      %dma_wait3A_629 = tpu.memref_slice %arg3[%add3A, %sub3A_626, %dma_wait3A_627, %dma_wait3A_628] : memref<32x90x2x112xi32, #tpu.memory_space<hbm>> -> memref<1x1x2x112xi32, #tpu.memory_space<hbm>>
      %dma_wait3A_630 = tpu.memref_squeeze %dma_wait3A_629 : memref<1x1x2x112xi32, #tpu.memory_space<hbm>> -> memref<2x112xi32, #tpu.memory_space<hbm>>
      %dma_wait3A_631 = arith.constant 0 : i32
      %dma_wait3A_632 = arith.constant 0 : i32
      %dma_wait3A_633 = tpu.memref_slice %arg3[%add3A, %sub3A_626, %dma_wait3A_631, %dma_wait3A_632] : memref<32x90x2x112xi32, #tpu.memory_space<hbm>> -> memref<1x1x2x112xi32, #tpu.memory_space<hbm>>
      %dma_wait3A_634 = tpu.memref_squeeze %dma_wait3A_633 : memref<1x1x2x112xi32, #tpu.memory_space<hbm>> -> memref<2x112xi32, #tpu.memory_space<hbm>>
      tpu.wait_dma2 semaphore(%arg18 : memref<!tpu.dma_semaphore, #tpu.memory_space<semaphore_mem>>) src(%dma_wait3A_634 : memref<2x112xi32, #tpu.memory_space<hbm>>) dst(%arg9 : memref<2x112xi32, #tpu.memory_space<vmem>>)
      %dma_wait3A_635 = arith.constant 1 : i32
      %dma_wait3A_636 = arith.constant 0 : i32
      %dma_wait3A_637 = tpu.memref_slice %arg7[%dma_wait3A_635, %dma_wait3A_636] : memref<2x112xi32, #tpu.memory_space<vmem>> -> memref<1x112xi32, #tpu.memory_space<vmem>>
      %dma_wait3A_638 = tpu.memref_squeeze %dma_wait3A_637 : memref<1x112xi32, #tpu.memory_space<vmem>> -> memref<112xi32, #tpu.memory_space<vmem>>
      %dma_wait3A_639 = arith.constant 0 : i32
      %dma_wait3A_640 = arith.constant 0 : i32
      %dma_wait3A_641 = tpu.memref_slice %arg27[%dma_wait3A_639, %dma_wait3A_640] : memref<10112x128xf32, #tpu.memory_space<vmem_shared>> -> memref<10112x128xf32, #tpu.memory_space<vmem_shared>>
      tpu.wait_indirect_dma semaphore(%arg24 : memref<!tpu.dma_semaphore, #tpu.memory_space<semaphore_mem>>) src(%arg12 : memref<112x128xf32, #tpu.memory_space<vmem>>) dst(%dma_wait3A_641 : memref<10112x128xf32, #tpu.memory_space<vmem_shared>>)
      %dma_start3A_642 = arith.constant 0 : i32
      %dma_start3A_643 = arith.constant 0 : i32
      %dma_start3A_644 = tpu.memref_slice %arg9[%dma_start3A_642, %dma_start3A_643] : memref<2x112xi32, #tpu.memory_space<vmem>> -> memref<1x112xi32, #tpu.memory_space<vmem>>
      %dma_start3A_645 = tpu.memref_squeeze %dma_start3A_644 : memref<1x112xi32, #tpu.memory_space<vmem>> -> memref<112xi32, #tpu.memory_space<vmem>>
      %dma_start3A_646 = arith.constant 0 : i32
      %dma_start3A_647 = arith.constant 0 : i32
      %dma_start3A_648 = tpu.memref_slice %arg2[%dma_start3A_646, %dma_start3A_647] : memref<10000x128xf32, #tpu.memory_space<hbm>> -> memref<10000x128xf32, #tpu.memory_space<hbm>>
      tpu.enqueue_indirect_dma source(%dma_start3A_648 : memref<10000x128xf32, #tpu.memory_space<hbm>>) target(%arg12 : memref<112x128xf32, #tpu.memory_space<vmem>>) offsets(%dma_start3A_645 : memref<112xi32, #tpu.memory_space<vmem>>) semaphore(%arg21 : memref<!tpu.dma_semaphore, #tpu.memory_space<semaphore_mem>>)
      %add3A_649 = arith.constant 6 : i32
      %add3A_650 = arith.addi %add3A_622, %add3A_649 : i32
      %sub3A_651 = arith.constant 1 : i32
      %sub3A_652 = arith.subi %add3A_650, %sub3A_651 : i32
      %dma_start3A_653 = arith.constant 0 : i32
      %dma_start3A_654 = arith.constant 0 : i32
      %dma_start3A_655 = tpu.memref_slice %arg3[%add3A, %sub3A_652, %dma_start3A_653, %dma_start3A_654] : memref<32x90x2x112xi32, #tpu.memory_space<hbm>> -> memref<1x1x2x112xi32, #tpu.memory_space<hbm>>
      %dma_start3A_656 = tpu.memref_squeeze %dma_start3A_655 : memref<1x1x2x112xi32, #tpu.memory_space<hbm>> -> memref<2x112xi32, #tpu.memory_space<hbm>>
      %dma_start3A_657 = arith.constant 0 : i32
      %dma_start3A_658 = arith.constant 0 : i32
      %dma_start3A_659 = tpu.memref_slice %arg3[%add3A, %sub3A_652, %dma_start3A_657, %dma_start3A_658] : memref<32x90x2x112xi32, #tpu.memory_space<hbm>> -> memref<1x1x2x112xi32, #tpu.memory_space<hbm>>
      %dma_start3A_660 = tpu.memref_squeeze %dma_start3A_659 : memref<1x1x2x112xi32, #tpu.memory_space<hbm>> -> memref<2x112xi32, #tpu.memory_space<hbm>>
      tpu.enqueue_dma source(%dma_start3A_660 : memref<2x112xi32, #tpu.memory_space<hbm>>) target(%arg6 : memref<2x112xi32, #tpu.memory_space<vmem>>) target_semaphore(%arg15 : memref<!tpu.dma_semaphore, #tpu.memory_space<semaphore_mem>>)
      %dma_wait3A_661 = arith.constant 0 : i32
      %dma_wait3A_662 = arith.constant 0 : i32
      %dma_wait3A_663 = tpu.memref_slice %arg7[%dma_wait3A_661, %dma_wait3A_662] : memref<2x112xi32, #tpu.memory_space<vmem>> -> memref<1x112xi32, #tpu.memory_space<vmem>>
      %dma_wait3A_664 = tpu.memref_squeeze %dma_wait3A_663 : memref<1x112xi32, #tpu.memory_space<vmem>> -> memref<112xi32, #tpu.memory_space<vmem>>
      %dma_wait3A_665 = arith.constant 0 : i32
      %dma_wait3A_666 = arith.constant 0 : i32
      %dma_wait3A_667 = tpu.memref_slice %arg2[%dma_wait3A_665, %dma_wait3A_666] : memref<10000x128xf32, #tpu.memory_space<hbm>> -> memref<10000x128xf32, #tpu.memory_space<hbm>>
      tpu.wait_indirect_dma semaphore(%arg22 : memref<!tpu.dma_semaphore, #tpu.memory_space<semaphore_mem>>) src(%dma_wait3A_667 : memref<10000x128xf32, #tpu.memory_space<hbm>>) dst(%arg13 : memref<112x128xf32, #tpu.memory_space<vmem>>)
      %dma_start3A_668 = arith.constant 1 : i32
      %dma_start3A_669 = arith.constant 0 : i32
      %dma_start3A_670 = tpu.memref_slice %arg7[%dma_start3A_668, %dma_start3A_669] : memref<2x112xi32, #tpu.memory_space<vmem>> -> memref<1x112xi32, #tpu.memory_space<vmem>>
      %dma_start3A_671 = tpu.memref_squeeze %dma_start3A_670 : memref<1x112xi32, #tpu.memory_space<vmem>> -> memref<112xi32, #tpu.memory_space<vmem>>
      %dma_start3A_672 = arith.constant 0 : i32
      %dma_start3A_673 = arith.constant 0 : i32
      %dma_start3A_674 = tpu.memref_slice %arg27[%dma_start3A_672, %dma_start3A_673] : memref<10112x128xf32, #tpu.memory_space<vmem_shared>> -> memref<10112x128xf32, #tpu.memory_space<vmem_shared>>
      tpu.enqueue_indirect_dma source(%arg13 : memref<112x128xf32, #tpu.memory_space<vmem>>) target(%dma_start3A_674 : memref<10112x128xf32, #tpu.memory_space<vmem_shared>>) offsets(%dma_start3A_671 : memref<112xi32, #tpu.memory_space<vmem>>) semaphore(%arg25 : memref<!tpu.dma_semaphore, #tpu.memory_space<semaphore_mem>>) {add = true}
      %add3A_675 = arith.constant 2 : i32
      %add3A_676 = arith.addi %mul3A_567, %add3A_675 : i32
      %add3A_677 = arith.constant 3 : i32
      %add3A_678 = arith.addi %add3A_676, %add3A_677 : i32
      %sub3A_679 = arith.constant 1 : i32
      %sub3A_680 = arith.subi %add3A_678, %sub3A_679 : i32
      %dma_wait3A_681 = arith.constant 0 : i32
      %dma_wait3A_682 = arith.constant 0 : i32
      %dma_wait3A_683 = tpu.memref_slice %arg3[%add3A, %sub3A_680, %dma_wait3A_681, %dma_wait3A_682] : memref<32x90x2x112xi32, #tpu.memory_space<hbm>> -> memref<1x1x2x112xi32, #tpu.memory_space<hbm>>
      %dma_wait3A_684 = tpu.memref_squeeze %dma_wait3A_683 : memref<1x1x2x112xi32, #tpu.memory_space<hbm>> -> memref<2x112xi32, #tpu.memory_space<hbm>>
      %dma_wait3A_685 = arith.constant 0 : i32
      %dma_wait3A_686 = arith.constant 0 : i32
      %dma_wait3A_687 = tpu.memref_slice %arg3[%add3A, %sub3A_680, %dma_wait3A_685, %dma_wait3A_686] : memref<32x90x2x112xi32, #tpu.memory_space<hbm>> -> memref<1x1x2x112xi32, #tpu.memory_space<hbm>>
      %dma_wait3A_688 = tpu.memref_squeeze %dma_wait3A_687 : memref<1x1x2x112xi32, #tpu.memory_space<hbm>> -> memref<2x112xi32, #tpu.memory_space<hbm>>
      tpu.wait_dma2 semaphore(%arg19 : memref<!tpu.dma_semaphore, #tpu.memory_space<semaphore_mem>>) src(%dma_wait3A_688 : memref<2x112xi32, #tpu.memory_space<hbm>>) dst(%arg10 : memref<2x112xi32, #tpu.memory_space<vmem>>)
      %dma_wait3A_689 = arith.constant 1 : i32
      %dma_wait3A_690 = arith.constant 0 : i32
      %dma_wait3A_691 = tpu.memref_slice %arg8[%dma_wait3A_689, %dma_wait3A_690] : memref<2x112xi32, #tpu.memory_space<vmem>> -> memref<1x112xi32, #tpu.memory_space<vmem>>
      %dma_wait3A_692 = tpu.memref_squeeze %dma_wait3A_691 : memref<1x112xi32, #tpu.memory_space<vmem>> -> memref<112xi32, #tpu.memory_space<vmem>>
      %dma_wait3A_693 = arith.constant 0 : i32
      %dma_wait3A_694 = arith.constant 0 : i32
      %dma_wait3A_695 = tpu.memref_slice %arg27[%dma_wait3A_693, %dma_wait3A_694] : memref<10112x128xf32, #tpu.memory_space<vmem_shared>> -> memref<10112x128xf32, #tpu.memory_space<vmem_shared>>
      tpu.wait_indirect_dma semaphore(%arg25 : memref<!tpu.dma_semaphore, #tpu.memory_space<semaphore_mem>>) src(%arg13 : memref<112x128xf32, #tpu.memory_space<vmem>>) dst(%dma_wait3A_695 : memref<10112x128xf32, #tpu.memory_space<vmem_shared>>)
      %dma_start3A_696 = arith.constant 0 : i32
      %dma_start3A_697 = arith.constant 0 : i32
      %dma_start3A_698 = tpu.memref_slice %arg10[%dma_start3A_696, %dma_start3A_697] : memref<2x112xi32, #tpu.memory_space<vmem>> -> memref<1x112xi32, #tpu.memory_space<vmem>>
      %dma_start3A_699 = tpu.memref_squeeze %dma_start3A_698 : memref<1x112xi32, #tpu.memory_space<vmem>> -> memref<112xi32, #tpu.memory_space<vmem>>
      %dma_start3A_700 = arith.constant 0 : i32
      %dma_start3A_701 = arith.constant 0 : i32
      %dma_start3A_702 = tpu.memref_slice %arg2[%dma_start3A_700, %dma_start3A_701] : memref<10000x128xf32, #tpu.memory_space<hbm>> -> memref<10000x128xf32, #tpu.memory_space<hbm>>
      tpu.enqueue_indirect_dma source(%dma_start3A_702 : memref<10000x128xf32, #tpu.memory_space<hbm>>) target(%arg13 : memref<112x128xf32, #tpu.memory_space<vmem>>) offsets(%dma_start3A_699 : memref<112xi32, #tpu.memory_space<vmem>>) semaphore(%arg22 : memref<!tpu.dma_semaphore, #tpu.memory_space<semaphore_mem>>)
      %add3A_703 = arith.constant 6 : i32
      %add3A_704 = arith.addi %add3A_676, %add3A_703 : i32
      %sub3A_705 = arith.constant 1 : i32
      %sub3A_706 = arith.subi %add3A_704, %sub3A_705 : i32
      %dma_start3A_707 = arith.constant 0 : i32
      %dma_start3A_708 = arith.constant 0 : i32
      %dma_start3A_709 = tpu.memref_slice %arg3[%add3A, %sub3A_706, %dma_start3A_707, %dma_start3A_708] : memref<32x90x2x112xi32, #tpu.memory_space<hbm>> -> memref<1x1x2x112xi32, #tpu.memory_space<hbm>>
      %dma_start3A_710 = tpu.memref_squeeze %dma_start3A_709 : memref<1x1x2x112xi32, #tpu.memory_space<hbm>> -> memref<2x112xi32, #tpu.memory_space<hbm>>
      %dma_start3A_711 = arith.constant 0 : i32
      %dma_start3A_712 = arith.constant 0 : i32
      %dma_start3A_713 = tpu.memref_slice %arg3[%add3A, %sub3A_706, %dma_start3A_711, %dma_start3A_712] : memref<32x90x2x112xi32, #tpu.memory_space<hbm>> -> memref<1x1x2x112xi32, #tpu.memory_space<hbm>>
      %dma_start3A_714 = tpu.memref_squeeze %dma_start3A_713 : memref<1x1x2x112xi32, #tpu.memory_space<hbm>> -> memref<2x112xi32, #tpu.memory_space<hbm>>
      tpu.enqueue_dma source(%dma_start3A_714 : memref<2x112xi32, #tpu.memory_space<hbm>>) target(%arg7 : memref<2x112xi32, #tpu.memory_space<vmem>>) target_semaphore(%arg16 : memref<!tpu.dma_semaphore, #tpu.memory_space<semaphore_mem>>)
      %dma_wait3A_715 = arith.constant 0 : i32
      %dma_wait3A_716 = arith.constant 0 : i32
      %dma_wait3A_717 = tpu.memref_slice %arg8[%dma_wait3A_715, %dma_wait3A_716] : memref<2x112xi32, #tpu.memory_space<vmem>> -> memref<1x112xi32, #tpu.memory_space<vmem>>
      %dma_wait3A_718 = tpu.memref_squeeze %dma_wait3A_717 : memref<1x112xi32, #tpu.memory_space<vmem>> -> memref<112xi32, #tpu.memory_space<vmem>>
      %dma_wait3A_719 = arith.constant 0 : i32
      %dma_wait3A_720 = arith.constant 0 : i32
      %dma_wait3A_721 = tpu.memref_slice %arg2[%dma_wait3A_719, %dma_wait3A_720] : memref<10000x128xf32, #tpu.memory_space<hbm>> -> memref<10000x128xf32, #tpu.memory_space<hbm>>
      tpu.wait_indirect_dma semaphore(%arg23 : memref<!tpu.dma_semaphore, #tpu.memory_space<semaphore_mem>>) src(%dma_wait3A_721 : memref<10000x128xf32, #tpu.memory_space<hbm>>) dst(%arg14 : memref<112x128xf32, #tpu.memory_space<vmem>>)
      %dma_start3A_722 = arith.constant 1 : i32
      %dma_start3A_723 = arith.constant 0 : i32
      %dma_start3A_724 = tpu.memref_slice %arg8[%dma_start3A_722, %dma_start3A_723] : memref<2x112xi32, #tpu.memory_space<vmem>> -> memref<1x112xi32, #tpu.memory_space<vmem>>
      %dma_start3A_725 = tpu.memref_squeeze %dma_start3A_724 : memref<1x112xi32, #tpu.memory_space<vmem>> -> memref<112xi32, #tpu.memory_space<vmem>>
      %dma_start3A_726 = arith.constant 0 : i32
      %dma_start3A_727 = arith.constant 0 : i32
      %dma_start3A_728 = tpu.memref_slice %arg27[%dma_start3A_726, %dma_start3A_727] : memref<10112x128xf32, #tpu.memory_space<vmem_shared>> -> memref<10112x128xf32, #tpu.memory_space<vmem_shared>>
      tpu.enqueue_indirect_dma source(%arg14 : memref<112x128xf32, #tpu.memory_space<vmem>>) target(%dma_start3A_728 : memref<10112x128xf32, #tpu.memory_space<vmem_shared>>) offsets(%dma_start3A_725 : memref<112xi32, #tpu.memory_space<vmem>>) semaphore(%arg26 : memref<!tpu.dma_semaphore, #tpu.memory_space<semaphore_mem>>) {add = true}
      %add3A_729 = arith.constant 3 : i32
      %add3A_730 = arith.addi %mul3A_567, %add3A_729 : i32
      %add3A_731 = arith.constant 3 : i32
      %add3A_732 = arith.addi %add3A_730, %add3A_731 : i32
      %sub3A_733 = arith.constant 1 : i32
      %sub3A_734 = arith.subi %add3A_732, %sub3A_733 : i32
      %dma_wait3A_735 = arith.constant 0 : i32
      %dma_wait3A_736 = arith.constant 0 : i32
      %dma_wait3A_737 = tpu.memref_slice %arg3[%add3A, %sub3A_734, %dma_wait3A_735, %dma_wait3A_736] : memref<32x90x2x112xi32, #tpu.memory_space<hbm>> -> memref<1x1x2x112xi32, #tpu.memory_space<hbm>>
      %dma_wait3A_738 = tpu.memref_squeeze %dma_wait3A_737 : memref<1x1x2x112xi32, #tpu.memory_space<hbm>> -> memref<2x112xi32, #tpu.memory_space<hbm>>
      %dma_wait3A_739 = arith.constant 0 : i32
      %dma_wait3A_740 = arith.constant 0 : i32
      %dma_wait3A_741 = tpu.memref_slice %arg3[%add3A, %sub3A_734, %dma_wait3A_739, %dma_wait3A_740] : memref<32x90x2x112xi32, #tpu.memory_space<hbm>> -> memref<1x1x2x112xi32, #tpu.memory_space<hbm>>
      %dma_wait3A_742 = tpu.memref_squeeze %dma_wait3A_741 : memref<1x1x2x112xi32, #tpu.memory_space<hbm>> -> memref<2x112xi32, #tpu.memory_space<hbm>>
      tpu.wait_dma2 semaphore(%arg20 : memref<!tpu.dma_semaphore, #tpu.memory_space<semaphore_mem>>) src(%dma_wait3A_742 : memref<2x112xi32, #tpu.memory_space<hbm>>) dst(%arg11 : memref<2x112xi32, #tpu.memory_space<vmem>>)
      %dma_wait3A_743 = arith.constant 1 : i32
      %dma_wait3A_744 = arith.constant 0 : i32
      %dma_wait3A_745 = tpu.memref_slice %arg9[%dma_wait3A_743, %dma_wait3A_744] : memref<2x112xi32, #tpu.memory_space<vmem>> -> memref<1x112xi32, #tpu.memory_space<vmem>>
      %dma_wait3A_746 = tpu.memref_squeeze %dma_wait3A_745 : memref<1x112xi32, #tpu.memory_space<vmem>> -> memref<112xi32, #tpu.memory_space<vmem>>
      %dma_wait3A_747 = arith.constant 0 : i32
      %dma_wait3A_748 = arith.constant 0 : i32
      %dma_wait3A_749 = tpu.memref_slice %arg27[%dma_wait3A_747, %dma_wait3A_748] : memref<10112x128xf32, #tpu.memory_space<vmem_shared>> -> memref<10112x128xf32, #tpu.memory_space<vmem_shared>>
      tpu.wait_indirect_dma semaphore(%arg26 : memref<!tpu.dma_semaphore, #tpu.memory_space<semaphore_mem>>) src(%arg14 : memref<112x128xf32, #tpu.memory_space<vmem>>) dst(%dma_wait3A_749 : memref<10112x128xf32, #tpu.memory_space<vmem_shared>>)
      %dma_start3A_750 = arith.constant 0 : i32
      %dma_start3A_751 = arith.constant 0 : i32
      %dma_start3A_752 = tpu.memref_slice %arg11[%dma_start3A_750, %dma_start3A_751] : memref<2x112xi32, #tpu.memory_space<vmem>> -> memref<1x112xi32, #tpu.memory_space<vmem>>
      %dma_start3A_753 = tpu.memref_squeeze %dma_start3A_752 : memref<1x112xi32, #tpu.memory_space<vmem>> -> memref<112xi32, #tpu.memory_space<vmem>>
      %dma_start3A_754 = arith.constant 0 : i32
      %dma_start3A_755 = arith.constant 0 : i32
      %dma_start3A_756 = tpu.memref_slice %arg2[%dma_start3A_754, %dma_start3A_755] : memref<10000x128xf32, #tpu.memory_space<hbm>> -> memref<10000x128xf32, #tpu.memory_space<hbm>>
      tpu.enqueue_indirect_dma source(%dma_start3A_756 : memref<10000x128xf32, #tpu.memory_space<hbm>>) target(%arg14 : memref<112x128xf32, #tpu.memory_space<vmem>>) offsets(%dma_start3A_753 : memref<112xi32, #tpu.memory_space<vmem>>) semaphore(%arg23 : memref<!tpu.dma_semaphore, #tpu.memory_space<semaphore_mem>>)
      %add3A_757 = arith.constant 6 : i32
      %add3A_758 = arith.addi %add3A_730, %add3A_757 : i32
      %sub3A_759 = arith.constant 1 : i32
      %sub3A_760 = arith.subi %add3A_758, %sub3A_759 : i32
      %dma_start3A_761 = arith.constant 0 : i32
      %dma_start3A_762 = arith.constant 0 : i32
      %dma_start3A_763 = tpu.memref_slice %arg3[%add3A, %sub3A_760, %dma_start3A_761, %dma_start3A_762] : memref<32x90x2x112xi32, #tpu.memory_space<hbm>> -> memref<1x1x2x112xi32, #tpu.memory_space<hbm>>
      %dma_start3A_764 = tpu.memref_squeeze %dma_start3A_763 : memref<1x1x2x112xi32, #tpu.memory_space<hbm>> -> memref<2x112xi32, #tpu.memory_space<hbm>>
      %dma_start3A_765 = arith.constant 0 : i32
      %dma_start3A_766 = arith.constant 0 : i32
      %dma_start3A_767 = tpu.memref_slice %arg3[%add3A, %sub3A_760, %dma_start3A_765, %dma_start3A_766] : memref<32x90x2x112xi32, #tpu.memory_space<hbm>> -> memref<1x1x2x112xi32, #tpu.memory_space<hbm>>
      %dma_start3A_768 = tpu.memref_squeeze %dma_start3A_767 : memref<1x1x2x112xi32, #tpu.memory_space<hbm>> -> memref<2x112xi32, #tpu.memory_space<hbm>>
      tpu.enqueue_dma source(%dma_start3A_768 : memref<2x112xi32, #tpu.memory_space<hbm>>) target(%arg8 : memref<2x112xi32, #tpu.memory_space<vmem>>) target_semaphore(%arg17 : memref<!tpu.dma_semaphore, #tpu.memory_space<semaphore_mem>>)
      %dma_wait3A_769 = arith.constant 0 : i32
      %dma_wait3A_770 = arith.constant 0 : i32
      %dma_wait3A_771 = tpu.memref_slice %arg9[%dma_wait3A_769, %dma_wait3A_770] : memref<2x112xi32, #tpu.memory_space<vmem>> -> memref<1x112xi32, #tpu.memory_space<vmem>>
      %dma_wait3A_772 = tpu.memref_squeeze %dma_wait3A_771 : memref<1x112xi32, #tpu.memory_space<vmem>> -> memref<112xi32, #tpu.memory_space<vmem>>
      %dma_wait3A_773 = arith.constant 0 : i32
      %dma_wait3A_774 = arith.constant 0 : i32
      %dma_wait3A_775 = tpu.memref_slice %arg2[%dma_wait3A_773, %dma_wait3A_774] : memref<10000x128xf32, #tpu.memory_space<hbm>> -> memref<10000x128xf32, #tpu.memory_space<hbm>>
      tpu.wait_indirect_dma semaphore(%arg21 : memref<!tpu.dma_semaphore, #tpu.memory_space<semaphore_mem>>) src(%dma_wait3A_775 : memref<10000x128xf32, #tpu.memory_space<hbm>>) dst(%arg12 : memref<112x128xf32, #tpu.memory_space<vmem>>)
      %dma_start3A_776 = arith.constant 1 : i32
      %dma_start3A_777 = arith.constant 0 : i32
      %dma_start3A_778 = tpu.memref_slice %arg9[%dma_start3A_776, %dma_start3A_777] : memref<2x112xi32, #tpu.memory_space<vmem>> -> memref<1x112xi32, #tpu.memory_space<vmem>>
      %dma_start3A_779 = tpu.memref_squeeze %dma_start3A_778 : memref<1x112xi32, #tpu.memory_space<vmem>> -> memref<112xi32, #tpu.memory_space<vmem>>
      %dma_start3A_780 = arith.constant 0 : i32
      %dma_start3A_781 = arith.constant 0 : i32
      %dma_start3A_782 = tpu.memref_slice %arg27[%dma_start3A_780, %dma_start3A_781] : memref<10112x128xf32, #tpu.memory_space<vmem_shared>> -> memref<10112x128xf32, #tpu.memory_space<vmem_shared>>
      tpu.enqueue_indirect_dma source(%arg12 : memref<112x128xf32, #tpu.memory_space<vmem>>) target(%dma_start3A_782 : memref<10112x128xf32, #tpu.memory_space<vmem_shared>>) offsets(%dma_start3A_779 : memref<112xi32, #tpu.memory_space<vmem>>) semaphore(%arg24 : memref<!tpu.dma_semaphore, #tpu.memory_space<semaphore_mem>>) {add = true}
      %add3A_783 = arith.constant 4 : i32
      %add3A_784 = arith.addi %mul3A_567, %add3A_783 : i32
      %add3A_785 = arith.constant 3 : i32
      %add3A_786 = arith.addi %add3A_784, %add3A_785 : i32
      %sub3A_787 = arith.constant 1 : i32
      %sub3A_788 = arith.subi %add3A_786, %sub3A_787 : i32
      %dma_wait3A_789 = arith.constant 0 : i32
      %dma_wait3A_790 = arith.constant 0 : i32
      %dma_wait3A_791 = tpu.memref_slice %arg3[%add3A, %sub3A_788, %dma_wait3A_789, %dma_wait3A_790] : memref<32x90x2x112xi32, #tpu.memory_space<hbm>> -> memref<1x1x2x112xi32, #tpu.memory_space<hbm>>
      %dma_wait3A_792 = tpu.memref_squeeze %dma_wait3A_791 : memref<1x1x2x112xi32, #tpu.memory_space<hbm>> -> memref<2x112xi32, #tpu.memory_space<hbm>>
      %dma_wait3A_793 = arith.constant 0 : i32
      %dma_wait3A_794 = arith.constant 0 : i32
      %dma_wait3A_795 = tpu.memref_slice %arg3[%add3A, %sub3A_788, %dma_wait3A_793, %dma_wait3A_794] : memref<32x90x2x112xi32, #tpu.memory_space<hbm>> -> memref<1x1x2x112xi32, #tpu.memory_space<hbm>>
      %dma_wait3A_796 = tpu.memref_squeeze %dma_wait3A_795 : memref<1x1x2x112xi32, #tpu.memory_space<hbm>> -> memref<2x112xi32, #tpu.memory_space<hbm>>
      tpu.wait_dma2 semaphore(%arg15 : memref<!tpu.dma_semaphore, #tpu.memory_space<semaphore_mem>>) src(%dma_wait3A_796 : memref<2x112xi32, #tpu.memory_space<hbm>>) dst(%arg6 : memref<2x112xi32, #tpu.memory_space<vmem>>)
      %dma_wait3A_797 = arith.constant 1 : i32
      %dma_wait3A_798 = arith.constant 0 : i32
      %dma_wait3A_799 = tpu.memref_slice %arg10[%dma_wait3A_797, %dma_wait3A_798] : memref<2x112xi32, #tpu.memory_space<vmem>> -> memref<1x112xi32, #tpu.memory_space<vmem>>
      %dma_wait3A_800 = tpu.memref_squeeze %dma_wait3A_799 : memref<1x112xi32, #tpu.memory_space<vmem>> -> memref<112xi32, #tpu.memory_space<vmem>>
      %dma_wait3A_801 = arith.constant 0 : i32
      %dma_wait3A_802 = arith.constant 0 : i32
      %dma_wait3A_803 = tpu.memref_slice %arg27[%dma_wait3A_801, %dma_wait3A_802] : memref<10112x128xf32, #tpu.memory_space<vmem_shared>> -> memref<10112x128xf32, #tpu.memory_space<vmem_shared>>
      tpu.wait_indirect_dma semaphore(%arg24 : memref<!tpu.dma_semaphore, #tpu.memory_space<semaphore_mem>>) src(%arg12 : memref<112x128xf32, #tpu.memory_space<vmem>>) dst(%dma_wait3A_803 : memref<10112x128xf32, #tpu.memory_space<vmem_shared>>)
      %dma_start3A_804 = arith.constant 0 : i32
      %dma_start3A_805 = arith.constant 0 : i32
      %dma_start3A_806 = tpu.memref_slice %arg6[%dma_start3A_804, %dma_start3A_805] : memref<2x112xi32, #tpu.memory_space<vmem>> -> memref<1x112xi32, #tpu.memory_space<vmem>>
      %dma_start3A_807 = tpu.memref_squeeze %dma_start3A_806 : memref<1x112xi32, #tpu.memory_space<vmem>> -> memref<112xi32, #tpu.memory_space<vmem>>
      %dma_start3A_808 = arith.constant 0 : i32
      %dma_start3A_809 = arith.constant 0 : i32
      %dma_start3A_810 = tpu.memref_slice %arg2[%dma_start3A_808, %dma_start3A_809] : memref<10000x128xf32, #tpu.memory_space<hbm>> -> memref<10000x128xf32, #tpu.memory_space<hbm>>
      tpu.enqueue_indirect_dma source(%dma_start3A_810 : memref<10000x128xf32, #tpu.memory_space<hbm>>) target(%arg12 : memref<112x128xf32, #tpu.memory_space<vmem>>) offsets(%dma_start3A_807 : memref<112xi32, #tpu.memory_space<vmem>>) semaphore(%arg21 : memref<!tpu.dma_semaphore, #tpu.memory_space<semaphore_mem>>)
      %add3A_811 = arith.constant 6 : i32
      %add3A_812 = arith.addi %add3A_784, %add3A_811 : i32
      %sub3A_813 = arith.constant 1 : i32
      %sub3A_814 = arith.subi %add3A_812, %sub3A_813 : i32
      %dma_start3A_815 = arith.constant 0 : i32
      %dma_start3A_816 = arith.constant 0 : i32
      %dma_start3A_817 = tpu.memref_slice %arg3[%add3A, %sub3A_814, %dma_start3A_815, %dma_start3A_816] : memref<32x90x2x112xi32, #tpu.memory_space<hbm>> -> memref<1x1x2x112xi32, #tpu.memory_space<hbm>>
      %dma_start3A_818 = tpu.memref_squeeze %dma_start3A_817 : memref<1x1x2x112xi32, #tpu.memory_space<hbm>> -> memref<2x112xi32, #tpu.memory_space<hbm>>
      %dma_start3A_819 = arith.constant 0 : i32
      %dma_start3A_820 = arith.constant 0 : i32
      %dma_start3A_821 = tpu.memref_slice %arg3[%add3A, %sub3A_814, %dma_start3A_819, %dma_start3A_820] : memref<32x90x2x112xi32, #tpu.memory_space<hbm>> -> memref<1x1x2x112xi32, #tpu.memory_space<hbm>>
      %dma_start3A_822 = tpu.memref_squeeze %dma_start3A_821 : memref<1x1x2x112xi32, #tpu.memory_space<hbm>> -> memref<2x112xi32, #tpu.memory_space<hbm>>
      tpu.enqueue_dma source(%dma_start3A_822 : memref<2x112xi32, #tpu.memory_space<hbm>>) target(%arg9 : memref<2x112xi32, #tpu.memory_space<vmem>>) target_semaphore(%arg18 : memref<!tpu.dma_semaphore, #tpu.memory_space<semaphore_mem>>)
      %dma_wait3A_823 = arith.constant 0 : i32
      %dma_wait3A_824 = arith.constant 0 : i32
      %dma_wait3A_825 = tpu.memref_slice %arg10[%dma_wait3A_823, %dma_wait3A_824] : memref<2x112xi32, #tpu.memory_space<vmem>> -> memref<1x112xi32, #tpu.memory_space<vmem>>
      %dma_wait3A_826 = tpu.memref_squeeze %dma_wait3A_825 : memref<1x112xi32, #tpu.memory_space<vmem>> -> memref<112xi32, #tpu.memory_space<vmem>>
      %dma_wait3A_827 = arith.constant 0 : i32
      %dma_wait3A_828 = arith.constant 0 : i32
      %dma_wait3A_829 = tpu.memref_slice %arg2[%dma_wait3A_827, %dma_wait3A_828] : memref<10000x128xf32, #tpu.memory_space<hbm>> -> memref<10000x128xf32, #tpu.memory_space<hbm>>
      tpu.wait_indirect_dma semaphore(%arg22 : memref<!tpu.dma_semaphore, #tpu.memory_space<semaphore_mem>>) src(%dma_wait3A_829 : memref<10000x128xf32, #tpu.memory_space<hbm>>) dst(%arg13 : memref<112x128xf32, #tpu.memory_space<vmem>>)
      %dma_start3A_830 = arith.constant 1 : i32
      %dma_start3A_831 = arith.constant 0 : i32
      %dma_start3A_832 = tpu.memref_slice %arg10[%dma_start3A_830, %dma_start3A_831] : memref<2x112xi32, #tpu.memory_space<vmem>> -> memref<1x112xi32, #tpu.memory_space<vmem>>
      %dma_start3A_833 = tpu.memref_squeeze %dma_start3A_832 : memref<1x112xi32, #tpu.memory_space<vmem>> -> memref<112xi32, #tpu.memory_space<vmem>>
      %dma_start3A_834 = arith.constant 0 : i32
      %dma_start3A_835 = arith.constant 0 : i32
      %dma_start3A_836 = tpu.memref_slice %arg27[%dma_start3A_834, %dma_start3A_835] : memref<10112x128xf32, #tpu.memory_space<vmem_shared>> -> memref<10112x128xf32, #tpu.memory_space<vmem_shared>>
      tpu.enqueue_indirect_dma source(%arg13 : memref<112x128xf32, #tpu.memory_space<vmem>>) target(%dma_start3A_836 : memref<10112x128xf32, #tpu.memory_space<vmem_shared>>) offsets(%dma_start3A_833 : memref<112xi32, #tpu.memory_space<vmem>>) semaphore(%arg25 : memref<!tpu.dma_semaphore, #tpu.memory_space<semaphore_mem>>) {add = true}
      %add3A_837 = arith.constant 5 : i32
      %add3A_838 = arith.addi %mul3A_567, %add3A_837 : i32
      %add3A_839 = arith.constant 3 : i32
      %add3A_840 = arith.addi %add3A_838, %add3A_839 : i32
      %sub3A_841 = arith.constant 1 : i32
      %sub3A_842 = arith.subi %add3A_840, %sub3A_841 : i32
      %dma_wait3A_843 = arith.constant 0 : i32
      %dma_wait3A_844 = arith.constant 0 : i32
      %dma_wait3A_845 = tpu.memref_slice %arg3[%add3A, %sub3A_842, %dma_wait3A_843, %dma_wait3A_844] : memref<32x90x2x112xi32, #tpu.memory_space<hbm>> -> memref<1x1x2x112xi32, #tpu.memory_space<hbm>>
      %dma_wait3A_846 = tpu.memref_squeeze %dma_wait3A_845 : memref<1x1x2x112xi32, #tpu.memory_space<hbm>> -> memref<2x112xi32, #tpu.memory_space<hbm>>
      %dma_wait3A_847 = arith.constant 0 : i32
      %dma_wait3A_848 = arith.constant 0 : i32
      %dma_wait3A_849 = tpu.memref_slice %arg3[%add3A, %sub3A_842, %dma_wait3A_847, %dma_wait3A_848] : memref<32x90x2x112xi32, #tpu.memory_space<hbm>> -> memref<1x1x2x112xi32, #tpu.memory_space<hbm>>
      %dma_wait3A_850 = tpu.memref_squeeze %dma_wait3A_849 : memref<1x1x2x112xi32, #tpu.memory_space<hbm>> -> memref<2x112xi32, #tpu.memory_space<hbm>>
      tpu.wait_dma2 semaphore(%arg16 : memref<!tpu.dma_semaphore, #tpu.memory_space<semaphore_mem>>) src(%dma_wait3A_850 : memref<2x112xi32, #tpu.memory_space<hbm>>) dst(%arg7 : memref<2x112xi32, #tpu.memory_space<vmem>>)
      %dma_wait3A_851 = arith.constant 1 : i32
      %dma_wait3A_852 = arith.constant 0 : i32
      %dma_wait3A_853 = tpu.memref_slice %arg11[%dma_wait3A_851, %dma_wait3A_852] : memref<2x112xi32, #tpu.memory_space<vmem>> -> memref<1x112xi32, #tpu.memory_space<vmem>>
      %dma_wait3A_854 = tpu.memref_squeeze %dma_wait3A_853 : memref<1x112xi32, #tpu.memory_space<vmem>> -> memref<112xi32, #tpu.memory_space<vmem>>
      %dma_wait3A_855 = arith.constant 0 : i32
      %dma_wait3A_856 = arith.constant 0 : i32
      %dma_wait3A_857 = tpu.memref_slice %arg27[%dma_wait3A_855, %dma_wait3A_856] : memref<10112x128xf32, #tpu.memory_space<vmem_shared>> -> memref<10112x128xf32, #tpu.memory_space<vmem_shared>>
      tpu.wait_indirect_dma semaphore(%arg25 : memref<!tpu.dma_semaphore, #tpu.memory_space<semaphore_mem>>) src(%arg13 : memref<112x128xf32, #tpu.memory_space<vmem>>) dst(%dma_wait3A_857 : memref<10112x128xf32, #tpu.memory_space<vmem_shared>>)
      %dma_start3A_858 = arith.constant 0 : i32
      %dma_start3A_859 = arith.constant 0 : i32
      %dma_start3A_860 = tpu.memref_slice %arg7[%dma_start3A_858, %dma_start3A_859] : memref<2x112xi32, #tpu.memory_space<vmem>> -> memref<1x112xi32, #tpu.memory_space<vmem>>
      %dma_start3A_861 = tpu.memref_squeeze %dma_start3A_860 : memref<1x112xi32, #tpu.memory_space<vmem>> -> memref<112xi32, #tpu.memory_space<vmem>>
      %dma_start3A_862 = arith.constant 0 : i32
      %dma_start3A_863 = arith.constant 0 : i32
      %dma_start3A_864 = tpu.memref_slice %arg2[%dma_start3A_862, %dma_start3A_863] : memref<10000x128xf32, #tpu.memory_space<hbm>> -> memref<10000x128xf32, #tpu.memory_space<hbm>>
      tpu.enqueue_indirect_dma source(%dma_start3A_864 : memref<10000x128xf32, #tpu.memory_space<hbm>>) target(%arg13 : memref<112x128xf32, #tpu.memory_space<vmem>>) offsets(%dma_start3A_861 : memref<112xi32, #tpu.memory_space<vmem>>) semaphore(%arg22 : memref<!tpu.dma_semaphore, #tpu.memory_space<semaphore_mem>>)
      %add3A_865 = arith.constant 6 : i32
      %add3A_866 = arith.addi %add3A_838, %add3A_865 : i32
      %sub3A_867 = arith.constant 1 : i32
      %sub3A_868 = arith.subi %add3A_866, %sub3A_867 : i32
      %dma_start3A_869 = arith.constant 0 : i32
      %dma_start3A_870 = arith.constant 0 : i32
      %dma_start3A_871 = tpu.memref_slice %arg3[%add3A, %sub3A_868, %dma_start3A_869, %dma_start3A_870] : memref<32x90x2x112xi32, #tpu.memory_space<hbm>> -> memref<1x1x2x112xi32, #tpu.memory_space<hbm>>
      %dma_start3A_872 = tpu.memref_squeeze %dma_start3A_871 : memref<1x1x2x112xi32, #tpu.memory_space<hbm>> -> memref<2x112xi32, #tpu.memory_space<hbm>>
      %dma_start3A_873 = arith.constant 0 : i32
      %dma_start3A_874 = arith.constant 0 : i32
      %dma_start3A_875 = tpu.memref_slice %arg3[%add3A, %sub3A_868, %dma_start3A_873, %dma_start3A_874] : memref<32x90x2x112xi32, #tpu.memory_space<hbm>> -> memref<1x1x2x112xi32, #tpu.memory_space<hbm>>
      %dma_start3A_876 = tpu.memref_squeeze %dma_start3A_875 : memref<1x1x2x112xi32, #tpu.memory_space<hbm>> -> memref<2x112xi32, #tpu.memory_space<hbm>>
      tpu.enqueue_dma source(%dma_start3A_876 : memref<2x112xi32, #tpu.memory_space<hbm>>) target(%arg10 : memref<2x112xi32, #tpu.memory_space<vmem>>) target_semaphore(%arg19 : memref<!tpu.dma_semaphore, #tpu.memory_space<semaphore_mem>>)
      %dma_wait3A_877 = arith.constant 0 : i32
      %dma_wait3A_878 = arith.constant 0 : i32
      %dma_wait3A_879 = tpu.memref_slice %arg11[%dma_wait3A_877, %dma_wait3A_878] : memref<2x112xi32, #tpu.memory_space<vmem>> -> memref<1x112xi32, #tpu.memory_space<vmem>>
      %dma_wait3A_880 = tpu.memref_squeeze %dma_wait3A_879 : memref<1x112xi32, #tpu.memory_space<vmem>> -> memref<112xi32, #tpu.memory_space<vmem>>
      %dma_wait3A_881 = arith.constant 0 : i32
      %dma_wait3A_882 = arith.constant 0 : i32
      %dma_wait3A_883 = tpu.memref_slice %arg2[%dma_wait3A_881, %dma_wait3A_882] : memref<10000x128xf32, #tpu.memory_space<hbm>> -> memref<10000x128xf32, #tpu.memory_space<hbm>>
      tpu.wait_indirect_dma semaphore(%arg23 : memref<!tpu.dma_semaphore, #tpu.memory_space<semaphore_mem>>) src(%dma_wait3A_883 : memref<10000x128xf32, #tpu.memory_space<hbm>>) dst(%arg14 : memref<112x128xf32, #tpu.memory_space<vmem>>)
      %dma_start3A_884 = arith.constant 1 : i32
      %dma_start3A_885 = arith.constant 0 : i32
      %dma_start3A_886 = tpu.memref_slice %arg11[%dma_start3A_884, %dma_start3A_885] : memref<2x112xi32, #tpu.memory_space<vmem>> -> memref<1x112xi32, #tpu.memory_space<vmem>>
      %dma_start3A_887 = tpu.memref_squeeze %dma_start3A_886 : memref<1x112xi32, #tpu.memory_space<vmem>> -> memref<112xi32, #tpu.memory_space<vmem>>
      %dma_start3A_888 = arith.constant 0 : i32
      %dma_start3A_889 = arith.constant 0 : i32
      %dma_start3A_890 = tpu.memref_slice %arg27[%dma_start3A_888, %dma_start3A_889] : memref<10112x128xf32, #tpu.memory_space<vmem_shared>> -> memref<10112x128xf32, #tpu.memory_space<vmem_shared>>
      tpu.enqueue_indirect_dma source(%arg14 : memref<112x128xf32, #tpu.memory_space<vmem>>) target(%dma_start3A_890 : memref<10112x128xf32, #tpu.memory_space<vmem_shared>>) offsets(%dma_start3A_887 : memref<112xi32, #tpu.memory_space<vmem>>) semaphore(%arg26 : memref<!tpu.dma_semaphore, #tpu.memory_space<semaphore_mem>>) {add = true}
    }
    %scan3A_353 = arith.constant 13 : i32
    %dma_wait3A_354 = arith.constant 86 : i32
    %dma_wait3A_355 = arith.constant 0 : i32
    %dma_wait3A_356 = arith.constant 0 : i32
    %dma_wait3A_357 = tpu.memref_slice %arg3[%add3A, %dma_wait3A_354, %dma_wait3A_355, %dma_wait3A_356] : memref<32x90x2x112xi32, #tpu.memory_space<hbm>> -> memref<1x1x2x112xi32, #tpu.memory_space<hbm>>
    %dma_wait3A_358 = tpu.memref_squeeze %dma_wait3A_357 : memref<1x1x2x112xi32, #tpu.memory_space<hbm>> -> memref<2x112xi32, #tpu.memory_space<hbm>>
    %dma_wait3A_359 = arith.constant 0 : i32
    %dma_wait3A_360 = arith.constant 0 : i32
    %dma_wait3A_361 = tpu.memref_slice %arg3[%add3A, %dma_wait3A_354, %dma_wait3A_359, %dma_wait3A_360] : memref<32x90x2x112xi32, #tpu.memory_space<hbm>> -> memref<1x1x2x112xi32, #tpu.memory_space<hbm>>
    %dma_wait3A_362 = tpu.memref_squeeze %dma_wait3A_361 : memref<1x1x2x112xi32, #tpu.memory_space<hbm>> -> memref<2x112xi32, #tpu.memory_space<hbm>>
    tpu.wait_dma2 semaphore(%arg17 : memref<!tpu.dma_semaphore, #tpu.memory_space<semaphore_mem>>) src(%dma_wait3A_362 : memref<2x112xi32, #tpu.memory_space<hbm>>) dst(%arg8 : memref<2x112xi32, #tpu.memory_space<vmem>>)
    %dma_wait3A_363 = arith.constant 1 : i32
    %dma_wait3A_364 = arith.constant 0 : i32
    %dma_wait3A_365 = tpu.memref_slice %arg6[%dma_wait3A_363, %dma_wait3A_364] : memref<2x112xi32, #tpu.memory_space<vmem>> -> memref<1x112xi32, #tpu.memory_space<vmem>>
    %dma_wait3A_366 = tpu.memref_squeeze %dma_wait3A_365 : memref<1x112xi32, #tpu.memory_space<vmem>> -> memref<112xi32, #tpu.memory_space<vmem>>
    %dma_wait3A_367 = arith.constant 0 : i32
    %dma_wait3A_368 = arith.constant 0 : i32
    %dma_wait3A_369 = tpu.memref_slice %arg27[%dma_wait3A_367, %dma_wait3A_368] : memref<10112x128xf32, #tpu.memory_space<vmem_shared>> -> memref<10112x128xf32, #tpu.memory_space<vmem_shared>>
    tpu.wait_indirect_dma semaphore(%arg26 : memref<!tpu.dma_semaphore, #tpu.memory_space<semaphore_mem>>) src(%arg14 : memref<112x128xf32, #tpu.memory_space<vmem>>) dst(%dma_wait3A_369 : memref<10112x128xf32, #tpu.memory_space<vmem_shared>>)
    %dma_start3A_370 = arith.constant 0 : i32
    %dma_start3A_371 = arith.constant 0 : i32
    %dma_start3A_372 = tpu.memref_slice %arg8[%dma_start3A_370, %dma_start3A_371] : memref<2x112xi32, #tpu.memory_space<vmem>> -> memref<1x112xi32, #tpu.memory_space<vmem>>
    %dma_start3A_373 = tpu.memref_squeeze %dma_start3A_372 : memref<1x112xi32, #tpu.memory_space<vmem>> -> memref<112xi32, #tpu.memory_space<vmem>>
    %dma_start3A_374 = arith.constant 0 : i32
    %dma_start3A_375 = arith.constant 0 : i32
    %dma_start3A_376 = tpu.memref_slice %arg2[%dma_start3A_374, %dma_start3A_375] : memref<10000x128xf32, #tpu.memory_space<hbm>> -> memref<10000x128xf32, #tpu.memory_space<hbm>>
    tpu.enqueue_indirect_dma source(%dma_start3A_376 : memref<10000x128xf32, #tpu.memory_space<hbm>>) target(%arg14 : memref<112x128xf32, #tpu.memory_space<vmem>>) offsets(%dma_start3A_373 : memref<112xi32, #tpu.memory_space<vmem>>) semaphore(%arg23 : memref<!tpu.dma_semaphore, #tpu.memory_space<semaphore_mem>>)
    %dma_start3A_377 = arith.constant 89 : i32
    %dma_start3A_378 = arith.constant 0 : i32
    %dma_start3A_379 = arith.constant 0 : i32
    %dma_start3A_380 = tpu.memref_slice %arg3[%add3A, %dma_start3A_377, %dma_start3A_378, %dma_start3A_379] : memref<32x90x2x112xi32, #tpu.memory_space<hbm>> -> memref<1x1x2x112xi32, #tpu.memory_space<hbm>>
    %dma_start3A_381 = tpu.memref_squeeze %dma_start3A_380 : memref<1x1x2x112xi32, #tpu.memory_space<hbm>> -> memref<2x112xi32, #tpu.memory_space<hbm>>
    %dma_start3A_382 = arith.constant 0 : i32
    %dma_start3A_383 = arith.constant 0 : i32
    %dma_start3A_384 = tpu.memref_slice %arg3[%add3A, %dma_start3A_377, %dma_start3A_382, %dma_start3A_383] : memref<32x90x2x112xi32, #tpu.memory_space<hbm>> -> memref<1x1x2x112xi32, #tpu.memory_space<hbm>>
    %dma_start3A_385 = tpu.memref_squeeze %dma_start3A_384 : memref<1x1x2x112xi32, #tpu.memory_space<hbm>> -> memref<2x112xi32, #tpu.memory_space<hbm>>
    tpu.enqueue_dma source(%dma_start3A_385 : memref<2x112xi32, #tpu.memory_space<hbm>>) target(%arg11 : memref<2x112xi32, #tpu.memory_space<vmem>>) target_semaphore(%arg20 : memref<!tpu.dma_semaphore, #tpu.memory_space<semaphore_mem>>)
    %dma_wait3A_386 = arith.constant 0 : i32
    %dma_wait3A_387 = arith.constant 0 : i32
    %dma_wait3A_388 = tpu.memref_slice %arg6[%dma_wait3A_386, %dma_wait3A_387] : memref<2x112xi32, #tpu.memory_space<vmem>> -> memref<1x112xi32, #tpu.memory_space<vmem>>
    %dma_wait3A_389 = tpu.memref_squeeze %dma_wait3A_388 : memref<1x112xi32, #tpu.memory_space<vmem>> -> memref<112xi32, #tpu.memory_space<vmem>>
    %dma_wait3A_390 = arith.constant 0 : i32
    %dma_wait3A_391 = arith.constant 0 : i32
    %dma_wait3A_392 = tpu.memref_slice %arg2[%dma_wait3A_390, %dma_wait3A_391] : memref<10000x128xf32, #tpu.memory_space<hbm>> -> memref<10000x128xf32, #tpu.memory_space<hbm>>
    tpu.wait_indirect_dma semaphore(%arg21 : memref<!tpu.dma_semaphore, #tpu.memory_space<semaphore_mem>>) src(%dma_wait3A_392 : memref<10000x128xf32, #tpu.memory_space<hbm>>) dst(%arg12 : memref<112x128xf32, #tpu.memory_space<vmem>>)
    %dma_start3A_393 = arith.constant 1 : i32
    %dma_start3A_394 = arith.constant 0 : i32
    %dma_start3A_395 = tpu.memref_slice %arg6[%dma_start3A_393, %dma_start3A_394] : memref<2x112xi32, #tpu.memory_space<vmem>> -> memref<1x112xi32, #tpu.memory_space<vmem>>
    %dma_start3A_396 = tpu.memref_squeeze %dma_start3A_395 : memref<1x112xi32, #tpu.memory_space<vmem>> -> memref<112xi32, #tpu.memory_space<vmem>>
    %dma_start3A_397 = arith.constant 0 : i32
    %dma_start3A_398 = arith.constant 0 : i32
    %dma_start3A_399 = tpu.memref_slice %arg27[%dma_start3A_397, %dma_start3A_398] : memref<10112x128xf32, #tpu.memory_space<vmem_shared>> -> memref<10112x128xf32, #tpu.memory_space<vmem_shared>>
    tpu.enqueue_indirect_dma source(%arg12 : memref<112x128xf32, #tpu.memory_space<vmem>>) target(%dma_start3A_399 : memref<10112x128xf32, #tpu.memory_space<vmem_shared>>) offsets(%dma_start3A_396 : memref<112xi32, #tpu.memory_space<vmem>>) semaphore(%arg24 : memref<!tpu.dma_semaphore, #tpu.memory_space<semaphore_mem>>) {add = true}
    %dma_wait3A_400 = arith.constant 87 : i32
    %dma_wait3A_401 = arith.constant 0 : i32
    %dma_wait3A_402 = arith.constant 0 : i32
    %dma_wait3A_403 = tpu.memref_slice %arg3[%add3A, %dma_wait3A_400, %dma_wait3A_401, %dma_wait3A_402] : memref<32x90x2x112xi32, #tpu.memory_space<hbm>> -> memref<1x1x2x112xi32, #tpu.memory_space<hbm>>
    %dma_wait3A_404 = tpu.memref_squeeze %dma_wait3A_403 : memref<1x1x2x112xi32, #tpu.memory_space<hbm>> -> memref<2x112xi32, #tpu.memory_space<hbm>>
    %dma_wait3A_405 = arith.constant 0 : i32
    %dma_wait3A_406 = arith.constant 0 : i32
    %dma_wait3A_407 = tpu.memref_slice %arg3[%add3A, %dma_wait3A_400, %dma_wait3A_405, %dma_wait3A_406] : memref<32x90x2x112xi32, #tpu.memory_space<hbm>> -> memref<1x1x2x112xi32, #tpu.memory_space<hbm>>
    %dma_wait3A_408 = tpu.memref_squeeze %dma_wait3A_407 : memref<1x1x2x112xi32, #tpu.memory_space<hbm>> -> memref<2x112xi32, #tpu.memory_space<hbm>>
    tpu.wait_dma2 semaphore(%arg18 : memref<!tpu.dma_semaphore, #tpu.memory_space<semaphore_mem>>) src(%dma_wait3A_408 : memref<2x112xi32, #tpu.memory_space<hbm>>) dst(%arg9 : memref<2x112xi32, #tpu.memory_space<vmem>>)
    %dma_wait3A_409 = arith.constant 1 : i32
    %dma_wait3A_410 = arith.constant 0 : i32
    %dma_wait3A_411 = tpu.memref_slice %arg7[%dma_wait3A_409, %dma_wait3A_410] : memref<2x112xi32, #tpu.memory_space<vmem>> -> memref<1x112xi32, #tpu.memory_space<vmem>>
    %dma_wait3A_412 = tpu.memref_squeeze %dma_wait3A_411 : memref<1x112xi32, #tpu.memory_space<vmem>> -> memref<112xi32, #tpu.memory_space<vmem>>
    %dma_wait3A_413 = arith.constant 0 : i32
    %dma_wait3A_414 = arith.constant 0 : i32
    %dma_wait3A_415 = tpu.memref_slice %arg27[%dma_wait3A_413, %dma_wait3A_414] : memref<10112x128xf32, #tpu.memory_space<vmem_shared>> -> memref<10112x128xf32, #tpu.memory_space<vmem_shared>>
    tpu.wait_indirect_dma semaphore(%arg24 : memref<!tpu.dma_semaphore, #tpu.memory_space<semaphore_mem>>) src(%arg12 : memref<112x128xf32, #tpu.memory_space<vmem>>) dst(%dma_wait3A_415 : memref<10112x128xf32, #tpu.memory_space<vmem_shared>>)
    %dma_start3A_416 = arith.constant 0 : i32
    %dma_start3A_417 = arith.constant 0 : i32
    %dma_start3A_418 = tpu.memref_slice %arg9[%dma_start3A_416, %dma_start3A_417] : memref<2x112xi32, #tpu.memory_space<vmem>> -> memref<1x112xi32, #tpu.memory_space<vmem>>
    %dma_start3A_419 = tpu.memref_squeeze %dma_start3A_418 : memref<1x112xi32, #tpu.memory_space<vmem>> -> memref<112xi32, #tpu.memory_space<vmem>>
    %dma_start3A_420 = arith.constant 0 : i32
    %dma_start3A_421 = arith.constant 0 : i32
    %dma_start3A_422 = tpu.memref_slice %arg2[%dma_start3A_420, %dma_start3A_421] : memref<10000x128xf32, #tpu.memory_space<hbm>> -> memref<10000x128xf32, #tpu.memory_space<hbm>>
    tpu.enqueue_indirect_dma source(%dma_start3A_422 : memref<10000x128xf32, #tpu.memory_space<hbm>>) target(%arg12 : memref<112x128xf32, #tpu.memory_space<vmem>>) offsets(%dma_start3A_419 : memref<112xi32, #tpu.memory_space<vmem>>) semaphore(%arg21 : memref<!tpu.dma_semaphore, #tpu.memory_space<semaphore_mem>>)
    %dma_wait3A_423 = arith.constant 0 : i32
    %dma_wait3A_424 = arith.constant 0 : i32
    %dma_wait3A_425 = tpu.memref_slice %arg7[%dma_wait3A_423, %dma_wait3A_424] : memref<2x112xi32, #tpu.memory_space<vmem>> -> memref<1x112xi32, #tpu.memory_space<vmem>>
    %dma_wait3A_426 = tpu.memref_squeeze %dma_wait3A_425 : memref<1x112xi32, #tpu.memory_space<vmem>> -> memref<112xi32, #tpu.memory_space<vmem>>
    %dma_wait3A_427 = arith.constant 0 : i32
    %dma_wait3A_428 = arith.constant 0 : i32
    %dma_wait3A_429 = tpu.memref_slice %arg2[%dma_wait3A_427, %dma_wait3A_428] : memref<10000x128xf32, #tpu.memory_space<hbm>> -> memref<10000x128xf32, #tpu.memory_space<hbm>>
    tpu.wait_indirect_dma semaphore(%arg22 : memref<!tpu.dma_semaphore, #tpu.memory_space<semaphore_mem>>) src(%dma_wait3A_429 : memref<10000x128xf32, #tpu.memory_space<hbm>>) dst(%arg13 : memref<112x128xf32, #tpu.memory_space<vmem>>)
    %dma_start3A_430 = arith.constant 1 : i32
    %dma_start3A_431 = arith.constant 0 : i32
    %dma_start3A_432 = tpu.memref_slice %arg7[%dma_start3A_430, %dma_start3A_431] : memref<2x112xi32, #tpu.memory_space<vmem>> -> memref<1x112xi32, #tpu.memory_space<vmem>>
    %dma_start3A_433 = tpu.memref_squeeze %dma_start3A_432 : memref<1x112xi32, #tpu.memory_space<vmem>> -> memref<112xi32, #tpu.memory_space<vmem>>
    %dma_start3A_434 = arith.constant 0 : i32
    %dma_start3A_435 = arith.constant 0 : i32
    %dma_start3A_436 = tpu.memref_slice %arg27[%dma_start3A_434, %dma_start3A_435] : memref<10112x128xf32, #tpu.memory_space<vmem_shared>> -> memref<10112x128xf32, #tpu.memory_space<vmem_shared>>
    tpu.enqueue_indirect_dma source(%arg13 : memref<112x128xf32, #tpu.memory_space<vmem>>) target(%dma_start3A_436 : memref<10112x128xf32, #tpu.memory_space<vmem_shared>>) offsets(%dma_start3A_433 : memref<112xi32, #tpu.memory_space<vmem>>) semaphore(%arg25 : memref<!tpu.dma_semaphore, #tpu.memory_space<semaphore_mem>>) {add = true}
    %dma_wait3A_437 = arith.constant 88 : i32
    %dma_wait3A_438 = arith.constant 0 : i32
    %dma_wait3A_439 = arith.constant 0 : i32
    %dma_wait3A_440 = tpu.memref_slice %arg3[%add3A, %dma_wait3A_437, %dma_wait3A_438, %dma_wait3A_439] : memref<32x90x2x112xi32, #tpu.memory_space<hbm>> -> memref<1x1x2x112xi32, #tpu.memory_space<hbm>>
    %dma_wait3A_441 = tpu.memref_squeeze %dma_wait3A_440 : memref<1x1x2x112xi32, #tpu.memory_space<hbm>> -> memref<2x112xi32, #tpu.memory_space<hbm>>
    %dma_wait3A_442 = arith.constant 0 : i32
    %dma_wait3A_443 = arith.constant 0 : i32
    %dma_wait3A_444 = tpu.memref_slice %arg3[%add3A, %dma_wait3A_437, %dma_wait3A_442, %dma_wait3A_443] : memref<32x90x2x112xi32, #tpu.memory_space<hbm>> -> memref<1x1x2x112xi32, #tpu.memory_space<hbm>>
    %dma_wait3A_445 = tpu.memref_squeeze %dma_wait3A_444 : memref<1x1x2x112xi32, #tpu.memory_space<hbm>> -> memref<2x112xi32, #tpu.memory_space<hbm>>
    tpu.wait_dma2 semaphore(%arg19 : memref<!tpu.dma_semaphore, #tpu.memory_space<semaphore_mem>>) src(%dma_wait3A_445 : memref<2x112xi32, #tpu.memory_space<hbm>>) dst(%arg10 : memref<2x112xi32, #tpu.memory_space<vmem>>)
    %dma_wait3A_446 = arith.constant 1 : i32
    %dma_wait3A_447 = arith.constant 0 : i32
    %dma_wait3A_448 = tpu.memref_slice %arg8[%dma_wait3A_446, %dma_wait3A_447] : memref<2x112xi32, #tpu.memory_space<vmem>> -> memref<1x112xi32, #tpu.memory_space<vmem>>
    %dma_wait3A_449 = tpu.memref_squeeze %dma_wait3A_448 : memref<1x112xi32, #tpu.memory_space<vmem>> -> memref<112xi32, #tpu.memory_space<vmem>>
    %dma_wait3A_450 = arith.constant 0 : i32
    %dma_wait3A_451 = arith.constant 0 : i32
    %dma_wait3A_452 = tpu.memref_slice %arg27[%dma_wait3A_450, %dma_wait3A_451] : memref<10112x128xf32, #tpu.memory_space<vmem_shared>> -> memref<10112x128xf32, #tpu.memory_space<vmem_shared>>
    tpu.wait_indirect_dma semaphore(%arg25 : memref<!tpu.dma_semaphore, #tpu.memory_space<semaphore_mem>>) src(%arg13 : memref<112x128xf32, #tpu.memory_space<vmem>>) dst(%dma_wait3A_452 : memref<10112x128xf32, #tpu.memory_space<vmem_shared>>)
    %dma_start3A_453 = arith.constant 0 : i32
    %dma_start3A_454 = arith.constant 0 : i32
    %dma_start3A_455 = tpu.memref_slice %arg10[%dma_start3A_453, %dma_start3A_454] : memref<2x112xi32, #tpu.memory_space<vmem>> -> memref<1x112xi32, #tpu.memory_space<vmem>>
    %dma_start3A_456 = tpu.memref_squeeze %dma_start3A_455 : memref<1x112xi32, #tpu.memory_space<vmem>> -> memref<112xi32, #tpu.memory_space<vmem>>
    %dma_start3A_457 = arith.constant 0 : i32
    %dma_start3A_458 = arith.constant 0 : i32
    %dma_start3A_459 = tpu.memref_slice %arg2[%dma_start3A_457, %dma_start3A_458] : memref<10000x128xf32, #tpu.memory_space<hbm>> -> memref<10000x128xf32, #tpu.memory_space<hbm>>
    tpu.enqueue_indirect_dma source(%dma_start3A_459 : memref<10000x128xf32, #tpu.memory_space<hbm>>) target(%arg13 : memref<112x128xf32, #tpu.memory_space<vmem>>) offsets(%dma_start3A_456 : memref<112xi32, #tpu.memory_space<vmem>>) semaphore(%arg22 : memref<!tpu.dma_semaphore, #tpu.memory_space<semaphore_mem>>)
    %dma_wait3A_460 = arith.constant 0 : i32
    %dma_wait3A_461 = arith.constant 0 : i32
    %dma_wait3A_462 = tpu.memref_slice %arg8[%dma_wait3A_460, %dma_wait3A_461] : memref<2x112xi32, #tpu.memory_space<vmem>> -> memref<1x112xi32, #tpu.memory_space<vmem>>
    %dma_wait3A_463 = tpu.memref_squeeze %dma_wait3A_462 : memref<1x112xi32, #tpu.memory_space<vmem>> -> memref<112xi32, #tpu.memory_space<vmem>>
    %dma_wait3A_464 = arith.constant 0 : i32
    %dma_wait3A_465 = arith.constant 0 : i32
    %dma_wait3A_466 = tpu.memref_slice %arg2[%dma_wait3A_464, %dma_wait3A_465] : memref<10000x128xf32, #tpu.memory_space<hbm>> -> memref<10000x128xf32, #tpu.memory_space<hbm>>
    tpu.wait_indirect_dma semaphore(%arg23 : memref<!tpu.dma_semaphore, #tpu.memory_space<semaphore_mem>>) src(%dma_wait3A_466 : memref<10000x128xf32, #tpu.memory_space<hbm>>) dst(%arg14 : memref<112x128xf32, #tpu.memory_space<vmem>>)
    %dma_start3A_467 = arith.constant 1 : i32
    %dma_start3A_468 = arith.constant 0 : i32
    %dma_start3A_469 = tpu.memref_slice %arg8[%dma_start3A_467, %dma_start3A_468] : memref<2x112xi32, #tpu.memory_space<vmem>> -> memref<1x112xi32, #tpu.memory_space<vmem>>
    %dma_start3A_470 = tpu.memref_squeeze %dma_start3A_469 : memref<1x112xi32, #tpu.memory_space<vmem>> -> memref<112xi32, #tpu.memory_space<vmem>>
    %dma_start3A_471 = arith.constant 0 : i32
    %dma_start3A_472 = arith.constant 0 : i32
    %dma_start3A_473 = tpu.memref_slice %arg27[%dma_start3A_471, %dma_start3A_472] : memref<10112x128xf32, #tpu.memory_space<vmem_shared>> -> memref<10112x128xf32, #tpu.memory_space<vmem_shared>>
    tpu.enqueue_indirect_dma source(%arg14 : memref<112x128xf32, #tpu.memory_space<vmem>>) target(%dma_start3A_473 : memref<10112x128xf32, #tpu.memory_space<vmem_shared>>) offsets(%dma_start3A_470 : memref<112xi32, #tpu.memory_space<vmem>>) semaphore(%arg26 : memref<!tpu.dma_semaphore, #tpu.memory_space<semaphore_mem>>) {add = true}
    %dma_wait3A_474 = arith.constant 89 : i32
    %dma_wait3A_475 = arith.constant 0 : i32
    %dma_wait3A_476 = arith.constant 0 : i32
    %dma_wait3A_477 = tpu.memref_slice %arg3[%add3A, %dma_wait3A_474, %dma_wait3A_475, %dma_wait3A_476] : memref<32x90x2x112xi32, #tpu.memory_space<hbm>> -> memref<1x1x2x112xi32, #tpu.memory_space<hbm>>
    %dma_wait3A_478 = tpu.memref_squeeze %dma_wait3A_477 : memref<1x1x2x112xi32, #tpu.memory_space<hbm>> -> memref<2x112xi32, #tpu.memory_space<hbm>>
    %dma_wait3A_479 = arith.constant 0 : i32
    %dma_wait3A_480 = arith.constant 0 : i32
    %dma_wait3A_481 = tpu.memref_slice %arg3[%add3A, %dma_wait3A_474, %dma_wait3A_479, %dma_wait3A_480] : memref<32x90x2x112xi32, #tpu.memory_space<hbm>> -> memref<1x1x2x112xi32, #tpu.memory_space<hbm>>
    %dma_wait3A_482 = tpu.memref_squeeze %dma_wait3A_481 : memref<1x1x2x112xi32, #tpu.memory_space<hbm>> -> memref<2x112xi32, #tpu.memory_space<hbm>>
    tpu.wait_dma2 semaphore(%arg20 : memref<!tpu.dma_semaphore, #tpu.memory_space<semaphore_mem>>) src(%dma_wait3A_482 : memref<2x112xi32, #tpu.memory_space<hbm>>) dst(%arg11 : memref<2x112xi32, #tpu.memory_space<vmem>>)
    %dma_wait3A_483 = arith.constant 1 : i32
    %dma_wait3A_484 = arith.constant 0 : i32
    %dma_wait3A_485 = tpu.memref_slice %arg9[%dma_wait3A_483, %dma_wait3A_484] : memref<2x112xi32, #tpu.memory_space<vmem>> -> memref<1x112xi32, #tpu.memory_space<vmem>>
    %dma_wait3A_486 = tpu.memref_squeeze %dma_wait3A_485 : memref<1x112xi32, #tpu.memory_space<vmem>> -> memref<112xi32, #tpu.memory_space<vmem>>
    %dma_wait3A_487 = arith.constant 0 : i32
    %dma_wait3A_488 = arith.constant 0 : i32
    %dma_wait3A_489 = tpu.memref_slice %arg27[%dma_wait3A_487, %dma_wait3A_488] : memref<10112x128xf32, #tpu.memory_space<vmem_shared>> -> memref<10112x128xf32, #tpu.memory_space<vmem_shared>>
    tpu.wait_indirect_dma semaphore(%arg26 : memref<!tpu.dma_semaphore, #tpu.memory_space<semaphore_mem>>) src(%arg14 : memref<112x128xf32, #tpu.memory_space<vmem>>) dst(%dma_wait3A_489 : memref<10112x128xf32, #tpu.memory_space<vmem_shared>>)
    %dma_start3A_490 = arith.constant 0 : i32
    %dma_start3A_491 = arith.constant 0 : i32
    %dma_start3A_492 = tpu.memref_slice %arg11[%dma_start3A_490, %dma_start3A_491] : memref<2x112xi32, #tpu.memory_space<vmem>> -> memref<1x112xi32, #tpu.memory_space<vmem>>
    %dma_start3A_493 = tpu.memref_squeeze %dma_start3A_492 : memref<1x112xi32, #tpu.memory_space<vmem>> -> memref<112xi32, #tpu.memory_space<vmem>>
    %dma_start3A_494 = arith.constant 0 : i32
    %dma_start3A_495 = arith.constant 0 : i32
    %dma_start3A_496 = tpu.memref_slice %arg2[%dma_start3A_494, %dma_start3A_495] : memref<10000x128xf32, #tpu.memory_space<hbm>> -> memref<10000x128xf32, #tpu.memory_space<hbm>>
    tpu.enqueue_indirect_dma source(%dma_start3A_496 : memref<10000x128xf32, #tpu.memory_space<hbm>>) target(%arg14 : memref<112x128xf32, #tpu.memory_space<vmem>>) offsets(%dma_start3A_493 : memref<112xi32, #tpu.memory_space<vmem>>) semaphore(%arg23 : memref<!tpu.dma_semaphore, #tpu.memory_space<semaphore_mem>>)
    %dma_wait3A_497 = arith.constant 0 : i32
    %dma_wait3A_498 = arith.constant 0 : i32
    %dma_wait3A_499 = tpu.memref_slice %arg9[%dma_wait3A_497, %dma_wait3A_498] : memref<2x112xi32, #tpu.memory_space<vmem>> -> memref<1x112xi32, #tpu.memory_space<vmem>>
    %dma_wait3A_500 = tpu.memref_squeeze %dma_wait3A_499 : memref<1x112xi32, #tpu.memory_space<vmem>> -> memref<112xi32, #tpu.memory_space<vmem>>
    %dma_wait3A_501 = arith.constant 0 : i32
    %dma_wait3A_502 = arith.constant 0 : i32
    %dma_wait3A_503 = tpu.memref_slice %arg2[%dma_wait3A_501, %dma_wait3A_502] : memref<10000x128xf32, #tpu.memory_space<hbm>> -> memref<10000x128xf32, #tpu.memory_space<hbm>>
    tpu.wait_indirect_dma semaphore(%arg21 : memref<!tpu.dma_semaphore, #tpu.memory_space<semaphore_mem>>) src(%dma_wait3A_503 : memref<10000x128xf32, #tpu.memory_space<hbm>>) dst(%arg12 : memref<112x128xf32, #tpu.memory_space<vmem>>)
    %dma_start3A_504 = arith.constant 1 : i32
    %dma_start3A_505 = arith.constant 0 : i32
    %dma_start3A_506 = tpu.memref_slice %arg9[%dma_start3A_504, %dma_start3A_505] : memref<2x112xi32, #tpu.memory_space<vmem>> -> memref<1x112xi32, #tpu.memory_space<vmem>>
    %dma_start3A_507 = tpu.memref_squeeze %dma_start3A_506 : memref<1x112xi32, #tpu.memory_space<vmem>> -> memref<112xi32, #tpu.memory_space<vmem>>
    %dma_start3A_508 = arith.constant 0 : i32
    %dma_start3A_509 = arith.constant 0 : i32
    %dma_start3A_510 = tpu.memref_slice %arg27[%dma_start3A_508, %dma_start3A_509] : memref<10112x128xf32, #tpu.memory_space<vmem_shared>> -> memref<10112x128xf32, #tpu.memory_space<vmem_shared>>
    tpu.enqueue_indirect_dma source(%arg12 : memref<112x128xf32, #tpu.memory_space<vmem>>) target(%dma_start3A_510 : memref<10112x128xf32, #tpu.memory_space<vmem_shared>>) offsets(%dma_start3A_507 : memref<112xi32, #tpu.memory_space<vmem>>) semaphore(%arg24 : memref<!tpu.dma_semaphore, #tpu.memory_space<semaphore_mem>>) {add = true}
    %dma_wait3A_511 = arith.constant 1 : i32
    %dma_wait3A_512 = arith.constant 0 : i32
    %dma_wait3A_513 = tpu.memref_slice %arg10[%dma_wait3A_511, %dma_wait3A_512] : memref<2x112xi32, #tpu.memory_space<vmem>> -> memref<1x112xi32, #tpu.memory_space<vmem>>
    %dma_wait3A_514 = tpu.memref_squeeze %dma_wait3A_513 : memref<1x112xi32, #tpu.memory_space<vmem>> -> memref<112xi32, #tpu.memory_space<vmem>>
    %dma_wait3A_515 = arith.constant 0 : i32
    %dma_wait3A_516 = arith.constant 0 : i32
    %dma_wait3A_517 = tpu.memref_slice %arg27[%dma_wait3A_515, %dma_wait3A_516] : memref<10112x128xf32, #tpu.memory_space<vmem_shared>> -> memref<10112x128xf32, #tpu.memory_space<vmem_shared>>
    tpu.wait_indirect_dma semaphore(%arg24 : memref<!tpu.dma_semaphore, #tpu.memory_space<semaphore_mem>>) src(%arg12 : memref<112x128xf32, #tpu.memory_space<vmem>>) dst(%dma_wait3A_517 : memref<10112x128xf32, #tpu.memory_space<vmem_shared>>)
    %dma_wait3A_518 = arith.constant 0 : i32
    %dma_wait3A_519 = arith.constant 0 : i32
    %dma_wait3A_520 = tpu.memref_slice %arg10[%dma_wait3A_518, %dma_wait3A_519] : memref<2x112xi32, #tpu.memory_space<vmem>> -> memref<1x112xi32, #tpu.memory_space<vmem>>
    %dma_wait3A_521 = tpu.memref_squeeze %dma_wait3A_520 : memref<1x112xi32, #tpu.memory_space<vmem>> -> memref<112xi32, #tpu.memory_space<vmem>>
    %dma_wait3A_522 = arith.constant 0 : i32
    %dma_wait3A_523 = arith.constant 0 : i32
    %dma_wait3A_524 = tpu.memref_slice %arg2[%dma_wait3A_522, %dma_wait3A_523] : memref<10000x128xf32, #tpu.memory_space<hbm>> -> memref<10000x128xf32, #tpu.memory_space<hbm>>
    tpu.wait_indirect_dma semaphore(%arg22 : memref<!tpu.dma_semaphore, #tpu.memory_space<semaphore_mem>>) src(%dma_wait3A_524 : memref<10000x128xf32, #tpu.memory_space<hbm>>) dst(%arg13 : memref<112x128xf32, #tpu.memory_space<vmem>>)
    %dma_start3A_525 = arith.constant 1 : i32
    %dma_start3A_526 = arith.constant 0 : i32
    %dma_start3A_527 = tpu.memref_slice %arg10[%dma_start3A_525, %dma_start3A_526] : memref<2x112xi32, #tpu.memory_space<vmem>> -> memref<1x112xi32, #tpu.memory_space<vmem>>
    %dma_start3A_528 = tpu.memref_squeeze %dma_start3A_527 : memref<1x112xi32, #tpu.memory_space<vmem>> -> memref<112xi32, #tpu.memory_space<vmem>>
    %dma_start3A_529 = arith.constant 0 : i32
    %dma_start3A_530 = arith.constant 0 : i32
    %dma_start3A_531 = tpu.memref_slice %arg27[%dma_start3A_529, %dma_start3A_530] : memref<10112x128xf32, #tpu.memory_space<vmem_shared>> -> memref<10112x128xf32, #tpu.memory_space<vmem_shared>>
    tpu.enqueue_indirect_dma source(%arg13 : memref<112x128xf32, #tpu.memory_space<vmem>>) target(%dma_start3A_531 : memref<10112x128xf32, #tpu.memory_space<vmem_shared>>) offsets(%dma_start3A_528 : memref<112xi32, #tpu.memory_space<vmem>>) semaphore(%arg25 : memref<!tpu.dma_semaphore, #tpu.memory_space<semaphore_mem>>) {add = true}
    %dma_wait3A_532 = arith.constant 1 : i32
    %dma_wait3A_533 = arith.constant 0 : i32
    %dma_wait3A_534 = tpu.memref_slice %arg11[%dma_wait3A_532, %dma_wait3A_533] : memref<2x112xi32, #tpu.memory_space<vmem>> -> memref<1x112xi32, #tpu.memory_space<vmem>>
    %dma_wait3A_535 = tpu.memref_squeeze %dma_wait3A_534 : memref<1x112xi32, #tpu.memory_space<vmem>> -> memref<112xi32, #tpu.memory_space<vmem>>
    %dma_wait3A_536 = arith.constant 0 : i32
    %dma_wait3A_537 = arith.constant 0 : i32
    %dma_wait3A_538 = tpu.memref_slice %arg27[%dma_wait3A_536, %dma_wait3A_537] : memref<10112x128xf32, #tpu.memory_space<vmem_shared>> -> memref<10112x128xf32, #tpu.memory_space<vmem_shared>>
    tpu.wait_indirect_dma semaphore(%arg25 : memref<!tpu.dma_semaphore, #tpu.memory_space<semaphore_mem>>) src(%arg13 : memref<112x128xf32, #tpu.memory_space<vmem>>) dst(%dma_wait3A_538 : memref<10112x128xf32, #tpu.memory_space<vmem_shared>>)
    %dma_wait3A_539 = arith.constant 0 : i32
    %dma_wait3A_540 = arith.constant 0 : i32
    %dma_wait3A_541 = tpu.memref_slice %arg11[%dma_wait3A_539, %dma_wait3A_540] : memref<2x112xi32, #tpu.memory_space<vmem>> -> memref<1x112xi32, #tpu.memory_space<vmem>>
    %dma_wait3A_542 = tpu.memref_squeeze %dma_wait3A_541 : memref<1x112xi32, #tpu.memory_space<vmem>> -> memref<112xi32, #tpu.memory_space<vmem>>
    %dma_wait3A_543 = arith.constant 0 : i32
    %dma_wait3A_544 = arith.constant 0 : i32
    %dma_wait3A_545 = tpu.memref_slice %arg2[%dma_wait3A_543, %dma_wait3A_544] : memref<10000x128xf32, #tpu.memory_space<hbm>> -> memref<10000x128xf32, #tpu.memory_space<hbm>>
    tpu.wait_indirect_dma semaphore(%arg23 : memref<!tpu.dma_semaphore, #tpu.memory_space<semaphore_mem>>) src(%dma_wait3A_545 : memref<10000x128xf32, #tpu.memory_space<hbm>>) dst(%arg14 : memref<112x128xf32, #tpu.memory_space<vmem>>)
    %dma_start3A_546 = arith.constant 1 : i32
    %dma_start3A_547 = arith.constant 0 : i32
    %dma_start3A_548 = tpu.memref_slice %arg11[%dma_start3A_546, %dma_start3A_547] : memref<2x112xi32, #tpu.memory_space<vmem>> -> memref<1x112xi32, #tpu.memory_space<vmem>>
    %dma_start3A_549 = tpu.memref_squeeze %dma_start3A_548 : memref<1x112xi32, #tpu.memory_space<vmem>> -> memref<112xi32, #tpu.memory_space<vmem>>
    %dma_start3A_550 = arith.constant 0 : i32
    %dma_start3A_551 = arith.constant 0 : i32
    %dma_start3A_552 = tpu.memref_slice %arg27[%dma_start3A_550, %dma_start3A_551] : memref<10112x128xf32, #tpu.memory_space<vmem_shared>> -> memref<10112x128xf32, #tpu.memory_space<vmem_shared>>
    tpu.enqueue_indirect_dma source(%arg14 : memref<112x128xf32, #tpu.memory_space<vmem>>) target(%dma_start3A_552 : memref<10112x128xf32, #tpu.memory_space<vmem_shared>>) offsets(%dma_start3A_549 : memref<112xi32, #tpu.memory_space<vmem>>) semaphore(%arg26 : memref<!tpu.dma_semaphore, #tpu.memory_space<semaphore_mem>>) {add = true}
    %dma_wait3A_553 = arith.constant 1 : i32
    %dma_wait3A_554 = arith.constant 0 : i32
    %dma_wait3A_555 = tpu.memref_slice %arg11[%dma_wait3A_553, %dma_wait3A_554] : memref<2x112xi32, #tpu.memory_space<vmem>> -> memref<1x112xi32, #tpu.memory_space<vmem>>
    %dma_wait3A_556 = tpu.memref_squeeze %dma_wait3A_555 : memref<1x112xi32, #tpu.memory_space<vmem>> -> memref<112xi32, #tpu.memory_space<vmem>>
    %dma_wait3A_557 = arith.constant 0 : i32
    %dma_wait3A_558 = arith.constant 0 : i32
    %dma_wait3A_559 = tpu.memref_slice %arg27[%dma_wait3A_557, %dma_wait3A_558] : memref<10112x128xf32, #tpu.memory_space<vmem_shared>> -> memref<10112x128xf32, #tpu.memory_space<vmem_shared>>
    tpu.wait_indirect_dma semaphore(%arg26 : memref<!tpu.dma_semaphore, #tpu.memory_space<semaphore_mem>>) src(%arg14 : memref<112x128xf32, #tpu.memory_space<vmem>>) dst(%dma_wait3A_559 : memref<10112x128xf32, #tpu.memory_space<vmem_shared>>)
    %barrier3A_560 = arith.constant 0 : index
    tpu.barrier barrier_id(%barrier3A_560)
    %mul3A_561 = arith.constant 632 : i32
    %mul3A_562 = arith.muli %arg1, %mul3A_561 : i32
    %mul3A_563 = arith.constant 632 : i32
    %mul3A_564 = arith.muli %arg1, %mul3A_563 : i32
    "tpu.region"() ({
      %run_scoped3A = tpu.sem_alloc : memref<!tpu.dma_semaphore, #tpu.memory_space<semaphore_mem>>
      %dma_start3A_565 = arith.constant 0 : i32
      %dma_start3A_566 = tpu.memref_slice %arg5[%arg0, %mul3A_564, %dma_start3A_565] : memref<2x10112x128xf32, #tpu.memory_space<hbm>> -> memref<1x632x128xf32, #tpu.memory_space<hbm>>
      %dma_start3A_567 = tpu.memref_squeeze %dma_start3A_566 : memref<1x632x128xf32, #tpu.memory_space<hbm>> -> memref<632x128xf32, #tpu.memory_space<hbm>>
      %dma_start3A_568 = arith.constant 0 : i32
      %dma_start3A_569 = tpu.memref_slice %arg27[%mul3A_562, %dma_start3A_568] : memref<10112x128xf32, #tpu.memory_space<vmem_shared>> -> memref<632x128xf32, #tpu.memory_space<vmem_shared>>
      tpu.enqueue_dma source(%dma_start3A_569 : memref<632x128xf32, #tpu.memory_space<vmem_shared>>) target(%dma_start3A_567 : memref<632x128xf32, #tpu.memory_space<hbm>>) target_semaphore(%run_scoped3A : memref<!tpu.dma_semaphore, #tpu.memory_space<semaphore_mem>>)
      %dma_wait3A_570 = arith.constant 0 : i32
      %dma_wait3A_571 = tpu.memref_slice %arg5[%arg0, %mul3A_564, %dma_wait3A_570] : memref<2x10112x128xf32, #tpu.memory_space<hbm>> -> memref<1x632x128xf32, #tpu.memory_space<hbm>>
      %dma_wait3A_572 = tpu.memref_squeeze %dma_wait3A_571 : memref<1x632x128xf32, #tpu.memory_space<hbm>> -> memref<632x128xf32, #tpu.memory_space<hbm>>
      %dma_wait3A_573 = arith.constant 0 : i32
      %dma_wait3A_574 = tpu.memref_slice %arg27[%mul3A_562, %dma_wait3A_573] : memref<10112x128xf32, #tpu.memory_space<vmem_shared>> -> memref<632x128xf32, #tpu.memory_space<vmem_shared>>
      tpu.wait_dma2 semaphore(%run_scoped3A : memref<!tpu.dma_semaphore, #tpu.memory_space<semaphore_mem>>) src(%dma_wait3A_574 : memref<632x128xf32, #tpu.memory_space<vmem_shared>>) dst(%dma_wait3A_572 : memref<632x128xf32, #tpu.memory_space<hbm>>)
      tpu.yield
    }) : () -> ()
    return
  }
}

#map = affine_map<(d0, d1) -> (0, 0, 0)>
#map1 = affine_map<(d0, d1) -> (0, 0)>
module attributes {stable_mosaic.version = 14 : i64} {
  func.func @body(%arg0: i32, %arg1: i32, %arg2: memref<32x90x112xi32, #tpu.memory_space<hbm>>, %arg3: memref<10112x128xf32, #tpu.memory_space<hbm>>, %arg4: memref<112x128xf32, #tpu.memory_space<hbm>>, %arg5: memref<2x10112x128xf32, #tpu.memory_space<hbm>>, %arg6: memref<90x112xi32, #tpu.memory_space<vmem>>, %arg7: memref<112x128xf32, #tpu.memory_space<vmem>>, %arg8: memref<10112x128xf32, #tpu.memory_space<vmem_shared>>) attributes {dimension_semantics = [#tpu.dimension_semantics<core_parallel>, #tpu.dimension_semantics<subcore_parallel>], iteration_bounds = array<i64: 2, 16>, scalar_prefetch = 0 : i64, scratch_operands = 3 : i64, tpu.core_type = #tpu.core_type<sc_vector_subcore>, window_params = [{transform_indices = #map}, {transform_indices = #map1}, {transform_indices = #map1}, {transform_indices = #map}]} {
    %mul3A = arith.constant 16 : i32
    %mul3A_0 = arith.muli %arg0, %mul3A : i32
    %add3A = arith.addi %mul3A_0, %arg1 : i32
    %mul3A_1 = arith.constant 632 : i32
    %mul3A_2 = arith.muli %arg1, %mul3A_1 : i32
    %mul3A_3 = arith.constant 632 : i32
    %mul3A_4 = arith.muli %arg1, %mul3A_3 : i32
    "tpu.region"() ({
      %run_scoped3A = tpu.sem_alloc : memref<!tpu.dma_semaphore, #tpu.memory_space<semaphore_mem>>
      %dma_start3A = arith.constant 0 : i32
      %dma_start3A_15 = tpu.memref_slice %arg8[%mul3A_4, %dma_start3A] : memref<10112x128xf32, #tpu.memory_space<vmem_shared>> -> memref<632x128xf32, #tpu.memory_space<vmem_shared>>
      %dma_start3A_16 = arith.constant 0 : i32
      %dma_start3A_17 = tpu.memref_slice %arg3[%mul3A_2, %dma_start3A_16] : memref<10112x128xf32, #tpu.memory_space<hbm>> -> memref<632x128xf32, #tpu.memory_space<hbm>>
      tpu.enqueue_dma source(%dma_start3A_17 : memref<632x128xf32, #tpu.memory_space<hbm>>) target(%dma_start3A_15 : memref<632x128xf32, #tpu.memory_space<vmem_shared>>) target_semaphore(%run_scoped3A : memref<!tpu.dma_semaphore, #tpu.memory_space<semaphore_mem>>)
      %dma_wait3A = arith.constant 0 : i32
      %dma_wait3A_18 = tpu.memref_slice %arg8[%mul3A_4, %dma_wait3A] : memref<10112x128xf32, #tpu.memory_space<vmem_shared>> -> memref<632x128xf32, #tpu.memory_space<vmem_shared>>
      %dma_wait3A_19 = arith.constant 0 : i32
      %dma_wait3A_20 = tpu.memref_slice %arg3[%mul3A_2, %dma_wait3A_19] : memref<10112x128xf32, #tpu.memory_space<hbm>> -> memref<632x128xf32, #tpu.memory_space<hbm>>
      tpu.wait_dma2 semaphore(%run_scoped3A : memref<!tpu.dma_semaphore, #tpu.memory_space<semaphore_mem>>) src(%dma_wait3A_20 : memref<632x128xf32, #tpu.memory_space<hbm>>) dst(%dma_wait3A_18 : memref<632x128xf32, #tpu.memory_space<vmem_shared>>)
      tpu.yield
    }) : () -> ()
    "tpu.region"() ({
      %run_scoped3A = tpu.sem_alloc : memref<!tpu.dma_semaphore, #tpu.memory_space<semaphore_mem>>
      tpu.enqueue_dma source(%arg4 : memref<112x128xf32, #tpu.memory_space<hbm>>) target(%arg7 : memref<112x128xf32, #tpu.memory_space<vmem>>) target_semaphore(%run_scoped3A : memref<!tpu.dma_semaphore, #tpu.memory_space<semaphore_mem>>)
      tpu.wait_dma2 semaphore(%run_scoped3A : memref<!tpu.dma_semaphore, #tpu.memory_space<semaphore_mem>>) src(%arg4 : memref<112x128xf32, #tpu.memory_space<hbm>>) dst(%arg7 : memref<112x128xf32, #tpu.memory_space<vmem>>)
      tpu.yield
    }) : () -> ()
    "tpu.region"() ({
      %run_scoped3A = tpu.sem_alloc : memref<!tpu.dma_semaphore, #tpu.memory_space<semaphore_mem>>
      %dma_start3A = arith.constant 0 : i32
      %dma_start3A_15 = arith.constant 0 : i32
      %dma_start3A_16 = tpu.memref_slice %arg2[%add3A, %dma_start3A, %dma_start3A_15] : memref<32x90x112xi32, #tpu.memory_space<hbm>> -> memref<1x90x112xi32, #tpu.memory_space<hbm>>
      %dma_start3A_17 = tpu.memref_squeeze %dma_start3A_16 : memref<1x90x112xi32, #tpu.memory_space<hbm>> -> memref<90x112xi32, #tpu.memory_space<hbm>>
      %dma_start3A_18 = arith.constant 0 : i32
      %dma_start3A_19 = arith.constant 0 : i32
      %dma_start3A_20 = tpu.memref_slice %arg2[%add3A, %dma_start3A_18, %dma_start3A_19] : memref<32x90x112xi32, #tpu.memory_space<hbm>> -> memref<1x90x112xi32, #tpu.memory_space<hbm>>
      %dma_start3A_21 = tpu.memref_squeeze %dma_start3A_20 : memref<1x90x112xi32, #tpu.memory_space<hbm>> -> memref<90x112xi32, #tpu.memory_space<hbm>>
      tpu.enqueue_dma source(%dma_start3A_21 : memref<90x112xi32, #tpu.memory_space<hbm>>) target(%arg6 : memref<90x112xi32, #tpu.memory_space<vmem>>) target_semaphore(%run_scoped3A : memref<!tpu.dma_semaphore, #tpu.memory_space<semaphore_mem>>)
      %dma_wait3A = arith.constant 0 : i32
      %dma_wait3A_22 = arith.constant 0 : i32
      %dma_wait3A_23 = tpu.memref_slice %arg2[%add3A, %dma_wait3A, %dma_wait3A_22] : memref<32x90x112xi32, #tpu.memory_space<hbm>> -> memref<1x90x112xi32, #tpu.memory_space<hbm>>
      %dma_wait3A_24 = tpu.memref_squeeze %dma_wait3A_23 : memref<1x90x112xi32, #tpu.memory_space<hbm>> -> memref<90x112xi32, #tpu.memory_space<hbm>>
      %dma_wait3A_25 = arith.constant 0 : i32
      %dma_wait3A_26 = arith.constant 0 : i32
      %dma_wait3A_27 = tpu.memref_slice %arg2[%add3A, %dma_wait3A_25, %dma_wait3A_26] : memref<32x90x112xi32, #tpu.memory_space<hbm>> -> memref<1x90x112xi32, #tpu.memory_space<hbm>>
      %dma_wait3A_28 = tpu.memref_squeeze %dma_wait3A_27 : memref<1x90x112xi32, #tpu.memory_space<hbm>> -> memref<90x112xi32, #tpu.memory_space<hbm>>
      tpu.wait_dma2 semaphore(%run_scoped3A : memref<!tpu.dma_semaphore, #tpu.memory_space<semaphore_mem>>) src(%dma_wait3A_28 : memref<90x112xi32, #tpu.memory_space<hbm>>) dst(%arg6 : memref<90x112xi32, #tpu.memory_space<vmem>>)
      tpu.yield
    }) : () -> ()
    %barrier3A = arith.constant 0 : index
    tpu.barrier barrier_id(%barrier3A)
    %scan3A = arith.constant 0 : i32
    %scan3A_5 = arith.constant 0 : i32
    %scan3A_6 = arith.constant 90 : i32
    %scan3A_7 = arith.addi %scan3A_5, %scan3A_6 : i32
    %scan3A_8 = arith.constant 1 : i32
    scf.for %scan3A_15 = %scan3A_5 to %scan3A_7 step %scan3A_8  : i32 {
      "tpu.region"() ({
        %run_scoped3A = tpu.sem_alloc : memref<!tpu.dma_semaphore, #tpu.memory_space<semaphore_mem>>
        %dma_start3A = arith.constant 0 : i32
        %dma_start3A_16 = tpu.memref_slice %arg6[%scan3A_15, %dma_start3A] : memref<90x112xi32, #tpu.memory_space<vmem>> -> memref<1x112xi32, #tpu.memory_space<vmem>>
        %dma_start3A_17 = tpu.memref_squeeze %dma_start3A_16 : memref<1x112xi32, #tpu.memory_space<vmem>> -> memref<112xi32, #tpu.memory_space<vmem>>
        %dma_start3A_18 = arith.constant 0 : i32
        %dma_start3A_19 = arith.constant 0 : i32
        %dma_start3A_20 = tpu.memref_slice %arg8[%dma_start3A_18, %dma_start3A_19] : memref<10112x128xf32, #tpu.memory_space<vmem_shared>> -> memref<10112x128xf32, #tpu.memory_space<vmem_shared>>
        tpu.enqueue_indirect_dma source(%arg7 : memref<112x128xf32, #tpu.memory_space<vmem>>) target(%dma_start3A_20 : memref<10112x128xf32, #tpu.memory_space<vmem_shared>>) offsets(%dma_start3A_17 : memref<112xi32, #tpu.memory_space<vmem>>) semaphore(%run_scoped3A : memref<!tpu.dma_semaphore, #tpu.memory_space<semaphore_mem>>) {add = true}
        %dma_wait3A = arith.constant 0 : i32
        %dma_wait3A_21 = tpu.memref_slice %arg6[%scan3A_15, %dma_wait3A] : memref<90x112xi32, #tpu.memory_space<vmem>> -> memref<1x112xi32, #tpu.memory_space<vmem>>
        %dma_wait3A_22 = tpu.memref_squeeze %dma_wait3A_21 : memref<1x112xi32, #tpu.memory_space<vmem>> -> memref<112xi32, #tpu.memory_space<vmem>>
        %dma_wait3A_23 = arith.constant 0 : i32
        %dma_wait3A_24 = arith.constant 0 : i32
        %dma_wait3A_25 = tpu.memref_slice %arg8[%dma_wait3A_23, %dma_wait3A_24] : memref<10112x128xf32, #tpu.memory_space<vmem_shared>> -> memref<10112x128xf32, #tpu.memory_space<vmem_shared>>
        tpu.wait_indirect_dma semaphore(%run_scoped3A : memref<!tpu.dma_semaphore, #tpu.memory_space<semaphore_mem>>) src(%arg7 : memref<112x128xf32, #tpu.memory_space<vmem>>) dst(%dma_wait3A_25 : memref<10112x128xf32, #tpu.memory_space<vmem_shared>>)
        tpu.yield
      }) : () -> ()
    }
    %scan3A_9 = arith.constant 90 : i32
    %barrier3A_10 = arith.constant 0 : index
    tpu.barrier barrier_id(%barrier3A_10)
    %mul3A_11 = arith.constant 632 : i32
    %mul3A_12 = arith.muli %arg1, %mul3A_11 : i32
    %mul3A_13 = arith.constant 632 : i32
    %mul3A_14 = arith.muli %arg1, %mul3A_13 : i32
    "tpu.region"() ({
      %run_scoped3A = tpu.sem_alloc : memref<!tpu.dma_semaphore, #tpu.memory_space<semaphore_mem>>
      %dma_start3A = arith.constant 0 : i32
      %dma_start3A_15 = tpu.memref_slice %arg5[%arg0, %mul3A_14, %dma_start3A] : memref<2x10112x128xf32, #tpu.memory_space<hbm>> -> memref<1x632x128xf32, #tpu.memory_space<hbm>>
      %dma_start3A_16 = tpu.memref_squeeze %dma_start3A_15 : memref<1x632x128xf32, #tpu.memory_space<hbm>> -> memref<632x128xf32, #tpu.memory_space<hbm>>
      %dma_start3A_17 = arith.constant 0 : i32
      %dma_start3A_18 = tpu.memref_slice %arg8[%mul3A_12, %dma_start3A_17] : memref<10112x128xf32, #tpu.memory_space<vmem_shared>> -> memref<632x128xf32, #tpu.memory_space<vmem_shared>>
      tpu.enqueue_dma source(%dma_start3A_18 : memref<632x128xf32, #tpu.memory_space<vmem_shared>>) target(%dma_start3A_16 : memref<632x128xf32, #tpu.memory_space<hbm>>) target_semaphore(%run_scoped3A : memref<!tpu.dma_semaphore, #tpu.memory_space<semaphore_mem>>)
      %dma_wait3A = arith.constant 0 : i32
      %dma_wait3A_19 = tpu.memref_slice %arg5[%arg0, %mul3A_14, %dma_wait3A] : memref<2x10112x128xf32, #tpu.memory_space<hbm>> -> memref<1x632x128xf32, #tpu.memory_space<hbm>>
      %dma_wait3A_20 = tpu.memref_squeeze %dma_wait3A_19 : memref<1x632x128xf32, #tpu.memory_space<hbm>> -> memref<632x128xf32, #tpu.memory_space<hbm>>
      %dma_wait3A_21 = arith.constant 0 : i32
      %dma_wait3A_22 = tpu.memref_slice %arg8[%mul3A_12, %dma_wait3A_21] : memref<10112x128xf32, #tpu.memory_space<vmem_shared>> -> memref<632x128xf32, #tpu.memory_space<vmem_shared>>
      tpu.wait_dma2 semaphore(%run_scoped3A : memref<!tpu.dma_semaphore, #tpu.memory_space<semaphore_mem>>) src(%dma_wait3A_22 : memref<632x128xf32, #tpu.memory_space<vmem_shared>>) dst(%dma_wait3A_20 : memref<632x128xf32, #tpu.memory_space<hbm>>)
      tpu.yield
    }) : () -> ()
    return
  }
}

module attributes {stable_mosaic.version = 14 : i64} {
  func.func @body(%arg0: i32, %arg1: memref<1000x128xf32, #tpu.memory_space<vmem>>, %arg2: memref<2x1000x128xf32, #tpu.memory_space<vmem>>, %arg3: memref<2x1000x128xf32, #tpu.memory_space<vmem>>, %arg4: memref<128x128xf32, #tpu.memory_space<vmem>>, %arg5: memref<128x128xf32, #tpu.memory_space<vmem>>, %arg6: memref<1x128xf32, #tpu.memory_space<vmem>>, %arg7: memref<1000x128xf32, #tpu.memory_space<vmem>>) attributes {dimension_semantics = [#tpu.dimension_semantics<arbitrary>], iteration_bounds = array<i64: 10>, scalar_prefetch = 0 : i64, scratch_operands = 0 : i64, tpu.core_type = #tpu.core_type<tc>, window_params = [{transform_indices = @transform_0, window_bounds = array<i64: 1000, 128>}, {transform_indices = @transform_1, window_bounds = array<i64: 2, 1000, 128>}, {transform_indices = @transform_2, window_bounds = array<i64: 2, 1000, 128>}, {pipeline_mode = #tpu.pipeline_mode<synchronous>, transform_indices = @transform_3, window_bounds = array<i64: 128, 128>}, {pipeline_mode = #tpu.pipeline_mode<synchronous>, transform_indices = @transform_4, window_bounds = array<i64: 128, 128>}, {pipeline_mode = #tpu.pipeline_mode<synchronous>, transform_indices = @transform_5, window_bounds = array<i64: 1, 128>}, {transform_indices = @transform_6, window_bounds = array<i64: 1000, 128>}]} {
    %get3A = arith.constant 0 : index
    %get3A_0 = arith.constant 0 : index
    %get3A_1 = arith.constant 0 : index
    %get3A_2 = vector.load %arg3[%get3A, %get3A_0, %get3A_1] : memref<2x1000x128xf32, #tpu.memory_space<vmem>>, vector<1x1000x1xf32>
    %get3A_3 = vector.shape_cast %get3A_2 : vector<1x1000x1xf32> to vector<1000x1xf32>
    %get3A_4 = arith.constant 1 : index
    %get3A_5 = arith.constant 0 : index
    %get3A_6 = arith.constant 0 : index
    %get3A_7 = vector.load %arg3[%get3A_4, %get3A_5, %get3A_6] : memref<2x1000x128xf32, #tpu.memory_space<vmem>>, vector<1x1000x1xf32>
    %get3A_8 = vector.shape_cast %get3A_7 : vector<1x1000x1xf32> to vector<1000x1xf32>
    %add3A = arith.addf %get3A_3, %get3A_8 : vector<1000x1xf32>
    %get3A_9 = arith.constant 0 : index
    %get3A_10 = arith.constant 0 : index
    %get3A_11 = arith.constant 0 : index
    %get3A_12 = vector.load %arg2[%get3A_9, %get3A_10, %get3A_11] : memref<2x1000x128xf32, #tpu.memory_space<vmem>>, vector<1x1000x128xf32>
    %get3A_13 = vector.shape_cast %get3A_12 : vector<1x1000x128xf32> to vector<1000x128xf32>
    %get3A_14 = arith.constant 1 : index
    %get3A_15 = arith.constant 0 : index
    %get3A_16 = arith.constant 0 : index
    %get3A_17 = vector.load %arg2[%get3A_14, %get3A_15, %get3A_16] : memref<2x1000x128xf32, #tpu.memory_space<vmem>>, vector<1x1000x128xf32>
    %get3A_18 = vector.shape_cast %get3A_17 : vector<1x1000x128xf32> to vector<1000x128xf32>
    %add3A_19 = arith.addf %get3A_13, %get3A_18 : vector<1000x128xf32>
    %max3A = arith.constant 1.000000e+00 : f32
    %max3A_20 = vector.broadcast %max3A : f32 to vector<1000x1xf32>
    %max3A_21 = arith.maximumf %add3A, %max3A_20 : vector<1000x1xf32>
    %div3A = vector.broadcast %max3A_21 : vector<1000x1xf32> to vector<1000x128xf32>
    %div3A_22 = arith.divf %add3A_19, %div3A : vector<1000x128xf32>
    %get3A_23 = arith.constant 0 : index
    %get3A_24 = arith.constant 0 : index
    %get3A_25 = vector.load %arg1[%get3A_23, %get3A_24] : memref<1000x128xf32, #tpu.memory_space<vmem>>, vector<1000x128xf32>
    %get3A_26 = arith.constant 0 : index
    %get3A_27 = arith.constant 0 : index
    %get3A_28 = vector.load %arg4[%get3A_26, %get3A_27] : memref<128x128xf32, #tpu.memory_space<vmem>>, vector<128x128xf32>
    %dot_general3A = arith.constant dense<0.000000e+00> : vector<1000x128xf32>
    %dot_general3A_29 = tpu.matmul %get3A_25, %get3A_28, %dot_general3A {dimension_numbers = #tpu.dot_dimension_numbers<[1], [0], [0], [1], [0, 0, 1, 1], [], []>, transpose_lhs_hint = false} : vector<1000x128xf32>, vector<128x128xf32>, vector<1000x128xf32> -> vector<1000x128xf32>
    %get3A_30 = arith.constant 0 : index
    %get3A_31 = arith.constant 0 : index
    %get3A_32 = vector.load %arg5[%get3A_30, %get3A_31] : memref<128x128xf32, #tpu.memory_space<vmem>>, vector<128x128xf32>
    %dot_general3A_33 = arith.constant dense<0.000000e+00> : vector<1000x128xf32>
    %dot_general3A_34 = tpu.matmul %div3A_22, %get3A_32, %dot_general3A_33 {dimension_numbers = #tpu.dot_dimension_numbers<[1], [0], [0], [1], [0, 0, 1, 1], [], []>, transpose_lhs_hint = false} : vector<1000x128xf32>, vector<128x128xf32>, vector<1000x128xf32> -> vector<1000x128xf32>
    %add3A_35 = arith.addf %dot_general3A_29, %dot_general3A_34 : vector<1000x128xf32>
    %get3A_36 = arith.constant 0 : index
    %get3A_37 = arith.constant 0 : index
    %get3A_38 = vector.load %arg6[%get3A_36, %get3A_37] : memref<1x128xf32, #tpu.memory_space<vmem>>, vector<1x128xf32>
    %add3A_39 = vector.broadcast %get3A_38 : vector<1x128xf32> to vector<1000x128xf32>
    %add3A_40 = arith.addf %add3A_35, %add3A_39 : vector<1000x128xf32>
    %gt3A = arith.constant 0.000000e+00 : f32
    %gt3A_41 = vector.broadcast %gt3A : f32 to vector<1000x128xf32>
    %gt3A_42 = arith.cmpf ogt, %add3A_40, %gt3A_41 : vector<1000x128xf32>
    %exp3A = math.exp %add3A_40 : vector<1000x128xf32>
    %sub3A = arith.constant 1.000000e+00 : f32
    %sub3A_43 = vector.broadcast %sub3A : f32 to vector<1000x128xf32>
    %sub3A_44 = arith.subf %exp3A, %sub3A_43 : vector<1000x128xf32>
    %select_n3A = arith.select %gt3A_42, %add3A_40, %sub3A_44 : vector<1000x128xi1>, vector<1000x128xf32>
    %swap3A = arith.constant 0 : index
    %swap3A_45 = arith.constant 0 : index
    %swap3A_46 = vector.load %arg7[%swap3A, %swap3A_45] : memref<1000x128xf32, #tpu.memory_space<vmem>>, vector<1000x128xf32>
    tpu.vector_store %arg7[%swap3A, %swap3A_45], %select_n3A {strides = array<i32>} : memref<1000x128xf32, #tpu.memory_space<vmem>>, vector<1000x128xf32>,
    return
  }
  func.func @transform_0(%arg0: i32) -> (i32, i32) {
    %c0_i32 = arith.constant 0 : i32
    %c0_i32_0 = arith.constant 0 : i32
    return %arg0, %c0_i32 : i32, i32
  }
  func.func @transform_1(%arg0: i32) -> (i32, i32, i32) {
    %c0_i32 = arith.constant 0 : i32
    %c0_i32_0 = arith.constant 0 : i32
    %c0_i32_1 = arith.constant 0 : i32
    return %c0_i32, %arg0, %c0_i32_0 : i32, i32, i32
  }
  func.func @transform_2(%arg0: i32) -> (i32, i32, i32) {
    %c0_i32 = arith.constant 0 : i32
    %c0_i32_0 = arith.constant 0 : i32
    %c0_i32_1 = arith.constant 0 : i32
    return %c0_i32, %arg0, %c0_i32_0 : i32, i32, i32
  }
  func.func @transform_3(%arg0: i32) -> (i32, i32) {
    %c0_i32 = arith.constant 0 : i32
    %c0_i32_0 = arith.constant 0 : i32
    %c0_i32_1 = arith.constant 0 : i32
    return %c0_i32, %c0_i32_0 : i32, i32
  }
  func.func @transform_4(%arg0: i32) -> (i32, i32) {
    %c0_i32 = arith.constant 0 : i32
    %c0_i32_0 = arith.constant 0 : i32
    %c0_i32_1 = arith.constant 0 : i32
    return %c0_i32, %c0_i32_0 : i32, i32
  }
  func.func @transform_5(%arg0: i32) -> (i32, i32) {
    %c0_i32 = arith.constant 0 : i32
    %c0_i32_0 = arith.constant 0 : i32
    %c0_i32_1 = arith.constant 0 : i32
    return %c0_i32, %c0_i32_0 : i32, i32
  }
  func.func @transform_6(%arg0: i32) -> (i32, i32) {
    %c0_i32 = arith.constant 0 : i32
    %c0_i32_0 = arith.constant 0 : i32
    return %arg0, %c0_i32 : i32, i32
  }
}

module attributes {stable_mosaic.version = 14 : i64} {
  func.func @body(%arg0: i32, %arg1: memref<1000x128xf32, #tpu.memory_space<vmem>>, %arg2: memref<2x1000x128xf32, #tpu.memory_space<vmem>>, %arg3: memref<2x1000x128xf32, #tpu.memory_space<vmem>>, %arg4: memref<128x128xf32, #tpu.memory_space<vmem>>, %arg5: memref<128x128xf32, #tpu.memory_space<vmem>>, %arg6: memref<1x128xf32, #tpu.memory_space<vmem>>, %arg7: memref<1000x128xf32, #tpu.memory_space<vmem>>) attributes {dimension_semantics = [#tpu.dimension_semantics<arbitrary>], iteration_bounds = array<i64: 10>, scalar_prefetch = 0 : i64, scratch_operands = 0 : i64, tpu.core_type = #tpu.core_type<tc>, window_params = [{transform_indices = @transform_0, window_bounds = array<i64: 1000, 128>}, {transform_indices = @transform_1, window_bounds = array<i64: 2, 1000, 128>}, {transform_indices = @transform_2, window_bounds = array<i64: 2, 1000, 128>}, {pipeline_mode = #tpu.pipeline_mode<synchronous>, transform_indices = @transform_3, window_bounds = array<i64: 128, 128>}, {pipeline_mode = #tpu.pipeline_mode<synchronous>, transform_indices = @transform_4, window_bounds = array<i64: 128, 128>}, {pipeline_mode = #tpu.pipeline_mode<synchronous>, transform_indices = @transform_5, window_bounds = array<i64: 1, 128>}, {transform_indices = @transform_6, window_bounds = array<i64: 1000, 128>}]} {
    %get3A = arith.constant 0 : index
    %get3A_0 = arith.constant 0 : index
    %get3A_1 = arith.constant 0 : index
    %get3A_2 = vector.load %arg3[%get3A, %get3A_0, %get3A_1] : memref<2x1000x128xf32, #tpu.memory_space<vmem>>, vector<1x1000x1xf32>
    %get3A_3 = vector.shape_cast %get3A_2 : vector<1x1000x1xf32> to vector<1000x1xf32>
    %get3A_4 = arith.constant 1 : index
    %get3A_5 = arith.constant 0 : index
    %get3A_6 = arith.constant 0 : index
    %get3A_7 = vector.load %arg3[%get3A_4, %get3A_5, %get3A_6] : memref<2x1000x128xf32, #tpu.memory_space<vmem>>, vector<1x1000x1xf32>
    %get3A_8 = vector.shape_cast %get3A_7 : vector<1x1000x1xf32> to vector<1000x1xf32>
    %add3A = arith.addf %get3A_3, %get3A_8 : vector<1000x1xf32>
    %get3A_9 = arith.constant 0 : index
    %get3A_10 = arith.constant 0 : index
    %get3A_11 = arith.constant 0 : index
    %get3A_12 = vector.load %arg2[%get3A_9, %get3A_10, %get3A_11] : memref<2x1000x128xf32, #tpu.memory_space<vmem>>, vector<1x1000x128xf32>
    %get3A_13 = vector.shape_cast %get3A_12 : vector<1x1000x128xf32> to vector<1000x128xf32>
    %get3A_14 = arith.constant 1 : index
    %get3A_15 = arith.constant 0 : index
    %get3A_16 = arith.constant 0 : index
    %get3A_17 = vector.load %arg2[%get3A_14, %get3A_15, %get3A_16] : memref<2x1000x128xf32, #tpu.memory_space<vmem>>, vector<1x1000x128xf32>
    %get3A_18 = vector.shape_cast %get3A_17 : vector<1x1000x128xf32> to vector<1000x128xf32>
    %add3A_19 = arith.addf %get3A_13, %get3A_18 : vector<1000x128xf32>
    %max3A = arith.constant 1.000000e+00 : f32
    %max3A_20 = vector.broadcast %max3A : f32 to vector<1000x1xf32>
    %max3A_21 = arith.maximumf %add3A, %max3A_20 : vector<1000x1xf32>
    %div3A = vector.broadcast %max3A_21 : vector<1000x1xf32> to vector<1000x128xf32>
    %div3A_22 = arith.divf %add3A_19, %div3A : vector<1000x128xf32>
    %get3A_23 = arith.constant 0 : index
    %get3A_24 = arith.constant 0 : index
    %get3A_25 = vector.load %arg1[%get3A_23, %get3A_24] : memref<1000x128xf32, #tpu.memory_space<vmem>>, vector<1000x128xf32>
    %get3A_26 = arith.constant 0 : index
    %get3A_27 = arith.constant 0 : index
    %get3A_28 = vector.load %arg4[%get3A_26, %get3A_27] : memref<128x128xf32, #tpu.memory_space<vmem>>, vector<128x128xf32>
    %dot_general3A = arith.constant dense<0.000000e+00> : vector<1000x128xf32>
    %dot_general3A_29 = tpu.matmul %get3A_25, %get3A_28, %dot_general3A {dimension_numbers = #tpu.dot_dimension_numbers<[1], [0], [0], [1], [0, 0, 1, 1], [], []>, transpose_lhs_hint = false} : vector<1000x128xf32>, vector<128x128xf32>, vector<1000x128xf32> -> vector<1000x128xf32>
    %get3A_30 = arith.constant 0 : index
    %get3A_31 = arith.constant 0 : index
    %get3A_32 = vector.load %arg5[%get3A_30, %get3A_31] : memref<128x128xf32, #tpu.memory_space<vmem>>, vector<128x128xf32>
    %dot_general3A_33 = arith.constant dense<0.000000e+00> : vector<1000x128xf32>
    %dot_general3A_34 = tpu.matmul %div3A_22, %get3A_32, %dot_general3A_33 {dimension_numbers = #tpu.dot_dimension_numbers<[1], [0], [0], [1], [0, 0, 1, 1], [], []>, transpose_lhs_hint = false} : vector<1000x128xf32>, vector<128x128xf32>, vector<1000x128xf32> -> vector<1000x128xf32>
    %add3A_35 = arith.addf %dot_general3A_29, %dot_general3A_34 : vector<1000x128xf32>
    %get3A_36 = arith.constant 0 : index
    %get3A_37 = arith.constant 0 : index
    %get3A_38 = vector.load %arg6[%get3A_36, %get3A_37] : memref<1x128xf32, #tpu.memory_space<vmem>>, vector<1x128xf32>
    %add3A_39 = vector.broadcast %get3A_38 : vector<1x128xf32> to vector<1000x128xf32>
    %add3A_40 = arith.addf %add3A_35, %add3A_39 : vector<1000x128xf32>
    %swap3A = arith.constant 0 : index
    %swap3A_41 = arith.constant 0 : index
    %swap3A_42 = vector.load %arg7[%swap3A, %swap3A_41] : memref<1000x128xf32, #tpu.memory_space<vmem>>, vector<1000x128xf32>
    tpu.vector_store %arg7[%swap3A, %swap3A_41], %add3A_40 {strides = array<i32>} : memref<1000x128xf32, #tpu.memory_space<vmem>>, vector<1000x128xf32>,
    return
  }
  func.func @transform_0(%arg0: i32) -> (i32, i32) {
    %c0_i32 = arith.constant 0 : i32
    %c0_i32_0 = arith.constant 0 : i32
    return %arg0, %c0_i32 : i32, i32
  }
  func.func @transform_1(%arg0: i32) -> (i32, i32, i32) {
    %c0_i32 = arith.constant 0 : i32
    %c0_i32_0 = arith.constant 0 : i32
    %c0_i32_1 = arith.constant 0 : i32
    return %c0_i32, %arg0, %c0_i32_0 : i32, i32, i32
  }
  func.func @transform_2(%arg0: i32) -> (i32, i32, i32) {
    %c0_i32 = arith.constant 0 : i32
    %c0_i32_0 = arith.constant 0 : i32
    %c0_i32_1 = arith.constant 0 : i32
    return %c0_i32, %arg0, %c0_i32_0 : i32, i32, i32
  }
  func.func @transform_3(%arg0: i32) -> (i32, i32) {
    %c0_i32 = arith.constant 0 : i32
    %c0_i32_0 = arith.constant 0 : i32
    %c0_i32_1 = arith.constant 0 : i32
    return %c0_i32, %c0_i32_0 : i32, i32
  }
  func.func @transform_4(%arg0: i32) -> (i32, i32) {
    %c0_i32 = arith.constant 0 : i32
    %c0_i32_0 = arith.constant 0 : i32
    %c0_i32_1 = arith.constant 0 : i32
    return %c0_i32, %c0_i32_0 : i32, i32
  }
  func.func @transform_5(%arg0: i32) -> (i32, i32) {
    %c0_i32 = arith.constant 0 : i32
    %c0_i32_0 = arith.constant 0 : i32
    %c0_i32_1 = arith.constant 0 : i32
    return %c0_i32, %c0_i32_0 : i32, i32
  }
  func.func @transform_6(%arg0: i32) -> (i32, i32) {
    %c0_i32 = arith.constant 0 : i32
    %c0_i32_0 = arith.constant 0 : i32
    return %arg0, %c0_i32 : i32, i32
  }
}

</mosaic_0001>

<sc_bundles>
// kernel: kernel.10.cloned.1.call-start
scs
__scs_entry_jumppad:
0x0: {  	(pc) =	sbr.rel $0x88, $3  }
0x1: {  	(tag) =	ssettag $0x0;
	lr =	simm.s32 $0x1  }
0x2: {  	[smem:$0x3F99] =	sst lr;
	_ =	strace $0xD0000000  }
0x3: {  	_ = 	snop  }
0x4: {  	_ = 	snop  }
0x5: {  	_ = 	snop  }
0x6: {  	_ = 	snop  }
0x7: {  	_ = 	snop  }
__scs_overlays_trampoline_lowered:
0x8: {  	[smem:$0x3FA8] =	sst s0  }
0x9: {  	[smem:$0x3FA9] =	sst s1  }
0xa: {  	[smem:$0x3FAA] =	sst s2  }
0xb: {  	[smem:$0x3FAB] =	sst s3  }
0xc: {  	[smem:$0x3FAC] =	sst s4  }
0xd: {  	[smem:$0x3FAD] =	sst s5  }
0xe: {  	[smem:$0x3FAE] =	sst s6  }
0xf: {  	[smem:$0x3FAF] =	sst s7  }
0x10: {  	[smem:$0x3FB0] =	sst s8  }
0x11: {  	[smem:$0x3FB1] =	sst s9;
	s0 =	simm.s32 @!p0 $0x0  }
0x12: {  	s1 =	sld [smem:$0x3F97];
	s0 =	simm.s32 @p0 $0x1  }
0x13: {  	[smem:$0x3FB2] =	sst s0;
	s0 =	simm.s32 @!p1 $0x0  }
0x14: {  	s2 =	sld [smem:$0x3F96];
	s0 =	simm.s32 @p1 $0x1  }
0x15: {  	[smem:$0x3FB3] =	sst s0;
	s0 =	simm.s32 @!p2 $0x0  }
0x16: {  	s3 =	sld [smem:$0x3FDB];
	s0 =	simm.s32 @p2 $0x1  }
0x17: {  	s4 =	simm.s32 $0x1BF5;
	[smem:$0x3FB5] =	sst s0  }
0x18: {  	s0 =	sld [smem:$0x3F98];
	_ =	swait.ge [sflag:s4], $0x0  }
0x19: {  	s7 =	sld [smem:$0x3F99]  }
0x1a: {  	s8 =	sadd.s32 $0xFFFFE003, lr  }
0x1b: {  	s9 =	sadd.s32 $0xFFFFFEF7, lr;
	s5 =	simm.s32 $0xFFFFFFFF;
	p2 =	slt.u32 s8, $0xFFFFF086  }
0x1c: {  	p1 =	slt.u32 s9, $0xF7A;
	s5 =	simm.s32 @!p2 $0x0  }
0x1d: {  	s5 =	simm.s32 @p1 $0x1;
	p0 =	seq.s32 s7, s2  }
0x1e: {  	s7 =	smul.u32 @!p0 $0xF7A, s2;
	p2 =	seq.s32 @!p0 s5, $0x0  }
0x1f: {  	s9 =	smul.u32 $0xF7A, s1;
	s8 =	simm.s32 @!p0 $0x1BF5;
	p2 =	por !p2, p0  }
0x20: {  	[sflag:s8] =	ssyncset.s32 @!p0 $0xFFFFF086;
	s6 =	sadd.s32 @!p0 s3, s7;
	s7 =	simm.s32 @!p0 $0x108  }
0x21: {  	s3 =	sadd.s32 s3, s9;
	s6 =	sadd.s32 @!p0 $0x88, s6;
	s7 =	simm.s32 @p2 $0x1082  }
0x22: {  	[simem:s7], [sflag:s8] =	dma.local @!p0 [hbm:s6], $0xF7A  }
0x23: {  	s9 =	sor.u32 $0xD0000000, s2;
	s6 =	simm.s32 $0x108;
	_ =	swait.ge @!p0 [sflag:s8], $0x0  }
0x24: {  	s3 =	sadd.s32 $0x88, s3;
	s6 =	simm.s32 @!p1 $0x1082;
	[sflag:s4] =	ssyncset.s32 $0xFFFFF086  }
0x25: {  	[simem:s6], [sflag:s4] =	dma.local [hbm:s3], $0xF7A  }
0x26: {  	[smem:$0x3F99] =	sst s1;
	(tag) =	ssettag s2;
	_ =	strace s9  }
0x27: {  	s1 =	sld [smem:$0x3FA9]  }
0x28: {  	s2 =	sld [smem:$0x3FAA]  }
0x29: {  	s4 =	sld [smem:$0x3FAC]  }
0x2a: {  	p0 =	seq.s32 s5, $0x0;
	s5 =	sld [smem:$0x3FAD]  }
0x2b: {  	s6 =	sld [smem:$0x3FAE]  }
0x2c: {  	s7 =	sld [smem:$0x3FAF]  }
0x2d: {  	s3 =	simm.s32 $0x108;
	s8 =	sld [smem:$0x3FB0]  }
0x2e: {  	s3 =	simm.s32 @!p0 $0x1082;
	s9 =	sld [smem:$0x3FB1]  }
0x2f: {  	lr =	sadd.s32 s0, s3;
	s0 =	sld [smem:$0x3FA8]  }
0x30: {  	s3 =	sld [smem:$0x3FAB]  }
0x31: {  	[smem:$0x3FB4] =	sst s10  }
0x32: {  	s10 =	sld [smem:$0x3FB2];
	_ =	sdelay $0x3  }
0x33: {  	p0 =	seq.s32 s10, $0x1;
	s10 =	sld [smem:$0x3FB4];
	_ =	sdelay $0x3  }
0x34: {  	[smem:$0x3FB4] =	sst s10  }
0x35: {  	s10 =	sld [smem:$0x3FB3];
	_ =	sdelay $0x3  }
0x36: {  	p1 =	seq.s32 s10, $0x1;
	s10 =	sld [smem:$0x3FB4];
	_ =	sdelay $0x3  }
0x37: {  	[smem:$0x3FB4] =	sst s10  }
0x38: {  	s10 =	sld [smem:$0x3FB5]  }
0x39: {  	_ = 	snop;
	(pc) =	sbr.ind lr, $3  }
0x3a: {  	_ = 	snop  }
0x3b: {  	_ = 	snop  }
0x3c: {  	p2 =	seq.s32 s10, $0x1;
	s10 =	sld [smem:$0x3FB4]  }
0x3d: {  	_ =	shalt  }
0x3e: {  	_ =	shalt  }
0x3f: {  	_ =	shalt  }
0x40: {  	_ =	shalt  }
0x41: {  	_ =	shalt  }
0x42: {  	_ =	shalt  }
0x43: {  	_ =	shalt  }
0x44: {  	_ =	shalt  }
0x45: {  	_ =	shalt  }
0x46: {  	_ =	shalt  }
0x47: {  	_ =	shalt  }
0x48: {  	_ =	shalt  }
0x49: {  	_ =	shalt  }
0x4a: {  	_ =	shalt  }
0x4b: {  	_ =	shalt  }
0x4c: {  	_ =	shalt  }
0x4d: {  	_ =	shalt  }
0x4e: {  	_ =	shalt  }
0x4f: {  	_ =	shalt  }
0x50: {  	_ =	shalt  }
0x51: {  	_ =	shalt  }
0x52: {  	_ =	shalt  }
0x53: {  	_ =	shalt  }
0x54: {  	_ =	shalt  }
0x55: {  	_ =	shalt  }
0x56: {  	_ =	shalt  }
0x57: {  	_ =	shalt  }
0x58: {  	_ =	shalt  }
0x59: {  	_ =	shalt  }
0x5a: {  	_ =	shalt  }
0x5b: {  	_ =	shalt  }
0x5c: {  	_ =	shalt  }
0x5d: {  	_ =	shalt  }
0x5e: {  	_ =	shalt  }
0x5f: {  	_ =	shalt  }
0x60: {  	_ =	shalt  }
0x61: {  	_ =	shalt  }
0x62: {  	_ =	shalt  }
0x63: {  	_ =	shalt  }
0x64: {  	_ =	shalt  }
0x65: {  	_ =	shalt  }
0x66: {  	_ =	shalt  }
0x67: {  	_ =	shalt  }
0x68: {  	_ =	shalt  }
0x69: {  	_ =	shalt  }
0x6a: {  	_ =	shalt  }
0x6b: {  	_ =	shalt  }
0x6c: {  	_ =	shalt  }
0x6d: {  	_ =	shalt  }
0x6e: {  	_ =	shalt  }
0x6f: {  	_ =	shalt  }
0x70: {  	_ =	shalt  }
0x71: {  	_ =	shalt  }
0x72: {  	_ =	shalt  }
0x73: {  	_ =	shalt  }
0x74: {  	_ =	shalt  }
0x75: {  	_ =	shalt  }
0x76: {  	_ =	shalt  }
0x77: {  	_ =	shalt  }
0x78: {  	_ =	shalt  }
0x79: {  	_ =	shalt  }
0x7a: {  	_ =	shalt  }
0x7b: {  	_ =	shalt  }
0x7c: {  	_ =	shalt  }
0x7d: {  	_ =	shalt  }
0x7e: {  	_ =	shalt  }
0x7f: {  	_ =	shalt  }
0x80: {  	_ =	shalt  }
0x81: {  	_ =	shalt  }
0x82: {  	_ =	shalt  }
0x83: {  	_ =	shalt  }
0x84: {  	_ =	shalt  }
0x85: {  	_ =	shalt  }
0x86: {  	_ =	shalt  }
0x87: {  	_ =	shalt  }
.Lfunc_end0:
.L_simem_size_0:
called_computation.1_lowered:
.L_overlay_start_0:
0x88: {  	s2 =	sld [smem:$0x3FD9]  }
0x89: {  	s3 =	sld [smem:$0x3FFE];
	_ =	sdelay $0x1  }
0x8a: {  	s1 =	srdreg.scid  }
0x8b: {  	s0 =	sand.u32 $0x1, s1  }
0x8c: {  	s17 =	sshll.u32 s0, $0xA;
	s2 =	sadd.s32 s3, s2  }
0x8d: {  	s2 =	sadd.s32 s2, s17  }
0x8e: {  	[smem:$0x3FC0] =	sst s2  }
0x8f: {  	_ = 	snop  }
0x90: {  	s18 =	sld [smem:$0x3FC9];
	(tm) =	ssettm $0x1  }
0x91: {  	s19 =	sld [smem:$0x3FFB];
	_ =	sdelay $0x3  }
0x92: {  	_ =	strace s19  }
0x93: {  	s2 =	sld [smem:$0x3FFC];
	_ =	sdelay $0x3  }
0x94: {  	_ =	strace s2  }
0x95: {  	s2 =	sld [smem:$0x3FFD];
	_ =	sdelay $0x3  }
0x96: {  	_ =	strace s2  }
0x97: {  	_ =	strace $0x8FFFFFFF  }
0x98: {  	s20 =	sld [smem:$0x3FDB];
	_ =	sdelay $0x1  }
0x99: {  	s4 =	simm.s32 $_scs_section_size  }
0x9a: {  	s5 =	simm.s32 $_size__tile_overlayer_lowered;
	s6 =	simm.s32 $_tile_overlayer_lowered  }
0x9b: {  	s7 =	simm.s32 $0x1BFF;
	s21 =	sshll.u32 s6, $0x1;
	s4 =	sadd.s32 s4, s20  }
0x9c: {  	s22 =	simm.s32 $0x0;
	s5 =	sshll.u32 s5, $0x1;
	s6 =	sadd.s32 s21, s4  }
0x9d: {  	[timem:s22], [sflag:s7] =	dma.local [hbm:s6], s5  }
0x9e: {  	_ =	swait.ge [sflag:s7], s5  }
0x9f: {  	s5 =	ssub.s32 $0x0, s5;
	[sflag:s7] =	ssyncset.done $0x0  }
0xa0: {  	[sflag:s7] =	ssyncadd.s32 s5;
	_ =	sdelay $0x1  }
0xa1: {  	s23 =	simm.s32 $0x1B8B  }
0xa2: {  	_ =	swait.ge [sflag:s23], $0x1  }
0xa3: {  	[sflag:s23] =	ssyncset.done $0x0  }
0xa4: {  	[sflag:s23] =	ssyncadd.s32 $0xFFFFFFFF  }
0xa5: {  	s5 =	sld [smem:$0x0]  }
0xa6: {  	s6 =	sand.u32 $0xFFFFFFFE, s1  }
0xa7: {  	p0 =	sne.s32 s1, s6  }
0xa8: {  	s6 =	sshll.u32 @p0 s6, $0xE  }
0xa9: {  	s6 =	sadd.s32 @p0 $0x11B8D, s6;
	s7 =	sshll.u32 @p0 s5, $0x11  }
0xaa: {  	s6 =	sor.u32 @p0 s7, s6  }
0xab: {  	[sflag:s6] =	ssyncadd.remote.s32 @p0 $0x1;
	_ =	sdelay $0x1  }
0xac: {  	s6 =	simm.s32 @p0 $0x1B8D  }
0xad: {  	_ =	swait.eq @p0 [sflag:s6], $0x1  }
0xae: {  	[sflag:s6] =	ssyncadd.s32 @p0 $0xFFFFFFFF  }
0xaf: {  	s7 =	sshll.u32 @!p0 s1, $0xE  }
0xb0: {  	s7 =	sor.u32 @!p0 $0x4000, s7;
	s6 =	simm.s32 @!p0 $0x1B8D  }
0xb1: {  	s5 =	sshll.u32 @!p0 s5, $0x11;
	s7 =	sadd.s32 @!p0 $0x11B8D, s7;
	_ =	swait.eq @!p0 [sflag:s6], $0x1  }
0xb2: {  	s5 =	sor.u32 @!p0 s5, s7;
	[sflag:s6] =	ssyncadd.s32 @!p0 $0xFFFFFFFF  }
0xb3: {  	s25 =	simm.s32 $0x1B8E;
	s24 =	sld [smem:$0x3FFE];
	[sflag:s5] =	ssyncadd.remote.s32 @!p0 $0x1  }
0xb4: {  	s26 =	simm.s32 $execute0_lowered;
	[smem:$0x3FD2] =	sst s25  }
0xb5: {  	s6 =	sshll.u32 s26, $0x1;
	_ =	strace $0x80000049;
	[dreg:$0x1] =	wrdreg $0xFFFFFFFF  }
0xb6: {  	s28 =	simm.s32 $_size_execute0_lowered;
	s4 =	sadd.s32 s4, s6;
	[dreg:$0x0] =	wrdreg $0x0  }
0xb7: {  	s6 =	sshll.u32 s28, $0x1;
	[dreg:$0x2] =	wrdreg s4  }
0xb8: {  	[dreg:$0x3] =	wrdreg s6  }
0xb9: {  	[dreg:$0x4] =	wrdreg $0xC0  }
0xba: {  	_ =	task [dreg:s22], $0x5FFFF  }
0xbb: {  	[dreg:$0x1] =	wrdreg $0xFFFFFFFF  }
0xbc: {  	[dreg:$0x0] =	wrdreg $0x60  }
0xbd: {  	[dreg:$0x2] =	wrdreg s18  }
0xbe: {  	[dreg:$0x3] =	wrdreg s24  }
0xbf: {  	[dreg:$0x4] =	wrdreg $0xAE000  }
0xc0: {  	[dreg:$0x5] =	wrdreg $0xA  }
0xc1: {  	_ =	task.clear_ibuf [dreg:s22], $0x6FFFF;
	_ =	strace $0x90000049  }
0xc2: {  	s29 =	simm.s32 $0xA;
	_ =	strace $0x8000004B  }
0xc3: {  	_ =	swait.ge [sflag:s29], $0x1  }
0xc4: {  	[sflag:s29] =	ssyncadd.s32 $0xFFFFFFFF  }
0xc5: {  	_ =	strace $0x9000004B  }
0xc6: {  	_ =	sfence  }
0xc7: {  	s30 =	sld [smem:$0x0];
	_ =	sdelay $0x2  }
0xc8: {  	s31 =	sshll.u32 s1, $0xD;
	s1 =	sshrl.u32 s1, $0x2  }
0xc9: {  	s4 =	sand.u32 $0x4000, s31;
	s1 =	sadd.s32 s1, s30  }
0xca: {  	s0 =	sor.u32 s4, s0;
	s1 =	sshll.u32 s1, $0x11  }
0xcb: {  	s0 =	sor.u32 s1, s0  }
0xcc: {  	s0 =	sadd.s32 $0x8F2B, s0  }
0xcd: {  	[sflag:s0] =	ssyncadd.remote.s32 $0x1  }
0xce: {  	_ =	sfence.sel $0xFFFF  }
0xcf: {  	[dreg:$0x0] =	wrdreg $0xFFFFFFFF;
	(pc) =	sbr.abs _section_cstart, $3  }
0xd0: {  	[dreg:$0x1] =	wrdreg $0xFFFFFFFF  }
0xd1: {  	_ =	task.clear_ibuf [dreg:s22], $0x2FFFF;
	_ =	strace $0x9FFFFFFF  }
0xd2: {  	(tm) =	ssettm $0x7FFFFFFF  }
0xd3: {  	_ =	shalt  }
tec
execute0_lowered:
.L_overlay_start_1:
0x0: {  	(tag) =	ssettag $0x1  }
0x1: {  	s2 =	rddreg [dreg:$0x0]  }
0x2: {  	s0 =	rddreg [dreg:$0x1];
	s12 =	stileid.u32  }
0x3: {  	s3 =	rddreg [dreg:$0x2];
	s5 =	smul.u32 $0x13C00, s12  }
0x4: {  	s1 =	srdreg.scid;
	s4 =	simm.s32 $0x0;
	s10 =	smul.u32 $0x4F000, s12  }
0x5: {  	s1 =	sand.u32 $0x1, s1;
	[smem:$0x7FF] =	sst s4;
	s21 =	smul.u32 $0x5A00, s12  }
0x6: {  	s7 =	sadd.s32 $0x79000, s0;
	s19 =	sshll.u32 s12, $0x6;
	s6 =	smul.u32 $0x13C000, s1  }
0x7: {  	_ =	strace $0x8000004A;
	s17 =	sshll.u32 s1, $0x4;
	s9 =	ssub.s32 $0x2, s1  }
0x8: {  	s1 =	smul.u32 $0x5A000, s1;
	s14 =	sor.u32 $0x1C0D, s19;
	s8 =	sshrl.u32 s5, $0x3  }
0x9: {  	s11 =	sshrl.u32 s9, $0x1;
	s18 =	sshrl.u32 s10, $0x2;
	[dreg:$0xd] =	wrdreg s14  }
0xa: {  	s8 =	sadd.s32 s8, s0;
	s5 =	sadd.s32 s5, s6;
	s6 =	sor.u32 s12, s17  }
0xb: {  	s1 =	sadd.s32 s21, s1;
	s5 =	sshrl.u32 s5, $0x3;
	s6 =	smul.u32 $0x5A00, s6  }
0xc: {  	s8 =	sadd.s32 $0x2800, s8;
	s16 =	sadd.s32 $0xF00, s1;
	s0 =	sadd.s32 s5, s0  }
0xd: {  	s5 =	ssub.s32 s9, s11;
	s9 =	sadd.s32 s18, s3;
	[dreg:$0xb] =	wrdreg s8  }
0xe: {  	s17 =	sshrl.u32 s16, $0x3;
	[dreg:$0xa] =	wrdreg s9;
	s0 =	sadd.s32 $0x8F800, s0  }
0xf: {  	s19 =	sadd.s32 s17, s7;
	[dreg:$0x19] =	wrdreg s0  }
0x10: {  	s6 =	sshrl.u32 s6, $0x3;
	s5 =	smax.u32 s5, $0x1;
	[dreg:$0x5] =	wrdreg s19  }
0x11: {  	s28 =	simm.s32 $0x500;
	s20 =	sadd.s32 s7, s6;
	[dreg:$0x1a] =	wrdreg s5  }
0x12: {  	s29 =	simm.s32 $0x1;
	s6 =	sadd.s32 $0x20, s20;
	[dreg:$0xc] =	wrdreg s20  }
0x13: {  	s30 =	simm.s32 $0x70;
	s22 =	sadd.s32 $0x40, s20;
	[dreg:$0xe] =	wrdreg s6  }
0x14: {  	s31 =	simm.s32 $0x600;
	s23 =	sadd.s32 $0x60, s20;
	[dreg:$0xf] =	wrdreg s22  }
0x15: {  	s11 =	sadd.s32 $0x1000, s1;
	s24 =	sadd.s32 $0x80, s20;
	[dreg:$0x10] =	wrdreg s23  }
0x16: {  	s18 =	sadd.s32 $0xE00, s1;
	s25 =	sadd.s32 $0xA0, s20;
	[dreg:$0x11] =	wrdreg s24  }
0x17: {  	s16 =	simm.s32 $0xB;
	s26 =	sadd.s32 $0xC0, s20;
	[dreg:$0x12] =	wrdreg s25  }
0x18: {  	s9 =	simm.s32 $0x7;
	s8 =	sadd.s32 $0xE0, s20;
	[dreg:$0x13] =	wrdreg s26  }
0x19: {  	s17 =	simm.s32 $0x9;
	s10 =	sadd.s32 $0x100, s20;
	[dreg:$0x14] =	wrdreg s8  }
0x1a: {  	s5 =	simm.s32 $0x3;
	s12 =	sadd.s32 $0x120, s20;
	[dreg:$0x15] =	wrdreg s10  }
0x1b: {  	s19 =	simm.s32 $0x6;
	s13 =	sadd.s32 $0x140, s20;
	[dreg:$0x16] =	wrdreg s12  }
0x1c: {  	s15 =	sadd.s32 $0xB20, s20;
	s20 =	sshrl.u32 s18, $0x3;
	[dreg:$0x17] =	wrdreg s13  }
0x1d: {  	s6 =	sshrl.u32 s11, $0x3;
	[dreg:$0x18] =	wrdreg s15;
	s21 =	sadd.s32 s20, s7  }
0x1e: {  	s22 =	sadd.s32 $0xD00, s1;
	s24 =	sadd.s32 $0xC00, s1;
	s1 =	sadd.s32 $0xB00, s1  }
0x1f: {  	s11 =	simm.s32 $0x4;
	s12 =	simm.s32 $0xA;
	s13 =	simm.s32 $0x8  }
0x20: {  	s15 =	simm.s32 $0x5;
	s20 =	simm.s32 $0xC;
	s6 =	sadd.s32 s6, s7  }
0x21: {  	[dreg:$0x6] =	wrdreg s21;
	s23 =	sshrl.u32 s22, $0x3;
	s1 =	sshrl.u32 s1, $0x3  }
0x22: {  	s22 =	simm.s32 $0xD;
	s21 =	simm.s32 $0x580;
	[dreg:$0x4] =	wrdreg s6  }
0x23: {  	s0 =	sadd.s32 s23, s7;
	s6 =	sshrl.u32 s24, $0x3;
	s26 =	sadd.s32 s1, s7  }
0x24: {  	s23 =	simm.s32 $0x100;
	s24 =	simm.s32 $0x200;
	[dreg:$0x7] =	wrdreg s0  }
0x25: {  	s1 =	simm.s32 $0x3E00;
	s25 =	sadd.s32 s6, s7;
	[dreg:$0x9] =	wrdreg s26  }
0x26: {  	s26 =	simm.s32 $0x400;
	s0 =	simm.s32 $0x2;
	s6 =	simm.s32 $0x7600  }
0x27: {  	s7 =	simm.s32 $0x0;
	[dreg:$0x8] =	wrdreg s25;
	s25 =	simm.s32 $0x300  }
.LBB2_1:
0x28: {  	[dreg:$0x1b] =	wrdreg s7  }
0x29: {  	s10 =	rddreg [dreg:$0xa]  }
0x2a: {  	s18 =	rddreg [dreg:$0xb];
	s10 =	sshrl.u32 s10, $0x3  }
0x2b: {  	[dreg:$0x1c] =	wrdreg s10  }
0x2c: {  	[spmem:s10], [sflag:s14] =	dma.local [hbm:s18], $0x2780  }
0x2d: {  	_ =	swait.ge [sflag:s22], $0x2780  }
0x2e: {  	[sflag:s22] =	ssyncset.done $0x0  }
0x2f: {  	[sflag:s22] =	ssyncadd.s32 $0xFFFFD880  }
0x30: {  	[bflag:$0x0] =	sbarrier.arrive $0xFFFF  }
0x31: {  	s22 =	rddreg [dreg:$0xc]  }
0x32: {  	[tilespmem:s4], [sflag:$0x1] =	stream.linear.gather [hbm4b:s22+s4], $0x100, $0x38;
	[tilespmem:$0x1EA00] =	vst v63  }
0x33: {  	s7 =	rddreg [dreg:$0xe]  }
0x34: {  	[tilespmem:s23], [sflag:$0x2] =	stream.linear.gather [hbm4b:s7+s4], $0x100, $0x38;
	[tilespmem:$0x1EA00] =	vst v63  }
0x35: {  	s8 =	rddreg [dreg:$0xf]  }
0x36: {  	[tilespmem:s24], [sflag:$0x3] =	stream.linear.gather [hbm4b:s8+s4], $0x100, $0x38;
	[tilespmem:$0x1EA00] =	vst v63  }
0x37: {  	s14 =	rddreg [dreg:$0x10]  }
0x38: {  	[tilespmem:s25], [sflag:$0x4] =	stream.linear.gather [hbm4b:s14+s4], $0x100, $0x38;
	[tilespmem:$0x1EA00] =	vst v63  }
0x39: {  	s18 =	rddreg [dreg:$0x11]  }
0x3a: {  	[tilespmem:s26], [sflag:$0x5] =	stream.linear.gather [hbm4b:s18+s4], $0x100, $0x38;
	[tilespmem:$0x1EA00] =	vst v63  }
0x3b: {  	s22 =	rddreg [dreg:$0x12]  }
0x3c: {  	[tilespmem:s28], [sflag:$0x6] =	stream.linear.gather [hbm4b:s22+s4], $0x100, $0x38;
	[tilespmem:$0x1EA00] =	vst v63  }
0x3d: {  	_ =	swait.ge [sflag:s29], $0x100  }
0x3e: {  	[sflag:s29] =	ssyncset.done $0x0  }
0x3f: {  	[sflag:s29] =	ssyncadd.s32 $0xFFFFFF00  }
0x40: {  	[tilespmem:s31], [sflag:$0x7] =	stream.indirect.gather [hbm4b:s2+s30], $0x80, s4, s30, $0xb8;
	[tilespmem:$0x1EA00] =	vst v63  }
0x41: {  	_ =	swait.ge [sflag:s0], $0x100  }
0x42: {  	[sflag:s0] =	ssyncset.done $0x0  }
0x43: {  	[sflag:s0] =	ssyncadd.s32 $0xFFFFFF00  }
0x44: {  	[tilespmem:s1], [sflag:$0x8] =	stream.indirect.gather [hbm4b:s2+s30], $0x80, s23, s30, $0xb8;
	[tilespmem:$0x1EA00] =	vst v63  }
0x45: {  	_ =	swait.ge [sflag:s5], $0x100  }
0x46: {  	[sflag:s5] =	ssyncset.done $0x0  }
0x47: {  	[sflag:s5] =	ssyncadd.s32 $0xFFFFFF00  }
0x48: {  	[tilespmem:s6], [sflag:$0x9] =	stream.indirect.gather [hbm4b:s2+s30], $0x80, s24, s30, $0xb8;
	[tilespmem:$0x1EA00] =	vst v63  }
0x49: {  	_ =	swait.ge [sflag:s9], $0x3800  }
0x4a: {  	[sflag:s9] =	ssyncset.done $0x0  }
0x4b: {  	s14 =	simm.s32 $0x80;
	[sflag:s9] =	ssyncadd.s32 $0xFFFFC800  }
0x4c: {  	[spmem:s3] =	stream.indirect.scatter.add.f32 [tilespmem:s31], [sflag:$0xA], $0x80, s14, s30, $0xb8;
	[tilespmem:$0x1EA00] =	vst v63  }
0x4d: {  	_ =	swait.ge [sflag:s11], $0x100  }
0x4e: {  	[sflag:s11] =	ssyncset.done $0x0  }
0x4f: {  	[sflag:s11] =	ssyncadd.s32 $0xFFFFFF00  }
0x50: {  	_ =	swait.ge [sflag:s12], $0x3800  }
0x51: {  	[sflag:s12] =	ssyncset.done $0x0  }
0x52: {  	[sflag:s12] =	ssyncadd.s32 $0xFFFFC800  }
0x53: {  	[tilespmem:s31], [sflag:$0x7] =	stream.indirect.gather [hbm4b:s2+s30], $0x80, s25, s30, $0xb8;
	[tilespmem:$0x1EA00] =	vst v63  }
0x54: {  	s7 =	rddreg [dreg:$0x13]  }
0x55: {  	[tilespmem:s4], [sflag:$0x1] =	stream.linear.gather [hbm4b:s7+s4], $0x100, $0x38;
	[tilespmem:$0x1EA00] =	vst v63  }
0x56: {  	_ =	swait.ge [sflag:s13], $0x3800  }
0x57: {  	[sflag:s13] =	ssyncset.done $0x0  }
0x58: {  	s22 =	simm.s32 $0x180;
	[sflag:s13] =	ssyncadd.s32 $0xFFFFC800  }
0x59: {  	[spmem:s3] =	stream.indirect.scatter.add.f32 [tilespmem:s1], [sflag:$0xB], $0x80, s22, s30, $0xb8;
	[tilespmem:$0x1EA00] =	vst v63  }
0x5a: {  	_ =	swait.ge [sflag:s15], $0x100  }
0x5b: {  	[sflag:s15] =	ssyncset.done $0x0  }
0x5c: {  	[sflag:s15] =	ssyncadd.s32 $0xFFFFFF00  }
0x5d: {  	_ =	swait.ge [sflag:s16], $0x3800  }
0x5e: {  	[sflag:s16] =	ssyncset.done $0x0  }
0x5f: {  	[sflag:s16] =	ssyncadd.s32 $0xFFFFC800  }
0x60: {  	[tilespmem:s1], [sflag:$0x8] =	stream.indirect.gather [hbm4b:s2+s30], $0x80, s26, s30, $0xb8;
	[tilespmem:$0x1EA00] =	vst v63  }
0x61: {  	s8 =	rddreg [dreg:$0x14]  }
0x62: {  	[tilespmem:s23], [sflag:$0x2] =	stream.linear.gather [hbm4b:s8+s4], $0x100, $0x38;
	[tilespmem:$0x1EA00] =	vst v63  }
0x63: {  	_ =	swait.ge [sflag:s17], $0x3800  }
0x64: {  	[sflag:s17] =	ssyncset.done $0x0  }
0x65: {  	s8 =	simm.s32 $0x280;
	[sflag:s17] =	ssyncadd.s32 $0xFFFFC800  }
0x66: {  	[spmem:s3] =	stream.indirect.scatter.add.f32 [tilespmem:s6], [sflag:$0xC], $0x80, s8, s30, $0xb8;
	[tilespmem:$0x1EA00] =	vst v63  }
0x67: {  	_ =	swait.ge [sflag:s19], $0x100  }
0x68: {  	[sflag:s19] =	ssyncset.done $0x0  }
0x69: {  	[sflag:s19] =	ssyncadd.s32 $0xFFFFFF00  }
0x6a: {  	_ =	swait.ge [sflag:s20], $0x3800  }
0x6b: {  	[sflag:s20] =	ssyncset.done $0x0  }
0x6c: {  	[sflag:s20] =	ssyncadd.s32 $0xFFFFC800  }
0x6d: {  	[tilespmem:s6], [sflag:$0x9] =	stream.indirect.gather [hbm4b:s2+s30], $0x80, s28, s30, $0xb8;
	[tilespmem:$0x1EA00] =	vst v63  }
0x6e: {  	s18 =	rddreg [dreg:$0x15]  }
0x6f: {  	[tilespmem:s24], [sflag:$0x3] =	stream.linear.gather [hbm4b:s18+s4], $0x100, $0x38;
	[tilespmem:$0x1EA00] =	vst v63  }
0x70: {  	_ =	swait.ge [sflag:s9], $0x3800  }
0x71: {  	[sflag:s9] =	ssyncset.done $0x0  }
0x72: {  	s18 =	simm.s32 $0x380;
	[sflag:s9] =	ssyncadd.s32 $0xFFFFC800  }
0x73: {  	[spmem:s3] =	stream.indirect.scatter.add.f32 [tilespmem:s31], [sflag:$0xA], $0x80, s18, s30, $0xb8;
	[tilespmem:$0x1EA00] =	vst v63  }
0x74: {  	_ =	swait.ge [sflag:s29], $0x100  }
0x75: {  	[sflag:s29] =	ssyncset.done $0x0  }
0x76: {  	[sflag:s29] =	ssyncadd.s32 $0xFFFFFF00  }
0x77: {  	_ =	swait.ge [sflag:s12], $0x3800  }
0x78: {  	[sflag:s12] =	ssyncset.done $0x0  }
0x79: {  	[sflag:s12] =	ssyncadd.s32 $0xFFFFC800  }
0x7a: {  	[tilespmem:s31], [sflag:$0x7] =	stream.indirect.gather [hbm4b:s2+s30], $0x80, s4, s30, $0xb8;
	[tilespmem:$0x1EA00] =	vst v63  }
0x7b: {  	s7 =	rddreg [dreg:$0x16]  }
0x7c: {  	[tilespmem:s25], [sflag:$0x4] =	stream.linear.gather [hbm4b:s7+s4], $0x100, $0x38;
	[tilespmem:$0x1EA00] =	vst v63  }
0x7d: {  	_ =	swait.ge [sflag:s13], $0x3800  }
0x7e: {  	[sflag:s13] =	ssyncset.done $0x0  }
0x7f: {  	s10 =	simm.s32 $0x480;
	[sflag:s13] =	ssyncadd.s32 $0xFFFFC800  }
0x80: {  	[spmem:s3] =	stream.indirect.scatter.add.f32 [tilespmem:s1], [sflag:$0xB], $0x80, s10, s30, $0xb8;
	[tilespmem:$0x1EA00] =	vst v63  }
0x81: {  	_ =	swait.ge [sflag:s0], $0x100  }
0x82: {  	[sflag:s0] =	ssyncset.done $0x0  }
0x83: {  	[sflag:s0] =	ssyncadd.s32 $0xFFFFFF00  }
0x84: {  	_ =	swait.ge [sflag:s16], $0x3800  }
0x85: {  	[sflag:s16] =	ssyncset.done $0x0  }
0x86: {  	[sflag:s16] =	ssyncadd.s32 $0xFFFFC800  }
0x87: {  	[tilespmem:s1], [sflag:$0x8] =	stream.indirect.gather [hbm4b:s2+s30], $0x80, s23, s30, $0xb8;
	[tilespmem:$0x1EA00] =	vst v63  }
0x88: {  	s7 =	rddreg [dreg:$0x17]  }
0x89: {  	[tilespmem:s26], [sflag:$0x5] =	stream.linear.gather [hbm4b:s7+s4], $0x100, $0x38;
	[tilespmem:$0x1EA00] =	vst v63  }
0x8a: {  	_ =	swait.ge [sflag:s17], $0x3800  }
0x8b: {  	[sflag:s17] =	ssyncset.done $0x0  }
0x8c: {  	[sflag:s17] =	ssyncadd.s32 $0xFFFFC800  }
0x8d: {  	[spmem:s3] =	stream.indirect.scatter.add.f32 [tilespmem:s6], [sflag:$0xC], $0x80, s21, s30, $0xb8;
	[tilespmem:$0x1EA00] =	vst v63  }
0x8e: {  	_ =	swait.ge [sflag:s5], $0x100  }
0x8f: {  	[sflag:s5] =	ssyncset.done $0x0  }
0x90: {  	[sflag:s5] =	ssyncadd.s32 $0xFFFFFF00  }
0x91: {  	_ =	swait.ge [sflag:s20], $0x3800  }
0x92: {  	[sflag:s20] =	ssyncset.done $0x0  }
0x93: {  	s7 =	rddreg [dreg:$0x9];
	[sflag:s20] =	ssyncadd.s32 $0xFFFFC800  }
0x94: {  	[tilespmem:s6], [sflag:$0x9] =	stream.indirect.gather [hbm4b:s2+s30], $0x80, s24, s30, $0xb8;
	[tilespmem:$0x1EA00] =	vst v63  }
0x95: {  	s10 =	sadd.s32 $0x0, s7  }
0x96: {  	[tilespmem:s28], [sflag:$0x6] =	stream.linear.gather [hbm4b:s10+s4], $0x100, $0x38;
	[tilespmem:$0x1EA00] =	vst v63  }
0x97: {  	_ =	swait.ge [sflag:s9], $0x3800  }
0x98: {  	[sflag:s9] =	ssyncset.done $0x0  }
0x99: {  	[sflag:s9] =	ssyncadd.s32 $0xFFFFC800  }
0x9a: {  	[spmem:s3] =	stream.indirect.scatter.add.f32 [tilespmem:s31], [sflag:$0xA], $0x80, s14, s30, $0xb8;
	[tilespmem:$0x1EA00] =	vst v63  }
0x9b: {  	_ =	swait.ge [sflag:s11], $0x100  }
0x9c: {  	[sflag:s11] =	ssyncset.done $0x0  }
0x9d: {  	[sflag:s11] =	ssyncadd.s32 $0xFFFFFF00  }
0x9e: {  	_ =	swait.ge [sflag:s12], $0x3800  }
0x9f: {  	[sflag:s12] =	ssyncset.done $0x0  }
0xa0: {  	s14 =	rddreg [dreg:$0x8];
	[sflag:s12] =	ssyncadd.s32 $0xFFFFC800  }
0xa1: {  	[tilespmem:s31], [sflag:$0x7] =	stream.indirect.gather [hbm4b:s2+s30], $0x80, s25, s30, $0xb8;
	[tilespmem:$0x1EA00] =	vst v63  }
0xa2: {  	s10 =	sadd.s32 $0x0, s14  }
0xa3: {  	[tilespmem:s4], [sflag:$0x1] =	stream.linear.gather [hbm4b:s10+s4], $0x100, $0x38;
	[tilespmem:$0x1EA00] =	vst v63  }
0xa4: {  	_ =	swait.ge [sflag:s13], $0x3800  }
0xa5: {  	[sflag:s13] =	ssyncset.done $0x0  }
0xa6: {  	[sflag:s13] =	ssyncadd.s32 $0xFFFFC800  }
0xa7: {  	[spmem:s3] =	stream.indirect.scatter.add.f32 [tilespmem:s1], [sflag:$0xB], $0x80, s22, s30, $0xb8;
	[tilespmem:$0x1EA00] =	vst v63  }
0xa8: {  	_ =	swait.ge [sflag:s15], $0x100  }
0xa9: {  	[sflag:s15] =	ssyncset.done $0x0  }
0xaa: {  	[sflag:s15] =	ssyncadd.s32 $0xFFFFFF00  }
0xab: {  	_ =	swait.ge [sflag:s16], $0x3800  }
0xac: {  	[sflag:s16] =	ssyncset.done $0x0  }
0xad: {  	s7 =	rddreg [dreg:$0x7];
	[sflag:s16] =	ssyncadd.s32 $0xFFFFC800  }
0xae: {  	[tilespmem:s1], [sflag:$0x8] =	stream.indirect.gather [hbm4b:s2+s30], $0x80, s26, s30, $0xb8;
	[tilespmem:$0x1EA00] =	vst v63  }
0xaf: {  	s10 =	sadd.s32 $0x0, s7  }
0xb0: {  	[tilespmem:s23], [sflag:$0x2] =	stream.linear.gather [hbm4b:s10+s4], $0x100, $0x38;
	[tilespmem:$0x1EA00] =	vst v63  }
0xb1: {  	_ =	swait.ge [sflag:s17], $0x3800  }
0xb2: {  	[sflag:s17] =	ssyncset.done $0x0  }
0xb3: {  	[sflag:s17] =	ssyncadd.s32 $0xFFFFC800  }
0xb4: {  	[spmem:s3] =	stream.indirect.scatter.add.f32 [tilespmem:s6], [sflag:$0xC], $0x80, s8, s30, $0xb8;
	[tilespmem:$0x1EA00] =	vst v63  }
0xb5: {  	_ =	swait.ge [sflag:s19], $0x100  }
0xb6: {  	[sflag:s19] =	ssyncset.done $0x0  }
0xb7: {  	[sflag:s19] =	ssyncadd.s32 $0xFFFFFF00  }
0xb8: {  	_ =	swait.ge [sflag:s20], $0x3800  }
0xb9: {  	[sflag:s20] =	ssyncset.done $0x0  }
0xba: {  	s14 =	rddreg [dreg:$0x6];
	[sflag:s20] =	ssyncadd.s32 $0xFFFFC800  }
0xbb: {  	[tilespmem:s6], [sflag:$0x9] =	stream.indirect.gather [hbm4b:s2+s30], $0x80, s28, s30, $0xb8;
	[tilespmem:$0x1EA00] =	vst v63  }
0xbc: {  	s10 =	sadd.s32 $0x0, s14  }
0xbd: {  	[tilespmem:s24], [sflag:$0x3] =	stream.linear.gather [hbm4b:s10+s4], $0x100, $0x38;
	[tilespmem:$0x1EA00] =	vst v63  }
0xbe: {  	_ =	swait.ge [sflag:s9], $0x3800  }
0xbf: {  	[sflag:s9] =	ssyncset.done $0x0  }
0xc0: {  	[sflag:s9] =	ssyncadd.s32 $0xFFFFC800  }
0xc1: {  	[spmem:s3] =	stream.indirect.scatter.add.f32 [tilespmem:s31], [sflag:$0xA], $0x80, s18, s30, $0xb8;
	[tilespmem:$0x1EA00] =	vst v63  }
0xc2: {  	_ =	swait.ge [sflag:s29], $0x100  }
0xc3: {  	[sflag:s29] =	ssyncset.done $0x0  }
0xc4: {  	[sflag:s29] =	ssyncadd.s32 $0xFFFFFF00  }
0xc5: {  	_ =	swait.ge [sflag:s12], $0x3800  }
0xc6: {  	[sflag:s12] =	ssyncset.done $0x0  }
0xc7: {  	s22 =	rddreg [dreg:$0x5];
	[sflag:s12] =	ssyncadd.s32 $0xFFFFC800  }
0xc8: {  	[tilespmem:s31], [sflag:$0x7] =	stream.indirect.gather [hbm4b:s2+s30], $0x80, s4, s30, $0xb8;
	[tilespmem:$0x1EA00] =	vst v63  }
0xc9: {  	s10 =	sadd.s32 $0x0, s22  }
0xca: {  	[tilespmem:s25], [sflag:$0x4] =	stream.linear.gather [hbm4b:s10+s4], $0x100, $0x38;
	[tilespmem:$0x1EA00] =	vst v63  }
0xcb: {  	_ =	swait.ge [sflag:s13], $0x3800  }
0xcc: {  	[sflag:s13] =	ssyncset.done $0x0  }
0xcd: {  	s14 =	simm.s32 $0x480;
	[sflag:s13] =	ssyncadd.s32 $0xFFFFC800  }
0xce: {  	[spmem:s3] =	stream.indirect.scatter.add.f32 [tilespmem:s1], [sflag:$0xB], $0x80, s14, s30, $0xb8;
	[tilespmem:$0x1EA00] =	vst v63  }
0xcf: {  	_ =	swait.ge [sflag:s0], $0x100  }
0xd0: {  	[sflag:s0] =	ssyncset.done $0x0  }
0xd1: {  	[sflag:s0] =	ssyncadd.s32 $0xFFFFFF00  }
0xd2: {  	_ =	swait.ge [sflag:s16], $0x3800  }
0xd3: {  	[sflag:s16] =	ssyncset.done $0x0  }
0xd4: {  	s22 =	rddreg [dreg:$0x4];
	[sflag:s16] =	ssyncadd.s32 $0xFFFFC800  }
0xd5: {  	[tilespmem:s1], [sflag:$0x8] =	stream.indirect.gather [hbm4b:s2+s30], $0x80, s23, s30, $0xb8;
	[tilespmem:$0x1EA00] =	vst v63  }
0xd6: {  	s10 =	sadd.s32 $0x0, s22  }
0xd7: {  	[tilespmem:s26], [sflag:$0x5] =	stream.linear.gather [hbm4b:s10+s4], $0x100, $0x38;
	[tilespmem:$0x1EA00] =	vst v63  }
0xd8: {  	_ =	swait.ge [sflag:s17], $0x3800  }
0xd9: {  	s7 =	simm.s32 $0x280;
	s8 =	simm.s32 $0x380;
	[sflag:s17] =	ssyncset.done $0x0  }
0xda: {  	s18 =	simm.s32 $0x480;
	s22 =	simm.s32 $0xC0;
	[sflag:s17] =	ssyncadd.s32 $0xFFFFC800  }
.LBB2_2:
0xdb: {  	[spmem:s3] =	stream.indirect.scatter.add.f32 [tilespmem:s6], [sflag:$0xC], $0x80, s21, s30, $0xb8;
	[tilespmem:$0x1EA00] =	vst v63  }
0xdc: {  	_ =	swait.ge [sflag:s5], $0x100  }
0xdd: {  	[sflag:s5] =	ssyncset.done $0x0  }
0xde: {  	[sflag:s5] =	ssyncadd.s32 $0xFFFFFF00  }
0xdf: {  	_ =	swait.ge [sflag:s20], $0x3800  }
0xe0: {  	[sflag:s20] =	ssyncset.done $0x0  }
0xe1: {  	s10 =	smov.u32 s22;
	s14 =	rddreg [dreg:$0x9];
	[sflag:s20] =	ssyncadd.s32 $0xFFFFC800  }
0xe2: {  	[tilespmem:s6], [sflag:$0x9] =	stream.indirect.gather [hbm4b:s2+s30], $0x80, s24, s30, $0xb8;
	[tilespmem:$0x1EA00] =	vst v63  }
0xe3: {  	s14 =	sadd.s32 s10, s14  }
0xe4: {  	[tilespmem:s28], [sflag:$0x6] =	stream.linear.gather [hbm4b:s14+s4], $0x100, $0x38;
	[tilespmem:$0x1EA00] =	vst v63  }
0xe5: {  	_ =	swait.ge [sflag:s9], $0x3800  }
0xe6: {  	[sflag:s9] =	ssyncset.done $0x0  }
0xe7: {  	s14 =	simm.s32 $0x80;
	[sflag:s9] =	ssyncadd.s32 $0xFFFFC800  }
0xe8: {  	[spmem:s3] =	stream.indirect.scatter.add.f32 [tilespmem:s31], [sflag:$0xA], $0x80, s14, s30, $0xb8;
	[tilespmem:$0x1EA00] =	vst v63  }
0xe9: {  	_ =	swait.ge [sflag:s11], $0x100  }
0xea: {  	[sflag:s11] =	ssyncset.done $0x0  }
0xeb: {  	[sflag:s11] =	ssyncadd.s32 $0xFFFFFF00  }
0xec: {  	_ =	swait.ge [sflag:s12], $0x3800  }
0xed: {  	[sflag:s12] =	ssyncset.done $0x0  }
0xee: {  	s14 =	rddreg [dreg:$0x8];
	[sflag:s12] =	ssyncadd.s32 $0xFFFFC800  }
0xef: {  	[tilespmem:s31], [sflag:$0x7] =	stream.indirect.gather [hbm4b:s2+s30], $0x80, s25, s30, $0xb8;
	[tilespmem:$0x1EA00] =	vst v63  }
0xf0: {  	s14 =	sadd.s32 s10, s14  }
0xf1: {  	[tilespmem:s4], [sflag:$0x1] =	stream.linear.gather [hbm4b:s14+s4], $0x100, $0x38;
	[tilespmem:$0x1EA00] =	vst v63  }
0xf2: {  	_ =	swait.ge [sflag:s13], $0x3800  }
0xf3: {  	[sflag:s13] =	ssyncset.done $0x0  }
0xf4: {  	s14 =	simm.s32 $0x180;
	[sflag:s13] =	ssyncadd.s32 $0xFFFFC800  }
0xf5: {  	[spmem:s3] =	stream.indirect.scatter.add.f32 [tilespmem:s1], [sflag:$0xB], $0x80, s14, s30, $0xb8;
	[tilespmem:$0x1EA00] =	vst v63  }
0xf6: {  	_ =	swait.ge [sflag:s15], $0x100  }
0xf7: {  	[sflag:s15] =	ssyncset.done $0x0  }
0xf8: {  	[sflag:s15] =	ssyncadd.s32 $0xFFFFFF00  }
0xf9: {  	_ =	swait.ge [sflag:s16], $0x3800  }
0xfa: {  	[sflag:s16] =	ssyncset.done $0x0  }
0xfb: {  	s14 =	rddreg [dreg:$0x7];
	[sflag:s16] =	ssyncadd.s32 $0xFFFFC800  }
0xfc: {  	[tilespmem:s1], [sflag:$0x8] =	stream.indirect.gather [hbm4b:s2+s30], $0x80, s26, s30, $0xb8;
	[tilespmem:$0x1EA00] =	vst v63  }
0xfd: {  	s14 =	sadd.s32 s10, s14  }
0xfe: {  	[tilespmem:s23], [sflag:$0x2] =	stream.linear.gather [hbm4b:s14+s4], $0x100, $0x38;
	[tilespmem:$0x1EA00] =	vst v63  }
0xff: {  	_ =	swait.ge [sflag:s17], $0x3800  }
0x100: {  	[sflag:s17] =	ssyncset.done $0x0  }
0x101: {  	[sflag:s17] =	ssyncadd.s32 $0xFFFFC800  }
0x102: {  	[spmem:s3] =	stream.indirect.scatter.add.f32 [tilespmem:s6], [sflag:$0xC], $0x80, s7, s30, $0xb8;
	[tilespmem:$0x1EA00] =	vst v63  }
0x103: {  	_ =	swait.ge [sflag:s19], $0x100  }
0x104: {  	[sflag:s19] =	ssyncset.done $0x0  }
0x105: {  	[sflag:s19] =	ssyncadd.s32 $0xFFFFFF00  }
0x106: {  	_ =	swait.ge [sflag:s20], $0x3800  }
0x107: {  	[sflag:s20] =	ssyncset.done $0x0  }
0x108: {  	s14 =	rddreg [dreg:$0x6];
	[sflag:s20] =	ssyncadd.s32 $0xFFFFC800  }
0x109: {  	[tilespmem:s6], [sflag:$0x9] =	stream.indirect.gather [hbm4b:s2+s30], $0x80, s28, s30, $0xb8;
	[tilespmem:$0x1EA00] =	vst v63  }
0x10a: {  	s14 =	sadd.s32 s10, s14  }
0x10b: {  	[tilespmem:s24], [sflag:$0x3] =	stream.linear.gather [hbm4b:s14+s4], $0x100, $0x38;
	[tilespmem:$0x1EA00] =	vst v63  }
0x10c: {  	_ =	swait.ge [sflag:s9], $0x3800  }
0x10d: {  	[sflag:s9] =	ssyncset.done $0x0  }
0x10e: {  	[sflag:s9] =	ssyncadd.s32 $0xFFFFC800  }
0x10f: {  	[spmem:s3] =	stream.indirect.scatter.add.f32 [tilespmem:s31], [sflag:$0xA], $0x80, s8, s30, $0xb8;
	[tilespmem:$0x1EA00] =	vst v63  }
0x110: {  	_ =	swait.ge [sflag:s29], $0x100  }
0x111: {  	[sflag:s29] =	ssyncset.done $0x0  }
0x112: {  	[sflag:s29] =	ssyncadd.s32 $0xFFFFFF00  }
0x113: {  	_ =	swait.ge [sflag:s12], $0x3800  }
0x114: {  	[sflag:s12] =	ssyncset.done $0x0  }
0x115: {  	s14 =	rddreg [dreg:$0x5];
	[sflag:s12] =	ssyncadd.s32 $0xFFFFC800  }
0x116: {  	[tilespmem:s31], [sflag:$0x7] =	stream.indirect.gather [hbm4b:s2+s30], $0x80, s4, s30, $0xb8;
	[tilespmem:$0x1EA00] =	vst v63  }
0x117: {  	s14 =	sadd.s32 s10, s14  }
0x118: {  	[tilespmem:s25], [sflag:$0x4] =	stream.linear.gather [hbm4b:s14+s4], $0x100, $0x38;
	[tilespmem:$0x1EA00] =	vst v63  }
0x119: {  	_ =	swait.ge [sflag:s13], $0x3800  }
0x11a: {  	[sflag:s13] =	ssyncset.done $0x0  }
0x11b: {  	[sflag:s13] =	ssyncadd.s32 $0xFFFFC800  }
0x11c: {  	[spmem:s3] =	stream.indirect.scatter.add.f32 [tilespmem:s1], [sflag:$0xB], $0x80, s18, s30, $0xb8;
	[tilespmem:$0x1EA00] =	vst v63  }
0x11d: {  	_ =	swait.ge [sflag:s0], $0x100  }
0x11e: {  	[sflag:s0] =	ssyncset.done $0x0  }
0x11f: {  	[sflag:s0] =	ssyncadd.s32 $0xFFFFFF00  }
0x120: {  	_ =	swait.ge [sflag:s16], $0x3800  }
0x121: {  	[sflag:s16] =	ssyncset.done $0x0  }
0x122: {  	p0 =	sne.s32 s22, $0x900;
	s14 =	rddreg [dreg:$0x4];
	[sflag:s16] =	ssyncadd.s32 $0xFFFFC800  }
0x123: {  	[tilespmem:s1], [sflag:$0x8] =	stream.indirect.gather [hbm4b:s2+s30], $0x80, s23, s30, $0xb8;
	[tilespmem:$0x1EA00] =	vst v63  }
.Ltmp0:
0x124: {  	s10 =	sadd.s32 s10, s14;
	(pc) =	sbr.rel @p0 .LBB2_2-.Ltmp0, $4  }
0x125: {  	[tilespmem:s26], [sflag:$0x5] =	stream.linear.gather [hbm4b:s10+s4], $0x100, $0x38;
	[tilespmem:$0x1EA00] =	vst v63  }
0x126: {  	_ =	swait.ge [sflag:s17], $0x3800  }
0x127: {  	[sflag:s17] =	ssyncset.done $0x0  }
0x128: {  	s22 =	sadd.s32 $0xC0, s22;
	[sflag:s17] =	ssyncadd.s32 $0xFFFFC800  }
0x129: {  	s14 =	simm.s32 $0x580  }
0x12a: {  	[spmem:s3] =	stream.indirect.scatter.add.f32 [tilespmem:s6], [sflag:$0xC], $0x80, s14, s30, $0xb8;
	[tilespmem:$0x1EA00] =	vst v63  }
0x12b: {  	_ =	swait.ge [sflag:s5], $0x100  }
0x12c: {  	[sflag:s5] =	ssyncset.done $0x0  }
0x12d: {  	[sflag:s5] =	ssyncadd.s32 $0xFFFFFF00  }
0x12e: {  	_ =	swait.ge [sflag:s20], $0x3800  }
0x12f: {  	[sflag:s20] =	ssyncset.done $0x0  }
0x130: {  	[sflag:s20] =	ssyncadd.s32 $0xFFFFC800  }
0x131: {  	[tilespmem:s6], [sflag:$0x9] =	stream.indirect.gather [hbm4b:s2+s30], $0x80, s24, s30, $0xb8;
	[tilespmem:$0x1EA00] =	vst v63  }
0x132: {  	s10 =	rddreg [dreg:$0x18]  }
0x133: {  	[tilespmem:s28], [sflag:$0x6] =	stream.linear.gather [hbm4b:s10+s4], $0x100, $0x38;
	[tilespmem:$0x1EA00] =	vst v63  }
0x134: {  	_ =	swait.ge [sflag:s9], $0x3800  }
0x135: {  	[sflag:s9] =	ssyncset.done $0x0  }
0x136: {  	s21 =	simm.s32 $0x80;
	[sflag:s9] =	ssyncadd.s32 $0xFFFFC800  }
0x137: {  	[spmem:s3] =	stream.indirect.scatter.add.f32 [tilespmem:s31], [sflag:$0xA], $0x80, s21, s30, $0xb8;
	[tilespmem:$0x1EA00] =	vst v63  }
0x138: {  	_ =	swait.ge [sflag:s11], $0x100  }
0x139: {  	[sflag:s11] =	ssyncset.done $0x0  }
0x13a: {  	[sflag:s11] =	ssyncadd.s32 $0xFFFFFF00  }
0x13b: {  	_ =	swait.ge [sflag:s12], $0x3800  }
0x13c: {  	[sflag:s12] =	ssyncset.done $0x0  }
0x13d: {  	[sflag:s12] =	ssyncadd.s32 $0xFFFFC800  }
0x13e: {  	[tilespmem:s31], [sflag:$0x7] =	stream.indirect.gather [hbm4b:s2+s30], $0x80, s25, s30, $0xb8;
	[tilespmem:$0x1EA00] =	vst v63  }
0x13f: {  	_ =	swait.ge [sflag:s13], $0x3800  }
0x140: {  	[sflag:s13] =	ssyncset.done $0x0  }
0x141: {  	s22 =	simm.s32 $0x180;
	[sflag:s13] =	ssyncadd.s32 $0xFFFFC800  }
0x142: {  	[spmem:s3] =	stream.indirect.scatter.add.f32 [tilespmem:s1], [sflag:$0xB], $0x80, s22, s30, $0xb8;
	[tilespmem:$0x1EA00] =	vst v63  }
0x143: {  	_ =	swait.ge [sflag:s15], $0x100  }
0x144: {  	[sflag:s15] =	ssyncset.done $0x0  }
0x145: {  	[sflag:s15] =	ssyncadd.s32 $0xFFFFFF00  }
0x146: {  	_ =	swait.ge [sflag:s16], $0x3800  }
0x147: {  	[sflag:s16] =	ssyncset.done $0x0  }
0x148: {  	[sflag:s16] =	ssyncadd.s32 $0xFFFFC800  }
0x149: {  	[tilespmem:s1], [sflag:$0x8] =	stream.indirect.gather [hbm4b:s2+s30], $0x80, s26, s30, $0xb8;
	[tilespmem:$0x1EA00] =	vst v63  }
0x14a: {  	_ =	swait.ge [sflag:s17], $0x3800  }
0x14b: {  	[sflag:s17] =	ssyncset.done $0x0  }
0x14c: {  	[sflag:s17] =	ssyncadd.s32 $0xFFFFC800  }
0x14d: {  	[spmem:s3] =	stream.indirect.scatter.add.f32 [tilespmem:s6], [sflag:$0xC], $0x80, s7, s30, $0xb8;
	[tilespmem:$0x1EA00] =	vst v63  }
0x14e: {  	_ =	swait.ge [sflag:s19], $0x100  }
0x14f: {  	[sflag:s19] =	ssyncset.done $0x0  }
0x150: {  	[sflag:s19] =	ssyncadd.s32 $0xFFFFFF00  }
0x151: {  	_ =	swait.ge [sflag:s20], $0x3800  }
0x152: {  	[sflag:s20] =	ssyncset.done $0x0  }
0x153: {  	[sflag:s20] =	ssyncadd.s32 $0xFFFFC800  }
0x154: {  	[tilespmem:s6], [sflag:$0x9] =	stream.indirect.gather [hbm4b:s2+s30], $0x80, s28, s30, $0xb8;
	[tilespmem:$0x1EA00] =	vst v63  }
0x155: {  	_ =	swait.ge [sflag:s9], $0x3800  }
0x156: {  	[sflag:s9] =	ssyncset.done $0x0  }
0x157: {  	[sflag:s9] =	ssyncadd.s32 $0xFFFFC800  }
0x158: {  	[spmem:s3] =	stream.indirect.scatter.add.f32 [tilespmem:s31], [sflag:$0xA], $0x80, s8, s30, $0xb8;
	[tilespmem:$0x1EA00] =	vst v63  }
0x159: {  	_ =	swait.ge [sflag:s12], $0x3800  }
0x15a: {  	[sflag:s12] =	ssyncset.done $0x0  }
0x15b: {  	[sflag:s12] =	ssyncadd.s32 $0xFFFFC800  }
0x15c: {  	_ =	swait.ge [sflag:s13], $0x3800  }
0x15d: {  	[sflag:s13] =	ssyncset.done $0x0  }
0x15e: {  	[sflag:s13] =	ssyncadd.s32 $0xFFFFC800  }
0x15f: {  	[spmem:s3] =	stream.indirect.scatter.add.f32 [tilespmem:s1], [sflag:$0xB], $0x80, s18, s30, $0xb8;
	[tilespmem:$0x1EA00] =	vst v63  }
0x160: {  	_ =	swait.ge [sflag:s16], $0x3800  }
0x161: {  	[sflag:s16] =	ssyncset.done $0x0  }
0x162: {  	[sflag:s16] =	ssyncadd.s32 $0xFFFFC800  }
0x163: {  	_ =	swait.ge [sflag:s17], $0x3800  }
0x164: {  	[sflag:s17] =	ssyncset.done $0x0  }
0x165: {  	[sflag:s17] =	ssyncadd.s32 $0xFFFFC800  }
0x166: {  	[spmem:s3] =	stream.indirect.scatter.add.f32 [tilespmem:s6], [sflag:$0xC], $0x80, s14, s30, $0xb8;
	[tilespmem:$0x1EA00] =	vst v63  }
0x167: {  	_ =	swait.ge [sflag:s20], $0x3800  }
0x168: {  	[sflag:s20] =	ssyncset.done $0x0  }
0x169: {  	[sflag:s20] =	ssyncadd.s32 $0xFFFFC800  }
0x16a: {  	[bflag:$0x0] =	sbarrier.arrive $0xFFFF  }
0x16b: {  	s14 =	rddreg [dreg:$0xd]  }
0x16c: {  	s7 =	rddreg [dreg:$0x19]  }
0x16d: {  	s22 =	simm.s32 $0xD;
	s8 =	rddreg [dreg:$0x1c]  }
0x16e: {  	[hbm:s7], [sflag:s14] =	dma.local [spmem:s8], $0x2780  }
0x16f: {  	_ =	swait.ge [sflag:s22], $0x2780  }
0x170: {  	s10 =	rddreg [dreg:$0x1b]  }
0x171: {  	s18 =	rddreg [dreg:$0x1a];
	s7 =	sadd.s32 $0x1, s10  }
0x172: {  	p0 =	sne.s32 s7, s18  }
.Ltmp1:
0x173: {  	_ = 	snop;
	(pc) =	sbr.rel @p0 .LBB2_1-.Ltmp1, $3  }
0x174: {  	_ =	sdelay $0x1  }
0x175: {  	[sflag:s22] =	ssyncset.done $0x0  }
0x176: {  	s21 =	simm.s32 $0x580;
	[sflag:s22] =	ssyncadd.s32 $0xFFFFD880  }
0x177: {  	_ =	sfence.sel $0x180000  }
0x178: {  	[bflag:$0x0] =	sbarrier.arrive $0xFFFF  }
0x179: {  	_ =	strace $0x9000004A  }
0x17a: {  	s0 =	stileid.u32;
	[bflag:$0x2] =	sbarrier.arrive $0xFFFF  }
0x17b: {  	p0 =	sne.s32 s0, $0x0;
	s0 =	rddreg [dreg:$0x3]  }
0x17c: {  	s0 =	sadd.s32 @!p0 $0x100000, s0  }
0x17d: {  	[sflag:s0] =	ssyncadd.tile.s32 @!p0 $0x1;
	_ =	shalt  }
.Lfunc_end2:
_tile_overlayer_lowered:
.L_overlay_start_2:
0x17e: {  	(tag) =	ssettag $0x2  }
0x17f: {  	s0 =	rddreg [dreg:$0x0];
	s2 =	stileid.u32  }
0x180: {  	s1 =	rddreg [dreg:$0x1];
	p0 =	sne.s32 s2, $0x0  }
0x181: {  	s3 =	rddreg [dreg:$0x2];
	[bflag:$0x3] =	sbarrier.arrive $0xFFFF;
	s2 =	simm.s32 @!p0 $0x1C0D  }
0x182: {  	[timem:s3], [sflag:s2] =	dma.local @!p0 [hbm:s0], s1  }
0x183: {  	s0 =	simm.s32 @!p0 $0xD  }
0x184: {  	_ =	swait.ge @!p0 [sflag:s0], s1  }
0x185: {  	s1 =	ssub.s32 @!p0 $0x0, s1;
	[sflag:s0] =	ssyncset.done @!p0 $0x0  }
0x186: {  	[sflag:s0] =	ssyncadd.s32 @!p0 s1  }
0x187: {  	[bflag:$0x3] =	sbarrier.arrive $0xFFFF  }
0x188: {  	_ =	shalt  }

// kernel: kernel.13.cloned.1.call-start
scs
__scs_entry_jumppad:
0x0: {  	(pc) =	sbr.rel $0x88, $3  }
0x1: {  	(tag) =	ssettag $0x0;
	lr =	simm.s32 $0x1  }
0x2: {  	[smem:$0x3F99] =	sst lr;
	_ =	strace $0xD0000000  }
0x3: {  	_ = 	snop  }
0x4: {  	_ = 	snop  }
0x5: {  	_ = 	snop  }
0x6: {  	_ = 	snop  }
0x7: {  	_ = 	snop  }
__scs_overlays_trampoline_lowered:
0x8: {  	[smem:$0x3FA8] =	sst s0  }
0x9: {  	[smem:$0x3FA9] =	sst s1  }
0xa: {  	[smem:$0x3FAA] =	sst s2  }
0xb: {  	[smem:$0x3FAB] =	sst s3  }
0xc: {  	[smem:$0x3FAC] =	sst s4  }
0xd: {  	[smem:$0x3FAD] =	sst s5  }
0xe: {  	[smem:$0x3FAE] =	sst s6  }
0xf: {  	[smem:$0x3FAF] =	sst s7  }
0x10: {  	[smem:$0x3FB0] =	sst s8  }
0x11: {  	[smem:$0x3FB1] =	sst s9;
	s0 =	simm.s32 @!p0 $0x0  }
0x12: {  	s1 =	sld [smem:$0x3F97];
	s0 =	simm.s32 @p0 $0x1  }
0x13: {  	[smem:$0x3FB2] =	sst s0;
	s0 =	simm.s32 @!p1 $0x0  }
0x14: {  	s2 =	sld [smem:$0x3F96];
	s0 =	simm.s32 @p1 $0x1  }
0x15: {  	[smem:$0x3FB3] =	sst s0;
	s0 =	simm.s32 @!p2 $0x0  }
0x16: {  	s3 =	sld [smem:$0x3FDB];
	s0 =	simm.s32 @p2 $0x1  }
0x17: {  	s4 =	simm.s32 $0x1BF5;
	[smem:$0x3FB5] =	sst s0  }
0x18: {  	s0 =	sld [smem:$0x3F98];
	_ =	swait.ge [sflag:s4], $0x0  }
0x19: {  	s7 =	sld [smem:$0x3F99]  }
0x1a: {  	s8 =	sadd.s32 $0xFFFFE003, lr  }
0x1b: {  	s9 =	sadd.s32 $0xFFFFFEF7, lr;
	s5 =	simm.s32 $0xFFFFFFFF;
	p2 =	slt.u32 s8, $0xFFFFF086  }
0x1c: {  	p1 =	slt.u32 s9, $0xF7A;
	s5 =	simm.s32 @!p2 $0x0  }
0x1d: {  	s5 =	simm.s32 @p1 $0x1;
	p0 =	seq.s32 s7, s2  }
0x1e: {  	s7 =	smul.u32 @!p0 $0xF7A, s2;
	p2 =	seq.s32 @!p0 s5, $0x0  }
0x1f: {  	s9 =	smul.u32 $0xF7A, s1;
	s8 =	simm.s32 @!p0 $0x1BF5;
	p2 =	por !p2, p0  }
0x20: {  	[sflag:s8] =	ssyncset.s32 @!p0 $0xFFFFF086;
	s6 =	sadd.s32 @!p0 s3, s7;
	s7 =	simm.s32 @!p0 $0x108  }
0x21: {  	s3 =	sadd.s32 s3, s9;
	s6 =	sadd.s32 @!p0 $0x88, s6;
	s7 =	simm.s32 @p2 $0x1082  }
0x22: {  	[simem:s7], [sflag:s8] =	dma.local @!p0 [hbm:s6], $0xF7A  }
0x23: {  	s9 =	sor.u32 $0xD0000000, s2;
	s6 =	simm.s32 $0x108;
	_ =	swait.ge @!p0 [sflag:s8], $0x0  }
0x24: {  	s3 =	sadd.s32 $0x88, s3;
	s6 =	simm.s32 @!p1 $0x1082;
	[sflag:s4] =	ssyncset.s32 $0xFFFFF086  }
0x25: {  	[simem:s6], [sflag:s4] =	dma.local [hbm:s3], $0xF7A  }
0x26: {  	[smem:$0x3F99] =	sst s1;
	(tag) =	ssettag s2;
	_ =	strace s9  }
0x27: {  	s1 =	sld [smem:$0x3FA9]  }
0x28: {  	s2 =	sld [smem:$0x3FAA]  }
0x29: {  	s4 =	sld [smem:$0x3FAC]  }
0x2a: {  	p0 =	seq.s32 s5, $0x0;
	s5 =	sld [smem:$0x3FAD]  }
0x2b: {  	s6 =	sld [smem:$0x3FAE]  }
0x2c: {  	s7 =	sld [smem:$0x3FAF]  }
0x2d: {  	s3 =	simm.s32 $0x108;
	s8 =	sld [smem:$0x3FB0]  }
0x2e: {  	s3 =	simm.s32 @!p0 $0x1082;
	s9 =	sld [smem:$0x3FB1]  }
0x2f: {  	lr =	sadd.s32 s0, s3;
	s0 =	sld [smem:$0x3FA8]  }
0x30: {  	s3 =	sld [smem:$0x3FAB]  }
0x31: {  	[smem:$0x3FB4] =	sst s10  }
0x32: {  	s10 =	sld [smem:$0x3FB2];
	_ =	sdelay $0x3  }
0x33: {  	p0 =	seq.s32 s10, $0x1;
	s10 =	sld [smem:$0x3FB4];
	_ =	sdelay $0x3  }
0x34: {  	[smem:$0x3FB4] =	sst s10  }
0x35: {  	s10 =	sld [smem:$0x3FB3];
	_ =	sdelay $0x3  }
0x36: {  	p1 =	seq.s32 s10, $0x1;
	s10 =	sld [smem:$0x3FB4];
	_ =	sdelay $0x3  }
0x37: {  	[smem:$0x3FB4] =	sst s10  }
0x38: {  	s10 =	sld [smem:$0x3FB5]  }
0x39: {  	_ = 	snop;
	(pc) =	sbr.ind lr, $3  }
0x3a: {  	_ = 	snop  }
0x3b: {  	_ = 	snop  }
0x3c: {  	p2 =	seq.s32 s10, $0x1;
	s10 =	sld [smem:$0x3FB4]  }
0x3d: {  	_ =	shalt  }
0x3e: {  	_ =	shalt  }
0x3f: {  	_ =	shalt  }
0x40: {  	_ =	shalt  }
0x41: {  	_ =	shalt  }
0x42: {  	_ =	shalt  }
0x43: {  	_ =	shalt  }
0x44: {  	_ =	shalt  }
0x45: {  	_ =	shalt  }
0x46: {  	_ =	shalt  }
0x47: {  	_ =	shalt  }
0x48: {  	_ =	shalt  }
0x49: {  	_ =	shalt  }
0x4a: {  	_ =	shalt  }
0x4b: {  	_ =	shalt  }
0x4c: {  	_ =	shalt  }
0x4d: {  	_ =	shalt  }
0x4e: {  	_ =	shalt  }
0x4f: {  	_ =	shalt  }
0x50: {  	_ =	shalt  }
0x51: {  	_ =	shalt  }
0x52: {  	_ =	shalt  }
0x53: {  	_ =	shalt  }
0x54: {  	_ =	shalt  }
0x55: {  	_ =	shalt  }
0x56: {  	_ =	shalt  }
0x57: {  	_ =	shalt  }
0x58: {  	_ =	shalt  }
0x59: {  	_ =	shalt  }
0x5a: {  	_ =	shalt  }
0x5b: {  	_ =	shalt  }
0x5c: {  	_ =	shalt  }
0x5d: {  	_ =	shalt  }
0x5e: {  	_ =	shalt  }
0x5f: {  	_ =	shalt  }
0x60: {  	_ =	shalt  }
0x61: {  	_ =	shalt  }
0x62: {  	_ =	shalt  }
0x63: {  	_ =	shalt  }
0x64: {  	_ =	shalt  }
0x65: {  	_ =	shalt  }
0x66: {  	_ =	shalt  }
0x67: {  	_ =	shalt  }
0x68: {  	_ =	shalt  }
0x69: {  	_ =	shalt  }
0x6a: {  	_ =	shalt  }
0x6b: {  	_ =	shalt  }
0x6c: {  	_ =	shalt  }
0x6d: {  	_ =	shalt  }
0x6e: {  	_ =	shalt  }
0x6f: {  	_ =	shalt  }
0x70: {  	_ =	shalt  }
0x71: {  	_ =	shalt  }
0x72: {  	_ =	shalt  }
0x73: {  	_ =	shalt  }
0x74: {  	_ =	shalt  }
0x75: {  	_ =	shalt  }
0x76: {  	_ =	shalt  }
0x77: {  	_ =	shalt  }
0x78: {  	_ =	shalt  }
0x79: {  	_ =	shalt  }
0x7a: {  	_ =	shalt  }
0x7b: {  	_ =	shalt  }
0x7c: {  	_ =	shalt  }
0x7d: {  	_ =	shalt  }
0x7e: {  	_ =	shalt  }
0x7f: {  	_ =	shalt  }
0x80: {  	_ =	shalt  }
0x81: {  	_ =	shalt  }
0x82: {  	_ =	shalt  }
0x83: {  	_ =	shalt  }
0x84: {  	_ =	shalt  }
0x85: {  	_ =	shalt  }
0x86: {  	_ =	shalt  }
0x87: {  	_ =	shalt  }
.Lfunc_end0:
.L_simem_size_0:
called_computation.2_lowered:
.L_overlay_start_0:
0x88: {  	s2 =	sld [smem:$0x3FD9]  }
0x89: {  	s3 =	sld [smem:$0x3FFE];
	_ =	sdelay $0x1  }
0x8a: {  	s1 =	srdreg.scid  }
0x8b: {  	s0 =	sand.u32 $0x1, s1  }
0x8c: {  	s17 =	sshll.u32 s0, $0xA;
	s2 =	sadd.s32 s3, s2  }
0x8d: {  	s2 =	sadd.s32 s2, s17  }
0x8e: {  	[smem:$0x3FC0] =	sst s2  }
0x8f: {  	_ = 	snop  }
0x90: {  	s2 =	sld [smem:$0x3FD0];
	(tm) =	ssettm $0x1  }
0x91: {  	s18 =	sld [smem:$0x3FFB];
	_ =	sdelay $0x3  }
0x92: {  	_ =	strace s18  }
0x93: {  	s3 =	sld [smem:$0x3FFC];
	_ =	sdelay $0x3  }
0x94: {  	_ =	strace s3  }
0x95: {  	s3 =	sld [smem:$0x3FFD];
	_ =	sdelay $0x3  }
0x96: {  	_ =	strace s3  }
0x97: {  	_ =	strace $0x8FFFFFFF  }
0x98: {  	s19 =	sld [smem:$0x3FDB];
	_ =	sdelay $0x1  }
0x99: {  	s4 =	simm.s32 $_scs_section_size  }
0x9a: {  	s5 =	simm.s32 $_size__tile_overlayer_lowered;
	s6 =	simm.s32 $_tile_overlayer_lowered  }
0x9b: {  	s22 =	simm.s32 $0x1BFF;
	s21 =	sshll.u32 s6, $0x1;
	s3 =	sadd.s32 s4, s19  }
0x9c: {  	s7 =	simm.s32 $0x0;
	s20 =	sshll.u32 s5, $0x1;
	s5 =	sadd.s32 s21, s3  }
0x9d: {  	[timem:s7], [sflag:s22] =	dma.local [hbm:s5], s20  }
0x9e: {  	_ =	swait.ge [sflag:s22], s20  }
0x9f: {  	s4 =	ssub.s32 $0x0, s20;
	[sflag:s22] =	ssyncset.done $0x0  }
0xa0: {  	[sflag:s22] =	ssyncadd.s32 s4;
	_ =	sdelay $0x1  }
0xa1: {  	s23 =	simm.s32 $0x1B8B  }
0xa2: {  	_ =	swait.ge [sflag:s23], $0x1  }
0xa3: {  	[sflag:s23] =	ssyncset.done $0x0  }
0xa4: {  	s25 =	simm.s32 $0x1B8E;
	s24 =	sld [smem:$0x3FFE];
	[sflag:s23] =	ssyncadd.s32 $0xFFFFFFFF  }
0xa5: {  	s26 =	simm.s32 $execute0_lowered;
	[smem:$0x3FD2] =	sst s25  }
0xa6: {  	s5 =	sshll.u32 s26, $0x1;
	_ =	strace $0x8000004C;
	[dreg:$0x1] =	wrdreg $0xFFFFFFFF  }
0xa7: {  	s28 =	simm.s32 $_size_execute0_lowered;
	s3 =	sadd.s32 s3, s5;
	[dreg:$0x0] =	wrdreg $0x0  }
0xa8: {  	s5 =	sshll.u32 s28, $0x1;
	[dreg:$0x2] =	wrdreg s3  }
0xa9: {  	[dreg:$0x3] =	wrdreg s5  }
0xaa: {  	[dreg:$0x4] =	wrdreg $0xC0  }
0xab: {  	_ =	task [dreg:s7], $0x5FFFF  }
0xac: {  	[dreg:$0x1] =	wrdreg $0xFFFFFFFF  }
0xad: {  	[dreg:$0x0] =	wrdreg $0x60  }
0xae: {  	[dreg:$0x2] =	wrdreg s2  }
0xaf: {  	[dreg:$0x3] =	wrdreg s24  }
0xb0: {  	[dreg:$0x4] =	wrdreg $0xAE000  }
0xb1: {  	[dreg:$0x5] =	wrdreg $0x9  }
0xb2: {  	_ =	task.clear_ibuf [dreg:s7], $0x6FFFF;
	_ =	strace $0x9000004C  }
0xb3: {  	s29 =	simm.s32 $0x9;
	_ =	strace $0x8000004E  }
0xb4: {  	_ =	swait.ge [sflag:s29], $0x1  }
0xb5: {  	[sflag:s29] =	ssyncadd.s32 $0xFFFFFFFF  }
0xb6: {  	_ =	strace $0x9000004E  }
0xb7: {  	_ =	sfence  }
0xb8: {  	s30 =	sld [smem:$0x0];
	_ =	sdelay $0x2  }
0xb9: {  	s31 =	sshll.u32 s1, $0xD;
	s1 =	sshrl.u32 s1, $0x2  }
0xba: {  	s3 =	sand.u32 $0x4000, s31;
	s1 =	sadd.s32 s1, s30  }
0xbb: {  	s0 =	sor.u32 s3, s0;
	s1 =	sshll.u32 s1, $0x11  }
0xbc: {  	s0 =	sor.u32 s1, s0  }
0xbd: {  	s0 =	sadd.s32 $0x8F2B, s0  }
0xbe: {  	[sflag:s0] =	ssyncadd.remote.s32 $0x1  }
0xbf: {  	_ =	sfence.sel $0xFFFF  }
0xc0: {  	[dreg:$0x0] =	wrdreg $0xFFFFFFFF;
	(pc) =	sbr.abs _section_cstart, $3  }
0xc1: {  	[dreg:$0x1] =	wrdreg $0xFFFFFFFF  }
0xc2: {  	_ =	task.clear_ibuf [dreg:s7], $0x2FFFF;
	_ =	strace $0x9FFFFFFF  }
0xc3: {  	(tm) =	ssettm $0x7FFFFFFF  }
tec
execute0_lowered:
.L_overlay_start_1:
0x0: {  	(tag) =	ssettag $0x1  }
0x1: {  	s2 =	rddreg [dreg:$0x0]  }
0x2: {  	s0 =	rddreg [dreg:$0x1];
	s12 =	stileid.u32  }
0x3: {  	s3 =	rddreg [dreg:$0x2];
	s5 =	smul.u32 $0x13C00, s12  }
0x4: {  	s1 =	srdreg.scid;
	s4 =	simm.s32 $0x0;
	s10 =	smul.u32 $0x4F000, s12  }
0x5: {  	s1 =	sand.u32 $0x1, s1;
	[smem:$0x7FF] =	sst s4;
	s21 =	smul.u32 $0x5A00, s12  }
0x6: {  	s7 =	sadd.s32 $0x79000, s0;
	s19 =	sshll.u32 s12, $0x6;
	s6 =	smul.u32 $0x13C000, s1  }
0x7: {  	_ =	strace $0x8000004D;
	s17 =	sshll.u32 s1, $0x4;
	s9 =	ssub.s32 $0x2, s1  }
0x8: {  	s1 =	smul.u32 $0x5A000, s1;
	s14 =	sor.u32 $0x1C0D, s19;
	s8 =	sshrl.u32 s5, $0x3  }
0x9: {  	s11 =	sshrl.u32 s9, $0x1;
	s18 =	sshrl.u32 s10, $0x2;
	[dreg:$0xd] =	wrdreg s14  }
0xa: {  	s8 =	sadd.s32 s8, s0;
	s5 =	sadd.s32 s5, s6;
	s6 =	sor.u32 s12, s17  }
0xb: {  	s1 =	sadd.s32 s21, s1;
	s5 =	sshrl.u32 s5, $0x3;
	s6 =	smul.u32 $0x5A00, s6  }
0xc: {  	s8 =	sadd.s32 $0x2800, s8;
	s16 =	sadd.s32 $0xF00, s1;
	s0 =	sadd.s32 s5, s0  }
0xd: {  	s5 =	ssub.s32 s9, s11;
	s9 =	sadd.s32 s18, s3;
	[dreg:$0xb] =	wrdreg s8  }
0xe: {  	s17 =	sshrl.u32 s16, $0x3;
	[dreg:$0xa] =	wrdreg s9;
	s0 =	sadd.s32 $0x8F800, s0  }
0xf: {  	s19 =	sadd.s32 s17, s7;
	[dreg:$0x19] =	wrdreg s0  }
0x10: {  	s6 =	sshrl.u32 s6, $0x3;
	s5 =	smax.u32 s5, $0x1;
	[dreg:$0x5] =	wrdreg s19  }
0x11: {  	s28 =	simm.s32 $0x500;
	s20 =	sadd.s32 s7, s6;
	[dreg:$0x1a] =	wrdreg s5  }
0x12: {  	s29 =	simm.s32 $0x1;
	s6 =	sadd.s32 $0x20, s20;
	[dreg:$0xc] =	wrdreg s20  }
0x13: {  	s30 =	simm.s32 $0x70;
	s22 =	sadd.s32 $0x40, s20;
	[dreg:$0xe] =	wrdreg s6  }
0x14: {  	s31 =	simm.s32 $0x600;
	s23 =	sadd.s32 $0x60, s20;
	[dreg:$0xf] =	wrdreg s22  }
0x15: {  	s11 =	sadd.s32 $0x1000, s1;
	s24 =	sadd.s32 $0x80, s20;
	[dreg:$0x10] =	wrdreg s23  }
0x16: {  	s18 =	sadd.s32 $0xE00, s1;
	s25 =	sadd.s32 $0xA0, s20;
	[dreg:$0x11] =	wrdreg s24  }
0x17: {  	s16 =	simm.s32 $0xB;
	s26 =	sadd.s32 $0xC0, s20;
	[dreg:$0x12] =	wrdreg s25  }
0x18: {  	s9 =	simm.s32 $0x7;
	s8 =	sadd.s32 $0xE0, s20;
	[dreg:$0x13] =	wrdreg s26  }
0x19: {  	s17 =	simm.s32 $0x9;
	s10 =	sadd.s32 $0x100, s20;
	[dreg:$0x14] =	wrdreg s8  }
0x1a: {  	s5 =	simm.s32 $0x3;
	s12 =	sadd.s32 $0x120, s20;
	[dreg:$0x15] =	wrdreg s10  }
0x1b: {  	s19 =	simm.s32 $0x6;
	s13 =	sadd.s32 $0x140, s20;
	[dreg:$0x16] =	wrdreg s12  }
0x1c: {  	s15 =	sadd.s32 $0xB20, s20;
	s20 =	sshrl.u32 s18, $0x3;
	[dreg:$0x17] =	wrdreg s13  }
0x1d: {  	s6 =	sshrl.u32 s11, $0x3;
	[dreg:$0x18] =	wrdreg s15;
	s21 =	sadd.s32 s20, s7  }
0x1e: {  	s22 =	sadd.s32 $0xD00, s1;
	s24 =	sadd.s32 $0xC00, s1;
	s1 =	sadd.s32 $0xB00, s1  }
0x1f: {  	s11 =	simm.s32 $0x4;
	s12 =	simm.s32 $0xA;
	s13 =	simm.s32 $0x8  }
0x20: {  	s15 =	simm.s32 $0x5;
	s20 =	simm.s32 $0xC;
	s6 =	sadd.s32 s6, s7  }
0x21: {  	[dreg:$0x6] =	wrdreg s21;
	s23 =	sshrl.u32 s22, $0x3;
	s1 =	sshrl.u32 s1, $0x3  }
0x22: {  	s22 =	simm.s32 $0xD;
	s21 =	simm.s32 $0x580;
	[dreg:$0x4] =	wrdreg s6  }
0x23: {  	s0 =	sadd.s32 s23, s7;
	s6 =	sshrl.u32 s24, $0x3;
	s26 =	sadd.s32 s1, s7  }
0x24: {  	s23 =	simm.s32 $0x100;
	s24 =	simm.s32 $0x200;
	[dreg:$0x7] =	wrdreg s0  }
0x25: {  	s1 =	simm.s32 $0x3E00;
	s25 =	sadd.s32 s6, s7;
	[dreg:$0x9] =	wrdreg s26  }
0x26: {  	s26 =	simm.s32 $0x400;
	s0 =	simm.s32 $0x2;
	s6 =	simm.s32 $0x7600  }
0x27: {  	s7 =	simm.s32 $0x0;
	[dreg:$0x8] =	wrdreg s25;
	s25 =	simm.s32 $0x300  }
.LBB2_1:
0x28: {  	[dreg:$0x1b] =	wrdreg s7  }
0x29: {  	s10 =	rddreg [dreg:$0xa]  }
0x2a: {  	s18 =	rddreg [dreg:$0xb];
	s10 =	sshrl.u32 s10, $0x3  }
0x2b: {  	[dreg:$0x1c] =	wrdreg s10  }
0x2c: {  	[spmem:s10], [sflag:s14] =	dma.local [hbm:s18], $0x2780  }
0x2d: {  	_ =	swait.ge [sflag:s22], $0x2780  }
0x2e: {  	[sflag:s22] =	ssyncset.done $0x0  }
0x2f: {  	[sflag:s22] =	ssyncadd.s32 $0xFFFFD880  }
0x30: {  	[bflag:$0x0] =	sbarrier.arrive $0xFFFF  }
0x31: {  	s22 =	rddreg [dreg:$0xc]  }
0x32: {  	[tilespmem:s4], [sflag:$0x1] =	stream.linear.gather [hbm4b:s22+s4], $0x100, $0x38;
	[tilespmem:$0x1EA00] =	vst v63  }
0x33: {  	s7 =	rddreg [dreg:$0xe]  }
0x34: {  	[tilespmem:s23], [sflag:$0x2] =	stream.linear.gather [hbm4b:s7+s4], $0x100, $0x38;
	[tilespmem:$0x1EA00] =	vst v63  }
0x35: {  	s8 =	rddreg [dreg:$0xf]  }
0x36: {  	[tilespmem:s24], [sflag:$0x3] =	stream.linear.gather [hbm4b:s8+s4], $0x100, $0x38;
	[tilespmem:$0x1EA00] =	vst v63  }
0x37: {  	s14 =	rddreg [dreg:$0x10]  }
0x38: {  	[tilespmem:s25], [sflag:$0x4] =	stream.linear.gather [hbm4b:s14+s4], $0x100, $0x38;
	[tilespmem:$0x1EA00] =	vst v63  }
0x39: {  	s18 =	rddreg [dreg:$0x11]  }
0x3a: {  	[tilespmem:s26], [sflag:$0x5] =	stream.linear.gather [hbm4b:s18+s4], $0x100, $0x38;
	[tilespmem:$0x1EA00] =	vst v63  }
0x3b: {  	s22 =	rddreg [dreg:$0x12]  }
0x3c: {  	[tilespmem:s28], [sflag:$0x6] =	stream.linear.gather [hbm4b:s22+s4], $0x100, $0x38;
	[tilespmem:$0x1EA00] =	vst v63  }
0x3d: {  	_ =	swait.ge [sflag:s29], $0x100  }
0x3e: {  	[sflag:s29] =	ssyncset.done $0x0  }
0x3f: {  	[sflag:s29] =	ssyncadd.s32 $0xFFFFFF00  }
0x40: {  	[tilespmem:s31], [sflag:$0x7] =	stream.indirect.gather [hbm4b:s2+s30], $0x80, s4, s30, $0xb8;
	[tilespmem:$0x1EA00] =	vst v63  }
0x41: {  	_ =	swait.ge [sflag:s0], $0x100  }
0x42: {  	[sflag:s0] =	ssyncset.done $0x0  }
0x43: {  	[sflag:s0] =	ssyncadd.s32 $0xFFFFFF00  }
0x44: {  	[tilespmem:s1], [sflag:$0x8] =	stream.indirect.gather [hbm4b:s2+s30], $0x80, s23, s30, $0xb8;
	[tilespmem:$0x1EA00] =	vst v63  }
0x45: {  	_ =	swait.ge [sflag:s5], $0x100  }
0x46: {  	[sflag:s5] =	ssyncset.done $0x0  }
0x47: {  	[sflag:s5] =	ssyncadd.s32 $0xFFFFFF00  }
0x48: {  	[tilespmem:s6], [sflag:$0x9] =	stream.indirect.gather [hbm4b:s2+s30], $0x80, s24, s30, $0xb8;
	[tilespmem:$0x1EA00] =	vst v63  }
0x49: {  	_ =	swait.ge [sflag:s9], $0x3800  }
0x4a: {  	[sflag:s9] =	ssyncset.done $0x0  }
0x4b: {  	s14 =	simm.s32 $0x80;
	[sflag:s9] =	ssyncadd.s32 $0xFFFFC800  }
0x4c: {  	[spmem:s3] =	stream.indirect.scatter.add.f32 [tilespmem:s31], [sflag:$0xA], $0x80, s14, s30, $0xb8;
	[tilespmem:$0x1EA00] =	vst v63  }
0x4d: {  	_ =	swait.ge [sflag:s11], $0x100  }
0x4e: {  	[sflag:s11] =	ssyncset.done $0x0  }
0x4f: {  	[sflag:s11] =	ssyncadd.s32 $0xFFFFFF00  }
0x50: {  	_ =	swait.ge [sflag:s12], $0x3800  }
0x51: {  	[sflag:s12] =	ssyncset.done $0x0  }
0x52: {  	[sflag:s12] =	ssyncadd.s32 $0xFFFFC800  }
0x53: {  	[tilespmem:s31], [sflag:$0x7] =	stream.indirect.gather [hbm4b:s2+s30], $0x80, s25, s30, $0xb8;
	[tilespmem:$0x1EA00] =	vst v63  }
0x54: {  	s7 =	rddreg [dreg:$0x13]  }
0x55: {  	[tilespmem:s4], [sflag:$0x1] =	stream.linear.gather [hbm4b:s7+s4], $0x100, $0x38;
	[tilespmem:$0x1EA00] =	vst v63  }
0x56: {  	_ =	swait.ge [sflag:s13], $0x3800  }
0x57: {  	[sflag:s13] =	ssyncset.done $0x0  }
0x58: {  	s22 =	simm.s32 $0x180;
	[sflag:s13] =	ssyncadd.s32 $0xFFFFC800  }
0x59: {  	[spmem:s3] =	stream.indirect.scatter.add.f32 [tilespmem:s1], [sflag:$0xB], $0x80, s22, s30, $0xb8;
	[tilespmem:$0x1EA00] =	vst v63  }
0x5a: {  	_ =	swait.ge [sflag:s15], $0x100  }
0x5b: {  	[sflag:s15] =	ssyncset.done $0x0  }
0x5c: {  	[sflag:s15] =	ssyncadd.s32 $0xFFFFFF00  }
0x5d: {  	_ =	swait.ge [sflag:s16], $0x3800  }
0x5e: {  	[sflag:s16] =	ssyncset.done $0x0  }
0x5f: {  	[sflag:s16] =	ssyncadd.s32 $0xFFFFC800  }
0x60: {  	[tilespmem:s1], [sflag:$0x8] =	stream.indirect.gather [hbm4b:s2+s30], $0x80, s26, s30, $0xb8;
	[tilespmem:$0x1EA00] =	vst v63  }
0x61: {  	s8 =	rddreg [dreg:$0x14]  }
0x62: {  	[tilespmem:s23], [sflag:$0x2] =	stream.linear.gather [hbm4b:s8+s4], $0x100, $0x38;
	[tilespmem:$0x1EA00] =	vst v63  }
0x63: {  	_ =	swait.ge [sflag:s17], $0x3800  }
0x64: {  	[sflag:s17] =	ssyncset.done $0x0  }
0x65: {  	s8 =	simm.s32 $0x280;
	[sflag:s17] =	ssyncadd.s32 $0xFFFFC800  }
0x66: {  	[spmem:s3] =	stream.indirect.scatter.add.f32 [tilespmem:s6], [sflag:$0xC], $0x80, s8, s30, $0xb8;
	[tilespmem:$0x1EA00] =	vst v63  }
0x67: {  	_ =	swait.ge [sflag:s19], $0x100  }
0x68: {  	[sflag:s19] =	ssyncset.done $0x0  }
0x69: {  	[sflag:s19] =	ssyncadd.s32 $0xFFFFFF00  }
0x6a: {  	_ =	swait.ge [sflag:s20], $0x3800  }
0x6b: {  	[sflag:s20] =	ssyncset.done $0x0  }
0x6c: {  	[sflag:s20] =	ssyncadd.s32 $0xFFFFC800  }
0x6d: {  	[tilespmem:s6], [sflag:$0x9] =	stream.indirect.gather [hbm4b:s2+s30], $0x80, s28, s30, $0xb8;
	[tilespmem:$0x1EA00] =	vst v63  }
0x6e: {  	s18 =	rddreg [dreg:$0x15]  }
0x6f: {  	[tilespmem:s24], [sflag:$0x3] =	stream.linear.gather [hbm4b:s18+s4], $0x100, $0x38;
	[tilespmem:$0x1EA00] =	vst v63  }
0x70: {  	_ =	swait.ge [sflag:s9], $0x3800  }
0x71: {  	[sflag:s9] =	ssyncset.done $0x0  }
0x72: {  	s18 =	simm.s32 $0x380;
	[sflag:s9] =	ssyncadd.s32 $0xFFFFC800  }
0x73: {  	[spmem:s3] =	stream.indirect.scatter.add.f32 [tilespmem:s31], [sflag:$0xA], $0x80, s18, s30, $0xb8;
	[tilespmem:$0x1EA00] =	vst v63  }
0x74: {  	_ =	swait.ge [sflag:s29], $0x100  }
0x75: {  	[sflag:s29] =	ssyncset.done $0x0  }
0x76: {  	[sflag:s29] =	ssyncadd.s32 $0xFFFFFF00  }
0x77: {  	_ =	swait.ge [sflag:s12], $0x3800  }
0x78: {  	[sflag:s12] =	ssyncset.done $0x0  }
0x79: {  	[sflag:s12] =	ssyncadd.s32 $0xFFFFC800  }
0x7a: {  	[tilespmem:s31], [sflag:$0x7] =	stream.indirect.gather [hbm4b:s2+s30], $0x80, s4, s30, $0xb8;
	[tilespmem:$0x1EA00] =	vst v63  }
0x7b: {  	s7 =	rddreg [dreg:$0x16]  }
0x7c: {  	[tilespmem:s25], [sflag:$0x4] =	stream.linear.gather [hbm4b:s7+s4], $0x100, $0x38;
	[tilespmem:$0x1EA00] =	vst v63  }
0x7d: {  	_ =	swait.ge [sflag:s13], $0x3800  }
0x7e: {  	[sflag:s13] =	ssyncset.done $0x0  }
0x7f: {  	s10 =	simm.s32 $0x480;
	[sflag:s13] =	ssyncadd.s32 $0xFFFFC800  }
0x80: {  	[spmem:s3] =	stream.indirect.scatter.add.f32 [tilespmem:s1], [sflag:$0xB], $0x80, s10, s30, $0xb8;
	[tilespmem:$0x1EA00] =	vst v63  }
0x81: {  	_ =	swait.ge [sflag:s0], $0x100  }
0x82: {  	[sflag:s0] =	ssyncset.done $0x0  }
0x83: {  	[sflag:s0] =	ssyncadd.s32 $0xFFFFFF00  }
0x84: {  	_ =	swait.ge [sflag:s16], $0x3800  }
0x85: {  	[sflag:s16] =	ssyncset.done $0x0  }
0x86: {  	[sflag:s16] =	ssyncadd.s32 $0xFFFFC800  }
0x87: {  	[tilespmem:s1], [sflag:$0x8] =	stream.indirect.gather [hbm4b:s2+s30], $0x80, s23, s30, $0xb8;
	[tilespmem:$0x1EA00] =	vst v63  }
0x88: {  	s7 =	rddreg [dreg:$0x17]  }
0x89: {  	[tilespmem:s26], [sflag:$0x5] =	stream.linear.gather [hbm4b:s7+s4], $0x100, $0x38;
	[tilespmem:$0x1EA00] =	vst v63  }
0x8a: {  	_ =	swait.ge [sflag:s17], $0x3800  }
0x8b: {  	[sflag:s17] =	ssyncset.done $0x0  }
0x8c: {  	[sflag:s17] =	ssyncadd.s32 $0xFFFFC800  }
0x8d: {  	[spmem:s3] =	stream.indirect.scatter.add.f32 [tilespmem:s6], [sflag:$0xC], $0x80, s21, s30, $0xb8;
	[tilespmem:$0x1EA00] =	vst v63  }
0x8e: {  	_ =	swait.ge [sflag:s5], $0x100  }
0x8f: {  	[sflag:s5] =	ssyncset.done $0x0  }
0x90: {  	[sflag:s5] =	ssyncadd.s32 $0xFFFFFF00  }
0x91: {  	_ =	swait.ge [sflag:s20], $0x3800  }
0x92: {  	[sflag:s20] =	ssyncset.done $0x0  }
0x93: {  	s7 =	rddreg [dreg:$0x9];
	[sflag:s20] =	ssyncadd.s32 $0xFFFFC800  }
0x94: {  	[tilespmem:s6], [sflag:$0x9] =	stream.indirect.gather [hbm4b:s2+s30], $0x80, s24, s30, $0xb8;
	[tilespmem:$0x1EA00] =	vst v63  }
0x95: {  	s10 =	sadd.s32 $0x0, s7  }
0x96: {  	[tilespmem:s28], [sflag:$0x6] =	stream.linear.gather [hbm4b:s10+s4], $0x100, $0x38;
	[tilespmem:$0x1EA00] =	vst v63  }
0x97: {  	_ =	swait.ge [sflag:s9], $0x3800  }
0x98: {  	[sflag:s9] =	ssyncset.done $0x0  }
0x99: {  	[sflag:s9] =	ssyncadd.s32 $0xFFFFC800  }
0x9a: {  	[spmem:s3] =	stream.indirect.scatter.add.f32 [tilespmem:s31], [sflag:$0xA], $0x80, s14, s30, $0xb8;
	[tilespmem:$0x1EA00] =	vst v63  }
0x9b: {  	_ =	swait.ge [sflag:s11], $0x100  }
0x9c: {  	[sflag:s11] =	ssyncset.done $0x0  }
0x9d: {  	[sflag:s11] =	ssyncadd.s32 $0xFFFFFF00  }
0x9e: {  	_ =	swait.ge [sflag:s12], $0x3800  }
0x9f: {  	[sflag:s12] =	ssyncset.done $0x0  }
0xa0: {  	s14 =	rddreg [dreg:$0x8];
	[sflag:s12] =	ssyncadd.s32 $0xFFFFC800  }
0xa1: {  	[tilespmem:s31], [sflag:$0x7] =	stream.indirect.gather [hbm4b:s2+s30], $0x80, s25, s30, $0xb8;
	[tilespmem:$0x1EA00] =	vst v63  }
0xa2: {  	s10 =	sadd.s32 $0x0, s14  }
0xa3: {  	[tilespmem:s4], [sflag:$0x1] =	stream.linear.gather [hbm4b:s10+s4], $0x100, $0x38;
	[tilespmem:$0x1EA00] =	vst v63  }
0xa4: {  	_ =	swait.ge [sflag:s13], $0x3800  }
0xa5: {  	[sflag:s13] =	ssyncset.done $0x0  }
0xa6: {  	[sflag:s13] =	ssyncadd.s32 $0xFFFFC800  }
0xa7: {  	[spmem:s3] =	stream.indirect.scatter.add.f32 [tilespmem:s1], [sflag:$0xB], $0x80, s22, s30, $0xb8;
	[tilespmem:$0x1EA00] =	vst v63  }
0xa8: {  	_ =	swait.ge [sflag:s15], $0x100  }
0xa9: {  	[sflag:s15] =	ssyncset.done $0x0  }
0xaa: {  	[sflag:s15] =	ssyncadd.s32 $0xFFFFFF00  }
0xab: {  	_ =	swait.ge [sflag:s16], $0x3800  }
0xac: {  	[sflag:s16] =	ssyncset.done $0x0  }
0xad: {  	s7 =	rddreg [dreg:$0x7];
	[sflag:s16] =	ssyncadd.s32 $0xFFFFC800  }
0xae: {  	[tilespmem:s1], [sflag:$0x8] =	stream.indirect.gather [hbm4b:s2+s30], $0x80, s26, s30, $0xb8;
	[tilespmem:$0x1EA00] =	vst v63  }
0xaf: {  	s10 =	sadd.s32 $0x0, s7  }
0xb0: {  	[tilespmem:s23], [sflag:$0x2] =	stream.linear.gather [hbm4b:s10+s4], $0x100, $0x38;
	[tilespmem:$0x1EA00] =	vst v63  }
0xb1: {  	_ =	swait.ge [sflag:s17], $0x3800  }
0xb2: {  	[sflag:s17] =	ssyncset.done $0x0  }
0xb3: {  	[sflag:s17] =	ssyncadd.s32 $0xFFFFC800  }
0xb4: {  	[spmem:s3] =	stream.indirect.scatter.add.f32 [tilespmem:s6], [sflag:$0xC], $0x80, s8, s30, $0xb8;
	[tilespmem:$0x1EA00] =	vst v63  }
0xb5: {  	_ =	swait.ge [sflag:s19], $0x100  }
0xb6: {  	[sflag:s19] =	ssyncset.done $0x0  }
0xb7: {  	[sflag:s19] =	ssyncadd.s32 $0xFFFFFF00  }
0xb8: {  	_ =	swait.ge [sflag:s20], $0x3800  }
0xb9: {  	[sflag:s20] =	ssyncset.done $0x0  }
0xba: {  	s14 =	rddreg [dreg:$0x6];
	[sflag:s20] =	ssyncadd.s32 $0xFFFFC800  }
0xbb: {  	[tilespmem:s6], [sflag:$0x9] =	stream.indirect.gather [hbm4b:s2+s30], $0x80, s28, s30, $0xb8;
	[tilespmem:$0x1EA00] =	vst v63  }
0xbc: {  	s10 =	sadd.s32 $0x0, s14  }
0xbd: {  	[tilespmem:s24], [sflag:$0x3] =	stream.linear.gather [hbm4b:s10+s4], $0x100, $0x38;
	[tilespmem:$0x1EA00] =	vst v63  }
0xbe: {  	_ =	swait.ge [sflag:s9], $0x3800  }
0xbf: {  	[sflag:s9] =	ssyncset.done $0x0  }
0xc0: {  	[sflag:s9] =	ssyncadd.s32 $0xFFFFC800  }
0xc1: {  	[spmem:s3] =	stream.indirect.scatter.add.f32 [tilespmem:s31], [sflag:$0xA], $0x80, s18, s30, $0xb8;
	[tilespmem:$0x1EA00] =	vst v63  }
0xc2: {  	_ =	swait.ge [sflag:s29], $0x100  }
0xc3: {  	[sflag:s29] =	ssyncset.done $0x0  }
0xc4: {  	[sflag:s29] =	ssyncadd.s32 $0xFFFFFF00  }
0xc5: {  	_ =	swait.ge [sflag:s12], $0x3800  }
0xc6: {  	[sflag:s12] =	ssyncset.done $0x0  }
0xc7: {  	s22 =	rddreg [dreg:$0x5];
	[sflag:s12] =	ssyncadd.s32 $0xFFFFC800  }
0xc8: {  	[tilespmem:s31], [sflag:$0x7] =	stream.indirect.gather [hbm4b:s2+s30], $0x80, s4, s30, $0xb8;
	[tilespmem:$0x1EA00] =	vst v63  }
0xc9: {  	s10 =	sadd.s32 $0x0, s22  }
0xca: {  	[tilespmem:s25], [sflag:$0x4] =	stream.linear.gather [hbm4b:s10+s4], $0x100, $0x38;
	[tilespmem:$0x1EA00] =	vst v63  }
0xcb: {  	_ =	swait.ge [sflag:s13], $0x3800  }
0xcc: {  	[sflag:s13] =	ssyncset.done $0x0  }
0xcd: {  	s14 =	simm.s32 $0x480;
	[sflag:s13] =	ssyncadd.s32 $0xFFFFC800  }
0xce: {  	[spmem:s3] =	stream.indirect.scatter.add.f32 [tilespmem:s1], [sflag:$0xB], $0x80, s14, s30, $0xb8;
	[tilespmem:$0x1EA00] =	vst v63  }
0xcf: {  	_ =	swait.ge [sflag:s0], $0x100  }
0xd0: {  	[sflag:s0] =	ssyncset.done $0x0  }
0xd1: {  	[sflag:s0] =	ssyncadd.s32 $0xFFFFFF00  }
0xd2: {  	_ =	swait.ge [sflag:s16], $0x3800  }
0xd3: {  	[sflag:s16] =	ssyncset.done $0x0  }
0xd4: {  	s22 =	rddreg [dreg:$0x4];
	[sflag:s16] =	ssyncadd.s32 $0xFFFFC800  }
0xd5: {  	[tilespmem:s1], [sflag:$0x8] =	stream.indirect.gather [hbm4b:s2+s30], $0x80, s23, s30, $0xb8;
	[tilespmem:$0x1EA00] =	vst v63  }
0xd6: {  	s10 =	sadd.s32 $0x0, s22  }
0xd7: {  	[tilespmem:s26], [sflag:$0x5] =	stream.linear.gather [hbm4b:s10+s4], $0x100, $0x38;
	[tilespmem:$0x1EA00] =	vst v63  }
0xd8: {  	_ =	swait.ge [sflag:s17], $0x3800  }
0xd9: {  	s7 =	simm.s32 $0x280;
	s8 =	simm.s32 $0x380;
	[sflag:s17] =	ssyncset.done $0x0  }
0xda: {  	s18 =	simm.s32 $0x480;
	s22 =	simm.s32 $0xC0;
	[sflag:s17] =	ssyncadd.s32 $0xFFFFC800  }
.LBB2_2:
0xdb: {  	[spmem:s3] =	stream.indirect.scatter.add.f32 [tilespmem:s6], [sflag:$0xC], $0x80, s21, s30, $0xb8;
	[tilespmem:$0x1EA00] =	vst v63  }
0xdc: {  	_ =	swait.ge [sflag:s5], $0x100  }
0xdd: {  	[sflag:s5] =	ssyncset.done $0x0  }
0xde: {  	[sflag:s5] =	ssyncadd.s32 $0xFFFFFF00  }
0xdf: {  	_ =	swait.ge [sflag:s20], $0x3800  }
0xe0: {  	[sflag:s20] =	ssyncset.done $0x0  }
0xe1: {  	s10 =	smov.u32 s22;
	s14 =	rddreg [dreg:$0x9];
	[sflag:s20] =	ssyncadd.s32 $0xFFFFC800  }
0xe2: {  	[tilespmem:s6], [sflag:$0x9] =	stream.indirect.gather [hbm4b:s2+s30], $0x80, s24, s30, $0xb8;
	[tilespmem:$0x1EA00] =	vst v63  }
0xe3: {  	s14 =	sadd.s32 s10, s14  }
0xe4: {  	[tilespmem:s28], [sflag:$0x6] =	stream.linear.gather [hbm4b:s14+s4], $0x100, $0x38;
	[tilespmem:$0x1EA00] =	vst v63  }
0xe5: {  	_ =	swait.ge [sflag:s9], $0x3800  }
0xe6: {  	[sflag:s9] =	ssyncset.done $0x0  }
0xe7: {  	s14 =	simm.s32 $0x80;
	[sflag:s9] =	ssyncadd.s32 $0xFFFFC800  }
0xe8: {  	[spmem:s3] =	stream.indirect.scatter.add.f32 [tilespmem:s31], [sflag:$0xA], $0x80, s14, s30, $0xb8;
	[tilespmem:$0x1EA00] =	vst v63  }
0xe9: {  	_ =	swait.ge [sflag:s11], $0x100  }
0xea: {  	[sflag:s11] =	ssyncset.done $0x0  }
0xeb: {  	[sflag:s11] =	ssyncadd.s32 $0xFFFFFF00  }
0xec: {  	_ =	swait.ge [sflag:s12], $0x3800  }
0xed: {  	[sflag:s12] =	ssyncset.done $0x0  }
0xee: {  	s14 =	rddreg [dreg:$0x8];
	[sflag:s12] =	ssyncadd.s32 $0xFFFFC800  }
0xef: {  	[tilespmem:s31], [sflag:$0x7] =	stream.indirect.gather [hbm4b:s2+s30], $0x80, s25, s30, $0xb8;
	[tilespmem:$0x1EA00] =	vst v63  }
0xf0: {  	s14 =	sadd.s32 s10, s14  }
0xf1: {  	[tilespmem:s4], [sflag:$0x1] =	stream.linear.gather [hbm4b:s14+s4], $0x100, $0x38;
	[tilespmem:$0x1EA00] =	vst v63  }
0xf2: {  	_ =	swait.ge [sflag:s13], $0x3800  }
0xf3: {  	[sflag:s13] =	ssyncset.done $0x0  }
0xf4: {  	s14 =	simm.s32 $0x180;
	[sflag:s13] =	ssyncadd.s32 $0xFFFFC800  }
0xf5: {  	[spmem:s3] =	stream.indirect.scatter.add.f32 [tilespmem:s1], [sflag:$0xB], $0x80, s14, s30, $0xb8;
	[tilespmem:$0x1EA00] =	vst v63  }
0xf6: {  	_ =	swait.ge [sflag:s15], $0x100  }
0xf7: {  	[sflag:s15] =	ssyncset.done $0x0  }
0xf8: {  	[sflag:s15] =	ssyncadd.s32 $0xFFFFFF00  }
0xf9: {  	_ =	swait.ge [sflag:s16], $0x3800  }
0xfa: {  	[sflag:s16] =	ssyncset.done $0x0  }
0xfb: {  	s14 =	rddreg [dreg:$0x7];
	[sflag:s16] =	ssyncadd.s32 $0xFFFFC800  }
0xfc: {  	[tilespmem:s1], [sflag:$0x8] =	stream.indirect.gather [hbm4b:s2+s30], $0x80, s26, s30, $0xb8;
	[tilespmem:$0x1EA00] =	vst v63  }
0xfd: {  	s14 =	sadd.s32 s10, s14  }
0xfe: {  	[tilespmem:s23], [sflag:$0x2] =	stream.linear.gather [hbm4b:s14+s4], $0x100, $0x38;
	[tilespmem:$0x1EA00] =	vst v63  }
0xff: {  	_ =	swait.ge [sflag:s17], $0x3800  }
0x100: {  	[sflag:s17] =	ssyncset.done $0x0  }
0x101: {  	[sflag:s17] =	ssyncadd.s32 $0xFFFFC800  }
0x102: {  	[spmem:s3] =	stream.indirect.scatter.add.f32 [tilespmem:s6], [sflag:$0xC], $0x80, s7, s30, $0xb8;
	[tilespmem:$0x1EA00] =	vst v63  }
0x103: {  	_ =	swait.ge [sflag:s19], $0x100  }
0x104: {  	[sflag:s19] =	ssyncset.done $0x0  }
0x105: {  	[sflag:s19] =	ssyncadd.s32 $0xFFFFFF00  }
0x106: {  	_ =	swait.ge [sflag:s20], $0x3800  }
0x107: {  	[sflag:s20] =	ssyncset.done $0x0  }
0x108: {  	s14 =	rddreg [dreg:$0x6];
	[sflag:s20] =	ssyncadd.s32 $0xFFFFC800  }
0x109: {  	[tilespmem:s6], [sflag:$0x9] =	stream.indirect.gather [hbm4b:s2+s30], $0x80, s28, s30, $0xb8;
	[tilespmem:$0x1EA00] =	vst v63  }
0x10a: {  	s14 =	sadd.s32 s10, s14  }
0x10b: {  	[tilespmem:s24], [sflag:$0x3] =	stream.linear.gather [hbm4b:s14+s4], $0x100, $0x38;
	[tilespmem:$0x1EA00] =	vst v63  }
0x10c: {  	_ =	swait.ge [sflag:s9], $0x3800  }
0x10d: {  	[sflag:s9] =	ssyncset.done $0x0  }
0x10e: {  	[sflag:s9] =	ssyncadd.s32 $0xFFFFC800  }
0x10f: {  	[spmem:s3] =	stream.indirect.scatter.add.f32 [tilespmem:s31], [sflag:$0xA], $0x80, s8, s30, $0xb8;
	[tilespmem:$0x1EA00] =	vst v63  }
0x110: {  	_ =	swait.ge [sflag:s29], $0x100  }
0x111: {  	[sflag:s29] =	ssyncset.done $0x0  }
0x112: {  	[sflag:s29] =	ssyncadd.s32 $0xFFFFFF00  }
0x113: {  	_ =	swait.ge [sflag:s12], $0x3800  }
0x114: {  	[sflag:s12] =	ssyncset.done $0x0  }
0x115: {  	s14 =	rddreg [dreg:$0x5];
	[sflag:s12] =	ssyncadd.s32 $0xFFFFC800  }
0x116: {  	[tilespmem:s31], [sflag:$0x7] =	stream.indirect.gather [hbm4b:s2+s30], $0x80, s4, s30, $0xb8;
	[tilespmem:$0x1EA00] =	vst v63  }
0x117: {  	s14 =	sadd.s32 s10, s14  }
0x118: {  	[tilespmem:s25], [sflag:$0x4] =	stream.linear.gather [hbm4b:s14+s4], $0x100, $0x38;
	[tilespmem:$0x1EA00] =	vst v63  }
0x119: {  	_ =	swait.ge [sflag:s13], $0x3800  }
0x11a: {  	[sflag:s13] =	ssyncset.done $0x0  }
0x11b: {  	[sflag:s13] =	ssyncadd.s32 $0xFFFFC800  }
0x11c: {  	[spmem:s3] =	stream.indirect.scatter.add.f32 [tilespmem:s1], [sflag:$0xB], $0x80, s18, s30, $0xb8;
	[tilespmem:$0x1EA00] =	vst v63  }
0x11d: {  	_ =	swait.ge [sflag:s0], $0x100  }
0x11e: {  	[sflag:s0] =	ssyncset.done $0x0  }
0x11f: {  	[sflag:s0] =	ssyncadd.s32 $0xFFFFFF00  }
0x120: {  	_ =	swait.ge [sflag:s16], $0x3800  }
0x121: {  	[sflag:s16] =	ssyncset.done $0x0  }
0x122: {  	p0 =	sne.s32 s22, $0x900;
	s14 =	rddreg [dreg:$0x4];
	[sflag:s16] =	ssyncadd.s32 $0xFFFFC800  }
0x123: {  	[tilespmem:s1], [sflag:$0x8] =	stream.indirect.gather [hbm4b:s2+s30], $0x80, s23, s30, $0xb8;
	[tilespmem:$0x1EA00] =	vst v63  }
.Ltmp0:
0x124: {  	s10 =	sadd.s32 s10, s14;
	(pc) =	sbr.rel @p0 .LBB2_2-.Ltmp0, $4  }
0x125: {  	[tilespmem:s26], [sflag:$0x5] =	stream.linear.gather [hbm4b:s10+s4], $0x100, $0x38;
	[tilespmem:$0x1EA00] =	vst v63  }
0x126: {  	_ =	swait.ge [sflag:s17], $0x3800  }
0x127: {  	[sflag:s17] =	ssyncset.done $0x0  }
0x128: {  	s22 =	sadd.s32 $0xC0, s22;
	[sflag:s17] =	ssyncadd.s32 $0xFFFFC800  }
0x129: {  	s14 =	simm.s32 $0x580  }
0x12a: {  	[spmem:s3] =	stream.indirect.scatter.add.f32 [tilespmem:s6], [sflag:$0xC], $0x80, s14, s30, $0xb8;
	[tilespmem:$0x1EA00] =	vst v63  }
0x12b: {  	_ =	swait.ge [sflag:s5], $0x100  }
0x12c: {  	[sflag:s5] =	ssyncset.done $0x0  }
0x12d: {  	[sflag:s5] =	ssyncadd.s32 $0xFFFFFF00  }
0x12e: {  	_ =	swait.ge [sflag:s20], $0x3800  }
0x12f: {  	[sflag:s20] =	ssyncset.done $0x0  }
0x130: {  	[sflag:s20] =	ssyncadd.s32 $0xFFFFC800  }
0x131: {  	[tilespmem:s6], [sflag:$0x9] =	stream.indirect.gather [hbm4b:s2+s30], $0x80, s24, s30, $0xb8;
	[tilespmem:$0x1EA00] =	vst v63  }
0x132: {  	s10 =	rddreg [dreg:$0x18]  }
0x133: {  	[tilespmem:s28], [sflag:$0x6] =	stream.linear.gather [hbm4b:s10+s4], $0x100, $0x38;
	[tilespmem:$0x1EA00] =	vst v63  }
0x134: {  	_ =	swait.ge [sflag:s9], $0x3800  }
0x135: {  	[sflag:s9] =	ssyncset.done $0x0  }
0x136: {  	s21 =	simm.s32 $0x80;
	[sflag:s9] =	ssyncadd.s32 $0xFFFFC800  }
0x137: {  	[spmem:s3] =	stream.indirect.scatter.add.f32 [tilespmem:s31], [sflag:$0xA], $0x80, s21, s30, $0xb8;
	[tilespmem:$0x1EA00] =	vst v63  }
0x138: {  	_ =	swait.ge [sflag:s11], $0x100  }
0x139: {  	[sflag:s11] =	ssyncset.done $0x0  }
0x13a: {  	[sflag:s11] =	ssyncadd.s32 $0xFFFFFF00  }
0x13b: {  	_ =	swait.ge [sflag:s12], $0x3800  }
0x13c: {  	[sflag:s12] =	ssyncset.done $0x0  }
0x13d: {  	[sflag:s12] =	ssyncadd.s32 $0xFFFFC800  }
0x13e: {  	[tilespmem:s31], [sflag:$0x7] =	stream.indirect.gather [hbm4b:s2+s30], $0x80, s25, s30, $0xb8;
	[tilespmem:$0x1EA00] =	vst v63  }
0x13f: {  	_ =	swait.ge [sflag:s13], $0x3800  }
0x140: {  	[sflag:s13] =	ssyncset.done $0x0  }
0x141: {  	s22 =	simm.s32 $0x180;
	[sflag:s13] =	ssyncadd.s32 $0xFFFFC800  }
0x142: {  	[spmem:s3] =	stream.indirect.scatter.add.f32 [tilespmem:s1], [sflag:$0xB], $0x80, s22, s30, $0xb8;
	[tilespmem:$0x1EA00] =	vst v63  }
0x143: {  	_ =	swait.ge [sflag:s15], $0x100  }
0x144: {  	[sflag:s15] =	ssyncset.done $0x0  }
0x145: {  	[sflag:s15] =	ssyncadd.s32 $0xFFFFFF00  }
0x146: {  	_ =	swait.ge [sflag:s16], $0x3800  }
0x147: {  	[sflag:s16] =	ssyncset.done $0x0  }
0x148: {  	[sflag:s16] =	ssyncadd.s32 $0xFFFFC800  }
0x149: {  	[tilespmem:s1], [sflag:$0x8] =	stream.indirect.gather [hbm4b:s2+s30], $0x80, s26, s30, $0xb8;
	[tilespmem:$0x1EA00] =	vst v63  }
0x14a: {  	_ =	swait.ge [sflag:s17], $0x3800  }
0x14b: {  	[sflag:s17] =	ssyncset.done $0x0  }
0x14c: {  	[sflag:s17] =	ssyncadd.s32 $0xFFFFC800  }
0x14d: {  	[spmem:s3] =	stream.indirect.scatter.add.f32 [tilespmem:s6], [sflag:$0xC], $0x80, s7, s30, $0xb8;
	[tilespmem:$0x1EA00] =	vst v63  }
0x14e: {  	_ =	swait.ge [sflag:s19], $0x100  }
0x14f: {  	[sflag:s19] =	ssyncset.done $0x0  }
0x150: {  	[sflag:s19] =	ssyncadd.s32 $0xFFFFFF00  }
0x151: {  	_ =	swait.ge [sflag:s20], $0x3800  }
0x152: {  	[sflag:s20] =	ssyncset.done $0x0  }
0x153: {  	[sflag:s20] =	ssyncadd.s32 $0xFFFFC800  }
0x154: {  	[tilespmem:s6], [sflag:$0x9] =	stream.indirect.gather [hbm4b:s2+s30], $0x80, s28, s30, $0xb8;
	[tilespmem:$0x1EA00] =	vst v63  }
0x155: {  	_ =	swait.ge [sflag:s9], $0x3800  }
0x156: {  	[sflag:s9] =	ssyncset.done $0x0  }
0x157: {  	[sflag:s9] =	ssyncadd.s32 $0xFFFFC800  }
0x158: {  	[spmem:s3] =	stream.indirect.scatter.add.f32 [tilespmem:s31], [sflag:$0xA], $0x80, s8, s30, $0xb8;
	[tilespmem:$0x1EA00] =	vst v63  }
0x159: {  	_ =	swait.ge [sflag:s12], $0x3800  }
0x15a: {  	[sflag:s12] =	ssyncset.done $0x0  }
0x15b: {  	[sflag:s12] =	ssyncadd.s32 $0xFFFFC800  }
0x15c: {  	_ =	swait.ge [sflag:s13], $0x3800  }
0x15d: {  	[sflag:s13] =	ssyncset.done $0x0  }
0x15e: {  	[sflag:s13] =	ssyncadd.s32 $0xFFFFC800  }
0x15f: {  	[spmem:s3] =	stream.indirect.scatter.add.f32 [tilespmem:s1], [sflag:$0xB], $0x80, s18, s30, $0xb8;
	[tilespmem:$0x1EA00] =	vst v63  }
0x160: {  	_ =	swait.ge [sflag:s16], $0x3800  }
0x161: {  	[sflag:s16] =	ssyncset.done $0x0  }
0x162: {  	[sflag:s16] =	ssyncadd.s32 $0xFFFFC800  }
0x163: {  	_ =	swait.ge [sflag:s17], $0x3800  }
0x164: {  	[sflag:s17] =	ssyncset.done $0x0  }
0x165: {  	[sflag:s17] =	ssyncadd.s32 $0xFFFFC800  }
0x166: {  	[spmem:s3] =	stream.indirect.scatter.add.f32 [tilespmem:s6], [sflag:$0xC], $0x80, s14, s30, $0xb8;
	[tilespmem:$0x1EA00] =	vst v63  }
0x167: {  	_ =	swait.ge [sflag:s20], $0x3800  }
0x168: {  	[sflag:s20] =	ssyncset.done $0x0  }
0x169: {  	[sflag:s20] =	ssyncadd.s32 $0xFFFFC800  }
0x16a: {  	[bflag:$0x0] =	sbarrier.arrive $0xFFFF  }
0x16b: {  	s14 =	rddreg [dreg:$0xd]  }
0x16c: {  	s7 =	rddreg [dreg:$0x19]  }
0x16d: {  	s22 =	simm.s32 $0xD;
	s8 =	rddreg [dreg:$0x1c]  }
0x16e: {  	[hbm:s7], [sflag:s14] =	dma.local [spmem:s8], $0x2780  }
0x16f: {  	_ =	swait.ge [sflag:s22], $0x2780  }
0x170: {  	s10 =	rddreg [dreg:$0x1b]  }
0x171: {  	s18 =	rddreg [dreg:$0x1a];
	s7 =	sadd.s32 $0x1, s10  }
0x172: {  	p0 =	sne.s32 s7, s18  }
.Ltmp1:
0x173: {  	_ = 	snop;
	(pc) =	sbr.rel @p0 .LBB2_1-.Ltmp1, $3  }
0x174: {  	_ =	sdelay $0x1  }
0x175: {  	[sflag:s22] =	ssyncset.done $0x0  }
0x176: {  	s21 =	simm.s32 $0x580;
	[sflag:s22] =	ssyncadd.s32 $0xFFFFD880  }
0x177: {  	_ =	sfence.sel $0x180000  }
0x178: {  	[bflag:$0x0] =	sbarrier.arrive $0xFFFF  }
0x179: {  	_ =	strace $0x9000004D  }
0x17a: {  	s0 =	stileid.u32;
	[bflag:$0x2] =	sbarrier.arrive $0xFFFF  }
0x17b: {  	p0 =	sne.s32 s0, $0x0;
	s0 =	rddreg [dreg:$0x3]  }
0x17c: {  	s0 =	sadd.s32 @!p0 $0x100000, s0  }
0x17d: {  	[sflag:s0] =	ssyncadd.tile.s32 @!p0 $0x1;
	_ =	shalt  }
.Lfunc_end2:
_tile_overlayer_lowered:
.L_overlay_start_2:
0x17e: {  	(tag) =	ssettag $0x2  }
0x17f: {  	s0 =	rddreg [dreg:$0x0];
	s2 =	stileid.u32  }
0x180: {  	s1 =	rddreg [dreg:$0x1];
	p0 =	sne.s32 s2, $0x0  }
0x181: {  	s3 =	rddreg [dreg:$0x2];
	[bflag:$0x3] =	sbarrier.arrive $0xFFFF;
	s2 =	simm.s32 @!p0 $0x1C0D  }
0x182: {  	[timem:s3], [sflag:s2] =	dma.local @!p0 [hbm:s0], s1  }
0x183: {  	s0 =	simm.s32 @!p0 $0xD  }
0x184: {  	_ =	swait.ge @!p0 [sflag:s0], s1  }
0x185: {  	s1 =	ssub.s32 @!p0 $0x0, s1;
	[sflag:s0] =	ssyncset.done @!p0 $0x0  }
0x186: {  	[sflag:s0] =	ssyncadd.s32 @!p0 s1  }
0x187: {  	[bflag:$0x3] =	sbarrier.arrive $0xFFFF  }
0x188: {  	_ =	shalt  }

// kernel: kernel.7.cloned.1.call-start
scs
__scs_entry_jumppad:
0x0: {  	(pc) =	sbr.rel $0x88, $3  }
0x1: {  	(tag) =	ssettag $0x0;
	lr =	simm.s32 $0x1  }
0x2: {  	[smem:$0x3F99] =	sst lr;
	_ =	strace $0xD0000000  }
0x3: {  	_ = 	snop  }
0x4: {  	_ = 	snop  }
0x5: {  	_ = 	snop  }
0x6: {  	_ = 	snop  }
0x7: {  	_ = 	snop  }
__scs_overlays_trampoline_lowered:
0x8: {  	[smem:$0x3FA8] =	sst s0  }
0x9: {  	[smem:$0x3FA9] =	sst s1  }
0xa: {  	[smem:$0x3FAA] =	sst s2  }
0xb: {  	[smem:$0x3FAB] =	sst s3  }
0xc: {  	[smem:$0x3FAC] =	sst s4  }
0xd: {  	[smem:$0x3FAD] =	sst s5  }
0xe: {  	[smem:$0x3FAE] =	sst s6  }
0xf: {  	[smem:$0x3FAF] =	sst s7  }
0x10: {  	[smem:$0x3FB0] =	sst s8  }
0x11: {  	[smem:$0x3FB1] =	sst s9;
	s0 =	simm.s32 @!p0 $0x0  }
0x12: {  	s1 =	sld [smem:$0x3F97];
	s0 =	simm.s32 @p0 $0x1  }
0x13: {  	[smem:$0x3FB2] =	sst s0;
	s0 =	simm.s32 @!p1 $0x0  }
0x14: {  	s2 =	sld [smem:$0x3F96];
	s0 =	simm.s32 @p1 $0x1  }
0x15: {  	[smem:$0x3FB3] =	sst s0;
	s0 =	simm.s32 @!p2 $0x0  }
0x16: {  	s3 =	sld [smem:$0x3FDB];
	s0 =	simm.s32 @p2 $0x1  }
0x17: {  	s4 =	simm.s32 $0x1BF5;
	[smem:$0x3FB5] =	sst s0  }
0x18: {  	s0 =	sld [smem:$0x3F98];
	_ =	swait.ge [sflag:s4], $0x0  }
0x19: {  	s7 =	sld [smem:$0x3F99]  }
0x1a: {  	s8 =	sadd.s32 $0xFFFFE003, lr  }
0x1b: {  	s9 =	sadd.s32 $0xFFFFFEF7, lr;
	s5 =	simm.s32 $0xFFFFFFFF;
	p2 =	slt.u32 s8, $0xFFFFF086  }
0x1c: {  	p1 =	slt.u32 s9, $0xF7A;
	s5 =	simm.s32 @!p2 $0x0  }
0x1d: {  	s5 =	simm.s32 @p1 $0x1;
	p0 =	seq.s32 s7, s2  }
0x1e: {  	s7 =	smul.u32 @!p0 $0xF7A, s2;
	p2 =	seq.s32 @!p0 s5, $0x0  }
0x1f: {  	s9 =	smul.u32 $0xF7A, s1;
	s8 =	simm.s32 @!p0 $0x1BF5;
	p2 =	por !p2, p0  }
0x20: {  	[sflag:s8] =	ssyncset.s32 @!p0 $0xFFFFF086;
	s6 =	sadd.s32 @!p0 s3, s7;
	s7 =	simm.s32 @!p0 $0x108  }
0x21: {  	s3 =	sadd.s32 s3, s9;
	s6 =	sadd.s32 @!p0 $0x88, s6;
	s7 =	simm.s32 @p2 $0x1082  }
0x22: {  	[simem:s7], [sflag:s8] =	dma.local @!p0 [hbm:s6], $0xF7A  }
0x23: {  	s9 =	sor.u32 $0xD0000000, s2;
	s6 =	simm.s32 $0x108;
	_ =	swait.ge @!p0 [sflag:s8], $0x0  }
0x24: {  	s3 =	sadd.s32 $0x88, s3;
	s6 =	simm.s32 @!p1 $0x1082;
	[sflag:s4] =	ssyncset.s32 $0xFFFFF086  }
0x25: {  	[simem:s6], [sflag:s4] =	dma.local [hbm:s3], $0xF7A  }
0x26: {  	[smem:$0x3F99] =	sst s1;
	(tag) =	ssettag s2;
	_ =	strace s9  }
0x27: {  	s1 =	sld [smem:$0x3FA9]  }
0x28: {  	s2 =	sld [smem:$0x3FAA]  }
0x29: {  	s4 =	sld [smem:$0x3FAC]  }
0x2a: {  	p0 =	seq.s32 s5, $0x0;
	s5 =	sld [smem:$0x3FAD]  }
0x2b: {  	s6 =	sld [smem:$0x3FAE]  }
0x2c: {  	s7 =	sld [smem:$0x3FAF]  }
0x2d: {  	s3 =	simm.s32 $0x108;
	s8 =	sld [smem:$0x3FB0]  }
0x2e: {  	s3 =	simm.s32 @!p0 $0x1082;
	s9 =	sld [smem:$0x3FB1]  }
0x2f: {  	lr =	sadd.s32 s0, s3;
	s0 =	sld [smem:$0x3FA8]  }
0x30: {  	s3 =	sld [smem:$0x3FAB]  }
0x31: {  	[smem:$0x3FB4] =	sst s10  }
0x32: {  	s10 =	sld [smem:$0x3FB2];
	_ =	sdelay $0x3  }
0x33: {  	p0 =	seq.s32 s10, $0x1;
	s10 =	sld [smem:$0x3FB4];
	_ =	sdelay $0x3  }
0x34: {  	[smem:$0x3FB4] =	sst s10  }
0x35: {  	s10 =	sld [smem:$0x3FB3];
	_ =	sdelay $0x3  }
0x36: {  	p1 =	seq.s32 s10, $0x1;
	s10 =	sld [smem:$0x3FB4];
	_ =	sdelay $0x3  }
0x37: {  	[smem:$0x3FB4] =	sst s10  }
0x38: {  	s10 =	sld [smem:$0x3FB5]  }
0x39: {  	_ = 	snop;
	(pc) =	sbr.ind lr, $3  }
0x3a: {  	_ = 	snop  }
0x3b: {  	_ = 	snop  }
0x3c: {  	p2 =	seq.s32 s10, $0x1;
	s10 =	sld [smem:$0x3FB4]  }
0x3d: {  	_ =	shalt  }
0x3e: {  	_ =	shalt  }
0x3f: {  	_ =	shalt  }
0x40: {  	_ =	shalt  }
0x41: {  	_ =	shalt  }
0x42: {  	_ =	shalt  }
0x43: {  	_ =	shalt  }
0x44: {  	_ =	shalt  }
0x45: {  	_ =	shalt  }
0x46: {  	_ =	shalt  }
0x47: {  	_ =	shalt  }
0x48: {  	_ =	shalt  }
0x49: {  	_ =	shalt  }
0x4a: {  	_ =	shalt  }
0x4b: {  	_ =	shalt  }
0x4c: {  	_ =	shalt  }
0x4d: {  	_ =	shalt  }
0x4e: {  	_ =	shalt  }
0x4f: {  	_ =	shalt  }
0x50: {  	_ =	shalt  }
0x51: {  	_ =	shalt  }
0x52: {  	_ =	shalt  }
0x53: {  	_ =	shalt  }
0x54: {  	_ =	shalt  }
0x55: {  	_ =	shalt  }
0x56: {  	_ =	shalt  }
0x57: {  	_ =	shalt  }
0x58: {  	_ =	shalt  }
0x59: {  	_ =	shalt  }
0x5a: {  	_ =	shalt  }
0x5b: {  	_ =	shalt  }
0x5c: {  	_ =	shalt  }
0x5d: {  	_ =	shalt  }
0x5e: {  	_ =	shalt  }
0x5f: {  	_ =	shalt  }
0x60: {  	_ =	shalt  }
0x61: {  	_ =	shalt  }
0x62: {  	_ =	shalt  }
0x63: {  	_ =	shalt  }
0x64: {  	_ =	shalt  }
0x65: {  	_ =	shalt  }
0x66: {  	_ =	shalt  }
0x67: {  	_ =	shalt  }
0x68: {  	_ =	shalt  }
0x69: {  	_ =	shalt  }
0x6a: {  	_ =	shalt  }
0x6b: {  	_ =	shalt  }
0x6c: {  	_ =	shalt  }
0x6d: {  	_ =	shalt  }
0x6e: {  	_ =	shalt  }
0x6f: {  	_ =	shalt  }
0x70: {  	_ =	shalt  }
0x71: {  	_ =	shalt  }
0x72: {  	_ =	shalt  }
0x73: {  	_ =	shalt  }
0x74: {  	_ =	shalt  }
0x75: {  	_ =	shalt  }
0x76: {  	_ =	shalt  }
0x77: {  	_ =	shalt  }
0x78: {  	_ =	shalt  }
0x79: {  	_ =	shalt  }
0x7a: {  	_ =	shalt  }
0x7b: {  	_ =	shalt  }
0x7c: {  	_ =	shalt  }
0x7d: {  	_ =	shalt  }
0x7e: {  	_ =	shalt  }
0x7f: {  	_ =	shalt  }
0x80: {  	_ =	shalt  }
0x81: {  	_ =	shalt  }
0x82: {  	_ =	shalt  }
0x83: {  	_ =	shalt  }
0x84: {  	_ =	shalt  }
0x85: {  	_ =	shalt  }
0x86: {  	_ =	shalt  }
0x87: {  	_ =	shalt  }
.Lfunc_end0:
.L_simem_size_0:
called_computation_lowered:
.L_overlay_start_0:
0x88: {  	s2 =	sld [smem:$0x3FD9]  }
0x89: {  	s3 =	sld [smem:$0x3FFE];
	_ =	sdelay $0x1  }
0x8a: {  	s1 =	srdreg.scid  }
0x8b: {  	s0 =	sand.u32 $0x1, s1  }
0x8c: {  	s17 =	sshll.u32 s0, $0xA;
	s2 =	sadd.s32 s3, s2  }
0x8d: {  	s2 =	sadd.s32 s2, s17  }
0x8e: {  	[smem:$0x3FC0] =	sst s2  }
0x8f: {  	_ = 	snop  }
0x90: {  	s2 =	sld [smem:$0x3FD0];
	(tm) =	ssettm $0x1  }
0x91: {  	s18 =	sld [smem:$0x3FFB];
	_ =	sdelay $0x3  }
0x92: {  	_ =	strace s18  }
0x93: {  	s3 =	sld [smem:$0x3FFC];
	_ =	sdelay $0x3  }
0x94: {  	_ =	strace s3  }
0x95: {  	s3 =	sld [smem:$0x3FFD];
	_ =	sdelay $0x3  }
0x96: {  	_ =	strace s3  }
0x97: {  	_ =	strace $0x8FFFFFFF  }
0x98: {  	s19 =	sld [smem:$0x3FDB];
	_ =	sdelay $0x1  }
0x99: {  	s4 =	simm.s32 $_scs_section_size  }
0x9a: {  	s5 =	simm.s32 $_size__tile_overlayer_lowered;
	s6 =	simm.s32 $_tile_overlayer_lowered  }
0x9b: {  	s22 =	simm.s32 $0x1BFF;
	s21 =	sshll.u32 s6, $0x1;
	s3 =	sadd.s32 s4, s19  }
0x9c: {  	s7 =	simm.s32 $0x0;
	s20 =	sshll.u32 s5, $0x1;
	s5 =	sadd.s32 s21, s3  }
0x9d: {  	[timem:s7], [sflag:s22] =	dma.local [hbm:s5], s20  }
0x9e: {  	_ =	swait.ge [sflag:s22], s20  }
0x9f: {  	s4 =	ssub.s32 $0x0, s20;
	[sflag:s22] =	ssyncset.done $0x0  }
0xa0: {  	[sflag:s22] =	ssyncadd.s32 s4;
	_ =	sdelay $0x1  }
0xa1: {  	s23 =	simm.s32 $0x1B8B  }
0xa2: {  	_ =	swait.ge [sflag:s23], $0x1  }
0xa3: {  	[sflag:s23] =	ssyncset.done $0x0  }
0xa4: {  	s25 =	simm.s32 $0x1B8E;
	s24 =	sld [smem:$0x3FFE];
	[sflag:s23] =	ssyncadd.s32 $0xFFFFFFFF  }
0xa5: {  	s26 =	simm.s32 $execute0_lowered;
	[smem:$0x3FD2] =	sst s25  }
0xa6: {  	s5 =	sshll.u32 s26, $0x1;
	_ =	strace $0x80000046;
	[dreg:$0x1] =	wrdreg $0xFFFFFFFF  }
0xa7: {  	s28 =	simm.s32 $_size_execute0_lowered;
	s3 =	sadd.s32 s3, s5;
	[dreg:$0x0] =	wrdreg $0x0  }
0xa8: {  	s5 =	sshll.u32 s28, $0x1;
	[dreg:$0x2] =	wrdreg s3  }
0xa9: {  	[dreg:$0x3] =	wrdreg s5  }
0xaa: {  	[dreg:$0x4] =	wrdreg $0xC0  }
0xab: {  	_ =	task [dreg:s7], $0x5FFFF  }
0xac: {  	[dreg:$0x1] =	wrdreg $0xFFFFFFFF  }
0xad: {  	[dreg:$0x0] =	wrdreg $0x60  }
0xae: {  	[dreg:$0x2] =	wrdreg s2  }
0xaf: {  	[dreg:$0x3] =	wrdreg s24  }
0xb0: {  	[dreg:$0x4] =	wrdreg $0x68000  }
0xb1: {  	[dreg:$0x5] =	wrdreg $0x9  }
0xb2: {  	_ =	task.clear_ibuf [dreg:s7], $0x6FFFF;
	_ =	strace $0x90000046  }
0xb3: {  	s29 =	simm.s32 $0x9;
	_ =	strace $0x80000048  }
0xb4: {  	_ =	swait.ge [sflag:s29], $0x1  }
0xb5: {  	[sflag:s29] =	ssyncadd.s32 $0xFFFFFFFF  }
0xb6: {  	_ =	strace $0x90000048  }
0xb7: {  	_ =	sfence  }
0xb8: {  	s30 =	sld [smem:$0x0];
	_ =	sdelay $0x2  }
0xb9: {  	s31 =	sshll.u32 s1, $0xD;
	s1 =	sshrl.u32 s1, $0x2  }
0xba: {  	s3 =	sand.u32 $0x4000, s31;
	s1 =	sadd.s32 s1, s30  }
0xbb: {  	s0 =	sor.u32 s3, s0;
	s1 =	sshll.u32 s1, $0x11  }
0xbc: {  	s0 =	sor.u32 s1, s0  }
0xbd: {  	s0 =	sadd.s32 $0x8F2B, s0  }
0xbe: {  	[sflag:s0] =	ssyncadd.remote.s32 $0x1  }
0xbf: {  	_ =	sfence.sel $0xFFFF  }
0xc0: {  	[dreg:$0x0] =	wrdreg $0xFFFFFFFF;
	(pc) =	sbr.abs _section_cstart, $3  }
0xc1: {  	[dreg:$0x1] =	wrdreg $0xFFFFFFFF  }
0xc2: {  	_ =	task.clear_ibuf [dreg:s7], $0x2FFFF;
	_ =	strace $0x9FFFFFFF  }
0xc3: {  	(tm) =	ssettm $0x7FFFFFFF  }
tec
execute0_lowered:
.L_overlay_start_1:
0x0: {  	(tag) =	ssettag $0x1  }
0x1: {  	s7 =	rddreg [dreg:$0x0]  }
0x2: {  	s5 =	rddreg [dreg:$0x1];
	s0 =	stileid.u32  }
0x3: {  	s1 =	srdreg.scid;
	s2 =	rddreg [dreg:$0x2]  }
0x4: {  	s3 =	simm.s32 $0x0;
	s13 =	simm.s32 $0x70;
	s14 =	simm.s32 $0x0  }
0x5: {  	s4 =	smul.u32 $0x13C00, s0;
	s6 =	sand.u32 $0x1, s1;
	s1 =	rddreg [dreg:$0x3]  }
0x6: {  	[smem:$0x7FF] =	sst s3;
	s11 =	smul.u32 $0x4F000, s0;
	s31 =	sshll.u32 s0, $0x6  }
0x7: {  	s8 =	smul.u32 $0x13C000, s6;
	_ =	strace $0x80000047;
	s10 =	ssub.s32 $0x2, s6  }
0x8: {  	s6 =	sshll.u32 s6, $0x4;
	s9 =	sshrl.u32 s4, $0x3;
	s28 =	sshrl.u32 s10, $0x1  }
0x9: {  	s6 =	sor.u32 s0, s6;
	s29 =	sshrl.u32 s11, $0x2;
	s11 =	simm.s32 $0x1  }
0xa: {  	s8 =	sadd.s32 s4, s8;
	s9 =	sadd.s32 s9, s5;
	s4 =	sadd.s32 $0x2000, s5  }
0xb: {  	s10 =	ssub.s32 s10, s28;
	s30 =	smul.u32 $0x600, s6;
	s8 =	sshrl.u32 s8, $0x3  }
0xc: {  	s12 =	sadd.s32 s29, s2;
	s6 =	sor.u32 $0x1C01, s31;
	s8 =	sadd.s32 s8, s5  }
0xd: {  	s5 =	sadd.s32 $0x2800, s9;
	s7 =	sadd.s32 s7, s30;
	s9 =	smax.u32 s10, $0x1  }
0xe: {  	s10 =	sshrl.u32 s12, $0x3;
	s12 =	simm.s32 $0x3000;
	s8 =	sadd.s32 $0x2A000, s8  }
.LBB2_1:
0xf: {  	[spmem:s10], [sflag:s6] =	dma.local [hbm:s5], $0x2780  }
0x10: {  	_ =	swait.ge [sflag:s11], $0x2780  }
0x11: {  	[sflag:s11] =	ssyncset.done $0x0  }
0x12: {  	[sflag:s11] =	ssyncadd.s32 $0xFFFFD880  }
0x13: {  	[tilespmem:s12], [sflag:$0x1] =	stream.linear.gather [hbm4b:s4+s3], $0x3800, $0x38;
	[tilespmem:$0x1A400] =	vst v63  }
0x14: {  	_ =	swait.ge [sflag:s11], $0x3800  }
0x15: {  	[sflag:s11] =	ssyncset.done $0x0  }
0x16: {  	[sflag:s11] =	ssyncadd.s32 $0xFFFFC800  }
0x17: {  	[tilespmem:s3], [sflag:$0x1] =	stream.linear.gather [hbm4b:s7+s3], $0x2D00, $0x38;
	[tilespmem:$0x1A400] =	vst v63  }
0x18: {  	_ =	swait.ge [sflag:s11], $0x2D00  }
0x19: {  	[sflag:s11] =	ssyncset.done $0x0  }
0x1a: {  	[sflag:s11] =	ssyncadd.s32 $0xFFFFD300  }
0x1b: {  	s15 =	simm.s32 $0x0;
	[bflag:$0x0] =	sbarrier.arrive $0xFFFF  }
0x1c: {  	[spmem:s2] =	stream.indirect.scatter.add.f32 [tilespmem:s12], [sflag:$0x1], $0x80, s15, s13, $0xb8;
	[tilespmem:$0x1A400] =	vst v63  }
0x1d: {  	_ =	swait.ge [sflag:s11], $0x3800  }
0x1e: {  	s15 =	simm.s32 $0x200;
	[sflag:s11] =	ssyncset.done $0x0  }
.LBB2_2:
0x1f: {  	s16 =	sshra.s32 s15, $0x2;
	[sflag:s11] =	ssyncadd.s32 $0xFFFFC800;
	p0 =	sne.s32 s15, $0xB200  }
0x20: {  	[spmem:s2] =	stream.indirect.scatter.add.f32 [tilespmem:s12], [sflag:$0x1], $0x80, s16, s13, $0xb8;
	[tilespmem:$0x1A400] =	vst v63  }
.Ltmp0:
0x21: {  	_ = 	snop;
	(pc) =	sbr.rel @p0 .LBB2_2-.Ltmp0, $4  }
0x22: {  	_ = 	snop  }
0x23: {  	s15 =	sadd.s32 $0x200, s15  }
0x24: {  	_ =	swait.ge [sflag:s11], $0x3800  }
0x25: {  	[sflag:s11] =	ssyncset.done $0x0  }
0x26: {  	s14 =	sadd.s32 $0x1, s14  }
0x27: {  	[sflag:s11] =	ssyncadd.s32 $0xFFFFC800;
	p0 =	sne.s32 s14, s9  }
.Ltmp1:
0x28: {  	[bflag:$0x0] =	sbarrier.arrive $0xFFFF;
	(pc) =	sbr.rel @p0 .LBB2_1-.Ltmp1, $4  }
0x29: {  	[hbm:s8], [sflag:s6] =	dma.local [spmem:s10], $0x2780  }
0x2a: {  	_ =	swait.ge [sflag:s11], $0x2780  }
0x2b: {  	[sflag:s11] =	ssyncset.done $0x0  }
0x2c: {  	[sflag:s11] =	ssyncadd.s32 $0xFFFFD880  }
0x2d: {  	_ =	sfence.sel $0x180000  }
0x2e: {  	[bflag:$0x0] =	sbarrier.arrive $0xFFFF  }
0x2f: {  	p0 =	sne.s32 s0, $0x0;
	_ =	strace $0x90000047  }
0x30: {  	s0 =	sadd.s32 @!p0 $0x100000, s1;
	[bflag:$0x2] =	sbarrier.arrive $0xFFFF  }
0x31: {  	[sflag:s0] =	ssyncadd.tile.s32 @!p0 $0x1;
	_ =	shalt  }
.Lfunc_end2:
_tile_overlayer_lowered:
.L_overlay_start_2:
0x32: {  	(tag) =	ssettag $0x2  }
0x33: {  	s0 =	rddreg [dreg:$0x0];
	s2 =	stileid.u32  }
0x34: {  	s1 =	rddreg [dreg:$0x1];
	p0 =	sne.s32 s2, $0x0  }
0x35: {  	s3 =	rddreg [dreg:$0x2];
	[bflag:$0x3] =	sbarrier.arrive $0xFFFF;
	s2 =	simm.s32 @!p0 $0x1C01  }
0x36: {  	[timem:s3], [sflag:s2] =	dma.local @!p0 [hbm:s0], s1  }
0x37: {  	s0 =	simm.s32 @!p0 $0x1  }
0x38: {  	_ =	swait.ge @!p0 [sflag:s0], s1  }
0x39: {  	s1 =	ssub.s32 @!p0 $0x0, s1;
	[sflag:s0] =	ssyncset.done @!p0 $0x0  }
0x3a: {  	[sflag:s0] =	ssyncadd.s32 @!p0 s1  }
0x3b: {  	[bflag:$0x3] =	sbarrier.arrive $0xFFFF  }
0x3c: {  	_ =	shalt  }

</sc_bundles>
